<compile_context>
chip_gen: v7x
topology: tpu7x:2x2x1
jax: 0.10.2.dev20260603
libtpu: 0.0.44.dev20260713+nightly
codegen_flags: <defaults>
</compile_context>

<pallas_src>
import functools

import jax
import jax.numpy as jnp
from jax import lax
from jax.experimental import pallas as pl
from jax.experimental.pallas import tpu as pltpu
from jax.experimental.pallas import tpu_sc as plsc

BATCH = 16384
EMBED_DIM = 64
VOCAB = 1000000
NUM_CORES = 2
NUM_SUBCORES = 16
NUM_WORKERS = NUM_CORES * NUM_SUBCORES
LANES = 16

GROUP = 256
NGROUPS = (VOCAB + GROUP - 1) // GROUP
TAIL_GROUP = VOCAB // GROUP
NGW = 124
PTR_LEN = 4032
OUT_ROWS = BATCH + NUM_WORKERS
OUT_W = 128

_mesh = plsc.VectorSubcoreMesh(core_axis_name="c", subcore_axis_name="s")


@functools.partial(
    pl.kernel,
    out_type=jax.ShapeDtypeStruct((OUT_ROWS, OUT_W), jnp.float32),
    mesh=_mesh,
    compiler_params=pltpu.CompilerParams(use_tc_tiling_on_sc=True,
                                         needs_layout_passes=False),
    scratch_types=[
        pltpu.VMEM((PTR_LEN,), jnp.int32),
        pltpu.VMEM((BATCH,), jnp.int32),
        pltpu.VMEM((BATCH,), jnp.int32),
        pltpu.VMEM((EMBED_DIM, GROUP), jnp.float32),
        pltpu.VMEM((EMBED_DIM, GROUP), jnp.float32),
        pltpu.VMEM((EMBED_DIM, GROUP), jnp.float32),
        pltpu.VMEM((EMBED_DIM, GROUP), jnp.float32),
        pltpu.VMEM((LANES, OUT_W), jnp.float32),
        pltpu.VMEM((LANES,), jnp.int32),
        pltpu.SemaphoreType.DMA,
        pltpu.SemaphoreType.DMA,
        pltpu.SemaphoreType.DMA,
    ],
)
def _encoder_kernel(ptr_hbm, sidx_hbm, perm_hbm, item_hbm, ent_hbm,
                    tail_item_hbm, tail_ent_hbm, out_hbm,
                    ptr_v, sidx_v, perm_v, buf_a0, buf_b0, buf_a1, buf_b1,
                    obuf, pbuf, sem_i, sem_0, sem_1):
    wid = lax.axis_index("s") * NUM_CORES + lax.axis_index("c")
    dump_row = BATCH + wid
    pltpu.async_copy(ptr_hbm, ptr_v, sem_i).wait()
    pltpu.async_copy(sidx_hbm, sidx_v, sem_i).wait()
    pltpu.async_copy(perm_hbm, perm_v, sem_i).wait()
    iota = lax.iota(jnp.int32, LANES)

    def scalars(j):
        g = wid * NGW + j
        win = ptr_v[pl.ds(g, LANES)]
        return g, win[0], win[1]

    def descriptors(g, ba, bb, sem):
        goff = jnp.minimum(g, TAIL_GROUP - 1) * GROUP
        full = [
            pltpu.make_async_copy(item_hbm.at[:, pl.ds(goff, GROUP)], ba, sem),
            pltpu.make_async_copy(ent_hbm.at[:, pl.ds(goff, GROUP)], bb, sem),
        ]
        tail = [
            pltpu.make_async_copy(tail_item_hbm, ba.at[:, pl.ds(0, 128)], sem),
            pltpu.make_async_copy(tail_ent_hbm, bb.at[:, pl.ds(0, 128)], sem),
        ]
        return full, tail

    def prefetch(g, s, e, ba, bb, sem):
        @pl.when(s < e)
        def _():
            full, tail = descriptors(g, ba, bb, sem)

            @pl.when(g < TAIL_GROUP)
            def _():
                for d in full:
                    d.start()

            @pl.when(g == TAIL_GROUP)
            def _():
                for d in tail:
                    d.start()

    def wait_bufs(g, s, e, ba, bb, sem):
        @pl.when(s < e)
        def _():
            full, tail = descriptors(g, ba, bb, sem)

            @pl.when(g < TAIL_GROUP)
            def _():
                for d in full:
                    d.wait()

            @pl.when(g == TAIL_GROUP)
            def _():
                for d in tail:
                    d.wait()

    def process(g, s, e, ba, bb):
        @pl.when(s < e)
        def _():
            goff = g * GROUP
            lofs = jnp.where(g == TAIL_GROUP, 64, 0).astype(jnp.int32)
            s_al = s & ~(LANES - 1)

            @pl.loop(s_al, e, step=LANES)
            def _chunk(k):
                kvec = k + iota
                mask = jnp.logical_and(kvec >= s, kvec < e)
                svec = sidx_v[pl.ds(k, LANES)]
                pvec = perm_v[pl.ds(k, LANES)]
                lvec = jnp.bitwise_and(svec - goff + lofs, GROUP - 1)
                pbuf[...] = jnp.where(mask, pvec, dump_row)
                for d in range(EMBED_DIM):
                    dvec = jnp.full((LANES,), d, jnp.int32)
                    va = plsc.load_gather(ba, [dvec, lvec])
                    vb = plsc.load_gather(bb, [dvec, lvec])
                    plsc.store_scatter(obuf, [iota, dvec], va + vb)
                pltpu.sync_copy(obuf, out_hbm.at[pbuf])

    g0, s0, e0 = scalars(0)
    prefetch(g0, s0, e0, buf_a0, buf_b0, sem_0)

    @pl.loop(0, NGW, step=2)
    def _pair(j):
        g_a, s_a, e_a = scalars(j)
        g_b, s_b, e_b = scalars(j + 1)
        prefetch(g_b, s_b, e_b, buf_a1, buf_b1, sem_1)
        wait_bufs(g_a, s_a, e_a, buf_a0, buf_b0, sem_0)
        process(g_a, s_a, e_a, buf_a0, buf_b0)
        g_c, s_c, e_c = scalars(j + 2)
        in_range = (j + 2 < NGW).astype(jnp.int32)
        prefetch(g_c, s_c * in_range, e_c * in_range, buf_a0, buf_b0, sem_0)
        wait_bufs(g_b, s_b, e_b, buf_a1, buf_b1, sem_1)
        process(g_b, s_b, e_b, buf_a1, buf_b1)


def kernel(batch_data, item_table, ent_table):
    idx32 = batch_data.astype(jnp.int32)
    pos = jnp.arange(BATCH, dtype=jnp.int32)
    sidx, perm = jax.lax.sort((idx32, pos), num_keys=1)
    bounds = jnp.arange(NGROUPS + 1, dtype=jnp.int32) * GROUP
    ptr = jnp.searchsorted(sidx, bounds, side="left",
                           method="compare_all").astype(jnp.int32)
    ptr = jnp.concatenate(
        [ptr, jnp.full((PTR_LEN - NGROUPS - 1,), BATCH, jnp.int32)])
    full = _encoder_kernel(ptr, sidx, perm, item_table.T, ent_table.T,
                           item_table[VOCAB - 128:].T,
                           ent_table[VOCAB - 128:].T)
    return full[:BATCH, :EMBED_DIM]

# --- scband reference (transcript-rebuilt; emitter-appended) ---
"""Pipeline reference for scband-ktupitem-encoder-51316269253369 (READ-ONLY COPY).

The authoritative reference and input builder live on the scoring server;
editing this copy changes nothing except your own understanding.
"""

import jax, jax.numpy as jnp
import numpy as np

VOCAB = 1000000
EMBED_DIM = 64
BATCH = 16384


def setup_inputs(seed: int = 0) -> dict:
    key = jax.random.key(seed)
    k1, k2, k3 = jax.random.split(key, 3)
    batch_data = jax.random.randint(k1, (BATCH,), 0, VOCAB, dtype=jnp.int64 if jax.config.jax_enable_x64 else jnp.int32)
    item_table = jax.random.normal(k2, (VOCAB, EMBED_DIM), dtype=jnp.float32) * 0.02
    ent_table = jax.random.normal(k3, (VOCAB, EMBED_DIM), dtype=jnp.float32) * 0.02
    return {"batch_data": batch_data, "item_table": item_table, "ent_table": ent_table}


def reference(batch_data, item_table, ent_table):
    # item_embeddings(batch_data) + ent_embeddings(batch_data)
    item_emb = jnp.take(item_table, batch_data, axis=0)
    ent_emb = jnp.take(ent_table, batch_data, axis=0)
    return item_emb + ent_emb

if __name__ == "__main__":
    import jax
    _d = setup_inputs()
    print(jax.jit(kernel)(*tuple(_d.values())))

</pallas_src>

<mosaic_0001>
#map = affine_map<(d0, d1) -> (0)>
#map1 = affine_map<(d0, d1) -> (0, 0)>
module attributes {stable_mosaic.version = 14 : i64} {
  func.func @_encoder_kernel(%arg0: i32, %arg1: i32, %arg2: memref<4032xi32, #tpu.memory_space<hbm>>, %arg3: memref<16384xi32, #tpu.memory_space<hbm>>, %arg4: memref<16384xi32, #tpu.memory_space<hbm>>, %arg5: memref<64x1000000xf32, #tpu.memory_space<hbm>>, %arg6: memref<64x1000000xf32, #tpu.memory_space<hbm>>, %arg7: memref<64x128xf32, #tpu.memory_space<hbm>>, %arg8: memref<64x128xf32, #tpu.memory_space<hbm>>, %arg9: memref<16416x128xf32, #tpu.memory_space<hbm>>, %arg10: memref<4032xi32, #tpu.memory_space<vmem>>, %arg11: memref<16384xi32, #tpu.memory_space<vmem>>, %arg12: memref<16384xi32, #tpu.memory_space<vmem>>, %arg13: memref<64x256xf32, #tpu.memory_space<vmem>>, %arg14: memref<64x256xf32, #tpu.memory_space<vmem>>, %arg15: memref<64x256xf32, #tpu.memory_space<vmem>>, %arg16: memref<64x256xf32, #tpu.memory_space<vmem>>, %arg17: memref<16x128xf32, #tpu.memory_space<vmem>>, %arg18: memref<16xi32, #tpu.memory_space<vmem>>, %arg19: memref<!tpu.dma_semaphore, #tpu.memory_space<semaphore_mem>>, %arg20: memref<!tpu.dma_semaphore, #tpu.memory_space<semaphore_mem>>, %arg21: memref<!tpu.dma_semaphore, #tpu.memory_space<semaphore_mem>>) attributes {dimension_semantics = [#tpu.dimension_semantics<core_parallel>, #tpu.dimension_semantics<subcore_parallel>], iteration_bounds = array<i64: 2, 16>, scalar_prefetch = 0 : i64, scratch_operands = 12 : i64, tpu.core_type = #tpu.core_type<sc_vector_subcore>, window_params = [{transform_indices = #map}, {transform_indices = #map}, {transform_indices = #map}, {transform_indices = #map1}, {transform_indices = #map1}, {transform_indices = #map1}, {transform_indices = #map1}, {transform_indices = #map1}]} {
    %mul3A = arith.constant 2 : i32
    %mul3A_0 = arith.muli %arg1, %mul3A : i32
    %add3A = arith.addi %mul3A_0, %arg0 : i32
    %add3A_1 = arith.constant 16384 : i32
    %add3A_2 = arith.addi %add3A_1, %add3A : i32
    tpu.enqueue_dma source(%arg2 : memref<4032xi32, #tpu.memory_space<hbm>>) target(%arg10 : memref<4032xi32, #tpu.memory_space<vmem>>) target_semaphore(%arg19 : memref<!tpu.dma_semaphore, #tpu.memory_space<semaphore_mem>>)
    tpu.wait_dma2 semaphore(%arg19 : memref<!tpu.dma_semaphore, #tpu.memory_space<semaphore_mem>>) src(%arg2 : memref<4032xi32, #tpu.memory_space<hbm>>) dst(%arg10 : memref<4032xi32, #tpu.memory_space<vmem>>)
    tpu.enqueue_dma source(%arg3 : memref<16384xi32, #tpu.memory_space<hbm>>) target(%arg11 : memref<16384xi32, #tpu.memory_space<vmem>>) target_semaphore(%arg19 : memref<!tpu.dma_semaphore, #tpu.memory_space<semaphore_mem>>)
    tpu.wait_dma2 semaphore(%arg19 : memref<!tpu.dma_semaphore, #tpu.memory_space<semaphore_mem>>) src(%arg3 : memref<16384xi32, #tpu.memory_space<hbm>>) dst(%arg11 : memref<16384xi32, #tpu.memory_space<vmem>>)
    tpu.enqueue_dma source(%arg4 : memref<16384xi32, #tpu.memory_space<hbm>>) target(%arg12 : memref<16384xi32, #tpu.memory_space<vmem>>) target_semaphore(%arg19 : memref<!tpu.dma_semaphore, #tpu.memory_space<semaphore_mem>>)
    tpu.wait_dma2 semaphore(%arg19 : memref<!tpu.dma_semaphore, #tpu.memory_space<semaphore_mem>>) src(%arg4 : memref<16384xi32, #tpu.memory_space<hbm>>) dst(%arg12 : memref<16384xi32, #tpu.memory_space<vmem>>)
    %iota3A = tpu.iota {dimensions = array<i32: 0>} : vector<16xi32>
    %mul3A_3 = arith.constant 124 : i32
    %mul3A_4 = arith.muli %add3A, %mul3A_3 : i32
    %add3A_5 = arith.constant 0 : i32
    %add3A_6 = arith.addi %mul3A_4, %add3A_5 : i32
    %get3A = arith.index_cast %add3A_6 : i32 to index
    %get3A_7 = tpu.vector_load %arg10[%get3A] {strides = array<i32>} : memref<4032xi32, #tpu.memory_space<vmem>>, vector<16xi32>,
    %slice3A = vector.extract_strided_slice %get3A_7 {offsets = [0], sizes = [1], strides = [1]} : vector<16xi32> to vector<1xi32>
    %squeeze3A = vector.extract %slice3A[0] : i32 from vector<1xi32>
    %slice3A_8 = vector.extract_strided_slice %get3A_7 {offsets = [1], sizes = [1], strides = [1]} : vector<16xi32> to vector<1xi32>
    %squeeze3A_9 = vector.extract %slice3A_8[0] : i32 from vector<1xi32>
    %lt3A = arith.cmpi slt, %squeeze3A, %squeeze3A_9 : i32
    %convert_element_type3A = arith.extui %lt3A : i1 to i32
    %cond3A = arith.constant 0 : i32
    %cond3A_10 = arith.cmpi ne, %convert_element_type3A, %cond3A : i32
    scf.if %cond3A_10 {
      %min3A = arith.constant 3905 : i32
      %min3A_15 = arith.minsi %add3A_6, %min3A : i32
      %mul3A_16 = arith.constant 256 : i32
      %mul3A_17 = arith.muli %min3A_15, %mul3A_16 : i32
      %lt3A_18 = arith.constant 3906 : i32
      %lt3A_19 = arith.cmpi slt, %add3A_6, %lt3A_18 : i32
      %convert_element_type3A_20 = arith.extui %lt3A_19 : i1 to i32
      %cond3A_21 = arith.constant 0 : i32
      %cond3A_22 = arith.cmpi ne, %convert_element_type3A_20, %cond3A_21 : i32
      scf.if %cond3A_22 {
        %dma_start3A = arith.constant 0 : i32
        %dma_start3A_27 = tpu.memref_slice %arg5[%dma_start3A, %mul3A_17] : memref<64x1000000xf32, #tpu.memory_space<hbm>> -> memref<64x256xf32, #tpu.memory_space<hbm>>
        %dma_start3A_28 = arith.constant 0 : i32
        %dma_start3A_29 = tpu.memref_slice %arg5[%dma_start3A_28, %mul3A_17] : memref<64x1000000xf32, #tpu.memory_space<hbm>> -> memref<64x256xf32, #tpu.memory_space<hbm>>
        tpu.enqueue_dma source(%dma_start3A_29 : memref<64x256xf32, #tpu.memory_space<hbm>>) target(%arg13 : memref<64x256xf32, #tpu.memory_space<vmem>>) target_semaphore(%arg20 : memref<!tpu.dma_semaphore, #tpu.memory_space<semaphore_mem>>)
        %dma_start3A_30 = arith.constant 0 : i32
        %dma_start3A_31 = tpu.memref_slice %arg6[%dma_start3A_30, %mul3A_17] : memref<64x1000000xf32, #tpu.memory_space<hbm>> -> memref<64x256xf32, #tpu.memory_space<hbm>>
        %dma_start3A_32 = arith.constant 0 : i32
        %dma_start3A_33 = tpu.memref_slice %arg6[%dma_start3A_32, %mul3A_17] : memref<64x1000000xf32, #tpu.memory_space<hbm>> -> memref<64x256xf32, #tpu.memory_space<hbm>>
        tpu.enqueue_dma source(%dma_start3A_33 : memref<64x256xf32, #tpu.memory_space<hbm>>) target(%arg14 : memref<64x256xf32, #tpu.memory_space<vmem>>) target_semaphore(%arg20 : memref<!tpu.dma_semaphore, #tpu.memory_space<semaphore_mem>>)
      } else {
      }
      %eq3A = arith.constant 3906 : i32
      %eq3A_23 = arith.cmpi eq, %add3A_6, %eq3A : i32
      %convert_element_type3A_24 = arith.extui %eq3A_23 : i1 to i32
      %cond3A_25 = arith.constant 0 : i32
      %cond3A_26 = arith.cmpi ne, %convert_element_type3A_24, %cond3A_25 : i32
      scf.if %cond3A_26 {
        %dma_start3A = arith.constant 0 : i32
        %dma_start3A_27 = arith.constant 0 : i32
        %dma_start3A_28 = tpu.memref_slice %arg13[%dma_start3A, %dma_start3A_27] : memref<64x256xf32, #tpu.memory_space<vmem>> -> memref<64x128xf32, #tpu.memory_space<vmem>>
        %dma_start3A_29 = arith.constant 0 : i32
        %dma_start3A_30 = arith.constant 0 : i32
        %dma_start3A_31 = tpu.memref_slice %arg13[%dma_start3A_29, %dma_start3A_30] : memref<64x256xf32, #tpu.memory_space<vmem>> -> memref<64x128xf32, #tpu.memory_space<vmem>>
        tpu.enqueue_dma source(%arg7 : memref<64x128xf32, #tpu.memory_space<hbm>>) target(%dma_start3A_31 : memref<64x128xf32, #tpu.memory_space<vmem>>) target_semaphore(%arg20 : memref<!tpu.dma_semaphore, #tpu.memory_space<semaphore_mem>>)
        %dma_start3A_32 = arith.constant 0 : i32
        %dma_start3A_33 = arith.constant 0 : i32
        %dma_start3A_34 = tpu.memref_slice %arg14[%dma_start3A_32, %dma_start3A_33] : memref<64x256xf32, #tpu.memory_space<vmem>> -> memref<64x128xf32, #tpu.memory_space<vmem>>
        %dma_start3A_35 = arith.constant 0 : i32
        %dma_start3A_36 = arith.constant 0 : i32
        %dma_start3A_37 = tpu.memref_slice %arg14[%dma_start3A_35, %dma_start3A_36] : memref<64x256xf32, #tpu.memory_space<vmem>> -> memref<64x128xf32, #tpu.memory_space<vmem>>
        tpu.enqueue_dma source(%arg8 : memref<64x128xf32, #tpu.memory_space<hbm>>) target(%dma_start3A_37 : memref<64x128xf32, #tpu.memory_space<vmem>>) target_semaphore(%arg20 : memref<!tpu.dma_semaphore, #tpu.memory_space<semaphore_mem>>)
      } else {
      }
    } else {
    }
    %scan3A = arith.constant 0 : i32
    %scan3A_11 = arith.constant 62 : i32
    %scan3A_12 = arith.addi %scan3A, %scan3A_11 : i32
    %scan3A_13 = arith.constant 1 : i32
    scf.for %scan3A_15 = %scan3A to %scan3A_12 step %scan3A_13  : i32 {
      %mul3A_16 = arith.constant 2 : i32
      %mul3A_17 = arith.muli %scan3A_15, %mul3A_16 : i32
      %add3A_18 = arith.constant 0 : i32
      %add3A_19 = arith.addi %add3A_18, %mul3A_17 : i32
      %mul3A_20 = arith.constant 124 : i32
      %mul3A_21 = arith.muli %add3A, %mul3A_20 : i32
      %add3A_22 = arith.addi %mul3A_21, %add3A_19 : i32
      %get3A_23 = arith.index_cast %add3A_22 : i32 to index
      %get3A_24 = tpu.vector_load %arg10[%get3A_23] {strides = array<i32>} : memref<4032xi32, #tpu.memory_space<vmem>>, vector<16xi32>,
      %slice3A_25 = vector.extract_strided_slice %get3A_24 {offsets = [0], sizes = [1], strides = [1]} : vector<16xi32> to vector<1xi32>
      %squeeze3A_26 = vector.extract %slice3A_25[0] : i32 from vector<1xi32>
      %slice3A_27 = vector.extract_strided_slice %get3A_24 {offsets = [1], sizes = [1], strides = [1]} : vector<16xi32> to vector<1xi32>
      %squeeze3A_28 = vector.extract %slice3A_27[0] : i32 from vector<1xi32>
      %add3A_29 = arith.constant 1 : i32
      %add3A_30 = arith.addi %add3A_19, %add3A_29 : i32
      %mul3A_31 = arith.constant 124 : i32
      %mul3A_32 = arith.muli %add3A, %mul3A_31 : i32
      %add3A_33 = arith.addi %mul3A_32, %add3A_30 : i32
      %get3A_34 = arith.index_cast %add3A_33 : i32 to index
      %get3A_35 = tpu.vector_load %arg10[%get3A_34] {strides = array<i32>} : memref<4032xi32, #tpu.memory_space<vmem>>, vector<16xi32>,
      %slice3A_36 = vector.extract_strided_slice %get3A_35 {offsets = [0], sizes = [1], strides = [1]} : vector<16xi32> to vector<1xi32>
      %squeeze3A_37 = vector.extract %slice3A_36[0] : i32 from vector<1xi32>
      %slice3A_38 = vector.extract_strided_slice %get3A_35 {offsets = [1], sizes = [1], strides = [1]} : vector<16xi32> to vector<1xi32>
      %squeeze3A_39 = vector.extract %slice3A_38[0] : i32 from vector<1xi32>
      %lt3A_40 = arith.cmpi slt, %squeeze3A_37, %squeeze3A_39 : i32
      %convert_element_type3A_41 = arith.extui %lt3A_40 : i1 to i32
      %cond3A_42 = arith.constant 0 : i32
      %cond3A_43 = arith.cmpi ne, %convert_element_type3A_41, %cond3A_42 : i32
      scf.if %cond3A_43 {
        %min3A = arith.constant 3905 : i32
        %min3A_82 = arith.minsi %add3A_33, %min3A : i32
        %mul3A_83 = arith.constant 256 : i32
        %mul3A_84 = arith.muli %min3A_82, %mul3A_83 : i32
        %lt3A_85 = arith.constant 3906 : i32
        %lt3A_86 = arith.cmpi slt, %add3A_33, %lt3A_85 : i32
        %convert_element_type3A_87 = arith.extui %lt3A_86 : i1 to i32
        %cond3A_88 = arith.constant 0 : i32
        %cond3A_89 = arith.cmpi ne, %convert_element_type3A_87, %cond3A_88 : i32
        scf.if %cond3A_89 {
          %dma_start3A = arith.constant 0 : i32
          %dma_start3A_94 = tpu.memref_slice %arg5[%dma_start3A, %mul3A_84] : memref<64x1000000xf32, #tpu.memory_space<hbm>> -> memref<64x256xf32, #tpu.memory_space<hbm>>
          %dma_start3A_95 = arith.constant 0 : i32
          %dma_start3A_96 = tpu.memref_slice %arg5[%dma_start3A_95, %mul3A_84] : memref<64x1000000xf32, #tpu.memory_space<hbm>> -> memref<64x256xf32, #tpu.memory_space<hbm>>
          tpu.enqueue_dma source(%dma_start3A_96 : memref<64x256xf32, #tpu.memory_space<hbm>>) target(%arg15 : memref<64x256xf32, #tpu.memory_space<vmem>>) target_semaphore(%arg21 : memref<!tpu.dma_semaphore, #tpu.memory_space<semaphore_mem>>)
          %dma_start3A_97 = arith.constant 0 : i32
          %dma_start3A_98 = tpu.memref_slice %arg6[%dma_start3A_97, %mul3A_84] : memref<64x1000000xf32, #tpu.memory_space<hbm>> -> memref<64x256xf32, #tpu.memory_space<hbm>>
          %dma_start3A_99 = arith.constant 0 : i32
          %dma_start3A_100 = tpu.memref_slice %arg6[%dma_start3A_99, %mul3A_84] : memref<64x1000000xf32, #tpu.memory_space<hbm>> -> memref<64x256xf32, #tpu.memory_space<hbm>>
          tpu.enqueue_dma source(%dma_start3A_100 : memref<64x256xf32, #tpu.memory_space<hbm>>) target(%arg16 : memref<64x256xf32, #tpu.memory_space<vmem>>) target_semaphore(%arg21 : memref<!tpu.dma_semaphore, #tpu.memory_space<semaphore_mem>>)
        } else {
        }
        %eq3A = arith.constant 3906 : i32
        %eq3A_90 = arith.cmpi eq, %add3A_33, %eq3A : i32
        %convert_element_type3A_91 = arith.extui %eq3A_90 : i1 to i32
        %cond3A_92 = arith.constant 0 : i32
        %cond3A_93 = arith.cmpi ne, %convert_element_type3A_91, %cond3A_92 : i32
        scf.if %cond3A_93 {
          %dma_start3A = arith.constant 0 : i32
          %dma_start3A_94 = arith.constant 0 : i32
          %dma_start3A_95 = tpu.memref_slice %arg15[%dma_start3A, %dma_start3A_94] : memref<64x256xf32, #tpu.memory_space<vmem>> -> memref<64x128xf32, #tpu.memory_space<vmem>>
          %dma_start3A_96 = arith.constant 0 : i32
          %dma_start3A_97 = arith.constant 0 : i32
          %dma_start3A_98 = tpu.memref_slice %arg15[%dma_start3A_96, %dma_start3A_97] : memref<64x256xf32, #tpu.memory_space<vmem>> -> memref<64x128xf32, #tpu.memory_space<vmem>>
          tpu.enqueue_dma source(%arg7 : memref<64x128xf32, #tpu.memory_space<hbm>>) target(%dma_start3A_98 : memref<64x128xf32, #tpu.memory_space<vmem>>) target_semaphore(%arg21 : memref<!tpu.dma_semaphore, #tpu.memory_space<semaphore_mem>>)
          %dma_start3A_99 = arith.constant 0 : i32
          %dma_start3A_100 = arith.constant 0 : i32
          %dma_start3A_101 = tpu.memref_slice %arg16[%dma_start3A_99, %dma_start3A_100] : memref<64x256xf32, #tpu.memory_space<vmem>> -> memref<64x128xf32, #tpu.memory_space<vmem>>
          %dma_start3A_102 = arith.constant 0 : i32
          %dma_start3A_103 = arith.constant 0 : i32
          %dma_start3A_104 = tpu.memref_slice %arg16[%dma_start3A_102, %dma_start3A_103] : memref<64x256xf32, #tpu.memory_space<vmem>> -> memref<64x128xf32, #tpu.memory_space<vmem>>
          tpu.enqueue_dma source(%arg8 : memref<64x128xf32, #tpu.memory_space<hbm>>) target(%dma_start3A_104 : memref<64x128xf32, #tpu.memory_space<vmem>>) target_semaphore(%arg21 : memref<!tpu.dma_semaphore, #tpu.memory_space<semaphore_mem>>)
        } else {
        }
      } else {
      }
      %lt3A_44 = arith.cmpi slt, %squeeze3A_26, %squeeze3A_28 : i32
      %convert_element_type3A_45 = arith.extui %lt3A_44 : i1 to i32
      %cond3A_46 = arith.constant 0 : i32
      %cond3A_47 = arith.cmpi ne, %convert_element_type3A_45, %cond3A_46 : i32
      scf.if %cond3A_47 {
        %min3A = arith.constant 3905 : i32
        %min3A_82 = arith.minsi %add3A_22, %min3A : i32
        %mul3A_83 = arith.constant 256 : i32
        %mul3A_84 = arith.muli %min3A_82, %mul3A_83 : i32
        %lt3A_85 = arith.constant 3906 : i32
        %lt3A_86 = arith.cmpi slt, %add3A_22, %lt3A_85 : i32
        %convert_element_type3A_87 = arith.extui %lt3A_86 : i1 to i32
        %cond3A_88 = arith.constant 0 : i32
        %cond3A_89 = arith.cmpi ne, %convert_element_type3A_87, %cond3A_88 : i32
        scf.if %cond3A_89 {
          %dma_wait3A = arith.constant 0 : i32
          %dma_wait3A_94 = tpu.memref_slice %arg5[%dma_wait3A, %mul3A_84] : memref<64x1000000xf32, #tpu.memory_space<hbm>> -> memref<64x256xf32, #tpu.memory_space<hbm>>
          %dma_wait3A_95 = arith.constant 0 : i32
          %dma_wait3A_96 = tpu.memref_slice %arg5[%dma_wait3A_95, %mul3A_84] : memref<64x1000000xf32, #tpu.memory_space<hbm>> -> memref<64x256xf32, #tpu.memory_space<hbm>>
          tpu.wait_dma2 semaphore(%arg20 : memref<!tpu.dma_semaphore, #tpu.memory_space<semaphore_mem>>) src(%dma_wait3A_96 : memref<64x256xf32, #tpu.memory_space<hbm>>) dst(%arg13 : memref<64x256xf32, #tpu.memory_space<vmem>>)
          %dma_wait3A_97 = arith.constant 0 : i32
          %dma_wait3A_98 = tpu.memref_slice %arg6[%dma_wait3A_97, %mul3A_84] : memref<64x1000000xf32, #tpu.memory_space<hbm>> -> memref<64x256xf32, #tpu.memory_space<hbm>>
          %dma_wait3A_99 = arith.constant 0 : i32
          %dma_wait3A_100 = tpu.memref_slice %arg6[%dma_wait3A_99, %mul3A_84] : memref<64x1000000xf32, #tpu.memory_space<hbm>> -> memref<64x256xf32, #tpu.memory_space<hbm>>
          tpu.wait_dma2 semaphore(%arg20 : memref<!tpu.dma_semaphore, #tpu.memory_space<semaphore_mem>>) src(%dma_wait3A_100 : memref<64x256xf32, #tpu.memory_space<hbm>>) dst(%arg14 : memref<64x256xf32, #tpu.memory_space<vmem>>)
        } else {
        }
        %eq3A = arith.constant 3906 : i32
        %eq3A_90 = arith.cmpi eq, %add3A_22, %eq3A : i32
        %convert_element_type3A_91 = arith.extui %eq3A_90 : i1 to i32
        %cond3A_92 = arith.constant 0 : i32
        %cond3A_93 = arith.cmpi ne, %convert_element_type3A_91, %cond3A_92 : i32
        scf.if %cond3A_93 {
          %dma_wait3A = arith.constant 0 : i32
          %dma_wait3A_94 = arith.constant 0 : i32
          %dma_wait3A_95 = tpu.memref_slice %arg13[%dma_wait3A, %dma_wait3A_94] : memref<64x256xf32, #tpu.memory_space<vmem>> -> memref<64x128xf32, #tpu.memory_space<vmem>>
          %dma_wait3A_96 = arith.constant 0 : i32
          %dma_wait3A_97 = arith.constant 0 : i32
          %dma_wait3A_98 = tpu.memref_slice %arg13[%dma_wait3A_96, %dma_wait3A_97] : memref<64x256xf32, #tpu.memory_space<vmem>> -> memref<64x128xf32, #tpu.memory_space<vmem>>
          tpu.wait_dma2 semaphore(%arg20 : memref<!tpu.dma_semaphore, #tpu.memory_space<semaphore_mem>>) src(%arg7 : memref<64x128xf32, #tpu.memory_space<hbm>>) dst(%dma_wait3A_98 : memref<64x128xf32, #tpu.memory_space<vmem>>)
          %dma_wait3A_99 = arith.constant 0 : i32
          %dma_wait3A_100 = arith.constant 0 : i32
          %dma_wait3A_101 = tpu.memref_slice %arg14[%dma_wait3A_99, %dma_wait3A_100] : memref<64x256xf32, #tpu.memory_space<vmem>> -> memref<64x128xf32, #tpu.memory_space<vmem>>
          %dma_wait3A_102 = arith.constant 0 : i32
          %dma_wait3A_103 = arith.constant 0 : i32
          %dma_wait3A_104 = tpu.memref_slice %arg14[%dma_wait3A_102, %dma_wait3A_103] : memref<64x256xf32, #tpu.memory_space<vmem>> -> memref<64x128xf32, #tpu.memory_space<vmem>>
          tpu.wait_dma2 semaphore(%arg20 : memref<!tpu.dma_semaphore, #tpu.memory_space<semaphore_mem>>) src(%arg8 : memref<64x128xf32, #tpu.memory_space<hbm>>) dst(%dma_wait3A_104 : memref<64x128xf32, #tpu.memory_space<vmem>>)
        } else {
        }
      } else {
      }
      %lt3A_48 = arith.cmpi slt, %squeeze3A_26, %squeeze3A_28 : i32
      %convert_element_type3A_49 = arith.extui %lt3A_48 : i1 to i32
      %cond3A_50 = arith.constant 0 : i32
      %cond3A_51 = arith.cmpi ne, %convert_element_type3A_49, %cond3A_50 : i32
      scf.if %cond3A_51 {
        %mul3A_82 = arith.constant 256 : i32
        %mul3A_83 = arith.muli %add3A_22, %mul3A_82 : i32
        %eq3A = arith.constant 3906 : i32
        %eq3A_84 = arith.cmpi eq, %add3A_22, %eq3A : i32
        %jit3A = arith.constant 64 : i32
        %jit3A_85 = arith.constant 0 : i32
        %select_n3A = arith.select %eq3A_84, %jit3A, %jit3A_85 : i32
        %and3A = arith.constant -16 : i32
        %and3A_86 = arith.andi %squeeze3A_26, %and3A : i32
        %sub3A = arith.subi %squeeze3A_28, %and3A_86 : i32
        %sub3A_87 = arith.constant 16 : i32
        %sub3A_88 = arith.constant 1 : i32
        %sub3A_89 = arith.subi %sub3A_87, %sub3A_88 : i32
        %add3A_90 = arith.addi %sub3A, %sub3A_89 : i32
        %div3A = arith.constant 16 : i32
        %div3A_91 = arith.divsi %add3A_90, %div3A : i32
        %while3A = arith.constant 16 : i32
        %while3A_92 = arith.constant 0 : i32
        %while3A_93 = arith.subi %div3A_91, %while3A_92 : i32
        %while3A_94 = arith.addi %while3A_92, %while3A_93 : i32
        %while3A_95 = arith.constant 1 : i32
        %while3A_96 = arith.divsi %while3A_93, %while3A_95 : i32
        %while3A_97 = arith.muli %while3A_96, %while3A_95 : i32
        %while3A_98 = arith.addi %while3A_92, %while3A_97 : i32
        %while3A_99 = arith.constant 1 : i32
        scf.for %while3A_101 = %while3A_92 to %while3A_98 step %while3A_99  : i32 {
          %mul3A_102 = arith.muli %while3A_101, %while3A : i32
          %add3A_103 = arith.addi %and3A_86, %mul3A_102 : i32
          %add3A_104 = vector.broadcast %add3A_103 : i32 to vector<16xi32>
          %add3A_105 = arith.addi %add3A_104, %iota3A : vector<16xi32>
          %ge3A = vector.broadcast %squeeze3A_26 : i32 to vector<16xi32>
          %ge3A_106 = arith.cmpi sge, %add3A_105, %ge3A : vector<16xi32>
          %lt3A_107 = vector.broadcast %squeeze3A_28 : i32 to vector<16xi32>
          %lt3A_108 = arith.cmpi slt, %add3A_105, %lt3A_107 : vector<16xi32>
          %and3A_109 = arith.andi %ge3A_106, %lt3A_108 : vector<16xi1>
          %get3A_110 = arith.index_cast %add3A_103 : i32 to index
          %get3A_111 = tpu.vector_load %arg11[%get3A_110] {strides = array<i32>} : memref<16384xi32, #tpu.memory_space<vmem>>, vector<16xi32>,
          %get3A_112 = arith.index_cast %add3A_103 : i32 to index
          %get3A_113 = tpu.vector_load %arg12[%get3A_112] {strides = array<i32>} : memref<16384xi32, #tpu.memory_space<vmem>>, vector<16xi32>,
          %sub3A_114 = vector.broadcast %mul3A_83 : i32 to vector<16xi32>
          %sub3A_115 = arith.subi %get3A_111, %sub3A_114 : vector<16xi32>
          %add3A_116 = vector.broadcast %select_n3A : i32 to vector<16xi32>
          %add3A_117 = arith.addi %sub3A_115, %add3A_116 : vector<16xi32>
          %and3A_118 = arith.constant 255 : i32
          %and3A_119 = vector.broadcast %and3A_118 : i32 to vector<16xi32>
          %and3A_120 = arith.andi %add3A_117, %and3A_119 : vector<16xi32>
          %broadcast_in_dim3A = vector.broadcast %add3A_2 : i32 to vector<16xi32>
          %select_n3A_121 = arith.select %and3A_109, %get3A_113, %broadcast_in_dim3A : vector<16xi1>, vector<16xi32>
          %swap3A = arith.constant 0 : index
          %swap3A_122 = tpu.vector_load %arg18[%swap3A] {strides = array<i32>} : memref<16xi32, #tpu.memory_space<vmem>>, vector<16xi32>,
          tpu.vector_store %arg18[%swap3A], %select_n3A_121 {strides = array<i32>} : memref<16xi32, #tpu.memory_space<vmem>>, vector<16xi32>,
          %broadcast_in_dim3A_123 = arith.constant 0 : i32
          %broadcast_in_dim3A_124 = vector.broadcast %broadcast_in_dim3A_123 : i32 to vector<16xi32>
          %gather3A = tpu.vector_load_idx %arg13[%broadcast_in_dim3A_124, %and3A_120] : memref<64x256xf32, #tpu.memory_space<vmem>>[vector<16xi32>, vector<16xi32>], vector<16xf32>,
          %gather3A_125 = tpu.vector_load_idx %arg14[%broadcast_in_dim3A_124, %and3A_120] : memref<64x256xf32, #tpu.memory_space<vmem>>[vector<16xi32>, vector<16xi32>], vector<16xf32>,
          %add3A_126 = arith.addf %gather3A, %gather3A_125 : vector<16xf32>
          tpu.vector_store_idx %arg17[%iota3A, %broadcast_in_dim3A_124], %add3A_126 : memref<16x128xf32, #tpu.memory_space<vmem>>[vector<16xi32>, vector<16xi32>], vector<16xf32>,
          %broadcast_in_dim3A_127 = arith.constant 1 : i32
          %broadcast_in_dim3A_128 = vector.broadcast %broadcast_in_dim3A_127 : i32 to vector<16xi32>
          %gather3A_129 = tpu.vector_load_idx %arg13[%broadcast_in_dim3A_128, %and3A_120] : memref<64x256xf32, #tpu.memory_space<vmem>>[vector<16xi32>, vector<16xi32>], vector<16xf32>,
          %gather3A_130 = tpu.vector_load_idx %arg14[%broadcast_in_dim3A_128, %and3A_120] : memref<64x256xf32, #tpu.memory_space<vmem>>[vector<16xi32>, vector<16xi32>], vector<16xf32>,
          %add3A_131 = arith.addf %gather3A_129, %gather3A_130 : vector<16xf32>
          tpu.vector_store_idx %arg17[%iota3A, %broadcast_in_dim3A_128], %add3A_131 : memref<16x128xf32, #tpu.memory_space<vmem>>[vector<16xi32>, vector<16xi32>], vector<16xf32>,
          %broadcast_in_dim3A_132 = arith.constant 2 : i32
          %broadcast_in_dim3A_133 = vector.broadcast %broadcast_in_dim3A_132 : i32 to vector<16xi32>
          %gather3A_134 = tpu.vector_load_idx %arg13[%broadcast_in_dim3A_133, %and3A_120] : memref<64x256xf32, #tpu.memory_space<vmem>>[vector<16xi32>, vector<16xi32>], vector<16xf32>,
          %gather3A_135 = tpu.vector_load_idx %arg14[%broadcast_in_dim3A_133, %and3A_120] : memref<64x256xf32, #tpu.memory_space<vmem>>[vector<16xi32>, vector<16xi32>], vector<16xf32>,
          %add3A_136 = arith.addf %gather3A_134, %gather3A_135 : vector<16xf32>
          tpu.vector_store_idx %arg17[%iota3A, %broadcast_in_dim3A_133], %add3A_136 : memref<16x128xf32, #tpu.memory_space<vmem>>[vector<16xi32>, vector<16xi32>], vector<16xf32>,
          %broadcast_in_dim3A_137 = arith.constant 3 : i32
          %broadcast_in_dim3A_138 = vector.broadcast %broadcast_in_dim3A_137 : i32 to vector<16xi32>
          %gather3A_139 = tpu.vector_load_idx %arg13[%broadcast_in_dim3A_138, %and3A_120] : memref<64x256xf32, #tpu.memory_space<vmem>>[vector<16xi32>, vector<16xi32>], vector<16xf32>,
          %gather3A_140 = tpu.vector_load_idx %arg14[%broadcast_in_dim3A_138, %and3A_120] : memref<64x256xf32, #tpu.memory_space<vmem>>[vector<16xi32>, vector<16xi32>], vector<16xf32>,
          %add3A_141 = arith.addf %gather3A_139, %gather3A_140 : vector<16xf32>
          tpu.vector_store_idx %arg17[%iota3A, %broadcast_in_dim3A_138], %add3A_141 : memref<16x128xf32, #tpu.memory_space<vmem>>[vector<16xi32>, vector<16xi32>], vector<16xf32>,
          %broadcast_in_dim3A_142 = arith.constant 4 : i32
          %broadcast_in_dim3A_143 = vector.broadcast %broadcast_in_dim3A_142 : i32 to vector<16xi32>
          %gather3A_144 = tpu.vector_load_idx %arg13[%broadcast_in_dim3A_143, %and3A_120] : memref<64x256xf32, #tpu.memory_space<vmem>>[vector<16xi32>, vector<16xi32>], vector<16xf32>,
          %gather3A_145 = tpu.vector_load_idx %arg14[%broadcast_in_dim3A_143, %and3A_120] : memref<64x256xf32, #tpu.memory_space<vmem>>[vector<16xi32>, vector<16xi32>], vector<16xf32>,
          %add3A_146 = arith.addf %gather3A_144, %gather3A_145 : vector<16xf32>
          tpu.vector_store_idx %arg17[%iota3A, %broadcast_in_dim3A_143], %add3A_146 : memref<16x128xf32, #tpu.memory_space<vmem>>[vector<16xi32>, vector<16xi32>], vector<16xf32>,
          %broadcast_in_dim3A_147 = arith.constant 5 : i32
          %broadcast_in_dim3A_148 = vector.broadcast %broadcast_in_dim3A_147 : i32 to vector<16xi32>
          %gather3A_149 = tpu.vector_load_idx %arg13[%broadcast_in_dim3A_148, %and3A_120] : memref<64x256xf32, #tpu.memory_space<vmem>>[vector<16xi32>, vector<16xi32>], vector<16xf32>,
          %gather3A_150 = tpu.vector_load_idx %arg14[%broadcast_in_dim3A_148, %and3A_120] : memref<64x256xf32, #tpu.memory_space<vmem>>[vector<16xi32>, vector<16xi32>], vector<16xf32>,
          %add3A_151 = arith.addf %gather3A_149, %gather3A_150 : vector<16xf32>
          tpu.vector_store_idx %arg17[%iota3A, %broadcast_in_dim3A_148], %add3A_151 : memref<16x128xf32, #tpu.memory_space<vmem>>[vector<16xi32>, vector<16xi32>], vector<16xf32>,
          %broadcast_in_dim3A_152 = arith.constant 6 : i32
          %broadcast_in_dim3A_153 = vector.broadcast %broadcast_in_dim3A_152 : i32 to vector<16xi32>
          %gather3A_154 = tpu.vector_load_idx %arg13[%broadcast_in_dim3A_153, %and3A_120] : memref<64x256xf32, #tpu.memory_space<vmem>>[vector<16xi32>, vector<16xi32>], vector<16xf32>,
          %gather3A_155 = tpu.vector_load_idx %arg14[%broadcast_in_dim3A_153, %and3A_120] : memref<64x256xf32, #tpu.memory_space<vmem>>[vector<16xi32>, vector<16xi32>], vector<16xf32>,
          %add3A_156 = arith.addf %gather3A_154, %gather3A_155 : vector<16xf32>
          tpu.vector_store_idx %arg17[%iota3A, %broadcast_in_dim3A_153], %add3A_156 : memref<16x128xf32, #tpu.memory_space<vmem>>[vector<16xi32>, vector<16xi32>], vector<16xf32>,
          %broadcast_in_dim3A_157 = arith.constant 7 : i32
          %broadcast_in_dim3A_158 = vector.broadcast %broadcast_in_dim3A_157 : i32 to vector<16xi32>
          %gather3A_159 = tpu.vector_load_idx %arg13[%broadcast_in_dim3A_158, %and3A_120] : memref<64x256xf32, #tpu.memory_space<vmem>>[vector<16xi32>, vector<16xi32>], vector<16xf32>,
          %gather3A_160 = tpu.vector_load_idx %arg14[%broadcast_in_dim3A_158, %and3A_120] : memref<64x256xf32, #tpu.memory_space<vmem>>[vector<16xi32>, vector<16xi32>], vector<16xf32>,
          %add3A_161 = arith.addf %gather3A_159, %gather3A_160 : vector<16xf32>
          tpu.vector_store_idx %arg17[%iota3A, %broadcast_in_dim3A_158], %add3A_161 : memref<16x128xf32, #tpu.memory_space<vmem>>[vector<16xi32>, vector<16xi32>], vector<16xf32>,
          %broadcast_in_dim3A_162 = arith.constant 8 : i32
          %broadcast_in_dim3A_163 = vector.broadcast %broadcast_in_dim3A_162 : i32 to vector<16xi32>
          %gather3A_164 = tpu.vector_load_idx %arg13[%broadcast_in_dim3A_163, %and3A_120] : memref<64x256xf32, #tpu.memory_space<vmem>>[vector<16xi32>, vector<16xi32>], vector<16xf32>,
          %gather3A_165 = tpu.vector_load_idx %arg14[%broadcast_in_dim3A_163, %and3A_120] : memref<64x256xf32, #tpu.memory_space<vmem>>[vector<16xi32>, vector<16xi32>], vector<16xf32>,
          %add3A_166 = arith.addf %gather3A_164, %gather3A_165 : vector<16xf32>
          tpu.vector_store_idx %arg17[%iota3A, %broadcast_in_dim3A_163], %add3A_166 : memref<16x128xf32, #tpu.memory_space<vmem>>[vector<16xi32>, vector<16xi32>], vector<16xf32>,
          %broadcast_in_dim3A_167 = arith.constant 9 : i32
          %broadcast_in_dim3A_168 = vector.broadcast %broadcast_in_dim3A_167 : i32 to vector<16xi32>
          %gather3A_169 = tpu.vector_load_idx %arg13[%broadcast_in_dim3A_168, %and3A_120] : memref<64x256xf32, #tpu.memory_space<vmem>>[vector<16xi32>, vector<16xi32>], vector<16xf32>,
          %gather3A_170 = tpu.vector_load_idx %arg14[%broadcast_in_dim3A_168, %and3A_120] : memref<64x256xf32, #tpu.memory_space<vmem>>[vector<16xi32>, vector<16xi32>], vector<16xf32>,
          %add3A_171 = arith.addf %gather3A_169, %gather3A_170 : vector<16xf32>
          tpu.vector_store_idx %arg17[%iota3A, %broadcast_in_dim3A_168], %add3A_171 : memref<16x128xf32, #tpu.memory_space<vmem>>[vector<16xi32>, vector<16xi32>], vector<16xf32>,
          %broadcast_in_dim3A_172 = arith.constant 10 : i32
          %broadcast_in_dim3A_173 = vector.broadcast %broadcast_in_dim3A_172 : i32 to vector<16xi32>
          %gather3A_174 = tpu.vector_load_idx %arg13[%broadcast_in_dim3A_173, %and3A_120] : memref<64x256xf32, #tpu.memory_space<vmem>>[vector<16xi32>, vector<16xi32>], vector<16xf32>,
          %gather3A_175 = tpu.vector_load_idx %arg14[%broadcast_in_dim3A_173, %and3A_120] : memref<64x256xf32, #tpu.memory_space<vmem>>[vector<16xi32>, vector<16xi32>], vector<16xf32>,
          %add3A_176 = arith.addf %gather3A_174, %gather3A_175 : vector<16xf32>
          tpu.vector_store_idx %arg17[%iota3A, %broadcast_in_dim3A_173], %add3A_176 : memref<16x128xf32, #tpu.memory_space<vmem>>[vector<16xi32>, vector<16xi32>], vector<16xf32>,
          %broadcast_in_dim3A_177 = arith.constant 11 : i32
          %broadcast_in_dim3A_178 = vector.broadcast %broadcast_in_dim3A_177 : i32 to vector<16xi32>
          %gather3A_179 = tpu.vector_load_idx %arg13[%broadcast_in_dim3A_178, %and3A_120] : memref<64x256xf32, #tpu.memory_space<vmem>>[vector<16xi32>, vector<16xi32>], vector<16xf32>,
          %gather3A_180 = tpu.vector_load_idx %arg14[%broadcast_in_dim3A_178, %and3A_120] : memref<64x256xf32, #tpu.memory_space<vmem>>[vector<16xi32>, vector<16xi32>], vector<16xf32>,
          %add3A_181 = arith.addf %gather3A_179, %gather3A_180 : vector<16xf32>
          tpu.vector_store_idx %arg17[%iota3A, %broadcast_in_dim3A_178], %add3A_181 : memref<16x128xf32, #tpu.memory_space<vmem>>[vector<16xi32>, vector<16xi32>], vector<16xf32>,
          %broadcast_in_dim3A_182 = arith.constant 12 : i32
          %broadcast_in_dim3A_183 = vector.broadcast %broadcast_in_dim3A_182 : i32 to vector<16xi32>
          %gather3A_184 = tpu.vector_load_idx %arg13[%broadcast_in_dim3A_183, %and3A_120] : memref<64x256xf32, #tpu.memory_space<vmem>>[vector<16xi32>, vector<16xi32>], vector<16xf32>,
          %gather3A_185 = tpu.vector_load_idx %arg14[%broadcast_in_dim3A_183, %and3A_120] : memref<64x256xf32, #tpu.memory_space<vmem>>[vector<16xi32>, vector<16xi32>], vector<16xf32>,
          %add3A_186 = arith.addf %gather3A_184, %gather3A_185 : vector<16xf32>
          tpu.vector_store_idx %arg17[%iota3A, %broadcast_in_dim3A_183], %add3A_186 : memref<16x128xf32, #tpu.memory_space<vmem>>[vector<16xi32>, vector<16xi32>], vector<16xf32>,
          %broadcast_in_dim3A_187 = arith.constant 13 : i32
          %broadcast_in_dim3A_188 = vector.broadcast %broadcast_in_dim3A_187 : i32 to vector<16xi32>
          %gather3A_189 = tpu.vector_load_idx %arg13[%broadcast_in_dim3A_188, %and3A_120] : memref<64x256xf32, #tpu.memory_space<vmem>>[vector<16xi32>, vector<16xi32>], vector<16xf32>,
          %gather3A_190 = tpu.vector_load_idx %arg14[%broadcast_in_dim3A_188, %and3A_120] : memref<64x256xf32, #tpu.memory_space<vmem>>[vector<16xi32>, vector<16xi32>], vector<16xf32>,
          %add3A_191 = arith.addf %gather3A_189, %gather3A_190 : vector<16xf32>
          tpu.vector_store_idx %arg17[%iota3A, %broadcast_in_dim3A_188], %add3A_191 : memref<16x128xf32, #tpu.memory_space<vmem>>[vector<16xi32>, vector<16xi32>], vector<16xf32>,
          %broadcast_in_dim3A_192 = arith.constant 14 : i32
          %broadcast_in_dim3A_193 = vector.broadcast %broadcast_in_dim3A_192 : i32 to vector<16xi32>
          %gather3A_194 = tpu.vector_load_idx %arg13[%broadcast_in_dim3A_193, %and3A_120] : memref<64x256xf32, #tpu.memory_space<vmem>>[vector<16xi32>, vector<16xi32>], vector<16xf32>,
          %gather3A_195 = tpu.vector_load_idx %arg14[%broadcast_in_dim3A_193, %and3A_120] : memref<64x256xf32, #tpu.memory_space<vmem>>[vector<16xi32>, vector<16xi32>], vector<16xf32>,
          %add3A_196 = arith.addf %gather3A_194, %gather3A_195 : vector<16xf32>
          tpu.vector_store_idx %arg17[%iota3A, %broadcast_in_dim3A_193], %add3A_196 : memref<16x128xf32, #tpu.memory_space<vmem>>[vector<16xi32>, vector<16xi32>], vector<16xf32>,
          %broadcast_in_dim3A_197 = arith.constant 15 : i32
          %broadcast_in_dim3A_198 = vector.broadcast %broadcast_in_dim3A_197 : i32 to vector<16xi32>
          %gather3A_199 = tpu.vector_load_idx %arg13[%broadcast_in_dim3A_198, %and3A_120] : memref<64x256xf32, #tpu.memory_space<vmem>>[vector<16xi32>, vector<16xi32>], vector<16xf32>,
          %gather3A_200 = tpu.vector_load_idx %arg14[%broadcast_in_dim3A_198, %and3A_120] : memref<64x256xf32, #tpu.memory_space<vmem>>[vector<16xi32>, vector<16xi32>], vector<16xf32>,
          %add3A_201 = arith.addf %gather3A_199, %gather3A_200 : vector<16xf32>
          tpu.vector_store_idx %arg17[%iota3A, %broadcast_in_dim3A_198], %add3A_201 : memref<16x128xf32, #tpu.memory_space<vmem>>[vector<16xi32>, vector<16xi32>], vector<16xf32>,
          %broadcast_in_dim3A_202 = arith.constant 16 : i32
          %broadcast_in_dim3A_203 = vector.broadcast %broadcast_in_dim3A_202 : i32 to vector<16xi32>
          %gather3A_204 = tpu.vector_load_idx %arg13[%broadcast_in_dim3A_203, %and3A_120] : memref<64x256xf32, #tpu.memory_space<vmem>>[vector<16xi32>, vector<16xi32>], vector<16xf32>,
          %gather3A_205 = tpu.vector_load_idx %arg14[%broadcast_in_dim3A_203, %and3A_120] : memref<64x256xf32, #tpu.memory_space<vmem>>[vector<16xi32>, vector<16xi32>], vector<16xf32>,
          %add3A_206 = arith.addf %gather3A_204, %gather3A_205 : vector<16xf32>
          tpu.vector_store_idx %arg17[%iota3A, %broadcast_in_dim3A_203], %add3A_206 : memref<16x128xf32, #tpu.memory_space<vmem>>[vector<16xi32>, vector<16xi32>], vector<16xf32>,
          %broadcast_in_dim3A_207 = arith.constant 17 : i32
          %broadcast_in_dim3A_208 = vector.broadcast %broadcast_in_dim3A_207 : i32 to vector<16xi32>
          %gather3A_209 = tpu.vector_load_idx %arg13[%broadcast_in_dim3A_208, %and3A_120] : memref<64x256xf32, #tpu.memory_space<vmem>>[vector<16xi32>, vector<16xi32>], vector<16xf32>,
          %gather3A_210 = tpu.vector_load_idx %arg14[%broadcast_in_dim3A_208, %and3A_120] : memref<64x256xf32, #tpu.memory_space<vmem>>[vector<16xi32>, vector<16xi32>], vector<16xf32>,
          %add3A_211 = arith.addf %gather3A_209, %gather3A_210 : vector<16xf32>
          tpu.vector_store_idx %arg17[%iota3A, %broadcast_in_dim3A_208], %add3A_211 : memref<16x128xf32, #tpu.memory_space<vmem>>[vector<16xi32>, vector<16xi32>], vector<16xf32>,
          %broadcast_in_dim3A_212 = arith.constant 18 : i32
          %broadcast_in_dim3A_213 = vector.broadcast %broadcast_in_dim3A_212 : i32 to vector<16xi32>
          %gather3A_214 = tpu.vector_load_idx %arg13[%broadcast_in_dim3A_213, %and3A_120] : memref<64x256xf32, #tpu.memory_space<vmem>>[vector<16xi32>, vector<16xi32>], vector<16xf32>,
          %gather3A_215 = tpu.vector_load_idx %arg14[%broadcast_in_dim3A_213, %and3A_120] : memref<64x256xf32, #tpu.memory_space<vmem>>[vector<16xi32>, vector<16xi32>], vector<16xf32>,
          %add3A_216 = arith.addf %gather3A_214, %gather3A_215 : vector<16xf32>
          tpu.vector_store_idx %arg17[%iota3A, %broadcast_in_dim3A_213], %add3A_216 : memref<16x128xf32, #tpu.memory_space<vmem>>[vector<16xi32>, vector<16xi32>], vector<16xf32>,
          %broadcast_in_dim3A_217 = arith.constant 19 : i32
          %broadcast_in_dim3A_218 = vector.broadcast %broadcast_in_dim3A_217 : i32 to vector<16xi32>
          %gather3A_219 = tpu.vector_load_idx %arg13[%broadcast_in_dim3A_218, %and3A_120] : memref<64x256xf32, #tpu.memory_space<vmem>>[vector<16xi32>, vector<16xi32>], vector<16xf32>,
          %gather3A_220 = tpu.vector_load_idx %arg14[%broadcast_in_dim3A_218, %and3A_120] : memref<64x256xf32, #tpu.memory_space<vmem>>[vector<16xi32>, vector<16xi32>], vector<16xf32>,
          %add3A_221 = arith.addf %gather3A_219, %gather3A_220 : vector<16xf32>
          tpu.vector_store_idx %arg17[%iota3A, %broadcast_in_dim3A_218], %add3A_221 : memref<16x128xf32, #tpu.memory_space<vmem>>[vector<16xi32>, vector<16xi32>], vector<16xf32>,
          %broadcast_in_dim3A_222 = arith.constant 20 : i32
          %broadcast_in_dim3A_223 = vector.broadcast %broadcast_in_dim3A_222 : i32 to vector<16xi32>
          %gather3A_224 = tpu.vector_load_idx %arg13[%broadcast_in_dim3A_223, %and3A_120] : memref<64x256xf32, #tpu.memory_space<vmem>>[vector<16xi32>, vector<16xi32>], vector<16xf32>,
          %gather3A_225 = tpu.vector_load_idx %arg14[%broadcast_in_dim3A_223, %and3A_120] : memref<64x256xf32, #tpu.memory_space<vmem>>[vector<16xi32>, vector<16xi32>], vector<16xf32>,
          %add3A_226 = arith.addf %gather3A_224, %gather3A_225 : vector<16xf32>
          tpu.vector_store_idx %arg17[%iota3A, %broadcast_in_dim3A_223], %add3A_226 : memref<16x128xf32, #tpu.memory_space<vmem>>[vector<16xi32>, vector<16xi32>], vector<16xf32>,
          %broadcast_in_dim3A_227 = arith.constant 21 : i32
          %broadcast_in_dim3A_228 = vector.broadcast %broadcast_in_dim3A_227 : i32 to vector<16xi32>
          %gather3A_229 = tpu.vector_load_idx %arg13[%broadcast_in_dim3A_228, %and3A_120] : memref<64x256xf32, #tpu.memory_space<vmem>>[vector<16xi32>, vector<16xi32>], vector<16xf32>,
          %gather3A_230 = tpu.vector_load_idx %arg14[%broadcast_in_dim3A_228, %and3A_120] : memref<64x256xf32, #tpu.memory_space<vmem>>[vector<16xi32>, vector<16xi32>], vector<16xf32>,
          %add3A_231 = arith.addf %gather3A_229, %gather3A_230 : vector<16xf32>
          tpu.vector_store_idx %arg17[%iota3A, %broadcast_in_dim3A_228], %add3A_231 : memref<16x128xf32, #tpu.memory_space<vmem>>[vector<16xi32>, vector<16xi32>], vector<16xf32>,
          %broadcast_in_dim3A_232 = arith.constant 22 : i32
          %broadcast_in_dim3A_233 = vector.broadcast %broadcast_in_dim3A_232 : i32 to vector<16xi32>
          %gather3A_234 = tpu.vector_load_idx %arg13[%broadcast_in_dim3A_233, %and3A_120] : memref<64x256xf32, #tpu.memory_space<vmem>>[vector<16xi32>, vector<16xi32>], vector<16xf32>,
          %gather3A_235 = tpu.vector_load_idx %arg14[%broadcast_in_dim3A_233, %and3A_120] : memref<64x256xf32, #tpu.memory_space<vmem>>[vector<16xi32>, vector<16xi32>], vector<16xf32>,
          %add3A_236 = arith.addf %gather3A_234, %gather3A_235 : vector<16xf32>
          tpu.vector_store_idx %arg17[%iota3A, %broadcast_in_dim3A_233], %add3A_236 : memref<16x128xf32, #tpu.memory_space<vmem>>[vector<16xi32>, vector<16xi32>], vector<16xf32>,
          %broadcast_in_dim3A_237 = arith.constant 23 : i32
          %broadcast_in_dim3A_238 = vector.broadcast %broadcast_in_dim3A_237 : i32 to vector<16xi32>
          %gather3A_239 = tpu.vector_load_idx %arg13[%broadcast_in_dim3A_238, %and3A_120] : memref<64x256xf32, #tpu.memory_space<vmem>>[vector<16xi32>, vector<16xi32>], vector<16xf32>,
          %gather3A_240 = tpu.vector_load_idx %arg14[%broadcast_in_dim3A_238, %and3A_120] : memref<64x256xf32, #tpu.memory_space<vmem>>[vector<16xi32>, vector<16xi32>], vector<16xf32>,
          %add3A_241 = arith.addf %gather3A_239, %gather3A_240 : vector<16xf32>
          tpu.vector_store_idx %arg17[%iota3A, %broadcast_in_dim3A_238], %add3A_241 : memref<16x128xf32, #tpu.memory_space<vmem>>[vector<16xi32>, vector<16xi32>], vector<16xf32>,
          %broadcast_in_dim3A_242 = arith.constant 24 : i32
          %broadcast_in_dim3A_243 = vector.broadcast %broadcast_in_dim3A_242 : i32 to vector<16xi32>
          %gather3A_244 = tpu.vector_load_idx %arg13[%broadcast_in_dim3A_243, %and3A_120] : memref<64x256xf32, #tpu.memory_space<vmem>>[vector<16xi32>, vector<16xi32>], vector<16xf32>,
          %gather3A_245 = tpu.vector_load_idx %arg14[%broadcast_in_dim3A_243, %and3A_120] : memref<64x256xf32, #tpu.memory_space<vmem>>[vector<16xi32>, vector<16xi32>], vector<16xf32>,
          %add3A_246 = arith.addf %gather3A_244, %gather3A_245 : vector<16xf32>
          tpu.vector_store_idx %arg17[%iota3A, %broadcast_in_dim3A_243], %add3A_246 : memref<16x128xf32, #tpu.memory_space<vmem>>[vector<16xi32>, vector<16xi32>], vector<16xf32>,
          %broadcast_in_dim3A_247 = arith.constant 25 : i32
          %broadcast_in_dim3A_248 = vector.broadcast %broadcast_in_dim3A_247 : i32 to vector<16xi32>
          %gather3A_249 = tpu.vector_load_idx %arg13[%broadcast_in_dim3A_248, %and3A_120] : memref<64x256xf32, #tpu.memory_space<vmem>>[vector<16xi32>, vector<16xi32>], vector<16xf32>,
          %gather3A_250 = tpu.vector_load_idx %arg14[%broadcast_in_dim3A_248, %and3A_120] : memref<64x256xf32, #tpu.memory_space<vmem>>[vector<16xi32>, vector<16xi32>], vector<16xf32>,
          %add3A_251 = arith.addf %gather3A_249, %gather3A_250 : vector<16xf32>
          tpu.vector_store_idx %arg17[%iota3A, %broadcast_in_dim3A_248], %add3A_251 : memref<16x128xf32, #tpu.memory_space<vmem>>[vector<16xi32>, vector<16xi32>], vector<16xf32>,
          %broadcast_in_dim3A_252 = arith.constant 26 : i32
          %broadcast_in_dim3A_253 = vector.broadcast %broadcast_in_dim3A_252 : i32 to vector<16xi32>
          %gather3A_254 = tpu.vector_load_idx %arg13[%broadcast_in_dim3A_253, %and3A_120] : memref<64x256xf32, #tpu.memory_space<vmem>>[vector<16xi32>, vector<16xi32>], vector<16xf32>,
          %gather3A_255 = tpu.vector_load_idx %arg14[%broadcast_in_dim3A_253, %and3A_120] : memref<64x256xf32, #tpu.memory_space<vmem>>[vector<16xi32>, vector<16xi32>], vector<16xf32>,
          %add3A_256 = arith.addf %gather3A_254, %gather3A_255 : vector<16xf32>
          tpu.vector_store_idx %arg17[%iota3A, %broadcast_in_dim3A_253], %add3A_256 : memref<16x128xf32, #tpu.memory_space<vmem>>[vector<16xi32>, vector<16xi32>], vector<16xf32>,
          %broadcast_in_dim3A_257 = arith.constant 27 : i32
          %broadcast_in_dim3A_258 = vector.broadcast %broadcast_in_dim3A_257 : i32 to vector<16xi32>
          %gather3A_259 = tpu.vector_load_idx %arg13[%broadcast_in_dim3A_258, %and3A_120] : memref<64x256xf32, #tpu.memory_space<vmem>>[vector<16xi32>, vector<16xi32>], vector<16xf32>,
          %gather3A_260 = tpu.vector_load_idx %arg14[%broadcast_in_dim3A_258, %and3A_120] : memref<64x256xf32, #tpu.memory_space<vmem>>[vector<16xi32>, vector<16xi32>], vector<16xf32>,
          %add3A_261 = arith.addf %gather3A_259, %gather3A_260 : vector<16xf32>
          tpu.vector_store_idx %arg17[%iota3A, %broadcast_in_dim3A_258], %add3A_261 : memref<16x128xf32, #tpu.memory_space<vmem>>[vector<16xi32>, vector<16xi32>], vector<16xf32>,
          %broadcast_in_dim3A_262 = arith.constant 28 : i32
          %broadcast_in_dim3A_263 = vector.broadcast %broadcast_in_dim3A_262 : i32 to vector<16xi32>
          %gather3A_264 = tpu.vector_load_idx %arg13[%broadcast_in_dim3A_263, %and3A_120] : memref<64x256xf32, #tpu.memory_space<vmem>>[vector<16xi32>, vector<16xi32>], vector<16xf32>,
          %gather3A_265 = tpu.vector_load_idx %arg14[%broadcast_in_dim3A_263, %and3A_120] : memref<64x256xf32, #tpu.memory_space<vmem>>[vector<16xi32>, vector<16xi32>], vector<16xf32>,
          %add3A_266 = arith.addf %gather3A_264, %gather3A_265 : vector<16xf32>
          tpu.vector_store_idx %arg17[%iota3A, %broadcast_in_dim3A_263], %add3A_266 : memref<16x128xf32, #tpu.memory_space<vmem>>[vector<16xi32>, vector<16xi32>], vector<16xf32>,
          %broadcast_in_dim3A_267 = arith.constant 29 : i32
          %broadcast_in_dim3A_268 = vector.broadcast %broadcast_in_dim3A_267 : i32 to vector<16xi32>
          %gather3A_269 = tpu.vector_load_idx %arg13[%broadcast_in_dim3A_268, %and3A_120] : memref<64x256xf32, #tpu.memory_space<vmem>>[vector<16xi32>, vector<16xi32>], vector<16xf32>,
          %gather3A_270 = tpu.vector_load_idx %arg14[%broadcast_in_dim3A_268, %and3A_120] : memref<64x256xf32, #tpu.memory_space<vmem>>[vector<16xi32>, vector<16xi32>], vector<16xf32>,
          %add3A_271 = arith.addf %gather3A_269, %gather3A_270 : vector<16xf32>
          tpu.vector_store_idx %arg17[%iota3A, %broadcast_in_dim3A_268], %add3A_271 : memref<16x128xf32, #tpu.memory_space<vmem>>[vector<16xi32>, vector<16xi32>], vector<16xf32>,
          %broadcast_in_dim3A_272 = arith.constant 30 : i32
          %broadcast_in_dim3A_273 = vector.broadcast %broadcast_in_dim3A_272 : i32 to vector<16xi32>
          %gather3A_274 = tpu.vector_load_idx %arg13[%broadcast_in_dim3A_273, %and3A_120] : memref<64x256xf32, #tpu.memory_space<vmem>>[vector<16xi32>, vector<16xi32>], vector<16xf32>,
          %gather3A_275 = tpu.vector_load_idx %arg14[%broadcast_in_dim3A_273, %and3A_120] : memref<64x256xf32, #tpu.memory_space<vmem>>[vector<16xi32>, vector<16xi32>], vector<16xf32>,
          %add3A_276 = arith.addf %gather3A_274, %gather3A_275 : vector<16xf32>
          tpu.vector_store_idx %arg17[%iota3A, %broadcast_in_dim3A_273], %add3A_276 : memref<16x128xf32, #tpu.memory_space<vmem>>[vector<16xi32>, vector<16xi32>], vector<16xf32>,
          %broadcast_in_dim3A_277 = arith.constant 31 : i32
          %broadcast_in_dim3A_278 = vector.broadcast %broadcast_in_dim3A_277 : i32 to vector<16xi32>
          %gather3A_279 = tpu.vector_load_idx %arg13[%broadcast_in_dim3A_278, %and3A_120] : memref<64x256xf32, #tpu.memory_space<vmem>>[vector<16xi32>, vector<16xi32>], vector<16xf32>,
          %gather3A_280 = tpu.vector_load_idx %arg14[%broadcast_in_dim3A_278, %and3A_120] : memref<64x256xf32, #tpu.memory_space<vmem>>[vector<16xi32>, vector<16xi32>], vector<16xf32>,
          %add3A_281 = arith.addf %gather3A_279, %gather3A_280 : vector<16xf32>
          tpu.vector_store_idx %arg17[%iota3A, %broadcast_in_dim3A_278], %add3A_281 : memref<16x128xf32, #tpu.memory_space<vmem>>[vector<16xi32>, vector<16xi32>], vector<16xf32>,
          %broadcast_in_dim3A_282 = arith.constant 32 : i32
          %broadcast_in_dim3A_283 = vector.broadcast %broadcast_in_dim3A_282 : i32 to vector<16xi32>
          %gather3A_284 = tpu.vector_load_idx %arg13[%broadcast_in_dim3A_283, %and3A_120] : memref<64x256xf32, #tpu.memory_space<vmem>>[vector<16xi32>, vector<16xi32>], vector<16xf32>,
          %gather3A_285 = tpu.vector_load_idx %arg14[%broadcast_in_dim3A_283, %and3A_120] : memref<64x256xf32, #tpu.memory_space<vmem>>[vector<16xi32>, vector<16xi32>], vector<16xf32>,
          %add3A_286 = arith.addf %gather3A_284, %gather3A_285 : vector<16xf32>
          tpu.vector_store_idx %arg17[%iota3A, %broadcast_in_dim3A_283], %add3A_286 : memref<16x128xf32, #tpu.memory_space<vmem>>[vector<16xi32>, vector<16xi32>], vector<16xf32>,
          %broadcast_in_dim3A_287 = arith.constant 33 : i32
          %broadcast_in_dim3A_288 = vector.broadcast %broadcast_in_dim3A_287 : i32 to vector<16xi32>
          %gather3A_289 = tpu.vector_load_idx %arg13[%broadcast_in_dim3A_288, %and3A_120] : memref<64x256xf32, #tpu.memory_space<vmem>>[vector<16xi32>, vector<16xi32>], vector<16xf32>,
          %gather3A_290 = tpu.vector_load_idx %arg14[%broadcast_in_dim3A_288, %and3A_120] : memref<64x256xf32, #tpu.memory_space<vmem>>[vector<16xi32>, vector<16xi32>], vector<16xf32>,
          %add3A_291 = arith.addf %gather3A_289, %gather3A_290 : vector<16xf32>
          tpu.vector_store_idx %arg17[%iota3A, %broadcast_in_dim3A_288], %add3A_291 : memref<16x128xf32, #tpu.memory_space<vmem>>[vector<16xi32>, vector<16xi32>], vector<16xf32>,
          %broadcast_in_dim3A_292 = arith.constant 34 : i32
          %broadcast_in_dim3A_293 = vector.broadcast %broadcast_in_dim3A_292 : i32 to vector<16xi32>
          %gather3A_294 = tpu.vector_load_idx %arg13[%broadcast_in_dim3A_293, %and3A_120] : memref<64x256xf32, #tpu.memory_space<vmem>>[vector<16xi32>, vector<16xi32>], vector<16xf32>,
          %gather3A_295 = tpu.vector_load_idx %arg14[%broadcast_in_dim3A_293, %and3A_120] : memref<64x256xf32, #tpu.memory_space<vmem>>[vector<16xi32>, vector<16xi32>], vector<16xf32>,
          %add3A_296 = arith.addf %gather3A_294, %gather3A_295 : vector<16xf32>
          tpu.vector_store_idx %arg17[%iota3A, %broadcast_in_dim3A_293], %add3A_296 : memref<16x128xf32, #tpu.memory_space<vmem>>[vector<16xi32>, vector<16xi32>], vector<16xf32>,
          %broadcast_in_dim3A_297 = arith.constant 35 : i32
          %broadcast_in_dim3A_298 = vector.broadcast %broadcast_in_dim3A_297 : i32 to vector<16xi32>
          %gather3A_299 = tpu.vector_load_idx %arg13[%broadcast_in_dim3A_298, %and3A_120] : memref<64x256xf32, #tpu.memory_space<vmem>>[vector<16xi32>, vector<16xi32>], vector<16xf32>,
          %gather3A_300 = tpu.vector_load_idx %arg14[%broadcast_in_dim3A_298, %and3A_120] : memref<64x256xf32, #tpu.memory_space<vmem>>[vector<16xi32>, vector<16xi32>], vector<16xf32>,
          %add3A_301 = arith.addf %gather3A_299, %gather3A_300 : vector<16xf32>
          tpu.vector_store_idx %arg17[%iota3A, %broadcast_in_dim3A_298], %add3A_301 : memref<16x128xf32, #tpu.memory_space<vmem>>[vector<16xi32>, vector<16xi32>], vector<16xf32>,
          %broadcast_in_dim3A_302 = arith.constant 36 : i32
          %broadcast_in_dim3A_303 = vector.broadcast %broadcast_in_dim3A_302 : i32 to vector<16xi32>
          %gather3A_304 = tpu.vector_load_idx %arg13[%broadcast_in_dim3A_303, %and3A_120] : memref<64x256xf32, #tpu.memory_space<vmem>>[vector<16xi32>, vector<16xi32>], vector<16xf32>,
          %gather3A_305 = tpu.vector_load_idx %arg14[%broadcast_in_dim3A_303, %and3A_120] : memref<64x256xf32, #tpu.memory_space<vmem>>[vector<16xi32>, vector<16xi32>], vector<16xf32>,
          %add3A_306 = arith.addf %gather3A_304, %gather3A_305 : vector<16xf32>
          tpu.vector_store_idx %arg17[%iota3A, %broadcast_in_dim3A_303], %add3A_306 : memref<16x128xf32, #tpu.memory_space<vmem>>[vector<16xi32>, vector<16xi32>], vector<16xf32>,
          %broadcast_in_dim3A_307 = arith.constant 37 : i32
          %broadcast_in_dim3A_308 = vector.broadcast %broadcast_in_dim3A_307 : i32 to vector<16xi32>
          %gather3A_309 = tpu.vector_load_idx %arg13[%broadcast_in_dim3A_308, %and3A_120] : memref<64x256xf32, #tpu.memory_space<vmem>>[vector<16xi32>, vector<16xi32>], vector<16xf32>,
          %gather3A_310 = tpu.vector_load_idx %arg14[%broadcast_in_dim3A_308, %and3A_120] : memref<64x256xf32, #tpu.memory_space<vmem>>[vector<16xi32>, vector<16xi32>], vector<16xf32>,
          %add3A_311 = arith.addf %gather3A_309, %gather3A_310 : vector<16xf32>
          tpu.vector_store_idx %arg17[%iota3A, %broadcast_in_dim3A_308], %add3A_311 : memref<16x128xf32, #tpu.memory_space<vmem>>[vector<16xi32>, vector<16xi32>], vector<16xf32>,
          %broadcast_in_dim3A_312 = arith.constant 38 : i32
          %broadcast_in_dim3A_313 = vector.broadcast %broadcast_in_dim3A_312 : i32 to vector<16xi32>
          %gather3A_314 = tpu.vector_load_idx %arg13[%broadcast_in_dim3A_313, %and3A_120] : memref<64x256xf32, #tpu.memory_space<vmem>>[vector<16xi32>, vector<16xi32>], vector<16xf32>,
          %gather3A_315 = tpu.vector_load_idx %arg14[%broadcast_in_dim3A_313, %and3A_120] : memref<64x256xf32, #tpu.memory_space<vmem>>[vector<16xi32>, vector<16xi32>], vector<16xf32>,
          %add3A_316 = arith.addf %gather3A_314, %gather3A_315 : vector<16xf32>
          tpu.vector_store_idx %arg17[%iota3A, %broadcast_in_dim3A_313], %add3A_316 : memref<16x128xf32, #tpu.memory_space<vmem>>[vector<16xi32>, vector<16xi32>], vector<16xf32>,
          %broadcast_in_dim3A_317 = arith.constant 39 : i32
          %broadcast_in_dim3A_318 = vector.broadcast %broadcast_in_dim3A_317 : i32 to vector<16xi32>
          %gather3A_319 = tpu.vector_load_idx %arg13[%broadcast_in_dim3A_318, %and3A_120] : memref<64x256xf32, #tpu.memory_space<vmem>>[vector<16xi32>, vector<16xi32>], vector<16xf32>,
          %gather3A_320 = tpu.vector_load_idx %arg14[%broadcast_in_dim3A_318, %and3A_120] : memref<64x256xf32, #tpu.memory_space<vmem>>[vector<16xi32>, vector<16xi32>], vector<16xf32>,
          %add3A_321 = arith.addf %gather3A_319, %gather3A_320 : vector<16xf32>
          tpu.vector_store_idx %arg17[%iota3A, %broadcast_in_dim3A_318], %add3A_321 : memref<16x128xf32, #tpu.memory_space<vmem>>[vector<16xi32>, vector<16xi32>], vector<16xf32>,
          %broadcast_in_dim3A_322 = arith.constant 40 : i32
          %broadcast_in_dim3A_323 = vector.broadcast %broadcast_in_dim3A_322 : i32 to vector<16xi32>
          %gather3A_324 = tpu.vector_load_idx %arg13[%broadcast_in_dim3A_323, %and3A_120] : memref<64x256xf32, #tpu.memory_space<vmem>>[vector<16xi32>, vector<16xi32>], vector<16xf32>,
          %gather3A_325 = tpu.vector_load_idx %arg14[%broadcast_in_dim3A_323, %and3A_120] : memref<64x256xf32, #tpu.memory_space<vmem>>[vector<16xi32>, vector<16xi32>], vector<16xf32>,
          %add3A_326 = arith.addf %gather3A_324, %gather3A_325 : vector<16xf32>
          tpu.vector_store_idx %arg17[%iota3A, %broadcast_in_dim3A_323], %add3A_326 : memref<16x128xf32, #tpu.memory_space<vmem>>[vector<16xi32>, vector<16xi32>], vector<16xf32>,
          %broadcast_in_dim3A_327 = arith.constant 41 : i32
          %broadcast_in_dim3A_328 = vector.broadcast %broadcast_in_dim3A_327 : i32 to vector<16xi32>
          %gather3A_329 = tpu.vector_load_idx %arg13[%broadcast_in_dim3A_328, %and3A_120] : memref<64x256xf32, #tpu.memory_space<vmem>>[vector<16xi32>, vector<16xi32>], vector<16xf32>,
          %gather3A_330 = tpu.vector_load_idx %arg14[%broadcast_in_dim3A_328, %and3A_120] : memref<64x256xf32, #tpu.memory_space<vmem>>[vector<16xi32>, vector<16xi32>], vector<16xf32>,
          %add3A_331 = arith.addf %gather3A_329, %gather3A_330 : vector<16xf32>
          tpu.vector_store_idx %arg17[%iota3A, %broadcast_in_dim3A_328], %add3A_331 : memref<16x128xf32, #tpu.memory_space<vmem>>[vector<16xi32>, vector<16xi32>], vector<16xf32>,
          %broadcast_in_dim3A_332 = arith.constant 42 : i32
          %broadcast_in_dim3A_333 = vector.broadcast %broadcast_in_dim3A_332 : i32 to vector<16xi32>
          %gather3A_334 = tpu.vector_load_idx %arg13[%broadcast_in_dim3A_333, %and3A_120] : memref<64x256xf32, #tpu.memory_space<vmem>>[vector<16xi32>, vector<16xi32>], vector<16xf32>,
          %gather3A_335 = tpu.vector_load_idx %arg14[%broadcast_in_dim3A_333, %and3A_120] : memref<64x256xf32, #tpu.memory_space<vmem>>[vector<16xi32>, vector<16xi32>], vector<16xf32>,
          %add3A_336 = arith.addf %gather3A_334, %gather3A_335 : vector<16xf32>
          tpu.vector_store_idx %arg17[%iota3A, %broadcast_in_dim3A_333], %add3A_336 : memref<16x128xf32, #tpu.memory_space<vmem>>[vector<16xi32>, vector<16xi32>], vector<16xf32>,
          %broadcast_in_dim3A_337 = arith.constant 43 : i32
          %broadcast_in_dim3A_338 = vector.broadcast %broadcast_in_dim3A_337 : i32 to vector<16xi32>
          %gather3A_339 = tpu.vector_load_idx %arg13[%broadcast_in_dim3A_338, %and3A_120] : memref<64x256xf32, #tpu.memory_space<vmem>>[vector<16xi32>, vector<16xi32>], vector<16xf32>,
          %gather3A_340 = tpu.vector_load_idx %arg14[%broadcast_in_dim3A_338, %and3A_120] : memref<64x256xf32, #tpu.memory_space<vmem>>[vector<16xi32>, vector<16xi32>], vector<16xf32>,
          %add3A_341 = arith.addf %gather3A_339, %gather3A_340 : vector<16xf32>
          tpu.vector_store_idx %arg17[%iota3A, %broadcast_in_dim3A_338], %add3A_341 : memref<16x128xf32, #tpu.memory_space<vmem>>[vector<16xi32>, vector<16xi32>], vector<16xf32>,
          %broadcast_in_dim3A_342 = arith.constant 44 : i32
          %broadcast_in_dim3A_343 = vector.broadcast %broadcast_in_dim3A_342 : i32 to vector<16xi32>
          %gather3A_344 = tpu.vector_load_idx %arg13[%broadcast_in_dim3A_343, %and3A_120] : memref<64x256xf32, #tpu.memory_space<vmem>>[vector<16xi32>, vector<16xi32>], vector<16xf32>,
          %gather3A_345 = tpu.vector_load_idx %arg14[%broadcast_in_dim3A_343, %and3A_120] : memref<64x256xf32, #tpu.memory_space<vmem>>[vector<16xi32>, vector<16xi32>], vector<16xf32>,
          %add3A_346 = arith.addf %gather3A_344, %gather3A_345 : vector<16xf32>
          tpu.vector_store_idx %arg17[%iota3A, %broadcast_in_dim3A_343], %add3A_346 : memref<16x128xf32, #tpu.memory_space<vmem>>[vector<16xi32>, vector<16xi32>], vector<16xf32>,
          %broadcast_in_dim3A_347 = arith.constant 45 : i32
          %broadcast_in_dim3A_348 = vector.broadcast %broadcast_in_dim3A_347 : i32 to vector<16xi32>
          %gather3A_349 = tpu.vector_load_idx %arg13[%broadcast_in_dim3A_348, %and3A_120] : memref<64x256xf32, #tpu.memory_space<vmem>>[vector<16xi32>, vector<16xi32>], vector<16xf32>,
          %gather3A_350 = tpu.vector_load_idx %arg14[%broadcast_in_dim3A_348, %and3A_120] : memref<64x256xf32, #tpu.memory_space<vmem>>[vector<16xi32>, vector<16xi32>], vector<16xf32>,
          %add3A_351 = arith.addf %gather3A_349, %gather3A_350 : vector<16xf32>
          tpu.vector_store_idx %arg17[%iota3A, %broadcast_in_dim3A_348], %add3A_351 : memref<16x128xf32, #tpu.memory_space<vmem>>[vector<16xi32>, vector<16xi32>], vector<16xf32>,
          %broadcast_in_dim3A_352 = arith.constant 46 : i32
          %broadcast_in_dim3A_353 = vector.broadcast %broadcast_in_dim3A_352 : i32 to vector<16xi32>
          %gather3A_354 = tpu.vector_load_idx %arg13[%broadcast_in_dim3A_353, %and3A_120] : memref<64x256xf32, #tpu.memory_space<vmem>>[vector<16xi32>, vector<16xi32>], vector<16xf32>,
          %gather3A_355 = tpu.vector_load_idx %arg14[%broadcast_in_dim3A_353, %and3A_120] : memref<64x256xf32, #tpu.memory_space<vmem>>[vector<16xi32>, vector<16xi32>], vector<16xf32>,
          %add3A_356 = arith.addf %gather3A_354, %gather3A_355 : vector<16xf32>
          tpu.vector_store_idx %arg17[%iota3A, %broadcast_in_dim3A_353], %add3A_356 : memref<16x128xf32, #tpu.memory_space<vmem>>[vector<16xi32>, vector<16xi32>], vector<16xf32>,
          %broadcast_in_dim3A_357 = arith.constant 47 : i32
          %broadcast_in_dim3A_358 = vector.broadcast %broadcast_in_dim3A_357 : i32 to vector<16xi32>
          %gather3A_359 = tpu.vector_load_idx %arg13[%broadcast_in_dim3A_358, %and3A_120] : memref<64x256xf32, #tpu.memory_space<vmem>>[vector<16xi32>, vector<16xi32>], vector<16xf32>,
          %gather3A_360 = tpu.vector_load_idx %arg14[%broadcast_in_dim3A_358, %and3A_120] : memref<64x256xf32, #tpu.memory_space<vmem>>[vector<16xi32>, vector<16xi32>], vector<16xf32>,
          %add3A_361 = arith.addf %gather3A_359, %gather3A_360 : vector<16xf32>
          tpu.vector_store_idx %arg17[%iota3A, %broadcast_in_dim3A_358], %add3A_361 : memref<16x128xf32, #tpu.memory_space<vmem>>[vector<16xi32>, vector<16xi32>], vector<16xf32>,
          %broadcast_in_dim3A_362 = arith.constant 48 : i32
          %broadcast_in_dim3A_363 = vector.broadcast %broadcast_in_dim3A_362 : i32 to vector<16xi32>
          %gather3A_364 = tpu.vector_load_idx %arg13[%broadcast_in_dim3A_363, %and3A_120] : memref<64x256xf32, #tpu.memory_space<vmem>>[vector<16xi32>, vector<16xi32>], vector<16xf32>,
          %gather3A_365 = tpu.vector_load_idx %arg14[%broadcast_in_dim3A_363, %and3A_120] : memref<64x256xf32, #tpu.memory_space<vmem>>[vector<16xi32>, vector<16xi32>], vector<16xf32>,
          %add3A_366 = arith.addf %gather3A_364, %gather3A_365 : vector<16xf32>
          tpu.vector_store_idx %arg17[%iota3A, %broadcast_in_dim3A_363], %add3A_366 : memref<16x128xf32, #tpu.memory_space<vmem>>[vector<16xi32>, vector<16xi32>], vector<16xf32>,
          %broadcast_in_dim3A_367 = arith.constant 49 : i32
          %broadcast_in_dim3A_368 = vector.broadcast %broadcast_in_dim3A_367 : i32 to vector<16xi32>
          %gather3A_369 = tpu.vector_load_idx %arg13[%broadcast_in_dim3A_368, %and3A_120] : memref<64x256xf32, #tpu.memory_space<vmem>>[vector<16xi32>, vector<16xi32>], vector<16xf32>,
          %gather3A_370 = tpu.vector_load_idx %arg14[%broadcast_in_dim3A_368, %and3A_120] : memref<64x256xf32, #tpu.memory_space<vmem>>[vector<16xi32>, vector<16xi32>], vector<16xf32>,
          %add3A_371 = arith.addf %gather3A_369, %gather3A_370 : vector<16xf32>
          tpu.vector_store_idx %arg17[%iota3A, %broadcast_in_dim3A_368], %add3A_371 : memref<16x128xf32, #tpu.memory_space<vmem>>[vector<16xi32>, vector<16xi32>], vector<16xf32>,
          %broadcast_in_dim3A_372 = arith.constant 50 : i32
          %broadcast_in_dim3A_373 = vector.broadcast %broadcast_in_dim3A_372 : i32 to vector<16xi32>
          %gather3A_374 = tpu.vector_load_idx %arg13[%broadcast_in_dim3A_373, %and3A_120] : memref<64x256xf32, #tpu.memory_space<vmem>>[vector<16xi32>, vector<16xi32>], vector<16xf32>,
          %gather3A_375 = tpu.vector_load_idx %arg14[%broadcast_in_dim3A_373, %and3A_120] : memref<64x256xf32, #tpu.memory_space<vmem>>[vector<16xi32>, vector<16xi32>], vector<16xf32>,
          %add3A_376 = arith.addf %gather3A_374, %gather3A_375 : vector<16xf32>
          tpu.vector_store_idx %arg17[%iota3A, %broadcast_in_dim3A_373], %add3A_376 : memref<16x128xf32, #tpu.memory_space<vmem>>[vector<16xi32>, vector<16xi32>], vector<16xf32>,
          %broadcast_in_dim3A_377 = arith.constant 51 : i32
          %broadcast_in_dim3A_378 = vector.broadcast %broadcast_in_dim3A_377 : i32 to vector<16xi32>
          %gather3A_379 = tpu.vector_load_idx %arg13[%broadcast_in_dim3A_378, %and3A_120] : memref<64x256xf32, #tpu.memory_space<vmem>>[vector<16xi32>, vector<16xi32>], vector<16xf32>,
          %gather3A_380 = tpu.vector_load_idx %arg14[%broadcast_in_dim3A_378, %and3A_120] : memref<64x256xf32, #tpu.memory_space<vmem>>[vector<16xi32>, vector<16xi32>], vector<16xf32>,
          %add3A_381 = arith.addf %gather3A_379, %gather3A_380 : vector<16xf32>
          tpu.vector_store_idx %arg17[%iota3A, %broadcast_in_dim3A_378], %add3A_381 : memref<16x128xf32, #tpu.memory_space<vmem>>[vector<16xi32>, vector<16xi32>], vector<16xf32>,
          %broadcast_in_dim3A_382 = arith.constant 52 : i32
          %broadcast_in_dim3A_383 = vector.broadcast %broadcast_in_dim3A_382 : i32 to vector<16xi32>
          %gather3A_384 = tpu.vector_load_idx %arg13[%broadcast_in_dim3A_383, %and3A_120] : memref<64x256xf32, #tpu.memory_space<vmem>>[vector<16xi32>, vector<16xi32>], vector<16xf32>,
          %gather3A_385 = tpu.vector_load_idx %arg14[%broadcast_in_dim3A_383, %and3A_120] : memref<64x256xf32, #tpu.memory_space<vmem>>[vector<16xi32>, vector<16xi32>], vector<16xf32>,
          %add3A_386 = arith.addf %gather3A_384, %gather3A_385 : vector<16xf32>
          tpu.vector_store_idx %arg17[%iota3A, %broadcast_in_dim3A_383], %add3A_386 : memref<16x128xf32, #tpu.memory_space<vmem>>[vector<16xi32>, vector<16xi32>], vector<16xf32>,
          %broadcast_in_dim3A_387 = arith.constant 53 : i32
          %broadcast_in_dim3A_388 = vector.broadcast %broadcast_in_dim3A_387 : i32 to vector<16xi32>
          %gather3A_389 = tpu.vector_load_idx %arg13[%broadcast_in_dim3A_388, %and3A_120] : memref<64x256xf32, #tpu.memory_space<vmem>>[vector<16xi32>, vector<16xi32>], vector<16xf32>,
          %gather3A_390 = tpu.vector_load_idx %arg14[%broadcast_in_dim3A_388, %and3A_120] : memref<64x256xf32, #tpu.memory_space<vmem>>[vector<16xi32>, vector<16xi32>], vector<16xf32>,
          %add3A_391 = arith.addf %gather3A_389, %gather3A_390 : vector<16xf32>
          tpu.vector_store_idx %arg17[%iota3A, %broadcast_in_dim3A_388], %add3A_391 : memref<16x128xf32, #tpu.memory_space<vmem>>[vector<16xi32>, vector<16xi32>], vector<16xf32>,
          %broadcast_in_dim3A_392 = arith.constant 54 : i32
          %broadcast_in_dim3A_393 = vector.broadcast %broadcast_in_dim3A_392 : i32 to vector<16xi32>
          %gather3A_394 = tpu.vector_load_idx %arg13[%broadcast_in_dim3A_393, %and3A_120] : memref<64x256xf32, #tpu.memory_space<vmem>>[vector<16xi32>, vector<16xi32>], vector<16xf32>,
          %gather3A_395 = tpu.vector_load_idx %arg14[%broadcast_in_dim3A_393, %and3A_120] : memref<64x256xf32, #tpu.memory_space<vmem>>[vector<16xi32>, vector<16xi32>], vector<16xf32>,
          %add3A_396 = arith.addf %gather3A_394, %gather3A_395 : vector<16xf32>
          tpu.vector_store_idx %arg17[%iota3A, %broadcast_in_dim3A_393], %add3A_396 : memref<16x128xf32, #tpu.memory_space<vmem>>[vector<16xi32>, vector<16xi32>], vector<16xf32>,
          %broadcast_in_dim3A_397 = arith.constant 55 : i32
          %broadcast_in_dim3A_398 = vector.broadcast %broadcast_in_dim3A_397 : i32 to vector<16xi32>
          %gather3A_399 = tpu.vector_load_idx %arg13[%broadcast_in_dim3A_398, %and3A_120] : memref<64x256xf32, #tpu.memory_space<vmem>>[vector<16xi32>, vector<16xi32>], vector<16xf32>,
          %gather3A_400 = tpu.vector_load_idx %arg14[%broadcast_in_dim3A_398, %and3A_120] : memref<64x256xf32, #tpu.memory_space<vmem>>[vector<16xi32>, vector<16xi32>], vector<16xf32>,
          %add3A_401 = arith.addf %gather3A_399, %gather3A_400 : vector<16xf32>
          tpu.vector_store_idx %arg17[%iota3A, %broadcast_in_dim3A_398], %add3A_401 : memref<16x128xf32, #tpu.memory_space<vmem>>[vector<16xi32>, vector<16xi32>], vector<16xf32>,
          %broadcast_in_dim3A_402 = arith.constant 56 : i32
          %broadcast_in_dim3A_403 = vector.broadcast %broadcast_in_dim3A_402 : i32 to vector<16xi32>
          %gather3A_404 = tpu.vector_load_idx %arg13[%broadcast_in_dim3A_403, %and3A_120] : memref<64x256xf32, #tpu.memory_space<vmem>>[vector<16xi32>, vector<16xi32>], vector<16xf32>,
          %gather3A_405 = tpu.vector_load_idx %arg14[%broadcast_in_dim3A_403, %and3A_120] : memref<64x256xf32, #tpu.memory_space<vmem>>[vector<16xi32>, vector<16xi32>], vector<16xf32>,
          %add3A_406 = arith.addf %gather3A_404, %gather3A_405 : vector<16xf32>
          tpu.vector_store_idx %arg17[%iota3A, %broadcast_in_dim3A_403], %add3A_406 : memref<16x128xf32, #tpu.memory_space<vmem>>[vector<16xi32>, vector<16xi32>], vector<16xf32>,
          %broadcast_in_dim3A_407 = arith.constant 57 : i32
          %broadcast_in_dim3A_408 = vector.broadcast %broadcast_in_dim3A_407 : i32 to vector<16xi32>
          %gather3A_409 = tpu.vector_load_idx %arg13[%broadcast_in_dim3A_408, %and3A_120] : memref<64x256xf32, #tpu.memory_space<vmem>>[vector<16xi32>, vector<16xi32>], vector<16xf32>,
          %gather3A_410 = tpu.vector_load_idx %arg14[%broadcast_in_dim3A_408, %and3A_120] : memref<64x256xf32, #tpu.memory_space<vmem>>[vector<16xi32>, vector<16xi32>], vector<16xf32>,
          %add3A_411 = arith.addf %gather3A_409, %gather3A_410 : vector<16xf32>
          tpu.vector_store_idx %arg17[%iota3A, %broadcast_in_dim3A_408], %add3A_411 : memref<16x128xf32, #tpu.memory_space<vmem>>[vector<16xi32>, vector<16xi32>], vector<16xf32>,
          %broadcast_in_dim3A_412 = arith.constant 58 : i32
          %broadcast_in_dim3A_413 = vector.broadcast %broadcast_in_dim3A_412 : i32 to vector<16xi32>
          %gather3A_414 = tpu.vector_load_idx %arg13[%broadcast_in_dim3A_413, %and3A_120] : memref<64x256xf32, #tpu.memory_space<vmem>>[vector<16xi32>, vector<16xi32>], vector<16xf32>,
          %gather3A_415 = tpu.vector_load_idx %arg14[%broadcast_in_dim3A_413, %and3A_120] : memref<64x256xf32, #tpu.memory_space<vmem>>[vector<16xi32>, vector<16xi32>], vector<16xf32>,
          %add3A_416 = arith.addf %gather3A_414, %gather3A_415 : vector<16xf32>
          tpu.vector_store_idx %arg17[%iota3A, %broadcast_in_dim3A_413], %add3A_416 : memref<16x128xf32, #tpu.memory_space<vmem>>[vector<16xi32>, vector<16xi32>], vector<16xf32>,
          %broadcast_in_dim3A_417 = arith.constant 59 : i32
          %broadcast_in_dim3A_418 = vector.broadcast %broadcast_in_dim3A_417 : i32 to vector<16xi32>
          %gather3A_419 = tpu.vector_load_idx %arg13[%broadcast_in_dim3A_418, %and3A_120] : memref<64x256xf32, #tpu.memory_space<vmem>>[vector<16xi32>, vector<16xi32>], vector<16xf32>,
          %gather3A_420 = tpu.vector_load_idx %arg14[%broadcast_in_dim3A_418, %and3A_120] : memref<64x256xf32, #tpu.memory_space<vmem>>[vector<16xi32>, vector<16xi32>], vector<16xf32>,
          %add3A_421 = arith.addf %gather3A_419, %gather3A_420 : vector<16xf32>
          tpu.vector_store_idx %arg17[%iota3A, %broadcast_in_dim3A_418], %add3A_421 : memref<16x128xf32, #tpu.memory_space<vmem>>[vector<16xi32>, vector<16xi32>], vector<16xf32>,
          %broadcast_in_dim3A_422 = arith.constant 60 : i32
          %broadcast_in_dim3A_423 = vector.broadcast %broadcast_in_dim3A_422 : i32 to vector<16xi32>
          %gather3A_424 = tpu.vector_load_idx %arg13[%broadcast_in_dim3A_423, %and3A_120] : memref<64x256xf32, #tpu.memory_space<vmem>>[vector<16xi32>, vector<16xi32>], vector<16xf32>,
          %gather3A_425 = tpu.vector_load_idx %arg14[%broadcast_in_dim3A_423, %and3A_120] : memref<64x256xf32, #tpu.memory_space<vmem>>[vector<16xi32>, vector<16xi32>], vector<16xf32>,
          %add3A_426 = arith.addf %gather3A_424, %gather3A_425 : vector<16xf32>
          tpu.vector_store_idx %arg17[%iota3A, %broadcast_in_dim3A_423], %add3A_426 : memref<16x128xf32, #tpu.memory_space<vmem>>[vector<16xi32>, vector<16xi32>], vector<16xf32>,
          %broadcast_in_dim3A_427 = arith.constant 61 : i32
          %broadcast_in_dim3A_428 = vector.broadcast %broadcast_in_dim3A_427 : i32 to vector<16xi32>
          %gather3A_429 = tpu.vector_load_idx %arg13[%broadcast_in_dim3A_428, %and3A_120] : memref<64x256xf32, #tpu.memory_space<vmem>>[vector<16xi32>, vector<16xi32>], vector<16xf32>,
          %gather3A_430 = tpu.vector_load_idx %arg14[%broadcast_in_dim3A_428, %and3A_120] : memref<64x256xf32, #tpu.memory_space<vmem>>[vector<16xi32>, vector<16xi32>], vector<16xf32>,
          %add3A_431 = arith.addf %gather3A_429, %gather3A_430 : vector<16xf32>
          tpu.vector_store_idx %arg17[%iota3A, %broadcast_in_dim3A_428], %add3A_431 : memref<16x128xf32, #tpu.memory_space<vmem>>[vector<16xi32>, vector<16xi32>], vector<16xf32>,
          %broadcast_in_dim3A_432 = arith.constant 62 : i32
          %broadcast_in_dim3A_433 = vector.broadcast %broadcast_in_dim3A_432 : i32 to vector<16xi32>
          %gather3A_434 = tpu.vector_load_idx %arg13[%broadcast_in_dim3A_433, %and3A_120] : memref<64x256xf32, #tpu.memory_space<vmem>>[vector<16xi32>, vector<16xi32>], vector<16xf32>,
          %gather3A_435 = tpu.vector_load_idx %arg14[%broadcast_in_dim3A_433, %and3A_120] : memref<64x256xf32, #tpu.memory_space<vmem>>[vector<16xi32>, vector<16xi32>], vector<16xf32>,
          %add3A_436 = arith.addf %gather3A_434, %gather3A_435 : vector<16xf32>
          tpu.vector_store_idx %arg17[%iota3A, %broadcast_in_dim3A_433], %add3A_436 : memref<16x128xf32, #tpu.memory_space<vmem>>[vector<16xi32>, vector<16xi32>], vector<16xf32>,
          %broadcast_in_dim3A_437 = arith.constant 63 : i32
          %broadcast_in_dim3A_438 = vector.broadcast %broadcast_in_dim3A_437 : i32 to vector<16xi32>
          %gather3A_439 = tpu.vector_load_idx %arg13[%broadcast_in_dim3A_438, %and3A_120] : memref<64x256xf32, #tpu.memory_space<vmem>>[vector<16xi32>, vector<16xi32>], vector<16xf32>,
          %gather3A_440 = tpu.vector_load_idx %arg14[%broadcast_in_dim3A_438, %and3A_120] : memref<64x256xf32, #tpu.memory_space<vmem>>[vector<16xi32>, vector<16xi32>], vector<16xf32>,
          %add3A_441 = arith.addf %gather3A_439, %gather3A_440 : vector<16xf32>
          tpu.vector_store_idx %arg17[%iota3A, %broadcast_in_dim3A_438], %add3A_441 : memref<16x128xf32, #tpu.memory_space<vmem>>[vector<16xi32>, vector<16xi32>], vector<16xf32>,
          "tpu.region"() ({
            %run_scoped3A = tpu.sem_alloc : memref<!tpu.dma_semaphore, #tpu.memory_space<semaphore_mem>>
            %dma_start3A = arith.constant 0 : i32
            %dma_start3A_442 = arith.constant 0 : i32
            %dma_start3A_443 = tpu.memref_slice %arg9[%dma_start3A, %dma_start3A_442] : memref<16416x128xf32, #tpu.memory_space<hbm>> -> memref<16416x128xf32, #tpu.memory_space<hbm>>
            tpu.enqueue_indirect_dma source(%arg17 : memref<16x128xf32, #tpu.memory_space<vmem>>) target(%dma_start3A_443 : memref<16416x128xf32, #tpu.memory_space<hbm>>) offsets(%arg18 : memref<16xi32, #tpu.memory_space<vmem>>) semaphore(%run_scoped3A : memref<!tpu.dma_semaphore, #tpu.memory_space<semaphore_mem>>)
            %dma_wait3A = arith.constant 0 : i32
            %dma_wait3A_444 = arith.constant 0 : i32
            %dma_wait3A_445 = tpu.memref_slice %arg9[%dma_wait3A, %dma_wait3A_444] : memref<16416x128xf32, #tpu.memory_space<hbm>> -> memref<16416x128xf32, #tpu.memory_space<hbm>>
            tpu.wait_indirect_dma semaphore(%run_scoped3A : memref<!tpu.dma_semaphore, #tpu.memory_space<semaphore_mem>>) src(%arg17 : memref<16x128xf32, #tpu.memory_space<vmem>>) dst(%dma_wait3A_445 : memref<16416x128xf32, #tpu.memory_space<hbm>>)
            tpu.yield
          }) : () -> ()
        }
        %while3A_100 = arith.constant 1 : i32
        scf.for %while3A_101 = %while3A_98 to %while3A_94 step %while3A_100  : i32 {
          %mul3A_102 = arith.muli %while3A_101, %while3A : i32
          %add3A_103 = arith.addi %and3A_86, %mul3A_102 : i32
          %add3A_104 = vector.broadcast %add3A_103 : i32 to vector<16xi32>
          %add3A_105 = arith.addi %add3A_104, %iota3A : vector<16xi32>
          %ge3A = vector.broadcast %squeeze3A_26 : i32 to vector<16xi32>
          %ge3A_106 = arith.cmpi sge, %add3A_105, %ge3A : vector<16xi32>
          %lt3A_107 = vector.broadcast %squeeze3A_28 : i32 to vector<16xi32>
          %lt3A_108 = arith.cmpi slt, %add3A_105, %lt3A_107 : vector<16xi32>
          %and3A_109 = arith.andi %ge3A_106, %lt3A_108 : vector<16xi1>
          %get3A_110 = arith.index_cast %add3A_103 : i32 to index
          %get3A_111 = tpu.vector_load %arg11[%get3A_110] {strides = array<i32>} : memref<16384xi32, #tpu.memory_space<vmem>>, vector<16xi32>,
          %get3A_112 = arith.index_cast %add3A_103 : i32 to index
          %get3A_113 = tpu.vector_load %arg12[%get3A_112] {strides = array<i32>} : memref<16384xi32, #tpu.memory_space<vmem>>, vector<16xi32>,
          %sub3A_114 = vector.broadcast %mul3A_83 : i32 to vector<16xi32>
          %sub3A_115 = arith.subi %get3A_111, %sub3A_114 : vector<16xi32>
          %add3A_116 = vector.broadcast %select_n3A : i32 to vector<16xi32>
          %add3A_117 = arith.addi %sub3A_115, %add3A_116 : vector<16xi32>
          %and3A_118 = arith.constant 255 : i32
          %and3A_119 = vector.broadcast %and3A_118 : i32 to vector<16xi32>
          %and3A_120 = arith.andi %add3A_117, %and3A_119 : vector<16xi32>
          %broadcast_in_dim3A = vector.broadcast %add3A_2 : i32 to vector<16xi32>
          %select_n3A_121 = arith.select %and3A_109, %get3A_113, %broadcast_in_dim3A : vector<16xi1>, vector<16xi32>
          %swap3A = arith.constant 0 : index
          %swap3A_122 = tpu.vector_load %arg18[%swap3A] {strides = array<i32>} : memref<16xi32, #tpu.memory_space<vmem>>, vector<16xi32>,
          tpu.vector_store %arg18[%swap3A], %select_n3A_121 {strides = array<i32>} : memref<16xi32, #tpu.memory_space<vmem>>, vector<16xi32>,
          %broadcast_in_dim3A_123 = arith.constant 0 : i32
          %broadcast_in_dim3A_124 = vector.broadcast %broadcast_in_dim3A_123 : i32 to vector<16xi32>
          %gather3A = tpu.vector_load_idx %arg13[%broadcast_in_dim3A_124, %and3A_120] : memref<64x256xf32, #tpu.memory_space<vmem>>[vector<16xi32>, vector<16xi32>], vector<16xf32>,
          %gather3A_125 = tpu.vector_load_idx %arg14[%broadcast_in_dim3A_124, %and3A_120] : memref<64x256xf32, #tpu.memory_space<vmem>>[vector<16xi32>, vector<16xi32>], vector<16xf32>,
          %add3A_126 = arith.addf %gather3A, %gather3A_125 : vector<16xf32>
          tpu.vector_store_idx %arg17[%iota3A, %broadcast_in_dim3A_124], %add3A_126 : memref<16x128xf32, #tpu.memory_space<vmem>>[vector<16xi32>, vector<16xi32>], vector<16xf32>,
          %broadcast_in_dim3A_127 = arith.constant 1 : i32
          %broadcast_in_dim3A_128 = vector.broadcast %broadcast_in_dim3A_127 : i32 to vector<16xi32>
          %gather3A_129 = tpu.vector_load_idx %arg13[%broadcast_in_dim3A_128, %and3A_120] : memref<64x256xf32, #tpu.memory_space<vmem>>[vector<16xi32>, vector<16xi32>], vector<16xf32>,
          %gather3A_130 = tpu.vector_load_idx %arg14[%broadcast_in_dim3A_128, %and3A_120] : memref<64x256xf32, #tpu.memory_space<vmem>>[vector<16xi32>, vector<16xi32>], vector<16xf32>,
          %add3A_131 = arith.addf %gather3A_129, %gather3A_130 : vector<16xf32>
          tpu.vector_store_idx %arg17[%iota3A, %broadcast_in_dim3A_128], %add3A_131 : memref<16x128xf32, #tpu.memory_space<vmem>>[vector<16xi32>, vector<16xi32>], vector<16xf32>,
          %broadcast_in_dim3A_132 = arith.constant 2 : i32
          %broadcast_in_dim3A_133 = vector.broadcast %broadcast_in_dim3A_132 : i32 to vector<16xi32>
          %gather3A_134 = tpu.vector_load_idx %arg13[%broadcast_in_dim3A_133, %and3A_120] : memref<64x256xf32, #tpu.memory_space<vmem>>[vector<16xi32>, vector<16xi32>], vector<16xf32>,
          %gather3A_135 = tpu.vector_load_idx %arg14[%broadcast_in_dim3A_133, %and3A_120] : memref<64x256xf32, #tpu.memory_space<vmem>>[vector<16xi32>, vector<16xi32>], vector<16xf32>,
          %add3A_136 = arith.addf %gather3A_134, %gather3A_135 : vector<16xf32>
          tpu.vector_store_idx %arg17[%iota3A, %broadcast_in_dim3A_133], %add3A_136 : memref<16x128xf32, #tpu.memory_space<vmem>>[vector<16xi32>, vector<16xi32>], vector<16xf32>,
          %broadcast_in_dim3A_137 = arith.constant 3 : i32
          %broadcast_in_dim3A_138 = vector.broadcast %broadcast_in_dim3A_137 : i32 to vector<16xi32>
          %gather3A_139 = tpu.vector_load_idx %arg13[%broadcast_in_dim3A_138, %and3A_120] : memref<64x256xf32, #tpu.memory_space<vmem>>[vector<16xi32>, vector<16xi32>], vector<16xf32>,
          %gather3A_140 = tpu.vector_load_idx %arg14[%broadcast_in_dim3A_138, %and3A_120] : memref<64x256xf32, #tpu.memory_space<vmem>>[vector<16xi32>, vector<16xi32>], vector<16xf32>,
          %add3A_141 = arith.addf %gather3A_139, %gather3A_140 : vector<16xf32>
          tpu.vector_store_idx %arg17[%iota3A, %broadcast_in_dim3A_138], %add3A_141 : memref<16x128xf32, #tpu.memory_space<vmem>>[vector<16xi32>, vector<16xi32>], vector<16xf32>,
          %broadcast_in_dim3A_142 = arith.constant 4 : i32
          %broadcast_in_dim3A_143 = vector.broadcast %broadcast_in_dim3A_142 : i32 to vector<16xi32>
          %gather3A_144 = tpu.vector_load_idx %arg13[%broadcast_in_dim3A_143, %and3A_120] : memref<64x256xf32, #tpu.memory_space<vmem>>[vector<16xi32>, vector<16xi32>], vector<16xf32>,
          %gather3A_145 = tpu.vector_load_idx %arg14[%broadcast_in_dim3A_143, %and3A_120] : memref<64x256xf32, #tpu.memory_space<vmem>>[vector<16xi32>, vector<16xi32>], vector<16xf32>,
          %add3A_146 = arith.addf %gather3A_144, %gather3A_145 : vector<16xf32>
          tpu.vector_store_idx %arg17[%iota3A, %broadcast_in_dim3A_143], %add3A_146 : memref<16x128xf32, #tpu.memory_space<vmem>>[vector<16xi32>, vector<16xi32>], vector<16xf32>,
          %broadcast_in_dim3A_147 = arith.constant 5 : i32
          %broadcast_in_dim3A_148 = vector.broadcast %broadcast_in_dim3A_147 : i32 to vector<16xi32>
          %gather3A_149 = tpu.vector_load_idx %arg13[%broadcast_in_dim3A_148, %and3A_120] : memref<64x256xf32, #tpu.memory_space<vmem>>[vector<16xi32>, vector<16xi32>], vector<16xf32>,
          %gather3A_150 = tpu.vector_load_idx %arg14[%broadcast_in_dim3A_148, %and3A_120] : memref<64x256xf32, #tpu.memory_space<vmem>>[vector<16xi32>, vector<16xi32>], vector<16xf32>,
          %add3A_151 = arith.addf %gather3A_149, %gather3A_150 : vector<16xf32>
          tpu.vector_store_idx %arg17[%iota3A, %broadcast_in_dim3A_148], %add3A_151 : memref<16x128xf32, #tpu.memory_space<vmem>>[vector<16xi32>, vector<16xi32>], vector<16xf32>,
          %broadcast_in_dim3A_152 = arith.constant 6 : i32
          %broadcast_in_dim3A_153 = vector.broadcast %broadcast_in_dim3A_152 : i32 to vector<16xi32>
          %gather3A_154 = tpu.vector_load_idx %arg13[%broadcast_in_dim3A_153, %and3A_120] : memref<64x256xf32, #tpu.memory_space<vmem>>[vector<16xi32>, vector<16xi32>], vector<16xf32>,
          %gather3A_155 = tpu.vector_load_idx %arg14[%broadcast_in_dim3A_153, %and3A_120] : memref<64x256xf32, #tpu.memory_space<vmem>>[vector<16xi32>, vector<16xi32>], vector<16xf32>,
          %add3A_156 = arith.addf %gather3A_154, %gather3A_155 : vector<16xf32>
          tpu.vector_store_idx %arg17[%iota3A, %broadcast_in_dim3A_153], %add3A_156 : memref<16x128xf32, #tpu.memory_space<vmem>>[vector<16xi32>, vector<16xi32>], vector<16xf32>,
          %broadcast_in_dim3A_157 = arith.constant 7 : i32
          %broadcast_in_dim3A_158 = vector.broadcast %broadcast_in_dim3A_157 : i32 to vector<16xi32>
          %gather3A_159 = tpu.vector_load_idx %arg13[%broadcast_in_dim3A_158, %and3A_120] : memref<64x256xf32, #tpu.memory_space<vmem>>[vector<16xi32>, vector<16xi32>], vector<16xf32>,
          %gather3A_160 = tpu.vector_load_idx %arg14[%broadcast_in_dim3A_158, %and3A_120] : memref<64x256xf32, #tpu.memory_space<vmem>>[vector<16xi32>, vector<16xi32>], vector<16xf32>,
          %add3A_161 = arith.addf %gather3A_159, %gather3A_160 : vector<16xf32>
          tpu.vector_store_idx %arg17[%iota3A, %broadcast_in_dim3A_158], %add3A_161 : memref<16x128xf32, #tpu.memory_space<vmem>>[vector<16xi32>, vector<16xi32>], vector<16xf32>,
          %broadcast_in_dim3A_162 = arith.constant 8 : i32
          %broadcast_in_dim3A_163 = vector.broadcast %broadcast_in_dim3A_162 : i32 to vector<16xi32>
          %gather3A_164 = tpu.vector_load_idx %arg13[%broadcast_in_dim3A_163, %and3A_120] : memref<64x256xf32, #tpu.memory_space<vmem>>[vector<16xi32>, vector<16xi32>], vector<16xf32>,
          %gather3A_165 = tpu.vector_load_idx %arg14[%broadcast_in_dim3A_163, %and3A_120] : memref<64x256xf32, #tpu.memory_space<vmem>>[vector<16xi32>, vector<16xi32>], vector<16xf32>,
          %add3A_166 = arith.addf %gather3A_164, %gather3A_165 : vector<16xf32>
          tpu.vector_store_idx %arg17[%iota3A, %broadcast_in_dim3A_163], %add3A_166 : memref<16x128xf32, #tpu.memory_space<vmem>>[vector<16xi32>, vector<16xi32>], vector<16xf32>,
          %broadcast_in_dim3A_167 = arith.constant 9 : i32
          %broadcast_in_dim3A_168 = vector.broadcast %broadcast_in_dim3A_167 : i32 to vector<16xi32>
          %gather3A_169 = tpu.vector_load_idx %arg13[%broadcast_in_dim3A_168, %and3A_120] : memref<64x256xf32, #tpu.memory_space<vmem>>[vector<16xi32>, vector<16xi32>], vector<16xf32>,
          %gather3A_170 = tpu.vector_load_idx %arg14[%broadcast_in_dim3A_168, %and3A_120] : memref<64x256xf32, #tpu.memory_space<vmem>>[vector<16xi32>, vector<16xi32>], vector<16xf32>,
          %add3A_171 = arith.addf %gather3A_169, %gather3A_170 : vector<16xf32>
          tpu.vector_store_idx %arg17[%iota3A, %broadcast_in_dim3A_168], %add3A_171 : memref<16x128xf32, #tpu.memory_space<vmem>>[vector<16xi32>, vector<16xi32>], vector<16xf32>,
          %broadcast_in_dim3A_172 = arith.constant 10 : i32
          %broadcast_in_dim3A_173 = vector.broadcast %broadcast_in_dim3A_172 : i32 to vector<16xi32>
          %gather3A_174 = tpu.vector_load_idx %arg13[%broadcast_in_dim3A_173, %and3A_120] : memref<64x256xf32, #tpu.memory_space<vmem>>[vector<16xi32>, vector<16xi32>], vector<16xf32>,
          %gather3A_175 = tpu.vector_load_idx %arg14[%broadcast_in_dim3A_173, %and3A_120] : memref<64x256xf32, #tpu.memory_space<vmem>>[vector<16xi32>, vector<16xi32>], vector<16xf32>,
          %add3A_176 = arith.addf %gather3A_174, %gather3A_175 : vector<16xf32>
          tpu.vector_store_idx %arg17[%iota3A, %broadcast_in_dim3A_173], %add3A_176 : memref<16x128xf32, #tpu.memory_space<vmem>>[vector<16xi32>, vector<16xi32>], vector<16xf32>,
          %broadcast_in_dim3A_177 = arith.constant 11 : i32
          %broadcast_in_dim3A_178 = vector.broadcast %broadcast_in_dim3A_177 : i32 to vector<16xi32>
          %gather3A_179 = tpu.vector_load_idx %arg13[%broadcast_in_dim3A_178, %and3A_120] : memref<64x256xf32, #tpu.memory_space<vmem>>[vector<16xi32>, vector<16xi32>], vector<16xf32>,
          %gather3A_180 = tpu.vector_load_idx %arg14[%broadcast_in_dim3A_178, %and3A_120] : memref<64x256xf32, #tpu.memory_space<vmem>>[vector<16xi32>, vector<16xi32>], vector<16xf32>,
          %add3A_181 = arith.addf %gather3A_179, %gather3A_180 : vector<16xf32>
          tpu.vector_store_idx %arg17[%iota3A, %broadcast_in_dim3A_178], %add3A_181 : memref<16x128xf32, #tpu.memory_space<vmem>>[vector<16xi32>, vector<16xi32>], vector<16xf32>,
          %broadcast_in_dim3A_182 = arith.constant 12 : i32
          %broadcast_in_dim3A_183 = vector.broadcast %broadcast_in_dim3A_182 : i32 to vector<16xi32>
          %gather3A_184 = tpu.vector_load_idx %arg13[%broadcast_in_dim3A_183, %and3A_120] : memref<64x256xf32, #tpu.memory_space<vmem>>[vector<16xi32>, vector<16xi32>], vector<16xf32>,
          %gather3A_185 = tpu.vector_load_idx %arg14[%broadcast_in_dim3A_183, %and3A_120] : memref<64x256xf32, #tpu.memory_space<vmem>>[vector<16xi32>, vector<16xi32>], vector<16xf32>,
          %add3A_186 = arith.addf %gather3A_184, %gather3A_185 : vector<16xf32>
          tpu.vector_store_idx %arg17[%iota3A, %broadcast_in_dim3A_183], %add3A_186 : memref<16x128xf32, #tpu.memory_space<vmem>>[vector<16xi32>, vector<16xi32>], vector<16xf32>,
          %broadcast_in_dim3A_187 = arith.constant 13 : i32
          %broadcast_in_dim3A_188 = vector.broadcast %broadcast_in_dim3A_187 : i32 to vector<16xi32>
          %gather3A_189 = tpu.vector_load_idx %arg13[%broadcast_in_dim3A_188, %and3A_120] : memref<64x256xf32, #tpu.memory_space<vmem>>[vector<16xi32>, vector<16xi32>], vector<16xf32>,
          %gather3A_190 = tpu.vector_load_idx %arg14[%broadcast_in_dim3A_188, %and3A_120] : memref<64x256xf32, #tpu.memory_space<vmem>>[vector<16xi32>, vector<16xi32>], vector<16xf32>,
          %add3A_191 = arith.addf %gather3A_189, %gather3A_190 : vector<16xf32>
          tpu.vector_store_idx %arg17[%iota3A, %broadcast_in_dim3A_188], %add3A_191 : memref<16x128xf32, #tpu.memory_space<vmem>>[vector<16xi32>, vector<16xi32>], vector<16xf32>,
          %broadcast_in_dim3A_192 = arith.constant 14 : i32
          %broadcast_in_dim3A_193 = vector.broadcast %broadcast_in_dim3A_192 : i32 to vector<16xi32>
          %gather3A_194 = tpu.vector_load_idx %arg13[%broadcast_in_dim3A_193, %and3A_120] : memref<64x256xf32, #tpu.memory_space<vmem>>[vector<16xi32>, vector<16xi32>], vector<16xf32>,
          %gather3A_195 = tpu.vector_load_idx %arg14[%broadcast_in_dim3A_193, %and3A_120] : memref<64x256xf32, #tpu.memory_space<vmem>>[vector<16xi32>, vector<16xi32>], vector<16xf32>,
          %add3A_196 = arith.addf %gather3A_194, %gather3A_195 : vector<16xf32>
          tpu.vector_store_idx %arg17[%iota3A, %broadcast_in_dim3A_193], %add3A_196 : memref<16x128xf32, #tpu.memory_space<vmem>>[vector<16xi32>, vector<16xi32>], vector<16xf32>,
          %broadcast_in_dim3A_197 = arith.constant 15 : i32
          %broadcast_in_dim3A_198 = vector.broadcast %broadcast_in_dim3A_197 : i32 to vector<16xi32>
          %gather3A_199 = tpu.vector_load_idx %arg13[%broadcast_in_dim3A_198, %and3A_120] : memref<64x256xf32, #tpu.memory_space<vmem>>[vector<16xi32>, vector<16xi32>], vector<16xf32>,
          %gather3A_200 = tpu.vector_load_idx %arg14[%broadcast_in_dim3A_198, %and3A_120] : memref<64x256xf32, #tpu.memory_space<vmem>>[vector<16xi32>, vector<16xi32>], vector<16xf32>,
          %add3A_201 = arith.addf %gather3A_199, %gather3A_200 : vector<16xf32>
          tpu.vector_store_idx %arg17[%iota3A, %broadcast_in_dim3A_198], %add3A_201 : memref<16x128xf32, #tpu.memory_space<vmem>>[vector<16xi32>, vector<16xi32>], vector<16xf32>,
          %broadcast_in_dim3A_202 = arith.constant 16 : i32
          %broadcast_in_dim3A_203 = vector.broadcast %broadcast_in_dim3A_202 : i32 to vector<16xi32>
          %gather3A_204 = tpu.vector_load_idx %arg13[%broadcast_in_dim3A_203, %and3A_120] : memref<64x256xf32, #tpu.memory_space<vmem>>[vector<16xi32>, vector<16xi32>], vector<16xf32>,
          %gather3A_205 = tpu.vector_load_idx %arg14[%broadcast_in_dim3A_203, %and3A_120] : memref<64x256xf32, #tpu.memory_space<vmem>>[vector<16xi32>, vector<16xi32>], vector<16xf32>,
          %add3A_206 = arith.addf %gather3A_204, %gather3A_205 : vector<16xf32>
          tpu.vector_store_idx %arg17[%iota3A, %broadcast_in_dim3A_203], %add3A_206 : memref<16x128xf32, #tpu.memory_space<vmem>>[vector<16xi32>, vector<16xi32>], vector<16xf32>,
          %broadcast_in_dim3A_207 = arith.constant 17 : i32
          %broadcast_in_dim3A_208 = vector.broadcast %broadcast_in_dim3A_207 : i32 to vector<16xi32>
          %gather3A_209 = tpu.vector_load_idx %arg13[%broadcast_in_dim3A_208, %and3A_120] : memref<64x256xf32, #tpu.memory_space<vmem>>[vector<16xi32>, vector<16xi32>], vector<16xf32>,
          %gather3A_210 = tpu.vector_load_idx %arg14[%broadcast_in_dim3A_208, %and3A_120] : memref<64x256xf32, #tpu.memory_space<vmem>>[vector<16xi32>, vector<16xi32>], vector<16xf32>,
          %add3A_211 = arith.addf %gather3A_209, %gather3A_210 : vector<16xf32>
          tpu.vector_store_idx %arg17[%iota3A, %broadcast_in_dim3A_208], %add3A_211 : memref<16x128xf32, #tpu.memory_space<vmem>>[vector<16xi32>, vector<16xi32>], vector<16xf32>,
          %broadcast_in_dim3A_212 = arith.constant 18 : i32
          %broadcast_in_dim3A_213 = vector.broadcast %broadcast_in_dim3A_212 : i32 to vector<16xi32>
          %gather3A_214 = tpu.vector_load_idx %arg13[%broadcast_in_dim3A_213, %and3A_120] : memref<64x256xf32, #tpu.memory_space<vmem>>[vector<16xi32>, vector<16xi32>], vector<16xf32>,
          %gather3A_215 = tpu.vector_load_idx %arg14[%broadcast_in_dim3A_213, %and3A_120] : memref<64x256xf32, #tpu.memory_space<vmem>>[vector<16xi32>, vector<16xi32>], vector<16xf32>,
          %add3A_216 = arith.addf %gather3A_214, %gather3A_215 : vector<16xf32>
          tpu.vector_store_idx %arg17[%iota3A, %broadcast_in_dim3A_213], %add3A_216 : memref<16x128xf32, #tpu.memory_space<vmem>>[vector<16xi32>, vector<16xi32>], vector<16xf32>,
          %broadcast_in_dim3A_217 = arith.constant 19 : i32
          %broadcast_in_dim3A_218 = vector.broadcast %broadcast_in_dim3A_217 : i32 to vector<16xi32>
          %gather3A_219 = tpu.vector_load_idx %arg13[%broadcast_in_dim3A_218, %and3A_120] : memref<64x256xf32, #tpu.memory_space<vmem>>[vector<16xi32>, vector<16xi32>], vector<16xf32>,
          %gather3A_220 = tpu.vector_load_idx %arg14[%broadcast_in_dim3A_218, %and3A_120] : memref<64x256xf32, #tpu.memory_space<vmem>>[vector<16xi32>, vector<16xi32>], vector<16xf32>,
          %add3A_221 = arith.addf %gather3A_219, %gather3A_220 : vector<16xf32>
          tpu.vector_store_idx %arg17[%iota3A, %broadcast_in_dim3A_218], %add3A_221 : memref<16x128xf32, #tpu.memory_space<vmem>>[vector<16xi32>, vector<16xi32>], vector<16xf32>,
          %broadcast_in_dim3A_222 = arith.constant 20 : i32
          %broadcast_in_dim3A_223 = vector.broadcast %broadcast_in_dim3A_222 : i32 to vector<16xi32>
          %gather3A_224 = tpu.vector_load_idx %arg13[%broadcast_in_dim3A_223, %and3A_120] : memref<64x256xf32, #tpu.memory_space<vmem>>[vector<16xi32>, vector<16xi32>], vector<16xf32>,
          %gather3A_225 = tpu.vector_load_idx %arg14[%broadcast_in_dim3A_223, %and3A_120] : memref<64x256xf32, #tpu.memory_space<vmem>>[vector<16xi32>, vector<16xi32>], vector<16xf32>,
          %add3A_226 = arith.addf %gather3A_224, %gather3A_225 : vector<16xf32>
          tpu.vector_store_idx %arg17[%iota3A, %broadcast_in_dim3A_223], %add3A_226 : memref<16x128xf32, #tpu.memory_space<vmem>>[vector<16xi32>, vector<16xi32>], vector<16xf32>,
          %broadcast_in_dim3A_227 = arith.constant 21 : i32
          %broadcast_in_dim3A_228 = vector.broadcast %broadcast_in_dim3A_227 : i32 to vector<16xi32>
          %gather3A_229 = tpu.vector_load_idx %arg13[%broadcast_in_dim3A_228, %and3A_120] : memref<64x256xf32, #tpu.memory_space<vmem>>[vector<16xi32>, vector<16xi32>], vector<16xf32>,
          %gather3A_230 = tpu.vector_load_idx %arg14[%broadcast_in_dim3A_228, %and3A_120] : memref<64x256xf32, #tpu.memory_space<vmem>>[vector<16xi32>, vector<16xi32>], vector<16xf32>,
          %add3A_231 = arith.addf %gather3A_229, %gather3A_230 : vector<16xf32>
          tpu.vector_store_idx %arg17[%iota3A, %broadcast_in_dim3A_228], %add3A_231 : memref<16x128xf32, #tpu.memory_space<vmem>>[vector<16xi32>, vector<16xi32>], vector<16xf32>,
          %broadcast_in_dim3A_232 = arith.constant 22 : i32
          %broadcast_in_dim3A_233 = vector.broadcast %broadcast_in_dim3A_232 : i32 to vector<16xi32>
          %gather3A_234 = tpu.vector_load_idx %arg13[%broadcast_in_dim3A_233, %and3A_120] : memref<64x256xf32, #tpu.memory_space<vmem>>[vector<16xi32>, vector<16xi32>], vector<16xf32>,
          %gather3A_235 = tpu.vector_load_idx %arg14[%broadcast_in_dim3A_233, %and3A_120] : memref<64x256xf32, #tpu.memory_space<vmem>>[vector<16xi32>, vector<16xi32>], vector<16xf32>,
          %add3A_236 = arith.addf %gather3A_234, %gather3A_235 : vector<16xf32>
          tpu.vector_store_idx %arg17[%iota3A, %broadcast_in_dim3A_233], %add3A_236 : memref<16x128xf32, #tpu.memory_space<vmem>>[vector<16xi32>, vector<16xi32>], vector<16xf32>,
          %broadcast_in_dim3A_237 = arith.constant 23 : i32
          %broadcast_in_dim3A_238 = vector.broadcast %broadcast_in_dim3A_237 : i32 to vector<16xi32>
          %gather3A_239 = tpu.vector_load_idx %arg13[%broadcast_in_dim3A_238, %and3A_120] : memref<64x256xf32, #tpu.memory_space<vmem>>[vector<16xi32>, vector<16xi32>], vector<16xf32>,
          %gather3A_240 = tpu.vector_load_idx %arg14[%broadcast_in_dim3A_238, %and3A_120] : memref<64x256xf32, #tpu.memory_space<vmem>>[vector<16xi32>, vector<16xi32>], vector<16xf32>,
          %add3A_241 = arith.addf %gather3A_239, %gather3A_240 : vector<16xf32>
          tpu.vector_store_idx %arg17[%iota3A, %broadcast_in_dim3A_238], %add3A_241 : memref<16x128xf32, #tpu.memory_space<vmem>>[vector<16xi32>, vector<16xi32>], vector<16xf32>,
          %broadcast_in_dim3A_242 = arith.constant 24 : i32
          %broadcast_in_dim3A_243 = vector.broadcast %broadcast_in_dim3A_242 : i32 to vector<16xi32>
          %gather3A_244 = tpu.vector_load_idx %arg13[%broadcast_in_dim3A_243, %and3A_120] : memref<64x256xf32, #tpu.memory_space<vmem>>[vector<16xi32>, vector<16xi32>], vector<16xf32>,
          %gather3A_245 = tpu.vector_load_idx %arg14[%broadcast_in_dim3A_243, %and3A_120] : memref<64x256xf32, #tpu.memory_space<vmem>>[vector<16xi32>, vector<16xi32>], vector<16xf32>,
          %add3A_246 = arith.addf %gather3A_244, %gather3A_245 : vector<16xf32>
          tpu.vector_store_idx %arg17[%iota3A, %broadcast_in_dim3A_243], %add3A_246 : memref<16x128xf32, #tpu.memory_space<vmem>>[vector<16xi32>, vector<16xi32>], vector<16xf32>,
          %broadcast_in_dim3A_247 = arith.constant 25 : i32
          %broadcast_in_dim3A_248 = vector.broadcast %broadcast_in_dim3A_247 : i32 to vector<16xi32>
          %gather3A_249 = tpu.vector_load_idx %arg13[%broadcast_in_dim3A_248, %and3A_120] : memref<64x256xf32, #tpu.memory_space<vmem>>[vector<16xi32>, vector<16xi32>], vector<16xf32>,
          %gather3A_250 = tpu.vector_load_idx %arg14[%broadcast_in_dim3A_248, %and3A_120] : memref<64x256xf32, #tpu.memory_space<vmem>>[vector<16xi32>, vector<16xi32>], vector<16xf32>,
          %add3A_251 = arith.addf %gather3A_249, %gather3A_250 : vector<16xf32>
          tpu.vector_store_idx %arg17[%iota3A, %broadcast_in_dim3A_248], %add3A_251 : memref<16x128xf32, #tpu.memory_space<vmem>>[vector<16xi32>, vector<16xi32>], vector<16xf32>,
          %broadcast_in_dim3A_252 = arith.constant 26 : i32
          %broadcast_in_dim3A_253 = vector.broadcast %broadcast_in_dim3A_252 : i32 to vector<16xi32>
          %gather3A_254 = tpu.vector_load_idx %arg13[%broadcast_in_dim3A_253, %and3A_120] : memref<64x256xf32, #tpu.memory_space<vmem>>[vector<16xi32>, vector<16xi32>], vector<16xf32>,
          %gather3A_255 = tpu.vector_load_idx %arg14[%broadcast_in_dim3A_253, %and3A_120] : memref<64x256xf32, #tpu.memory_space<vmem>>[vector<16xi32>, vector<16xi32>], vector<16xf32>,
          %add3A_256 = arith.addf %gather3A_254, %gather3A_255 : vector<16xf32>
          tpu.vector_store_idx %arg17[%iota3A, %broadcast_in_dim3A_253], %add3A_256 : memref<16x128xf32, #tpu.memory_space<vmem>>[vector<16xi32>, vector<16xi32>], vector<16xf32>,
          %broadcast_in_dim3A_257 = arith.constant 27 : i32
          %broadcast_in_dim3A_258 = vector.broadcast %broadcast_in_dim3A_257 : i32 to vector<16xi32>
          %gather3A_259 = tpu.vector_load_idx %arg13[%broadcast_in_dim3A_258, %and3A_120] : memref<64x256xf32, #tpu.memory_space<vmem>>[vector<16xi32>, vector<16xi32>], vector<16xf32>,
          %gather3A_260 = tpu.vector_load_idx %arg14[%broadcast_in_dim3A_258, %and3A_120] : memref<64x256xf32, #tpu.memory_space<vmem>>[vector<16xi32>, vector<16xi32>], vector<16xf32>,
          %add3A_261 = arith.addf %gather3A_259, %gather3A_260 : vector<16xf32>
          tpu.vector_store_idx %arg17[%iota3A, %broadcast_in_dim3A_258], %add3A_261 : memref<16x128xf32, #tpu.memory_space<vmem>>[vector<16xi32>, vector<16xi32>], vector<16xf32>,
          %broadcast_in_dim3A_262 = arith.constant 28 : i32
          %broadcast_in_dim3A_263 = vector.broadcast %broadcast_in_dim3A_262 : i32 to vector<16xi32>
          %gather3A_264 = tpu.vector_load_idx %arg13[%broadcast_in_dim3A_263, %and3A_120] : memref<64x256xf32, #tpu.memory_space<vmem>>[vector<16xi32>, vector<16xi32>], vector<16xf32>,
          %gather3A_265 = tpu.vector_load_idx %arg14[%broadcast_in_dim3A_263, %and3A_120] : memref<64x256xf32, #tpu.memory_space<vmem>>[vector<16xi32>, vector<16xi32>], vector<16xf32>,
          %add3A_266 = arith.addf %gather3A_264, %gather3A_265 : vector<16xf32>
          tpu.vector_store_idx %arg17[%iota3A, %broadcast_in_dim3A_263], %add3A_266 : memref<16x128xf32, #tpu.memory_space<vmem>>[vector<16xi32>, vector<16xi32>], vector<16xf32>,
          %broadcast_in_dim3A_267 = arith.constant 29 : i32
          %broadcast_in_dim3A_268 = vector.broadcast %broadcast_in_dim3A_267 : i32 to vector<16xi32>
          %gather3A_269 = tpu.vector_load_idx %arg13[%broadcast_in_dim3A_268, %and3A_120] : memref<64x256xf32, #tpu.memory_space<vmem>>[vector<16xi32>, vector<16xi32>], vector<16xf32>,
          %gather3A_270 = tpu.vector_load_idx %arg14[%broadcast_in_dim3A_268, %and3A_120] : memref<64x256xf32, #tpu.memory_space<vmem>>[vector<16xi32>, vector<16xi32>], vector<16xf32>,
          %add3A_271 = arith.addf %gather3A_269, %gather3A_270 : vector<16xf32>
          tpu.vector_store_idx %arg17[%iota3A, %broadcast_in_dim3A_268], %add3A_271 : memref<16x128xf32, #tpu.memory_space<vmem>>[vector<16xi32>, vector<16xi32>], vector<16xf32>,
          %broadcast_in_dim3A_272 = arith.constant 30 : i32
          %broadcast_in_dim3A_273 = vector.broadcast %broadcast_in_dim3A_272 : i32 to vector<16xi32>
          %gather3A_274 = tpu.vector_load_idx %arg13[%broadcast_in_dim3A_273, %and3A_120] : memref<64x256xf32, #tpu.memory_space<vmem>>[vector<16xi32>, vector<16xi32>], vector<16xf32>,
          %gather3A_275 = tpu.vector_load_idx %arg14[%broadcast_in_dim3A_273, %and3A_120] : memref<64x256xf32, #tpu.memory_space<vmem>>[vector<16xi32>, vector<16xi32>], vector<16xf32>,
          %add3A_276 = arith.addf %gather3A_274, %gather3A_275 : vector<16xf32>
          tpu.vector_store_idx %arg17[%iota3A, %broadcast_in_dim3A_273], %add3A_276 : memref<16x128xf32, #tpu.memory_space<vmem>>[vector<16xi32>, vector<16xi32>], vector<16xf32>,
          %broadcast_in_dim3A_277 = arith.constant 31 : i32
          %broadcast_in_dim3A_278 = vector.broadcast %broadcast_in_dim3A_277 : i32 to vector<16xi32>
          %gather3A_279 = tpu.vector_load_idx %arg13[%broadcast_in_dim3A_278, %and3A_120] : memref<64x256xf32, #tpu.memory_space<vmem>>[vector<16xi32>, vector<16xi32>], vector<16xf32>,
          %gather3A_280 = tpu.vector_load_idx %arg14[%broadcast_in_dim3A_278, %and3A_120] : memref<64x256xf32, #tpu.memory_space<vmem>>[vector<16xi32>, vector<16xi32>], vector<16xf32>,
          %add3A_281 = arith.addf %gather3A_279, %gather3A_280 : vector<16xf32>
          tpu.vector_store_idx %arg17[%iota3A, %broadcast_in_dim3A_278], %add3A_281 : memref<16x128xf32, #tpu.memory_space<vmem>>[vector<16xi32>, vector<16xi32>], vector<16xf32>,
          %broadcast_in_dim3A_282 = arith.constant 32 : i32
          %broadcast_in_dim3A_283 = vector.broadcast %broadcast_in_dim3A_282 : i32 to vector<16xi32>
          %gather3A_284 = tpu.vector_load_idx %arg13[%broadcast_in_dim3A_283, %and3A_120] : memref<64x256xf32, #tpu.memory_space<vmem>>[vector<16xi32>, vector<16xi32>], vector<16xf32>,
          %gather3A_285 = tpu.vector_load_idx %arg14[%broadcast_in_dim3A_283, %and3A_120] : memref<64x256xf32, #tpu.memory_space<vmem>>[vector<16xi32>, vector<16xi32>], vector<16xf32>,
          %add3A_286 = arith.addf %gather3A_284, %gather3A_285 : vector<16xf32>
          tpu.vector_store_idx %arg17[%iota3A, %broadcast_in_dim3A_283], %add3A_286 : memref<16x128xf32, #tpu.memory_space<vmem>>[vector<16xi32>, vector<16xi32>], vector<16xf32>,
          %broadcast_in_dim3A_287 = arith.constant 33 : i32
          %broadcast_in_dim3A_288 = vector.broadcast %broadcast_in_dim3A_287 : i32 to vector<16xi32>
          %gather3A_289 = tpu.vector_load_idx %arg13[%broadcast_in_dim3A_288, %and3A_120] : memref<64x256xf32, #tpu.memory_space<vmem>>[vector<16xi32>, vector<16xi32>], vector<16xf32>,
          %gather3A_290 = tpu.vector_load_idx %arg14[%broadcast_in_dim3A_288, %and3A_120] : memref<64x256xf32, #tpu.memory_space<vmem>>[vector<16xi32>, vector<16xi32>], vector<16xf32>,
          %add3A_291 = arith.addf %gather3A_289, %gather3A_290 : vector<16xf32>
          tpu.vector_store_idx %arg17[%iota3A, %broadcast_in_dim3A_288], %add3A_291 : memref<16x128xf32, #tpu.memory_space<vmem>>[vector<16xi32>, vector<16xi32>], vector<16xf32>,
          %broadcast_in_dim3A_292 = arith.constant 34 : i32
          %broadcast_in_dim3A_293 = vector.broadcast %broadcast_in_dim3A_292 : i32 to vector<16xi32>
          %gather3A_294 = tpu.vector_load_idx %arg13[%broadcast_in_dim3A_293, %and3A_120] : memref<64x256xf32, #tpu.memory_space<vmem>>[vector<16xi32>, vector<16xi32>], vector<16xf32>,
          %gather3A_295 = tpu.vector_load_idx %arg14[%broadcast_in_dim3A_293, %and3A_120] : memref<64x256xf32, #tpu.memory_space<vmem>>[vector<16xi32>, vector<16xi32>], vector<16xf32>,
          %add3A_296 = arith.addf %gather3A_294, %gather3A_295 : vector<16xf32>
          tpu.vector_store_idx %arg17[%iota3A, %broadcast_in_dim3A_293], %add3A_296 : memref<16x128xf32, #tpu.memory_space<vmem>>[vector<16xi32>, vector<16xi32>], vector<16xf32>,
          %broadcast_in_dim3A_297 = arith.constant 35 : i32
          %broadcast_in_dim3A_298 = vector.broadcast %broadcast_in_dim3A_297 : i32 to vector<16xi32>
          %gather3A_299 = tpu.vector_load_idx %arg13[%broadcast_in_dim3A_298, %and3A_120] : memref<64x256xf32, #tpu.memory_space<vmem>>[vector<16xi32>, vector<16xi32>], vector<16xf32>,
          %gather3A_300 = tpu.vector_load_idx %arg14[%broadcast_in_dim3A_298, %and3A_120] : memref<64x256xf32, #tpu.memory_space<vmem>>[vector<16xi32>, vector<16xi32>], vector<16xf32>,
          %add3A_301 = arith.addf %gather3A_299, %gather3A_300 : vector<16xf32>
          tpu.vector_store_idx %arg17[%iota3A, %broadcast_in_dim3A_298], %add3A_301 : memref<16x128xf32, #tpu.memory_space<vmem>>[vector<16xi32>, vector<16xi32>], vector<16xf32>,
          %broadcast_in_dim3A_302 = arith.constant 36 : i32
          %broadcast_in_dim3A_303 = vector.broadcast %broadcast_in_dim3A_302 : i32 to vector<16xi32>
          %gather3A_304 = tpu.vector_load_idx %arg13[%broadcast_in_dim3A_303, %and3A_120] : memref<64x256xf32, #tpu.memory_space<vmem>>[vector<16xi32>, vector<16xi32>], vector<16xf32>,
          %gather3A_305 = tpu.vector_load_idx %arg14[%broadcast_in_dim3A_303, %and3A_120] : memref<64x256xf32, #tpu.memory_space<vmem>>[vector<16xi32>, vector<16xi32>], vector<16xf32>,
          %add3A_306 = arith.addf %gather3A_304, %gather3A_305 : vector<16xf32>
          tpu.vector_store_idx %arg17[%iota3A, %broadcast_in_dim3A_303], %add3A_306 : memref<16x128xf32, #tpu.memory_space<vmem>>[vector<16xi32>, vector<16xi32>], vector<16xf32>,
          %broadcast_in_dim3A_307 = arith.constant 37 : i32
          %broadcast_in_dim3A_308 = vector.broadcast %broadcast_in_dim3A_307 : i32 to vector<16xi32>
          %gather3A_309 = tpu.vector_load_idx %arg13[%broadcast_in_dim3A_308, %and3A_120] : memref<64x256xf32, #tpu.memory_space<vmem>>[vector<16xi32>, vector<16xi32>], vector<16xf32>,
          %gather3A_310 = tpu.vector_load_idx %arg14[%broadcast_in_dim3A_308, %and3A_120] : memref<64x256xf32, #tpu.memory_space<vmem>>[vector<16xi32>, vector<16xi32>], vector<16xf32>,
          %add3A_311 = arith.addf %gather3A_309, %gather3A_310 : vector<16xf32>
          tpu.vector_store_idx %arg17[%iota3A, %broadcast_in_dim3A_308], %add3A_311 : memref<16x128xf32, #tpu.memory_space<vmem>>[vector<16xi32>, vector<16xi32>], vector<16xf32>,
          %broadcast_in_dim3A_312 = arith.constant 38 : i32
          %broadcast_in_dim3A_313 = vector.broadcast %broadcast_in_dim3A_312 : i32 to vector<16xi32>
          %gather3A_314 = tpu.vector_load_idx %arg13[%broadcast_in_dim3A_313, %and3A_120] : memref<64x256xf32, #tpu.memory_space<vmem>>[vector<16xi32>, vector<16xi32>], vector<16xf32>,
          %gather3A_315 = tpu.vector_load_idx %arg14[%broadcast_in_dim3A_313, %and3A_120] : memref<64x256xf32, #tpu.memory_space<vmem>>[vector<16xi32>, vector<16xi32>], vector<16xf32>,
          %add3A_316 = arith.addf %gather3A_314, %gather3A_315 : vector<16xf32>
          tpu.vector_store_idx %arg17[%iota3A, %broadcast_in_dim3A_313], %add3A_316 : memref<16x128xf32, #tpu.memory_space<vmem>>[vector<16xi32>, vector<16xi32>], vector<16xf32>,
          %broadcast_in_dim3A_317 = arith.constant 39 : i32
          %broadcast_in_dim3A_318 = vector.broadcast %broadcast_in_dim3A_317 : i32 to vector<16xi32>
          %gather3A_319 = tpu.vector_load_idx %arg13[%broadcast_in_dim3A_318, %and3A_120] : memref<64x256xf32, #tpu.memory_space<vmem>>[vector<16xi32>, vector<16xi32>], vector<16xf32>,
          %gather3A_320 = tpu.vector_load_idx %arg14[%broadcast_in_dim3A_318, %and3A_120] : memref<64x256xf32, #tpu.memory_space<vmem>>[vector<16xi32>, vector<16xi32>], vector<16xf32>,
          %add3A_321 = arith.addf %gather3A_319, %gather3A_320 : vector<16xf32>
          tpu.vector_store_idx %arg17[%iota3A, %broadcast_in_dim3A_318], %add3A_321 : memref<16x128xf32, #tpu.memory_space<vmem>>[vector<16xi32>, vector<16xi32>], vector<16xf32>,
          %broadcast_in_dim3A_322 = arith.constant 40 : i32
          %broadcast_in_dim3A_323 = vector.broadcast %broadcast_in_dim3A_322 : i32 to vector<16xi32>
          %gather3A_324 = tpu.vector_load_idx %arg13[%broadcast_in_dim3A_323, %and3A_120] : memref<64x256xf32, #tpu.memory_space<vmem>>[vector<16xi32>, vector<16xi32>], vector<16xf32>,
          %gather3A_325 = tpu.vector_load_idx %arg14[%broadcast_in_dim3A_323, %and3A_120] : memref<64x256xf32, #tpu.memory_space<vmem>>[vector<16xi32>, vector<16xi32>], vector<16xf32>,
          %add3A_326 = arith.addf %gather3A_324, %gather3A_325 : vector<16xf32>
          tpu.vector_store_idx %arg17[%iota3A, %broadcast_in_dim3A_323], %add3A_326 : memref<16x128xf32, #tpu.memory_space<vmem>>[vector<16xi32>, vector<16xi32>], vector<16xf32>,
          %broadcast_in_dim3A_327 = arith.constant 41 : i32
          %broadcast_in_dim3A_328 = vector.broadcast %broadcast_in_dim3A_327 : i32 to vector<16xi32>
          %gather3A_329 = tpu.vector_load_idx %arg13[%broadcast_in_dim3A_328, %and3A_120] : memref<64x256xf32, #tpu.memory_space<vmem>>[vector<16xi32>, vector<16xi32>], vector<16xf32>,
          %gather3A_330 = tpu.vector_load_idx %arg14[%broadcast_in_dim3A_328, %and3A_120] : memref<64x256xf32, #tpu.memory_space<vmem>>[vector<16xi32>, vector<16xi32>], vector<16xf32>,
          %add3A_331 = arith.addf %gather3A_329, %gather3A_330 : vector<16xf32>
          tpu.vector_store_idx %arg17[%iota3A, %broadcast_in_dim3A_328], %add3A_331 : memref<16x128xf32, #tpu.memory_space<vmem>>[vector<16xi32>, vector<16xi32>], vector<16xf32>,
          %broadcast_in_dim3A_332 = arith.constant 42 : i32
          %broadcast_in_dim3A_333 = vector.broadcast %broadcast_in_dim3A_332 : i32 to vector<16xi32>
          %gather3A_334 = tpu.vector_load_idx %arg13[%broadcast_in_dim3A_333, %and3A_120] : memref<64x256xf32, #tpu.memory_space<vmem>>[vector<16xi32>, vector<16xi32>], vector<16xf32>,
          %gather3A_335 = tpu.vector_load_idx %arg14[%broadcast_in_dim3A_333, %and3A_120] : memref<64x256xf32, #tpu.memory_space<vmem>>[vector<16xi32>, vector<16xi32>], vector<16xf32>,
          %add3A_336 = arith.addf %gather3A_334, %gather3A_335 : vector<16xf32>
          tpu.vector_store_idx %arg17[%iota3A, %broadcast_in_dim3A_333], %add3A_336 : memref<16x128xf32, #tpu.memory_space<vmem>>[vector<16xi32>, vector<16xi32>], vector<16xf32>,
          %broadcast_in_dim3A_337 = arith.constant 43 : i32
          %broadcast_in_dim3A_338 = vector.broadcast %broadcast_in_dim3A_337 : i32 to vector<16xi32>
          %gather3A_339 = tpu.vector_load_idx %arg13[%broadcast_in_dim3A_338, %and3A_120] : memref<64x256xf32, #tpu.memory_space<vmem>>[vector<16xi32>, vector<16xi32>], vector<16xf32>,
          %gather3A_340 = tpu.vector_load_idx %arg14[%broadcast_in_dim3A_338, %and3A_120] : memref<64x256xf32, #tpu.memory_space<vmem>>[vector<16xi32>, vector<16xi32>], vector<16xf32>,
          %add3A_341 = arith.addf %gather3A_339, %gather3A_340 : vector<16xf32>
          tpu.vector_store_idx %arg17[%iota3A, %broadcast_in_dim3A_338], %add3A_341 : memref<16x128xf32, #tpu.memory_space<vmem>>[vector<16xi32>, vector<16xi32>], vector<16xf32>,
          %broadcast_in_dim3A_342 = arith.constant 44 : i32
          %broadcast_in_dim3A_343 = vector.broadcast %broadcast_in_dim3A_342 : i32 to vector<16xi32>
          %gather3A_344 = tpu.vector_load_idx %arg13[%broadcast_in_dim3A_343, %and3A_120] : memref<64x256xf32, #tpu.memory_space<vmem>>[vector<16xi32>, vector<16xi32>], vector<16xf32>,
          %gather3A_345 = tpu.vector_load_idx %arg14[%broadcast_in_dim3A_343, %and3A_120] : memref<64x256xf32, #tpu.memory_space<vmem>>[vector<16xi32>, vector<16xi32>], vector<16xf32>,
          %add3A_346 = arith.addf %gather3A_344, %gather3A_345 : vector<16xf32>
          tpu.vector_store_idx %arg17[%iota3A, %broadcast_in_dim3A_343], %add3A_346 : memref<16x128xf32, #tpu.memory_space<vmem>>[vector<16xi32>, vector<16xi32>], vector<16xf32>,
          %broadcast_in_dim3A_347 = arith.constant 45 : i32
          %broadcast_in_dim3A_348 = vector.broadcast %broadcast_in_dim3A_347 : i32 to vector<16xi32>
          %gather3A_349 = tpu.vector_load_idx %arg13[%broadcast_in_dim3A_348, %and3A_120] : memref<64x256xf32, #tpu.memory_space<vmem>>[vector<16xi32>, vector<16xi32>], vector<16xf32>,
          %gather3A_350 = tpu.vector_load_idx %arg14[%broadcast_in_dim3A_348, %and3A_120] : memref<64x256xf32, #tpu.memory_space<vmem>>[vector<16xi32>, vector<16xi32>], vector<16xf32>,
          %add3A_351 = arith.addf %gather3A_349, %gather3A_350 : vector<16xf32>
          tpu.vector_store_idx %arg17[%iota3A, %broadcast_in_dim3A_348], %add3A_351 : memref<16x128xf32, #tpu.memory_space<vmem>>[vector<16xi32>, vector<16xi32>], vector<16xf32>,
          %broadcast_in_dim3A_352 = arith.constant 46 : i32
          %broadcast_in_dim3A_353 = vector.broadcast %broadcast_in_dim3A_352 : i32 to vector<16xi32>
          %gather3A_354 = tpu.vector_load_idx %arg13[%broadcast_in_dim3A_353, %and3A_120] : memref<64x256xf32, #tpu.memory_space<vmem>>[vector<16xi32>, vector<16xi32>], vector<16xf32>,
          %gather3A_355 = tpu.vector_load_idx %arg14[%broadcast_in_dim3A_353, %and3A_120] : memref<64x256xf32, #tpu.memory_space<vmem>>[vector<16xi32>, vector<16xi32>], vector<16xf32>,
          %add3A_356 = arith.addf %gather3A_354, %gather3A_355 : vector<16xf32>
          tpu.vector_store_idx %arg17[%iota3A, %broadcast_in_dim3A_353], %add3A_356 : memref<16x128xf32, #tpu.memory_space<vmem>>[vector<16xi32>, vector<16xi32>], vector<16xf32>,
          %broadcast_in_dim3A_357 = arith.constant 47 : i32
          %broadcast_in_dim3A_358 = vector.broadcast %broadcast_in_dim3A_357 : i32 to vector<16xi32>
          %gather3A_359 = tpu.vector_load_idx %arg13[%broadcast_in_dim3A_358, %and3A_120] : memref<64x256xf32, #tpu.memory_space<vmem>>[vector<16xi32>, vector<16xi32>], vector<16xf32>,
          %gather3A_360 = tpu.vector_load_idx %arg14[%broadcast_in_dim3A_358, %and3A_120] : memref<64x256xf32, #tpu.memory_space<vmem>>[vector<16xi32>, vector<16xi32>], vector<16xf32>,
          %add3A_361 = arith.addf %gather3A_359, %gather3A_360 : vector<16xf32>
          tpu.vector_store_idx %arg17[%iota3A, %broadcast_in_dim3A_358], %add3A_361 : memref<16x128xf32, #tpu.memory_space<vmem>>[vector<16xi32>, vector<16xi32>], vector<16xf32>,
          %broadcast_in_dim3A_362 = arith.constant 48 : i32
          %broadcast_in_dim3A_363 = vector.broadcast %broadcast_in_dim3A_362 : i32 to vector<16xi32>
          %gather3A_364 = tpu.vector_load_idx %arg13[%broadcast_in_dim3A_363, %and3A_120] : memref<64x256xf32, #tpu.memory_space<vmem>>[vector<16xi32>, vector<16xi32>], vector<16xf32>,
          %gather3A_365 = tpu.vector_load_idx %arg14[%broadcast_in_dim3A_363, %and3A_120] : memref<64x256xf32, #tpu.memory_space<vmem>>[vector<16xi32>, vector<16xi32>], vector<16xf32>,
          %add3A_366 = arith.addf %gather3A_364, %gather3A_365 : vector<16xf32>
          tpu.vector_store_idx %arg17[%iota3A, %broadcast_in_dim3A_363], %add3A_366 : memref<16x128xf32, #tpu.memory_space<vmem>>[vector<16xi32>, vector<16xi32>], vector<16xf32>,
          %broadcast_in_dim3A_367 = arith.constant 49 : i32
          %broadcast_in_dim3A_368 = vector.broadcast %broadcast_in_dim3A_367 : i32 to vector<16xi32>
          %gather3A_369 = tpu.vector_load_idx %arg13[%broadcast_in_dim3A_368, %and3A_120] : memref<64x256xf32, #tpu.memory_space<vmem>>[vector<16xi32>, vector<16xi32>], vector<16xf32>,
          %gather3A_370 = tpu.vector_load_idx %arg14[%broadcast_in_dim3A_368, %and3A_120] : memref<64x256xf32, #tpu.memory_space<vmem>>[vector<16xi32>, vector<16xi32>], vector<16xf32>,
          %add3A_371 = arith.addf %gather3A_369, %gather3A_370 : vector<16xf32>
          tpu.vector_store_idx %arg17[%iota3A, %broadcast_in_dim3A_368], %add3A_371 : memref<16x128xf32, #tpu.memory_space<vmem>>[vector<16xi32>, vector<16xi32>], vector<16xf32>,
          %broadcast_in_dim3A_372 = arith.constant 50 : i32
          %broadcast_in_dim3A_373 = vector.broadcast %broadcast_in_dim3A_372 : i32 to vector<16xi32>
          %gather3A_374 = tpu.vector_load_idx %arg13[%broadcast_in_dim3A_373, %and3A_120] : memref<64x256xf32, #tpu.memory_space<vmem>>[vector<16xi32>, vector<16xi32>], vector<16xf32>,
          %gather3A_375 = tpu.vector_load_idx %arg14[%broadcast_in_dim3A_373, %and3A_120] : memref<64x256xf32, #tpu.memory_space<vmem>>[vector<16xi32>, vector<16xi32>], vector<16xf32>,
          %add3A_376 = arith.addf %gather3A_374, %gather3A_375 : vector<16xf32>
          tpu.vector_store_idx %arg17[%iota3A, %broadcast_in_dim3A_373], %add3A_376 : memref<16x128xf32, #tpu.memory_space<vmem>>[vector<16xi32>, vector<16xi32>], vector<16xf32>,
          %broadcast_in_dim3A_377 = arith.constant 51 : i32
          %broadcast_in_dim3A_378 = vector.broadcast %broadcast_in_dim3A_377 : i32 to vector<16xi32>
          %gather3A_379 = tpu.vector_load_idx %arg13[%broadcast_in_dim3A_378, %and3A_120] : memref<64x256xf32, #tpu.memory_space<vmem>>[vector<16xi32>, vector<16xi32>], vector<16xf32>,
          %gather3A_380 = tpu.vector_load_idx %arg14[%broadcast_in_dim3A_378, %and3A_120] : memref<64x256xf32, #tpu.memory_space<vmem>>[vector<16xi32>, vector<16xi32>], vector<16xf32>,
          %add3A_381 = arith.addf %gather3A_379, %gather3A_380 : vector<16xf32>
          tpu.vector_store_idx %arg17[%iota3A, %broadcast_in_dim3A_378], %add3A_381 : memref<16x128xf32, #tpu.memory_space<vmem>>[vector<16xi32>, vector<16xi32>], vector<16xf32>,
          %broadcast_in_dim3A_382 = arith.constant 52 : i32
          %broadcast_in_dim3A_383 = vector.broadcast %broadcast_in_dim3A_382 : i32 to vector<16xi32>
          %gather3A_384 = tpu.vector_load_idx %arg13[%broadcast_in_dim3A_383, %and3A_120] : memref<64x256xf32, #tpu.memory_space<vmem>>[vector<16xi32>, vector<16xi32>], vector<16xf32>,
          %gather3A_385 = tpu.vector_load_idx %arg14[%broadcast_in_dim3A_383, %and3A_120] : memref<64x256xf32, #tpu.memory_space<vmem>>[vector<16xi32>, vector<16xi32>], vector<16xf32>,
          %add3A_386 = arith.addf %gather3A_384, %gather3A_385 : vector<16xf32>
          tpu.vector_store_idx %arg17[%iota3A, %broadcast_in_dim3A_383], %add3A_386 : memref<16x128xf32, #tpu.memory_space<vmem>>[vector<16xi32>, vector<16xi32>], vector<16xf32>,
          %broadcast_in_dim3A_387 = arith.constant 53 : i32
          %broadcast_in_dim3A_388 = vector.broadcast %broadcast_in_dim3A_387 : i32 to vector<16xi32>
          %gather3A_389 = tpu.vector_load_idx %arg13[%broadcast_in_dim3A_388, %and3A_120] : memref<64x256xf32, #tpu.memory_space<vmem>>[vector<16xi32>, vector<16xi32>], vector<16xf32>,
          %gather3A_390 = tpu.vector_load_idx %arg14[%broadcast_in_dim3A_388, %and3A_120] : memref<64x256xf32, #tpu.memory_space<vmem>>[vector<16xi32>, vector<16xi32>], vector<16xf32>,
          %add3A_391 = arith.addf %gather3A_389, %gather3A_390 : vector<16xf32>
          tpu.vector_store_idx %arg17[%iota3A, %broadcast_in_dim3A_388], %add3A_391 : memref<16x128xf32, #tpu.memory_space<vmem>>[vector<16xi32>, vector<16xi32>], vector<16xf32>,
          %broadcast_in_dim3A_392 = arith.constant 54 : i32
          %broadcast_in_dim3A_393 = vector.broadcast %broadcast_in_dim3A_392 : i32 to vector<16xi32>
          %gather3A_394 = tpu.vector_load_idx %arg13[%broadcast_in_dim3A_393, %and3A_120] : memref<64x256xf32, #tpu.memory_space<vmem>>[vector<16xi32>, vector<16xi32>], vector<16xf32>,
          %gather3A_395 = tpu.vector_load_idx %arg14[%broadcast_in_dim3A_393, %and3A_120] : memref<64x256xf32, #tpu.memory_space<vmem>>[vector<16xi32>, vector<16xi32>], vector<16xf32>,
          %add3A_396 = arith.addf %gather3A_394, %gather3A_395 : vector<16xf32>
          tpu.vector_store_idx %arg17[%iota3A, %broadcast_in_dim3A_393], %add3A_396 : memref<16x128xf32, #tpu.memory_space<vmem>>[vector<16xi32>, vector<16xi32>], vector<16xf32>,
          %broadcast_in_dim3A_397 = arith.constant 55 : i32
          %broadcast_in_dim3A_398 = vector.broadcast %broadcast_in_dim3A_397 : i32 to vector<16xi32>
          %gather3A_399 = tpu.vector_load_idx %arg13[%broadcast_in_dim3A_398, %and3A_120] : memref<64x256xf32, #tpu.memory_space<vmem>>[vector<16xi32>, vector<16xi32>], vector<16xf32>,
          %gather3A_400 = tpu.vector_load_idx %arg14[%broadcast_in_dim3A_398, %and3A_120] : memref<64x256xf32, #tpu.memory_space<vmem>>[vector<16xi32>, vector<16xi32>], vector<16xf32>,
          %add3A_401 = arith.addf %gather3A_399, %gather3A_400 : vector<16xf32>
          tpu.vector_store_idx %arg17[%iota3A, %broadcast_in_dim3A_398], %add3A_401 : memref<16x128xf32, #tpu.memory_space<vmem>>[vector<16xi32>, vector<16xi32>], vector<16xf32>,
          %broadcast_in_dim3A_402 = arith.constant 56 : i32
          %broadcast_in_dim3A_403 = vector.broadcast %broadcast_in_dim3A_402 : i32 to vector<16xi32>
          %gather3A_404 = tpu.vector_load_idx %arg13[%broadcast_in_dim3A_403, %and3A_120] : memref<64x256xf32, #tpu.memory_space<vmem>>[vector<16xi32>, vector<16xi32>], vector<16xf32>,
          %gather3A_405 = tpu.vector_load_idx %arg14[%broadcast_in_dim3A_403, %and3A_120] : memref<64x256xf32, #tpu.memory_space<vmem>>[vector<16xi32>, vector<16xi32>], vector<16xf32>,
          %add3A_406 = arith.addf %gather3A_404, %gather3A_405 : vector<16xf32>
          tpu.vector_store_idx %arg17[%iota3A, %broadcast_in_dim3A_403], %add3A_406 : memref<16x128xf32, #tpu.memory_space<vmem>>[vector<16xi32>, vector<16xi32>], vector<16xf32>,
          %broadcast_in_dim3A_407 = arith.constant 57 : i32
          %broadcast_in_dim3A_408 = vector.broadcast %broadcast_in_dim3A_407 : i32 to vector<16xi32>
          %gather3A_409 = tpu.vector_load_idx %arg13[%broadcast_in_dim3A_408, %and3A_120] : memref<64x256xf32, #tpu.memory_space<vmem>>[vector<16xi32>, vector<16xi32>], vector<16xf32>,
          %gather3A_410 = tpu.vector_load_idx %arg14[%broadcast_in_dim3A_408, %and3A_120] : memref<64x256xf32, #tpu.memory_space<vmem>>[vector<16xi32>, vector<16xi32>], vector<16xf32>,
          %add3A_411 = arith.addf %gather3A_409, %gather3A_410 : vector<16xf32>
          tpu.vector_store_idx %arg17[%iota3A, %broadcast_in_dim3A_408], %add3A_411 : memref<16x128xf32, #tpu.memory_space<vmem>>[vector<16xi32>, vector<16xi32>], vector<16xf32>,
          %broadcast_in_dim3A_412 = arith.constant 58 : i32
          %broadcast_in_dim3A_413 = vector.broadcast %broadcast_in_dim3A_412 : i32 to vector<16xi32>
          %gather3A_414 = tpu.vector_load_idx %arg13[%broadcast_in_dim3A_413, %and3A_120] : memref<64x256xf32, #tpu.memory_space<vmem>>[vector<16xi32>, vector<16xi32>], vector<16xf32>,
          %gather3A_415 = tpu.vector_load_idx %arg14[%broadcast_in_dim3A_413, %and3A_120] : memref<64x256xf32, #tpu.memory_space<vmem>>[vector<16xi32>, vector<16xi32>], vector<16xf32>,
          %add3A_416 = arith.addf %gather3A_414, %gather3A_415 : vector<16xf32>
          tpu.vector_store_idx %arg17[%iota3A, %broadcast_in_dim3A_413], %add3A_416 : memref<16x128xf32, #tpu.memory_space<vmem>>[vector<16xi32>, vector<16xi32>], vector<16xf32>,
          %broadcast_in_dim3A_417 = arith.constant 59 : i32
          %broadcast_in_dim3A_418 = vector.broadcast %broadcast_in_dim3A_417 : i32 to vector<16xi32>
          %gather3A_419 = tpu.vector_load_idx %arg13[%broadcast_in_dim3A_418, %and3A_120] : memref<64x256xf32, #tpu.memory_space<vmem>>[vector<16xi32>, vector<16xi32>], vector<16xf32>,
          %gather3A_420 = tpu.vector_load_idx %arg14[%broadcast_in_dim3A_418, %and3A_120] : memref<64x256xf32, #tpu.memory_space<vmem>>[vector<16xi32>, vector<16xi32>], vector<16xf32>,
          %add3A_421 = arith.addf %gather3A_419, %gather3A_420 : vector<16xf32>
          tpu.vector_store_idx %arg17[%iota3A, %broadcast_in_dim3A_418], %add3A_421 : memref<16x128xf32, #tpu.memory_space<vmem>>[vector<16xi32>, vector<16xi32>], vector<16xf32>,
          %broadcast_in_dim3A_422 = arith.constant 60 : i32
          %broadcast_in_dim3A_423 = vector.broadcast %broadcast_in_dim3A_422 : i32 to vector<16xi32>
          %gather3A_424 = tpu.vector_load_idx %arg13[%broadcast_in_dim3A_423, %and3A_120] : memref<64x256xf32, #tpu.memory_space<vmem>>[vector<16xi32>, vector<16xi32>], vector<16xf32>,
          %gather3A_425 = tpu.vector_load_idx %arg14[%broadcast_in_dim3A_423, %and3A_120] : memref<64x256xf32, #tpu.memory_space<vmem>>[vector<16xi32>, vector<16xi32>], vector<16xf32>,
          %add3A_426 = arith.addf %gather3A_424, %gather3A_425 : vector<16xf32>
          tpu.vector_store_idx %arg17[%iota3A, %broadcast_in_dim3A_423], %add3A_426 : memref<16x128xf32, #tpu.memory_space<vmem>>[vector<16xi32>, vector<16xi32>], vector<16xf32>,
          %broadcast_in_dim3A_427 = arith.constant 61 : i32
          %broadcast_in_dim3A_428 = vector.broadcast %broadcast_in_dim3A_427 : i32 to vector<16xi32>
          %gather3A_429 = tpu.vector_load_idx %arg13[%broadcast_in_dim3A_428, %and3A_120] : memref<64x256xf32, #tpu.memory_space<vmem>>[vector<16xi32>, vector<16xi32>], vector<16xf32>,
          %gather3A_430 = tpu.vector_load_idx %arg14[%broadcast_in_dim3A_428, %and3A_120] : memref<64x256xf32, #tpu.memory_space<vmem>>[vector<16xi32>, vector<16xi32>], vector<16xf32>,
          %add3A_431 = arith.addf %gather3A_429, %gather3A_430 : vector<16xf32>
          tpu.vector_store_idx %arg17[%iota3A, %broadcast_in_dim3A_428], %add3A_431 : memref<16x128xf32, #tpu.memory_space<vmem>>[vector<16xi32>, vector<16xi32>], vector<16xf32>,
          %broadcast_in_dim3A_432 = arith.constant 62 : i32
          %broadcast_in_dim3A_433 = vector.broadcast %broadcast_in_dim3A_432 : i32 to vector<16xi32>
          %gather3A_434 = tpu.vector_load_idx %arg13[%broadcast_in_dim3A_433, %and3A_120] : memref<64x256xf32, #tpu.memory_space<vmem>>[vector<16xi32>, vector<16xi32>], vector<16xf32>,
          %gather3A_435 = tpu.vector_load_idx %arg14[%broadcast_in_dim3A_433, %and3A_120] : memref<64x256xf32, #tpu.memory_space<vmem>>[vector<16xi32>, vector<16xi32>], vector<16xf32>,
          %add3A_436 = arith.addf %gather3A_434, %gather3A_435 : vector<16xf32>
          tpu.vector_store_idx %arg17[%iota3A, %broadcast_in_dim3A_433], %add3A_436 : memref<16x128xf32, #tpu.memory_space<vmem>>[vector<16xi32>, vector<16xi32>], vector<16xf32>,
          %broadcast_in_dim3A_437 = arith.constant 63 : i32
          %broadcast_in_dim3A_438 = vector.broadcast %broadcast_in_dim3A_437 : i32 to vector<16xi32>
          %gather3A_439 = tpu.vector_load_idx %arg13[%broadcast_in_dim3A_438, %and3A_120] : memref<64x256xf32, #tpu.memory_space<vmem>>[vector<16xi32>, vector<16xi32>], vector<16xf32>,
          %gather3A_440 = tpu.vector_load_idx %arg14[%broadcast_in_dim3A_438, %and3A_120] : memref<64x256xf32, #tpu.memory_space<vmem>>[vector<16xi32>, vector<16xi32>], vector<16xf32>,
          %add3A_441 = arith.addf %gather3A_439, %gather3A_440 : vector<16xf32>
          tpu.vector_store_idx %arg17[%iota3A, %broadcast_in_dim3A_438], %add3A_441 : memref<16x128xf32, #tpu.memory_space<vmem>>[vector<16xi32>, vector<16xi32>], vector<16xf32>,
          "tpu.region"() ({
            %run_scoped3A = tpu.sem_alloc : memref<!tpu.dma_semaphore, #tpu.memory_space<semaphore_mem>>
            %dma_start3A = arith.constant 0 : i32
            %dma_start3A_442 = arith.constant 0 : i32
            %dma_start3A_443 = tpu.memref_slice %arg9[%dma_start3A, %dma_start3A_442] : memref<16416x128xf32, #tpu.memory_space<hbm>> -> memref<16416x128xf32, #tpu.memory_space<hbm>>
            tpu.enqueue_indirect_dma source(%arg17 : memref<16x128xf32, #tpu.memory_space<vmem>>) target(%dma_start3A_443 : memref<16416x128xf32, #tpu.memory_space<hbm>>) offsets(%arg18 : memref<16xi32, #tpu.memory_space<vmem>>) semaphore(%run_scoped3A : memref<!tpu.dma_semaphore, #tpu.memory_space<semaphore_mem>>)
            %dma_wait3A = arith.constant 0 : i32
            %dma_wait3A_444 = arith.constant 0 : i32
            %dma_wait3A_445 = tpu.memref_slice %arg9[%dma_wait3A, %dma_wait3A_444] : memref<16416x128xf32, #tpu.memory_space<hbm>> -> memref<16416x128xf32, #tpu.memory_space<hbm>>
            tpu.wait_indirect_dma semaphore(%run_scoped3A : memref<!tpu.dma_semaphore, #tpu.memory_space<semaphore_mem>>) src(%arg17 : memref<16x128xf32, #tpu.memory_space<vmem>>) dst(%dma_wait3A_445 : memref<16416x128xf32, #tpu.memory_space<hbm>>)
            tpu.yield
          }) : () -> ()
        }
      } else {
      }
      %add3A_52 = arith.constant 2 : i32
      %add3A_53 = arith.addi %add3A_19, %add3A_52 : i32
      %mul3A_54 = arith.constant 124 : i32
      %mul3A_55 = arith.muli %add3A, %mul3A_54 : i32
      %add3A_56 = arith.addi %mul3A_55, %add3A_53 : i32
      %get3A_57 = arith.index_cast %add3A_56 : i32 to index
      %get3A_58 = tpu.vector_load %arg10[%get3A_57] {strides = array<i32>} : memref<4032xi32, #tpu.memory_space<vmem>>, vector<16xi32>,
      %slice3A_59 = vector.extract_strided_slice %get3A_58 {offsets = [0], sizes = [1], strides = [1]} : vector<16xi32> to vector<1xi32>
      %squeeze3A_60 = vector.extract %slice3A_59[0] : i32 from vector<1xi32>
      %slice3A_61 = vector.extract_strided_slice %get3A_58 {offsets = [1], sizes = [1], strides = [1]} : vector<16xi32> to vector<1xi32>
      %squeeze3A_62 = vector.extract %slice3A_61[0] : i32 from vector<1xi32>
      %add3A_63 = arith.constant 2 : i32
      %add3A_64 = arith.addi %add3A_19, %add3A_63 : i32
      %lt3A_65 = arith.constant 124 : i32
      %lt3A_66 = arith.cmpi slt, %add3A_64, %lt3A_65 : i32
      %convert_element_type3A_67 = arith.extui %lt3A_66 : i1 to i32
      %mul3A_68 = arith.muli %squeeze3A_60, %convert_element_type3A_67 : i32
      %mul3A_69 = arith.muli %squeeze3A_62, %convert_element_type3A_67 : i32
      %lt3A_70 = arith.cmpi slt, %mul3A_68, %mul3A_69 : i32
      %convert_element_type3A_71 = arith.extui %lt3A_70 : i1 to i32
      %cond3A_72 = arith.constant 0 : i32
      %cond3A_73 = arith.cmpi ne, %convert_element_type3A_71, %cond3A_72 : i32
      scf.if %cond3A_73 {
        %min3A = arith.constant 3905 : i32
        %min3A_82 = arith.minsi %add3A_56, %min3A : i32
        %mul3A_83 = arith.constant 256 : i32
        %mul3A_84 = arith.muli %min3A_82, %mul3A_83 : i32
        %lt3A_85 = arith.constant 3906 : i32
        %lt3A_86 = arith.cmpi slt, %add3A_56, %lt3A_85 : i32
        %convert_element_type3A_87 = arith.extui %lt3A_86 : i1 to i32
        %cond3A_88 = arith.constant 0 : i32
        %cond3A_89 = arith.cmpi ne, %convert_element_type3A_87, %cond3A_88 : i32
        scf.if %cond3A_89 {
          %dma_start3A = arith.constant 0 : i32
          %dma_start3A_94 = tpu.memref_slice %arg5[%dma_start3A, %mul3A_84] : memref<64x1000000xf32, #tpu.memory_space<hbm>> -> memref<64x256xf32, #tpu.memory_space<hbm>>
          %dma_start3A_95 = arith.constant 0 : i32
          %dma_start3A_96 = tpu.memref_slice %arg5[%dma_start3A_95, %mul3A_84] : memref<64x1000000xf32, #tpu.memory_space<hbm>> -> memref<64x256xf32, #tpu.memory_space<hbm>>
          tpu.enqueue_dma source(%dma_start3A_96 : memref<64x256xf32, #tpu.memory_space<hbm>>) target(%arg13 : memref<64x256xf32, #tpu.memory_space<vmem>>) target_semaphore(%arg20 : memref<!tpu.dma_semaphore, #tpu.memory_space<semaphore_mem>>)
          %dma_start3A_97 = arith.constant 0 : i32
          %dma_start3A_98 = tpu.memref_slice %arg6[%dma_start3A_97, %mul3A_84] : memref<64x1000000xf32, #tpu.memory_space<hbm>> -> memref<64x256xf32, #tpu.memory_space<hbm>>
          %dma_start3A_99 = arith.constant 0 : i32
          %dma_start3A_100 = tpu.memref_slice %arg6[%dma_start3A_99, %mul3A_84] : memref<64x1000000xf32, #tpu.memory_space<hbm>> -> memref<64x256xf32, #tpu.memory_space<hbm>>
          tpu.enqueue_dma source(%dma_start3A_100 : memref<64x256xf32, #tpu.memory_space<hbm>>) target(%arg14 : memref<64x256xf32, #tpu.memory_space<vmem>>) target_semaphore(%arg20 : memref<!tpu.dma_semaphore, #tpu.memory_space<semaphore_mem>>)
        } else {
        }
        %eq3A = arith.constant 3906 : i32
        %eq3A_90 = arith.cmpi eq, %add3A_56, %eq3A : i32
        %convert_element_type3A_91 = arith.extui %eq3A_90 : i1 to i32
        %cond3A_92 = arith.constant 0 : i32
        %cond3A_93 = arith.cmpi ne, %convert_element_type3A_91, %cond3A_92 : i32
        scf.if %cond3A_93 {
          %dma_start3A = arith.constant 0 : i32
          %dma_start3A_94 = arith.constant 0 : i32
          %dma_start3A_95 = tpu.memref_slice %arg13[%dma_start3A, %dma_start3A_94] : memref<64x256xf32, #tpu.memory_space<vmem>> -> memref<64x128xf32, #tpu.memory_space<vmem>>
          %dma_start3A_96 = arith.constant 0 : i32
          %dma_start3A_97 = arith.constant 0 : i32
          %dma_start3A_98 = tpu.memref_slice %arg13[%dma_start3A_96, %dma_start3A_97] : memref<64x256xf32, #tpu.memory_space<vmem>> -> memref<64x128xf32, #tpu.memory_space<vmem>>
          tpu.enqueue_dma source(%arg7 : memref<64x128xf32, #tpu.memory_space<hbm>>) target(%dma_start3A_98 : memref<64x128xf32, #tpu.memory_space<vmem>>) target_semaphore(%arg20 : memref<!tpu.dma_semaphore, #tpu.memory_space<semaphore_mem>>)
          %dma_start3A_99 = arith.constant 0 : i32
          %dma_start3A_100 = arith.constant 0 : i32
          %dma_start3A_101 = tpu.memref_slice %arg14[%dma_start3A_99, %dma_start3A_100] : memref<64x256xf32, #tpu.memory_space<vmem>> -> memref<64x128xf32, #tpu.memory_space<vmem>>
          %dma_start3A_102 = arith.constant 0 : i32
          %dma_start3A_103 = arith.constant 0 : i32
          %dma_start3A_104 = tpu.memref_slice %arg14[%dma_start3A_102, %dma_start3A_103] : memref<64x256xf32, #tpu.memory_space<vmem>> -> memref<64x128xf32, #tpu.memory_space<vmem>>
          tpu.enqueue_dma source(%arg8 : memref<64x128xf32, #tpu.memory_space<hbm>>) target(%dma_start3A_104 : memref<64x128xf32, #tpu.memory_space<vmem>>) target_semaphore(%arg20 : memref<!tpu.dma_semaphore, #tpu.memory_space<semaphore_mem>>)
        } else {
        }
      } else {
      }
      %lt3A_74 = arith.cmpi slt, %squeeze3A_37, %squeeze3A_39 : i32
      %convert_element_type3A_75 = arith.extui %lt3A_74 : i1 to i32
      %cond3A_76 = arith.constant 0 : i32
      %cond3A_77 = arith.cmpi ne, %convert_element_type3A_75, %cond3A_76 : i32
      scf.if %cond3A_77 {
        %min3A = arith.constant 3905 : i32
        %min3A_82 = arith.minsi %add3A_33, %min3A : i32
        %mul3A_83 = arith.constant 256 : i32
        %mul3A_84 = arith.muli %min3A_82, %mul3A_83 : i32
        %lt3A_85 = arith.constant 3906 : i32
        %lt3A_86 = arith.cmpi slt, %add3A_33, %lt3A_85 : i32
        %convert_element_type3A_87 = arith.extui %lt3A_86 : i1 to i32
        %cond3A_88 = arith.constant 0 : i32
        %cond3A_89 = arith.cmpi ne, %convert_element_type3A_87, %cond3A_88 : i32
        scf.if %cond3A_89 {
          %dma_wait3A = arith.constant 0 : i32
          %dma_wait3A_94 = tpu.memref_slice %arg5[%dma_wait3A, %mul3A_84] : memref<64x1000000xf32, #tpu.memory_space<hbm>> -> memref<64x256xf32, #tpu.memory_space<hbm>>
          %dma_wait3A_95 = arith.constant 0 : i32
          %dma_wait3A_96 = tpu.memref_slice %arg5[%dma_wait3A_95, %mul3A_84] : memref<64x1000000xf32, #tpu.memory_space<hbm>> -> memref<64x256xf32, #tpu.memory_space<hbm>>
          tpu.wait_dma2 semaphore(%arg21 : memref<!tpu.dma_semaphore, #tpu.memory_space<semaphore_mem>>) src(%dma_wait3A_96 : memref<64x256xf32, #tpu.memory_space<hbm>>) dst(%arg15 : memref<64x256xf32, #tpu.memory_space<vmem>>)
          %dma_wait3A_97 = arith.constant 0 : i32
          %dma_wait3A_98 = tpu.memref_slice %arg6[%dma_wait3A_97, %mul3A_84] : memref<64x1000000xf32, #tpu.memory_space<hbm>> -> memref<64x256xf32, #tpu.memory_space<hbm>>
          %dma_wait3A_99 = arith.constant 0 : i32
          %dma_wait3A_100 = tpu.memref_slice %arg6[%dma_wait3A_99, %mul3A_84] : memref<64x1000000xf32, #tpu.memory_space<hbm>> -> memref<64x256xf32, #tpu.memory_space<hbm>>
          tpu.wait_dma2 semaphore(%arg21 : memref<!tpu.dma_semaphore, #tpu.memory_space<semaphore_mem>>) src(%dma_wait3A_100 : memref<64x256xf32, #tpu.memory_space<hbm>>) dst(%arg16 : memref<64x256xf32, #tpu.memory_space<vmem>>)
        } else {
        }
        %eq3A = arith.constant 3906 : i32
        %eq3A_90 = arith.cmpi eq, %add3A_33, %eq3A : i32
        %convert_element_type3A_91 = arith.extui %eq3A_90 : i1 to i32
        %cond3A_92 = arith.constant 0 : i32
        %cond3A_93 = arith.cmpi ne, %convert_element_type3A_91, %cond3A_92 : i32
        scf.if %cond3A_93 {
          %dma_wait3A = arith.constant 0 : i32
          %dma_wait3A_94 = arith.constant 0 : i32
          %dma_wait3A_95 = tpu.memref_slice %arg15[%dma_wait3A, %dma_wait3A_94] : memref<64x256xf32, #tpu.memory_space<vmem>> -> memref<64x128xf32, #tpu.memory_space<vmem>>
          %dma_wait3A_96 = arith.constant 0 : i32
          %dma_wait3A_97 = arith.constant 0 : i32
          %dma_wait3A_98 = tpu.memref_slice %arg15[%dma_wait3A_96, %dma_wait3A_97] : memref<64x256xf32, #tpu.memory_space<vmem>> -> memref<64x128xf32, #tpu.memory_space<vmem>>
          tpu.wait_dma2 semaphore(%arg21 : memref<!tpu.dma_semaphore, #tpu.memory_space<semaphore_mem>>) src(%arg7 : memref<64x128xf32, #tpu.memory_space<hbm>>) dst(%dma_wait3A_98 : memref<64x128xf32, #tpu.memory_space<vmem>>)
          %dma_wait3A_99 = arith.constant 0 : i32
          %dma_wait3A_100 = arith.constant 0 : i32
          %dma_wait3A_101 = tpu.memref_slice %arg16[%dma_wait3A_99, %dma_wait3A_100] : memref<64x256xf32, #tpu.memory_space<vmem>> -> memref<64x128xf32, #tpu.memory_space<vmem>>
          %dma_wait3A_102 = arith.constant 0 : i32
          %dma_wait3A_103 = arith.constant 0 : i32
          %dma_wait3A_104 = tpu.memref_slice %arg16[%dma_wait3A_102, %dma_wait3A_103] : memref<64x256xf32, #tpu.memory_space<vmem>> -> memref<64x128xf32, #tpu.memory_space<vmem>>
          tpu.wait_dma2 semaphore(%arg21 : memref<!tpu.dma_semaphore, #tpu.memory_space<semaphore_mem>>) src(%arg8 : memref<64x128xf32, #tpu.memory_space<hbm>>) dst(%dma_wait3A_104 : memref<64x128xf32, #tpu.memory_space<vmem>>)
        } else {
        }
      } else {
      }
      %lt3A_78 = arith.cmpi slt, %squeeze3A_37, %squeeze3A_39 : i32
      %convert_element_type3A_79 = arith.extui %lt3A_78 : i1 to i32
      %cond3A_80 = arith.constant 0 : i32
      %cond3A_81 = arith.cmpi ne, %convert_element_type3A_79, %cond3A_80 : i32
      scf.if %cond3A_81 {
        %mul3A_82 = arith.constant 256 : i32
        %mul3A_83 = arith.muli %add3A_33, %mul3A_82 : i32
        %eq3A = arith.constant 3906 : i32
        %eq3A_84 = arith.cmpi eq, %add3A_33, %eq3A : i32
        %jit3A = arith.constant 64 : i32
        %jit3A_85 = arith.constant 0 : i32
        %select_n3A = arith.select %eq3A_84, %jit3A, %jit3A_85 : i32
        %and3A = arith.constant -16 : i32
        %and3A_86 = arith.andi %squeeze3A_37, %and3A : i32
        %sub3A = arith.subi %squeeze3A_39, %and3A_86 : i32
        %sub3A_87 = arith.constant 16 : i32
        %sub3A_88 = arith.constant 1 : i32
        %sub3A_89 = arith.subi %sub3A_87, %sub3A_88 : i32
        %add3A_90 = arith.addi %sub3A, %sub3A_89 : i32
        %div3A = arith.constant 16 : i32
        %div3A_91 = arith.divsi %add3A_90, %div3A : i32
        %while3A = arith.constant 16 : i32
        %while3A_92 = arith.constant 0 : i32
        %while3A_93 = arith.subi %div3A_91, %while3A_92 : i32
        %while3A_94 = arith.addi %while3A_92, %while3A_93 : i32
        %while3A_95 = arith.constant 1 : i32
        %while3A_96 = arith.divsi %while3A_93, %while3A_95 : i32
        %while3A_97 = arith.muli %while3A_96, %while3A_95 : i32
        %while3A_98 = arith.addi %while3A_92, %while3A_97 : i32
        %while3A_99 = arith.constant 1 : i32
        scf.for %while3A_101 = %while3A_92 to %while3A_98 step %while3A_99  : i32 {
          %mul3A_102 = arith.muli %while3A_101, %while3A : i32
          %add3A_103 = arith.addi %and3A_86, %mul3A_102 : i32
          %add3A_104 = vector.broadcast %add3A_103 : i32 to vector<16xi32>
          %add3A_105 = arith.addi %add3A_104, %iota3A : vector<16xi32>
          %ge3A = vector.broadcast %squeeze3A_37 : i32 to vector<16xi32>
          %ge3A_106 = arith.cmpi sge, %add3A_105, %ge3A : vector<16xi32>
          %lt3A_107 = vector.broadcast %squeeze3A_39 : i32 to vector<16xi32>
          %lt3A_108 = arith.cmpi slt, %add3A_105, %lt3A_107 : vector<16xi32>
          %and3A_109 = arith.andi %ge3A_106, %lt3A_108 : vector<16xi1>
          %get3A_110 = arith.index_cast %add3A_103 : i32 to index
          %get3A_111 = tpu.vector_load %arg11[%get3A_110] {strides = array<i32>} : memref<16384xi32, #tpu.memory_space<vmem>>, vector<16xi32>,
          %get3A_112 = arith.index_cast %add3A_103 : i32 to index
          %get3A_113 = tpu.vector_load %arg12[%get3A_112] {strides = array<i32>} : memref<16384xi32, #tpu.memory_space<vmem>>, vector<16xi32>,
          %sub3A_114 = vector.broadcast %mul3A_83 : i32 to vector<16xi32>
          %sub3A_115 = arith.subi %get3A_111, %sub3A_114 : vector<16xi32>
          %add3A_116 = vector.broadcast %select_n3A : i32 to vector<16xi32>
          %add3A_117 = arith.addi %sub3A_115, %add3A_116 : vector<16xi32>
          %and3A_118 = arith.constant 255 : i32
          %and3A_119 = vector.broadcast %and3A_118 : i32 to vector<16xi32>
          %and3A_120 = arith.andi %add3A_117, %and3A_119 : vector<16xi32>
          %broadcast_in_dim3A = vector.broadcast %add3A_2 : i32 to vector<16xi32>
          %select_n3A_121 = arith.select %and3A_109, %get3A_113, %broadcast_in_dim3A : vector<16xi1>, vector<16xi32>
          %swap3A = arith.constant 0 : index
          %swap3A_122 = tpu.vector_load %arg18[%swap3A] {strides = array<i32>} : memref<16xi32, #tpu.memory_space<vmem>>, vector<16xi32>,
          tpu.vector_store %arg18[%swap3A], %select_n3A_121 {strides = array<i32>} : memref<16xi32, #tpu.memory_space<vmem>>, vector<16xi32>,
          %broadcast_in_dim3A_123 = arith.constant 0 : i32
          %broadcast_in_dim3A_124 = vector.broadcast %broadcast_in_dim3A_123 : i32 to vector<16xi32>
          %gather3A = tpu.vector_load_idx %arg15[%broadcast_in_dim3A_124, %and3A_120] : memref<64x256xf32, #tpu.memory_space<vmem>>[vector<16xi32>, vector<16xi32>], vector<16xf32>,
          %gather3A_125 = tpu.vector_load_idx %arg16[%broadcast_in_dim3A_124, %and3A_120] : memref<64x256xf32, #tpu.memory_space<vmem>>[vector<16xi32>, vector<16xi32>], vector<16xf32>,
          %add3A_126 = arith.addf %gather3A, %gather3A_125 : vector<16xf32>
          tpu.vector_store_idx %arg17[%iota3A, %broadcast_in_dim3A_124], %add3A_126 : memref<16x128xf32, #tpu.memory_space<vmem>>[vector<16xi32>, vector<16xi32>], vector<16xf32>,
          %broadcast_in_dim3A_127 = arith.constant 1 : i32
          %broadcast_in_dim3A_128 = vector.broadcast %broadcast_in_dim3A_127 : i32 to vector<16xi32>
          %gather3A_129 = tpu.vector_load_idx %arg15[%broadcast_in_dim3A_128, %and3A_120] : memref<64x256xf32, #tpu.memory_space<vmem>>[vector<16xi32>, vector<16xi32>], vector<16xf32>,
          %gather3A_130 = tpu.vector_load_idx %arg16[%broadcast_in_dim3A_128, %and3A_120] : memref<64x256xf32, #tpu.memory_space<vmem>>[vector<16xi32>, vector<16xi32>], vector<16xf32>,
          %add3A_131 = arith.addf %gather3A_129, %gather3A_130 : vector<16xf32>
          tpu.vector_store_idx %arg17[%iota3A, %broadcast_in_dim3A_128], %add3A_131 : memref<16x128xf32, #tpu.memory_space<vmem>>[vector<16xi32>, vector<16xi32>], vector<16xf32>,
          %broadcast_in_dim3A_132 = arith.constant 2 : i32
          %broadcast_in_dim3A_133 = vector.broadcast %broadcast_in_dim3A_132 : i32 to vector<16xi32>
          %gather3A_134 = tpu.vector_load_idx %arg15[%broadcast_in_dim3A_133, %and3A_120] : memref<64x256xf32, #tpu.memory_space<vmem>>[vector<16xi32>, vector<16xi32>], vector<16xf32>,
          %gather3A_135 = tpu.vector_load_idx %arg16[%broadcast_in_dim3A_133, %and3A_120] : memref<64x256xf32, #tpu.memory_space<vmem>>[vector<16xi32>, vector<16xi32>], vector<16xf32>,
          %add3A_136 = arith.addf %gather3A_134, %gather3A_135 : vector<16xf32>
          tpu.vector_store_idx %arg17[%iota3A, %broadcast_in_dim3A_133], %add3A_136 : memref<16x128xf32, #tpu.memory_space<vmem>>[vector<16xi32>, vector<16xi32>], vector<16xf32>,
          %broadcast_in_dim3A_137 = arith.constant 3 : i32
          %broadcast_in_dim3A_138 = vector.broadcast %broadcast_in_dim3A_137 : i32 to vector<16xi32>
          %gather3A_139 = tpu.vector_load_idx %arg15[%broadcast_in_dim3A_138, %and3A_120] : memref<64x256xf32, #tpu.memory_space<vmem>>[vector<16xi32>, vector<16xi32>], vector<16xf32>,
          %gather3A_140 = tpu.vector_load_idx %arg16[%broadcast_in_dim3A_138, %and3A_120] : memref<64x256xf32, #tpu.memory_space<vmem>>[vector<16xi32>, vector<16xi32>], vector<16xf32>,
          %add3A_141 = arith.addf %gather3A_139, %gather3A_140 : vector<16xf32>
          tpu.vector_store_idx %arg17[%iota3A, %broadcast_in_dim3A_138], %add3A_141 : memref<16x128xf32, #tpu.memory_space<vmem>>[vector<16xi32>, vector<16xi32>], vector<16xf32>,
          %broadcast_in_dim3A_142 = arith.constant 4 : i32
          %broadcast_in_dim3A_143 = vector.broadcast %broadcast_in_dim3A_142 : i32 to vector<16xi32>
          %gather3A_144 = tpu.vector_load_idx %arg15[%broadcast_in_dim3A_143, %and3A_120] : memref<64x256xf32, #tpu.memory_space<vmem>>[vector<16xi32>, vector<16xi32>], vector<16xf32>,
          %gather3A_145 = tpu.vector_load_idx %arg16[%broadcast_in_dim3A_143, %and3A_120] : memref<64x256xf32, #tpu.memory_space<vmem>>[vector<16xi32>, vector<16xi32>], vector<16xf32>,
          %add3A_146 = arith.addf %gather3A_144, %gather3A_145 : vector<16xf32>
          tpu.vector_store_idx %arg17[%iota3A, %broadcast_in_dim3A_143], %add3A_146 : memref<16x128xf32, #tpu.memory_space<vmem>>[vector<16xi32>, vector<16xi32>], vector<16xf32>,
          %broadcast_in_dim3A_147 = arith.constant 5 : i32
          %broadcast_in_dim3A_148 = vector.broadcast %broadcast_in_dim3A_147 : i32 to vector<16xi32>
          %gather3A_149 = tpu.vector_load_idx %arg15[%broadcast_in_dim3A_148, %and3A_120] : memref<64x256xf32, #tpu.memory_space<vmem>>[vector<16xi32>, vector<16xi32>], vector<16xf32>,
          %gather3A_150 = tpu.vector_load_idx %arg16[%broadcast_in_dim3A_148, %and3A_120] : memref<64x256xf32, #tpu.memory_space<vmem>>[vector<16xi32>, vector<16xi32>], vector<16xf32>,
          %add3A_151 = arith.addf %gather3A_149, %gather3A_150 : vector<16xf32>
          tpu.vector_store_idx %arg17[%iota3A, %broadcast_in_dim3A_148], %add3A_151 : memref<16x128xf32, #tpu.memory_space<vmem>>[vector<16xi32>, vector<16xi32>], vector<16xf32>,
          %broadcast_in_dim3A_152 = arith.constant 6 : i32
          %broadcast_in_dim3A_153 = vector.broadcast %broadcast_in_dim3A_152 : i32 to vector<16xi32>
          %gather3A_154 = tpu.vector_load_idx %arg15[%broadcast_in_dim3A_153, %and3A_120] : memref<64x256xf32, #tpu.memory_space<vmem>>[vector<16xi32>, vector<16xi32>], vector<16xf32>,
          %gather3A_155 = tpu.vector_load_idx %arg16[%broadcast_in_dim3A_153, %and3A_120] : memref<64x256xf32, #tpu.memory_space<vmem>>[vector<16xi32>, vector<16xi32>], vector<16xf32>,
          %add3A_156 = arith.addf %gather3A_154, %gather3A_155 : vector<16xf32>
          tpu.vector_store_idx %arg17[%iota3A, %broadcast_in_dim3A_153], %add3A_156 : memref<16x128xf32, #tpu.memory_space<vmem>>[vector<16xi32>, vector<16xi32>], vector<16xf32>,
          %broadcast_in_dim3A_157 = arith.constant 7 : i32
          %broadcast_in_dim3A_158 = vector.broadcast %broadcast_in_dim3A_157 : i32 to vector<16xi32>
          %gather3A_159 = tpu.vector_load_idx %arg15[%broadcast_in_dim3A_158, %and3A_120] : memref<64x256xf32, #tpu.memory_space<vmem>>[vector<16xi32>, vector<16xi32>], vector<16xf32>,
          %gather3A_160 = tpu.vector_load_idx %arg16[%broadcast_in_dim3A_158, %and3A_120] : memref<64x256xf32, #tpu.memory_space<vmem>>[vector<16xi32>, vector<16xi32>], vector<16xf32>,
          %add3A_161 = arith.addf %gather3A_159, %gather3A_160 : vector<16xf32>
          tpu.vector_store_idx %arg17[%iota3A, %broadcast_in_dim3A_158], %add3A_161 : memref<16x128xf32, #tpu.memory_space<vmem>>[vector<16xi32>, vector<16xi32>], vector<16xf32>,
          %broadcast_in_dim3A_162 = arith.constant 8 : i32
          %broadcast_in_dim3A_163 = vector.broadcast %broadcast_in_dim3A_162 : i32 to vector<16xi32>
          %gather3A_164 = tpu.vector_load_idx %arg15[%broadcast_in_dim3A_163, %and3A_120] : memref<64x256xf32, #tpu.memory_space<vmem>>[vector<16xi32>, vector<16xi32>], vector<16xf32>,
          %gather3A_165 = tpu.vector_load_idx %arg16[%broadcast_in_dim3A_163, %and3A_120] : memref<64x256xf32, #tpu.memory_space<vmem>>[vector<16xi32>, vector<16xi32>], vector<16xf32>,
          %add3A_166 = arith.addf %gather3A_164, %gather3A_165 : vector<16xf32>
          tpu.vector_store_idx %arg17[%iota3A, %broadcast_in_dim3A_163], %add3A_166 : memref<16x128xf32, #tpu.memory_space<vmem>>[vector<16xi32>, vector<16xi32>], vector<16xf32>,
          %broadcast_in_dim3A_167 = arith.constant 9 : i32
          %broadcast_in_dim3A_168 = vector.broadcast %broadcast_in_dim3A_167 : i32 to vector<16xi32>
          %gather3A_169 = tpu.vector_load_idx %arg15[%broadcast_in_dim3A_168, %and3A_120] : memref<64x256xf32, #tpu.memory_space<vmem>>[vector<16xi32>, vector<16xi32>], vector<16xf32>,
          %gather3A_170 = tpu.vector_load_idx %arg16[%broadcast_in_dim3A_168, %and3A_120] : memref<64x256xf32, #tpu.memory_space<vmem>>[vector<16xi32>, vector<16xi32>], vector<16xf32>,
          %add3A_171 = arith.addf %gather3A_169, %gather3A_170 : vector<16xf32>
          tpu.vector_store_idx %arg17[%iota3A, %broadcast_in_dim3A_168], %add3A_171 : memref<16x128xf32, #tpu.memory_space<vmem>>[vector<16xi32>, vector<16xi32>], vector<16xf32>,
          %broadcast_in_dim3A_172 = arith.constant 10 : i32
          %broadcast_in_dim3A_173 = vector.broadcast %broadcast_in_dim3A_172 : i32 to vector<16xi32>
          %gather3A_174 = tpu.vector_load_idx %arg15[%broadcast_in_dim3A_173, %and3A_120] : memref<64x256xf32, #tpu.memory_space<vmem>>[vector<16xi32>, vector<16xi32>], vector<16xf32>,
          %gather3A_175 = tpu.vector_load_idx %arg16[%broadcast_in_dim3A_173, %and3A_120] : memref<64x256xf32, #tpu.memory_space<vmem>>[vector<16xi32>, vector<16xi32>], vector<16xf32>,
          %add3A_176 = arith.addf %gather3A_174, %gather3A_175 : vector<16xf32>
          tpu.vector_store_idx %arg17[%iota3A, %broadcast_in_dim3A_173], %add3A_176 : memref<16x128xf32, #tpu.memory_space<vmem>>[vector<16xi32>, vector<16xi32>], vector<16xf32>,
          %broadcast_in_dim3A_177 = arith.constant 11 : i32
          %broadcast_in_dim3A_178 = vector.broadcast %broadcast_in_dim3A_177 : i32 to vector<16xi32>
          %gather3A_179 = tpu.vector_load_idx %arg15[%broadcast_in_dim3A_178, %and3A_120] : memref<64x256xf32, #tpu.memory_space<vmem>>[vector<16xi32>, vector<16xi32>], vector<16xf32>,
          %gather3A_180 = tpu.vector_load_idx %arg16[%broadcast_in_dim3A_178, %and3A_120] : memref<64x256xf32, #tpu.memory_space<vmem>>[vector<16xi32>, vector<16xi32>], vector<16xf32>,
          %add3A_181 = arith.addf %gather3A_179, %gather3A_180 : vector<16xf32>
          tpu.vector_store_idx %arg17[%iota3A, %broadcast_in_dim3A_178], %add3A_181 : memref<16x128xf32, #tpu.memory_space<vmem>>[vector<16xi32>, vector<16xi32>], vector<16xf32>,
          %broadcast_in_dim3A_182 = arith.constant 12 : i32
          %broadcast_in_dim3A_183 = vector.broadcast %broadcast_in_dim3A_182 : i32 to vector<16xi32>
          %gather3A_184 = tpu.vector_load_idx %arg15[%broadcast_in_dim3A_183, %and3A_120] : memref<64x256xf32, #tpu.memory_space<vmem>>[vector<16xi32>, vector<16xi32>], vector<16xf32>,
          %gather3A_185 = tpu.vector_load_idx %arg16[%broadcast_in_dim3A_183, %and3A_120] : memref<64x256xf32, #tpu.memory_space<vmem>>[vector<16xi32>, vector<16xi32>], vector<16xf32>,
          %add3A_186 = arith.addf %gather3A_184, %gather3A_185 : vector<16xf32>
          tpu.vector_store_idx %arg17[%iota3A, %broadcast_in_dim3A_183], %add3A_186 : memref<16x128xf32, #tpu.memory_space<vmem>>[vector<16xi32>, vector<16xi32>], vector<16xf32>,
          %broadcast_in_dim3A_187 = arith.constant 13 : i32
          %broadcast_in_dim3A_188 = vector.broadcast %broadcast_in_dim3A_187 : i32 to vector<16xi32>
          %gather3A_189 = tpu.vector_load_idx %arg15[%broadcast_in_dim3A_188, %and3A_120] : memref<64x256xf32, #tpu.memory_space<vmem>>[vector<16xi32>, vector<16xi32>], vector<16xf32>,
          %gather3A_190 = tpu.vector_load_idx %arg16[%broadcast_in_dim3A_188, %and3A_120] : memref<64x256xf32, #tpu.memory_space<vmem>>[vector<16xi32>, vector<16xi32>], vector<16xf32>,
          %add3A_191 = arith.addf %gather3A_189, %gather3A_190 : vector<16xf32>
          tpu.vector_store_idx %arg17[%iota3A, %broadcast_in_dim3A_188], %add3A_191 : memref<16x128xf32, #tpu.memory_space<vmem>>[vector<16xi32>, vector<16xi32>], vector<16xf32>,
          %broadcast_in_dim3A_192 = arith.constant 14 : i32
          %broadcast_in_dim3A_193 = vector.broadcast %broadcast_in_dim3A_192 : i32 to vector<16xi32>
          %gather3A_194 = tpu.vector_load_idx %arg15[%broadcast_in_dim3A_193, %and3A_120] : memref<64x256xf32, #tpu.memory_space<vmem>>[vector<16xi32>, vector<16xi32>], vector<16xf32>,
          %gather3A_195 = tpu.vector_load_idx %arg16[%broadcast_in_dim3A_193, %and3A_120] : memref<64x256xf32, #tpu.memory_space<vmem>>[vector<16xi32>, vector<16xi32>], vector<16xf32>,
          %add3A_196 = arith.addf %gather3A_194, %gather3A_195 : vector<16xf32>
          tpu.vector_store_idx %arg17[%iota3A, %broadcast_in_dim3A_193], %add3A_196 : memref<16x128xf32, #tpu.memory_space<vmem>>[vector<16xi32>, vector<16xi32>], vector<16xf32>,
          %broadcast_in_dim3A_197 = arith.constant 15 : i32
          %broadcast_in_dim3A_198 = vector.broadcast %broadcast_in_dim3A_197 : i32 to vector<16xi32>
          %gather3A_199 = tpu.vector_load_idx %arg15[%broadcast_in_dim3A_198, %and3A_120] : memref<64x256xf32, #tpu.memory_space<vmem>>[vector<16xi32>, vector<16xi32>], vector<16xf32>,
          %gather3A_200 = tpu.vector_load_idx %arg16[%broadcast_in_dim3A_198, %and3A_120] : memref<64x256xf32, #tpu.memory_space<vmem>>[vector<16xi32>, vector<16xi32>], vector<16xf32>,
          %add3A_201 = arith.addf %gather3A_199, %gather3A_200 : vector<16xf32>
          tpu.vector_store_idx %arg17[%iota3A, %broadcast_in_dim3A_198], %add3A_201 : memref<16x128xf32, #tpu.memory_space<vmem>>[vector<16xi32>, vector<16xi32>], vector<16xf32>,
          %broadcast_in_dim3A_202 = arith.constant 16 : i32
          %broadcast_in_dim3A_203 = vector.broadcast %broadcast_in_dim3A_202 : i32 to vector<16xi32>
          %gather3A_204 = tpu.vector_load_idx %arg15[%broadcast_in_dim3A_203, %and3A_120] : memref<64x256xf32, #tpu.memory_space<vmem>>[vector<16xi32>, vector<16xi32>], vector<16xf32>,
          %gather3A_205 = tpu.vector_load_idx %arg16[%broadcast_in_dim3A_203, %and3A_120] : memref<64x256xf32, #tpu.memory_space<vmem>>[vector<16xi32>, vector<16xi32>], vector<16xf32>,
          %add3A_206 = arith.addf %gather3A_204, %gather3A_205 : vector<16xf32>
          tpu.vector_store_idx %arg17[%iota3A, %broadcast_in_dim3A_203], %add3A_206 : memref<16x128xf32, #tpu.memory_space<vmem>>[vector<16xi32>, vector<16xi32>], vector<16xf32>,
          %broadcast_in_dim3A_207 = arith.constant 17 : i32
          %broadcast_in_dim3A_208 = vector.broadcast %broadcast_in_dim3A_207 : i32 to vector<16xi32>
          %gather3A_209 = tpu.vector_load_idx %arg15[%broadcast_in_dim3A_208, %and3A_120] : memref<64x256xf32, #tpu.memory_space<vmem>>[vector<16xi32>, vector<16xi32>], vector<16xf32>,
          %gather3A_210 = tpu.vector_load_idx %arg16[%broadcast_in_dim3A_208, %and3A_120] : memref<64x256xf32, #tpu.memory_space<vmem>>[vector<16xi32>, vector<16xi32>], vector<16xf32>,
          %add3A_211 = arith.addf %gather3A_209, %gather3A_210 : vector<16xf32>
          tpu.vector_store_idx %arg17[%iota3A, %broadcast_in_dim3A_208], %add3A_211 : memref<16x128xf32, #tpu.memory_space<vmem>>[vector<16xi32>, vector<16xi32>], vector<16xf32>,
          %broadcast_in_dim3A_212 = arith.constant 18 : i32
          %broadcast_in_dim3A_213 = vector.broadcast %broadcast_in_dim3A_212 : i32 to vector<16xi32>
          %gather3A_214 = tpu.vector_load_idx %arg15[%broadcast_in_dim3A_213, %and3A_120] : memref<64x256xf32, #tpu.memory_space<vmem>>[vector<16xi32>, vector<16xi32>], vector<16xf32>,
          %gather3A_215 = tpu.vector_load_idx %arg16[%broadcast_in_dim3A_213, %and3A_120] : memref<64x256xf32, #tpu.memory_space<vmem>>[vector<16xi32>, vector<16xi32>], vector<16xf32>,
          %add3A_216 = arith.addf %gather3A_214, %gather3A_215 : vector<16xf32>
          tpu.vector_store_idx %arg17[%iota3A, %broadcast_in_dim3A_213], %add3A_216 : memref<16x128xf32, #tpu.memory_space<vmem>>[vector<16xi32>, vector<16xi32>], vector<16xf32>,
          %broadcast_in_dim3A_217 = arith.constant 19 : i32
          %broadcast_in_dim3A_218 = vector.broadcast %broadcast_in_dim3A_217 : i32 to vector<16xi32>
          %gather3A_219 = tpu.vector_load_idx %arg15[%broadcast_in_dim3A_218, %and3A_120] : memref<64x256xf32, #tpu.memory_space<vmem>>[vector<16xi32>, vector<16xi32>], vector<16xf32>,
          %gather3A_220 = tpu.vector_load_idx %arg16[%broadcast_in_dim3A_218, %and3A_120] : memref<64x256xf32, #tpu.memory_space<vmem>>[vector<16xi32>, vector<16xi32>], vector<16xf32>,
          %add3A_221 = arith.addf %gather3A_219, %gather3A_220 : vector<16xf32>
          tpu.vector_store_idx %arg17[%iota3A, %broadcast_in_dim3A_218], %add3A_221 : memref<16x128xf32, #tpu.memory_space<vmem>>[vector<16xi32>, vector<16xi32>], vector<16xf32>,
          %broadcast_in_dim3A_222 = arith.constant 20 : i32
          %broadcast_in_dim3A_223 = vector.broadcast %broadcast_in_dim3A_222 : i32 to vector<16xi32>
          %gather3A_224 = tpu.vector_load_idx %arg15[%broadcast_in_dim3A_223, %and3A_120] : memref<64x256xf32, #tpu.memory_space<vmem>>[vector<16xi32>, vector<16xi32>], vector<16xf32>,
          %gather3A_225 = tpu.vector_load_idx %arg16[%broadcast_in_dim3A_223, %and3A_120] : memref<64x256xf32, #tpu.memory_space<vmem>>[vector<16xi32>, vector<16xi32>], vector<16xf32>,
          %add3A_226 = arith.addf %gather3A_224, %gather3A_225 : vector<16xf32>
          tpu.vector_store_idx %arg17[%iota3A, %broadcast_in_dim3A_223], %add3A_226 : memref<16x128xf32, #tpu.memory_space<vmem>>[vector<16xi32>, vector<16xi32>], vector<16xf32>,
          %broadcast_in_dim3A_227 = arith.constant 21 : i32
          %broadcast_in_dim3A_228 = vector.broadcast %broadcast_in_dim3A_227 : i32 to vector<16xi32>
          %gather3A_229 = tpu.vector_load_idx %arg15[%broadcast_in_dim3A_228, %and3A_120] : memref<64x256xf32, #tpu.memory_space<vmem>>[vector<16xi32>, vector<16xi32>], vector<16xf32>,
          %gather3A_230 = tpu.vector_load_idx %arg16[%broadcast_in_dim3A_228, %and3A_120] : memref<64x256xf32, #tpu.memory_space<vmem>>[vector<16xi32>, vector<16xi32>], vector<16xf32>,
          %add3A_231 = arith.addf %gather3A_229, %gather3A_230 : vector<16xf32>
          tpu.vector_store_idx %arg17[%iota3A, %broadcast_in_dim3A_228], %add3A_231 : memref<16x128xf32, #tpu.memory_space<vmem>>[vector<16xi32>, vector<16xi32>], vector<16xf32>,
          %broadcast_in_dim3A_232 = arith.constant 22 : i32
          %broadcast_in_dim3A_233 = vector.broadcast %broadcast_in_dim3A_232 : i32 to vector<16xi32>
          %gather3A_234 = tpu.vector_load_idx %arg15[%broadcast_in_dim3A_233, %and3A_120] : memref<64x256xf32, #tpu.memory_space<vmem>>[vector<16xi32>, vector<16xi32>], vector<16xf32>,
          %gather3A_235 = tpu.vector_load_idx %arg16[%broadcast_in_dim3A_233, %and3A_120] : memref<64x256xf32, #tpu.memory_space<vmem>>[vector<16xi32>, vector<16xi32>], vector<16xf32>,
          %add3A_236 = arith.addf %gather3A_234, %gather3A_235 : vector<16xf32>
          tpu.vector_store_idx %arg17[%iota3A, %broadcast_in_dim3A_233], %add3A_236 : memref<16x128xf32, #tpu.memory_space<vmem>>[vector<16xi32>, vector<16xi32>], vector<16xf32>,
          %broadcast_in_dim3A_237 = arith.constant 23 : i32
          %broadcast_in_dim3A_238 = vector.broadcast %broadcast_in_dim3A_237 : i32 to vector<16xi32>
          %gather3A_239 = tpu.vector_load_idx %arg15[%broadcast_in_dim3A_238, %and3A_120] : memref<64x256xf32, #tpu.memory_space<vmem>>[vector<16xi32>, vector<16xi32>], vector<16xf32>,
          %gather3A_240 = tpu.vector_load_idx %arg16[%broadcast_in_dim3A_238, %and3A_120] : memref<64x256xf32, #tpu.memory_space<vmem>>[vector<16xi32>, vector<16xi32>], vector<16xf32>,
          %add3A_241 = arith.addf %gather3A_239, %gather3A_240 : vector<16xf32>
          tpu.vector_store_idx %arg17[%iota3A, %broadcast_in_dim3A_238], %add3A_241 : memref<16x128xf32, #tpu.memory_space<vmem>>[vector<16xi32>, vector<16xi32>], vector<16xf32>,
          %broadcast_in_dim3A_242 = arith.constant 24 : i32
          %broadcast_in_dim3A_243 = vector.broadcast %broadcast_in_dim3A_242 : i32 to vector<16xi32>
          %gather3A_244 = tpu.vector_load_idx %arg15[%broadcast_in_dim3A_243, %and3A_120] : memref<64x256xf32, #tpu.memory_space<vmem>>[vector<16xi32>, vector<16xi32>], vector<16xf32>,
          %gather3A_245 = tpu.vector_load_idx %arg16[%broadcast_in_dim3A_243, %and3A_120] : memref<64x256xf32, #tpu.memory_space<vmem>>[vector<16xi32>, vector<16xi32>], vector<16xf32>,
          %add3A_246 = arith.addf %gather3A_244, %gather3A_245 : vector<16xf32>
          tpu.vector_store_idx %arg17[%iota3A, %broadcast_in_dim3A_243], %add3A_246 : memref<16x128xf32, #tpu.memory_space<vmem>>[vector<16xi32>, vector<16xi32>], vector<16xf32>,
          %broadcast_in_dim3A_247 = arith.constant 25 : i32
          %broadcast_in_dim3A_248 = vector.broadcast %broadcast_in_dim3A_247 : i32 to vector<16xi32>
          %gather3A_249 = tpu.vector_load_idx %arg15[%broadcast_in_dim3A_248, %and3A_120] : memref<64x256xf32, #tpu.memory_space<vmem>>[vector<16xi32>, vector<16xi32>], vector<16xf32>,
          %gather3A_250 = tpu.vector_load_idx %arg16[%broadcast_in_dim3A_248, %and3A_120] : memref<64x256xf32, #tpu.memory_space<vmem>>[vector<16xi32>, vector<16xi32>], vector<16xf32>,
          %add3A_251 = arith.addf %gather3A_249, %gather3A_250 : vector<16xf32>
          tpu.vector_store_idx %arg17[%iota3A, %broadcast_in_dim3A_248], %add3A_251 : memref<16x128xf32, #tpu.memory_space<vmem>>[vector<16xi32>, vector<16xi32>], vector<16xf32>,
          %broadcast_in_dim3A_252 = arith.constant 26 : i32
          %broadcast_in_dim3A_253 = vector.broadcast %broadcast_in_dim3A_252 : i32 to vector<16xi32>
          %gather3A_254 = tpu.vector_load_idx %arg15[%broadcast_in_dim3A_253, %and3A_120] : memref<64x256xf32, #tpu.memory_space<vmem>>[vector<16xi32>, vector<16xi32>], vector<16xf32>,
          %gather3A_255 = tpu.vector_load_idx %arg16[%broadcast_in_dim3A_253, %and3A_120] : memref<64x256xf32, #tpu.memory_space<vmem>>[vector<16xi32>, vector<16xi32>], vector<16xf32>,
          %add3A_256 = arith.addf %gather3A_254, %gather3A_255 : vector<16xf32>
          tpu.vector_store_idx %arg17[%iota3A, %broadcast_in_dim3A_253], %add3A_256 : memref<16x128xf32, #tpu.memory_space<vmem>>[vector<16xi32>, vector<16xi32>], vector<16xf32>,
          %broadcast_in_dim3A_257 = arith.constant 27 : i32
          %broadcast_in_dim3A_258 = vector.broadcast %broadcast_in_dim3A_257 : i32 to vector<16xi32>
          %gather3A_259 = tpu.vector_load_idx %arg15[%broadcast_in_dim3A_258, %and3A_120] : memref<64x256xf32, #tpu.memory_space<vmem>>[vector<16xi32>, vector<16xi32>], vector<16xf32>,
          %gather3A_260 = tpu.vector_load_idx %arg16[%broadcast_in_dim3A_258, %and3A_120] : memref<64x256xf32, #tpu.memory_space<vmem>>[vector<16xi32>, vector<16xi32>], vector<16xf32>,
          %add3A_261 = arith.addf %gather3A_259, %gather3A_260 : vector<16xf32>
          tpu.vector_store_idx %arg17[%iota3A, %broadcast_in_dim3A_258], %add3A_261 : memref<16x128xf32, #tpu.memory_space<vmem>>[vector<16xi32>, vector<16xi32>], vector<16xf32>,
          %broadcast_in_dim3A_262 = arith.constant 28 : i32
          %broadcast_in_dim3A_263 = vector.broadcast %broadcast_in_dim3A_262 : i32 to vector<16xi32>
          %gather3A_264 = tpu.vector_load_idx %arg15[%broadcast_in_dim3A_263, %and3A_120] : memref<64x256xf32, #tpu.memory_space<vmem>>[vector<16xi32>, vector<16xi32>], vector<16xf32>,
          %gather3A_265 = tpu.vector_load_idx %arg16[%broadcast_in_dim3A_263, %and3A_120] : memref<64x256xf32, #tpu.memory_space<vmem>>[vector<16xi32>, vector<16xi32>], vector<16xf32>,
          %add3A_266 = arith.addf %gather3A_264, %gather3A_265 : vector<16xf32>
          tpu.vector_store_idx %arg17[%iota3A, %broadcast_in_dim3A_263], %add3A_266 : memref<16x128xf32, #tpu.memory_space<vmem>>[vector<16xi32>, vector<16xi32>], vector<16xf32>,
          %broadcast_in_dim3A_267 = arith.constant 29 : i32
          %broadcast_in_dim3A_268 = vector.broadcast %broadcast_in_dim3A_267 : i32 to vector<16xi32>
          %gather3A_269 = tpu.vector_load_idx %arg15[%broadcast_in_dim3A_268, %and3A_120] : memref<64x256xf32, #tpu.memory_space<vmem>>[vector<16xi32>, vector<16xi32>], vector<16xf32>,
          %gather3A_270 = tpu.vector_load_idx %arg16[%broadcast_in_dim3A_268, %and3A_120] : memref<64x256xf32, #tpu.memory_space<vmem>>[vector<16xi32>, vector<16xi32>], vector<16xf32>,
          %add3A_271 = arith.addf %gather3A_269, %gather3A_270 : vector<16xf32>
          tpu.vector_store_idx %arg17[%iota3A, %broadcast_in_dim3A_268], %add3A_271 : memref<16x128xf32, #tpu.memory_space<vmem>>[vector<16xi32>, vector<16xi32>], vector<16xf32>,
          %broadcast_in_dim3A_272 = arith.constant 30 : i32
          %broadcast_in_dim3A_273 = vector.broadcast %broadcast_in_dim3A_272 : i32 to vector<16xi32>
          %gather3A_274 = tpu.vector_load_idx %arg15[%broadcast_in_dim3A_273, %and3A_120] : memref<64x256xf32, #tpu.memory_space<vmem>>[vector<16xi32>, vector<16xi32>], vector<16xf32>,
          %gather3A_275 = tpu.vector_load_idx %arg16[%broadcast_in_dim3A_273, %and3A_120] : memref<64x256xf32, #tpu.memory_space<vmem>>[vector<16xi32>, vector<16xi32>], vector<16xf32>,
          %add3A_276 = arith.addf %gather3A_274, %gather3A_275 : vector<16xf32>
          tpu.vector_store_idx %arg17[%iota3A, %broadcast_in_dim3A_273], %add3A_276 : memref<16x128xf32, #tpu.memory_space<vmem>>[vector<16xi32>, vector<16xi32>], vector<16xf32>,
          %broadcast_in_dim3A_277 = arith.constant 31 : i32
          %broadcast_in_dim3A_278 = vector.broadcast %broadcast_in_dim3A_277 : i32 to vector<16xi32>
          %gather3A_279 = tpu.vector_load_idx %arg15[%broadcast_in_dim3A_278, %and3A_120] : memref<64x256xf32, #tpu.memory_space<vmem>>[vector<16xi32>, vector<16xi32>], vector<16xf32>,
          %gather3A_280 = tpu.vector_load_idx %arg16[%broadcast_in_dim3A_278, %and3A_120] : memref<64x256xf32, #tpu.memory_space<vmem>>[vector<16xi32>, vector<16xi32>], vector<16xf32>,
          %add3A_281 = arith.addf %gather3A_279, %gather3A_280 : vector<16xf32>
          tpu.vector_store_idx %arg17[%iota3A, %broadcast_in_dim3A_278], %add3A_281 : memref<16x128xf32, #tpu.memory_space<vmem>>[vector<16xi32>, vector<16xi32>], vector<16xf32>,
          %broadcast_in_dim3A_282 = arith.constant 32 : i32
          %broadcast_in_dim3A_283 = vector.broadcast %broadcast_in_dim3A_282 : i32 to vector<16xi32>
          %gather3A_284 = tpu.vector_load_idx %arg15[%broadcast_in_dim3A_283, %and3A_120] : memref<64x256xf32, #tpu.memory_space<vmem>>[vector<16xi32>, vector<16xi32>], vector<16xf32>,
          %gather3A_285 = tpu.vector_load_idx %arg16[%broadcast_in_dim3A_283, %and3A_120] : memref<64x256xf32, #tpu.memory_space<vmem>>[vector<16xi32>, vector<16xi32>], vector<16xf32>,
          %add3A_286 = arith.addf %gather3A_284, %gather3A_285 : vector<16xf32>
          tpu.vector_store_idx %arg17[%iota3A, %broadcast_in_dim3A_283], %add3A_286 : memref<16x128xf32, #tpu.memory_space<vmem>>[vector<16xi32>, vector<16xi32>], vector<16xf32>,
          %broadcast_in_dim3A_287 = arith.constant 33 : i32
          %broadcast_in_dim3A_288 = vector.broadcast %broadcast_in_dim3A_287 : i32 to vector<16xi32>
          %gather3A_289 = tpu.vector_load_idx %arg15[%broadcast_in_dim3A_288, %and3A_120] : memref<64x256xf32, #tpu.memory_space<vmem>>[vector<16xi32>, vector<16xi32>], vector<16xf32>,
          %gather3A_290 = tpu.vector_load_idx %arg16[%broadcast_in_dim3A_288, %and3A_120] : memref<64x256xf32, #tpu.memory_space<vmem>>[vector<16xi32>, vector<16xi32>], vector<16xf32>,
          %add3A_291 = arith.addf %gather3A_289, %gather3A_290 : vector<16xf32>
          tpu.vector_store_idx %arg17[%iota3A, %broadcast_in_dim3A_288], %add3A_291 : memref<16x128xf32, #tpu.memory_space<vmem>>[vector<16xi32>, vector<16xi32>], vector<16xf32>,
          %broadcast_in_dim3A_292 = arith.constant 34 : i32
          %broadcast_in_dim3A_293 = vector.broadcast %broadcast_in_dim3A_292 : i32 to vector<16xi32>
          %gather3A_294 = tpu.vector_load_idx %arg15[%broadcast_in_dim3A_293, %and3A_120] : memref<64x256xf32, #tpu.memory_space<vmem>>[vector<16xi32>, vector<16xi32>], vector<16xf32>,
          %gather3A_295 = tpu.vector_load_idx %arg16[%broadcast_in_dim3A_293, %and3A_120] : memref<64x256xf32, #tpu.memory_space<vmem>>[vector<16xi32>, vector<16xi32>], vector<16xf32>,
          %add3A_296 = arith.addf %gather3A_294, %gather3A_295 : vector<16xf32>
          tpu.vector_store_idx %arg17[%iota3A, %broadcast_in_dim3A_293], %add3A_296 : memref<16x128xf32, #tpu.memory_space<vmem>>[vector<16xi32>, vector<16xi32>], vector<16xf32>,
          %broadcast_in_dim3A_297 = arith.constant 35 : i32
          %broadcast_in_dim3A_298 = vector.broadcast %broadcast_in_dim3A_297 : i32 to vector<16xi32>
          %gather3A_299 = tpu.vector_load_idx %arg15[%broadcast_in_dim3A_298, %and3A_120] : memref<64x256xf32, #tpu.memory_space<vmem>>[vector<16xi32>, vector<16xi32>], vector<16xf32>,
          %gather3A_300 = tpu.vector_load_idx %arg16[%broadcast_in_dim3A_298, %and3A_120] : memref<64x256xf32, #tpu.memory_space<vmem>>[vector<16xi32>, vector<16xi32>], vector<16xf32>,
          %add3A_301 = arith.addf %gather3A_299, %gather3A_300 : vector<16xf32>
          tpu.vector_store_idx %arg17[%iota3A, %broadcast_in_dim3A_298], %add3A_301 : memref<16x128xf32, #tpu.memory_space<vmem>>[vector<16xi32>, vector<16xi32>], vector<16xf32>,
          %broadcast_in_dim3A_302 = arith.constant 36 : i32
          %broadcast_in_dim3A_303 = vector.broadcast %broadcast_in_dim3A_302 : i32 to vector<16xi32>
          %gather3A_304 = tpu.vector_load_idx %arg15[%broadcast_in_dim3A_303, %and3A_120] : memref<64x256xf32, #tpu.memory_space<vmem>>[vector<16xi32>, vector<16xi32>], vector<16xf32>,
          %gather3A_305 = tpu.vector_load_idx %arg16[%broadcast_in_dim3A_303, %and3A_120] : memref<64x256xf32, #tpu.memory_space<vmem>>[vector<16xi32>, vector<16xi32>], vector<16xf32>,
          %add3A_306 = arith.addf %gather3A_304, %gather3A_305 : vector<16xf32>
          tpu.vector_store_idx %arg17[%iota3A, %broadcast_in_dim3A_303], %add3A_306 : memref<16x128xf32, #tpu.memory_space<vmem>>[vector<16xi32>, vector<16xi32>], vector<16xf32>,
          %broadcast_in_dim3A_307 = arith.constant 37 : i32
          %broadcast_in_dim3A_308 = vector.broadcast %broadcast_in_dim3A_307 : i32 to vector<16xi32>
          %gather3A_309 = tpu.vector_load_idx %arg15[%broadcast_in_dim3A_308, %and3A_120] : memref<64x256xf32, #tpu.memory_space<vmem>>[vector<16xi32>, vector<16xi32>], vector<16xf32>,
          %gather3A_310 = tpu.vector_load_idx %arg16[%broadcast_in_dim3A_308, %and3A_120] : memref<64x256xf32, #tpu.memory_space<vmem>>[vector<16xi32>, vector<16xi32>], vector<16xf32>,
          %add3A_311 = arith.addf %gather3A_309, %gather3A_310 : vector<16xf32>
          tpu.vector_store_idx %arg17[%iota3A, %broadcast_in_dim3A_308], %add3A_311 : memref<16x128xf32, #tpu.memory_space<vmem>>[vector<16xi32>, vector<16xi32>], vector<16xf32>,
          %broadcast_in_dim3A_312 = arith.constant 38 : i32
          %broadcast_in_dim3A_313 = vector.broadcast %broadcast_in_dim3A_312 : i32 to vector<16xi32>
          %gather3A_314 = tpu.vector_load_idx %arg15[%broadcast_in_dim3A_313, %and3A_120] : memref<64x256xf32, #tpu.memory_space<vmem>>[vector<16xi32>, vector<16xi32>], vector<16xf32>,
          %gather3A_315 = tpu.vector_load_idx %arg16[%broadcast_in_dim3A_313, %and3A_120] : memref<64x256xf32, #tpu.memory_space<vmem>>[vector<16xi32>, vector<16xi32>], vector<16xf32>,
          %add3A_316 = arith.addf %gather3A_314, %gather3A_315 : vector<16xf32>
          tpu.vector_store_idx %arg17[%iota3A, %broadcast_in_dim3A_313], %add3A_316 : memref<16x128xf32, #tpu.memory_space<vmem>>[vector<16xi32>, vector<16xi32>], vector<16xf32>,
          %broadcast_in_dim3A_317 = arith.constant 39 : i32
          %broadcast_in_dim3A_318 = vector.broadcast %broadcast_in_dim3A_317 : i32 to vector<16xi32>
          %gather3A_319 = tpu.vector_load_idx %arg15[%broadcast_in_dim3A_318, %and3A_120] : memref<64x256xf32, #tpu.memory_space<vmem>>[vector<16xi32>, vector<16xi32>], vector<16xf32>,
          %gather3A_320 = tpu.vector_load_idx %arg16[%broadcast_in_dim3A_318, %and3A_120] : memref<64x256xf32, #tpu.memory_space<vmem>>[vector<16xi32>, vector<16xi32>], vector<16xf32>,
          %add3A_321 = arith.addf %gather3A_319, %gather3A_320 : vector<16xf32>
          tpu.vector_store_idx %arg17[%iota3A, %broadcast_in_dim3A_318], %add3A_321 : memref<16x128xf32, #tpu.memory_space<vmem>>[vector<16xi32>, vector<16xi32>], vector<16xf32>,
          %broadcast_in_dim3A_322 = arith.constant 40 : i32
          %broadcast_in_dim3A_323 = vector.broadcast %broadcast_in_dim3A_322 : i32 to vector<16xi32>
          %gather3A_324 = tpu.vector_load_idx %arg15[%broadcast_in_dim3A_323, %and3A_120] : memref<64x256xf32, #tpu.memory_space<vmem>>[vector<16xi32>, vector<16xi32>], vector<16xf32>,
          %gather3A_325 = tpu.vector_load_idx %arg16[%broadcast_in_dim3A_323, %and3A_120] : memref<64x256xf32, #tpu.memory_space<vmem>>[vector<16xi32>, vector<16xi32>], vector<16xf32>,
          %add3A_326 = arith.addf %gather3A_324, %gather3A_325 : vector<16xf32>
          tpu.vector_store_idx %arg17[%iota3A, %broadcast_in_dim3A_323], %add3A_326 : memref<16x128xf32, #tpu.memory_space<vmem>>[vector<16xi32>, vector<16xi32>], vector<16xf32>,
          %broadcast_in_dim3A_327 = arith.constant 41 : i32
          %broadcast_in_dim3A_328 = vector.broadcast %broadcast_in_dim3A_327 : i32 to vector<16xi32>
          %gather3A_329 = tpu.vector_load_idx %arg15[%broadcast_in_dim3A_328, %and3A_120] : memref<64x256xf32, #tpu.memory_space<vmem>>[vector<16xi32>, vector<16xi32>], vector<16xf32>,
          %gather3A_330 = tpu.vector_load_idx %arg16[%broadcast_in_dim3A_328, %and3A_120] : memref<64x256xf32, #tpu.memory_space<vmem>>[vector<16xi32>, vector<16xi32>], vector<16xf32>,
          %add3A_331 = arith.addf %gather3A_329, %gather3A_330 : vector<16xf32>
          tpu.vector_store_idx %arg17[%iota3A, %broadcast_in_dim3A_328], %add3A_331 : memref<16x128xf32, #tpu.memory_space<vmem>>[vector<16xi32>, vector<16xi32>], vector<16xf32>,
          %broadcast_in_dim3A_332 = arith.constant 42 : i32
          %broadcast_in_dim3A_333 = vector.broadcast %broadcast_in_dim3A_332 : i32 to vector<16xi32>
          %gather3A_334 = tpu.vector_load_idx %arg15[%broadcast_in_dim3A_333, %and3A_120] : memref<64x256xf32, #tpu.memory_space<vmem>>[vector<16xi32>, vector<16xi32>], vector<16xf32>,
          %gather3A_335 = tpu.vector_load_idx %arg16[%broadcast_in_dim3A_333, %and3A_120] : memref<64x256xf32, #tpu.memory_space<vmem>>[vector<16xi32>, vector<16xi32>], vector<16xf32>,
          %add3A_336 = arith.addf %gather3A_334, %gather3A_335 : vector<16xf32>
          tpu.vector_store_idx %arg17[%iota3A, %broadcast_in_dim3A_333], %add3A_336 : memref<16x128xf32, #tpu.memory_space<vmem>>[vector<16xi32>, vector<16xi32>], vector<16xf32>,
          %broadcast_in_dim3A_337 = arith.constant 43 : i32
          %broadcast_in_dim3A_338 = vector.broadcast %broadcast_in_dim3A_337 : i32 to vector<16xi32>
          %gather3A_339 = tpu.vector_load_idx %arg15[%broadcast_in_dim3A_338, %and3A_120] : memref<64x256xf32, #tpu.memory_space<vmem>>[vector<16xi32>, vector<16xi32>], vector<16xf32>,
          %gather3A_340 = tpu.vector_load_idx %arg16[%broadcast_in_dim3A_338, %and3A_120] : memref<64x256xf32, #tpu.memory_space<vmem>>[vector<16xi32>, vector<16xi32>], vector<16xf32>,
          %add3A_341 = arith.addf %gather3A_339, %gather3A_340 : vector<16xf32>
          tpu.vector_store_idx %arg17[%iota3A, %broadcast_in_dim3A_338], %add3A_341 : memref<16x128xf32, #tpu.memory_space<vmem>>[vector<16xi32>, vector<16xi32>], vector<16xf32>,
          %broadcast_in_dim3A_342 = arith.constant 44 : i32
          %broadcast_in_dim3A_343 = vector.broadcast %broadcast_in_dim3A_342 : i32 to vector<16xi32>
          %gather3A_344 = tpu.vector_load_idx %arg15[%broadcast_in_dim3A_343, %and3A_120] : memref<64x256xf32, #tpu.memory_space<vmem>>[vector<16xi32>, vector<16xi32>], vector<16xf32>,
          %gather3A_345 = tpu.vector_load_idx %arg16[%broadcast_in_dim3A_343, %and3A_120] : memref<64x256xf32, #tpu.memory_space<vmem>>[vector<16xi32>, vector<16xi32>], vector<16xf32>,
          %add3A_346 = arith.addf %gather3A_344, %gather3A_345 : vector<16xf32>
          tpu.vector_store_idx %arg17[%iota3A, %broadcast_in_dim3A_343], %add3A_346 : memref<16x128xf32, #tpu.memory_space<vmem>>[vector<16xi32>, vector<16xi32>], vector<16xf32>,
          %broadcast_in_dim3A_347 = arith.constant 45 : i32
          %broadcast_in_dim3A_348 = vector.broadcast %broadcast_in_dim3A_347 : i32 to vector<16xi32>
          %gather3A_349 = tpu.vector_load_idx %arg15[%broadcast_in_dim3A_348, %and3A_120] : memref<64x256xf32, #tpu.memory_space<vmem>>[vector<16xi32>, vector<16xi32>], vector<16xf32>,
          %gather3A_350 = tpu.vector_load_idx %arg16[%broadcast_in_dim3A_348, %and3A_120] : memref<64x256xf32, #tpu.memory_space<vmem>>[vector<16xi32>, vector<16xi32>], vector<16xf32>,
          %add3A_351 = arith.addf %gather3A_349, %gather3A_350 : vector<16xf32>
          tpu.vector_store_idx %arg17[%iota3A, %broadcast_in_dim3A_348], %add3A_351 : memref<16x128xf32, #tpu.memory_space<vmem>>[vector<16xi32>, vector<16xi32>], vector<16xf32>,
          %broadcast_in_dim3A_352 = arith.constant 46 : i32
          %broadcast_in_dim3A_353 = vector.broadcast %broadcast_in_dim3A_352 : i32 to vector<16xi32>
          %gather3A_354 = tpu.vector_load_idx %arg15[%broadcast_in_dim3A_353, %and3A_120] : memref<64x256xf32, #tpu.memory_space<vmem>>[vector<16xi32>, vector<16xi32>], vector<16xf32>,
          %gather3A_355 = tpu.vector_load_idx %arg16[%broadcast_in_dim3A_353, %and3A_120] : memref<64x256xf32, #tpu.memory_space<vmem>>[vector<16xi32>, vector<16xi32>], vector<16xf32>,
          %add3A_356 = arith.addf %gather3A_354, %gather3A_355 : vector<16xf32>
          tpu.vector_store_idx %arg17[%iota3A, %broadcast_in_dim3A_353], %add3A_356 : memref<16x128xf32, #tpu.memory_space<vmem>>[vector<16xi32>, vector<16xi32>], vector<16xf32>,
          %broadcast_in_dim3A_357 = arith.constant 47 : i32
          %broadcast_in_dim3A_358 = vector.broadcast %broadcast_in_dim3A_357 : i32 to vector<16xi32>
          %gather3A_359 = tpu.vector_load_idx %arg15[%broadcast_in_dim3A_358, %and3A_120] : memref<64x256xf32, #tpu.memory_space<vmem>>[vector<16xi32>, vector<16xi32>], vector<16xf32>,
          %gather3A_360 = tpu.vector_load_idx %arg16[%broadcast_in_dim3A_358, %and3A_120] : memref<64x256xf32, #tpu.memory_space<vmem>>[vector<16xi32>, vector<16xi32>], vector<16xf32>,
          %add3A_361 = arith.addf %gather3A_359, %gather3A_360 : vector<16xf32>
          tpu.vector_store_idx %arg17[%iota3A, %broadcast_in_dim3A_358], %add3A_361 : memref<16x128xf32, #tpu.memory_space<vmem>>[vector<16xi32>, vector<16xi32>], vector<16xf32>,
          %broadcast_in_dim3A_362 = arith.constant 48 : i32
          %broadcast_in_dim3A_363 = vector.broadcast %broadcast_in_dim3A_362 : i32 to vector<16xi32>
          %gather3A_364 = tpu.vector_load_idx %arg15[%broadcast_in_dim3A_363, %and3A_120] : memref<64x256xf32, #tpu.memory_space<vmem>>[vector<16xi32>, vector<16xi32>], vector<16xf32>,
          %gather3A_365 = tpu.vector_load_idx %arg16[%broadcast_in_dim3A_363, %and3A_120] : memref<64x256xf32, #tpu.memory_space<vmem>>[vector<16xi32>, vector<16xi32>], vector<16xf32>,
          %add3A_366 = arith.addf %gather3A_364, %gather3A_365 : vector<16xf32>
          tpu.vector_store_idx %arg17[%iota3A, %broadcast_in_dim3A_363], %add3A_366 : memref<16x128xf32, #tpu.memory_space<vmem>>[vector<16xi32>, vector<16xi32>], vector<16xf32>,
          %broadcast_in_dim3A_367 = arith.constant 49 : i32
          %broadcast_in_dim3A_368 = vector.broadcast %broadcast_in_dim3A_367 : i32 to vector<16xi32>
          %gather3A_369 = tpu.vector_load_idx %arg15[%broadcast_in_dim3A_368, %and3A_120] : memref<64x256xf32, #tpu.memory_space<vmem>>[vector<16xi32>, vector<16xi32>], vector<16xf32>,
          %gather3A_370 = tpu.vector_load_idx %arg16[%broadcast_in_dim3A_368, %and3A_120] : memref<64x256xf32, #tpu.memory_space<vmem>>[vector<16xi32>, vector<16xi32>], vector<16xf32>,
          %add3A_371 = arith.addf %gather3A_369, %gather3A_370 : vector<16xf32>
          tpu.vector_store_idx %arg17[%iota3A, %broadcast_in_dim3A_368], %add3A_371 : memref<16x128xf32, #tpu.memory_space<vmem>>[vector<16xi32>, vector<16xi32>], vector<16xf32>,
          %broadcast_in_dim3A_372 = arith.constant 50 : i32
          %broadcast_in_dim3A_373 = vector.broadcast %broadcast_in_dim3A_372 : i32 to vector<16xi32>
          %gather3A_374 = tpu.vector_load_idx %arg15[%broadcast_in_dim3A_373, %and3A_120] : memref<64x256xf32, #tpu.memory_space<vmem>>[vector<16xi32>, vector<16xi32>], vector<16xf32>,
          %gather3A_375 = tpu.vector_load_idx %arg16[%broadcast_in_dim3A_373, %and3A_120] : memref<64x256xf32, #tpu.memory_space<vmem>>[vector<16xi32>, vector<16xi32>], vector<16xf32>,
          %add3A_376 = arith.addf %gather3A_374, %gather3A_375 : vector<16xf32>
          tpu.vector_store_idx %arg17[%iota3A, %broadcast_in_dim3A_373], %add3A_376 : memref<16x128xf32, #tpu.memory_space<vmem>>[vector<16xi32>, vector<16xi32>], vector<16xf32>,
          %broadcast_in_dim3A_377 = arith.constant 51 : i32
          %broadcast_in_dim3A_378 = vector.broadcast %broadcast_in_dim3A_377 : i32 to vector<16xi32>
          %gather3A_379 = tpu.vector_load_idx %arg15[%broadcast_in_dim3A_378, %and3A_120] : memref<64x256xf32, #tpu.memory_space<vmem>>[vector<16xi32>, vector<16xi32>], vector<16xf32>,
          %gather3A_380 = tpu.vector_load_idx %arg16[%broadcast_in_dim3A_378, %and3A_120] : memref<64x256xf32, #tpu.memory_space<vmem>>[vector<16xi32>, vector<16xi32>], vector<16xf32>,
          %add3A_381 = arith.addf %gather3A_379, %gather3A_380 : vector<16xf32>
          tpu.vector_store_idx %arg17[%iota3A, %broadcast_in_dim3A_378], %add3A_381 : memref<16x128xf32, #tpu.memory_space<vmem>>[vector<16xi32>, vector<16xi32>], vector<16xf32>,
          %broadcast_in_dim3A_382 = arith.constant 52 : i32
          %broadcast_in_dim3A_383 = vector.broadcast %broadcast_in_dim3A_382 : i32 to vector<16xi32>
          %gather3A_384 = tpu.vector_load_idx %arg15[%broadcast_in_dim3A_383, %and3A_120] : memref<64x256xf32, #tpu.memory_space<vmem>>[vector<16xi32>, vector<16xi32>], vector<16xf32>,
          %gather3A_385 = tpu.vector_load_idx %arg16[%broadcast_in_dim3A_383, %and3A_120] : memref<64x256xf32, #tpu.memory_space<vmem>>[vector<16xi32>, vector<16xi32>], vector<16xf32>,
          %add3A_386 = arith.addf %gather3A_384, %gather3A_385 : vector<16xf32>
          tpu.vector_store_idx %arg17[%iota3A, %broadcast_in_dim3A_383], %add3A_386 : memref<16x128xf32, #tpu.memory_space<vmem>>[vector<16xi32>, vector<16xi32>], vector<16xf32>,
          %broadcast_in_dim3A_387 = arith.constant 53 : i32
          %broadcast_in_dim3A_388 = vector.broadcast %broadcast_in_dim3A_387 : i32 to vector<16xi32>
          %gather3A_389 = tpu.vector_load_idx %arg15[%broadcast_in_dim3A_388, %and3A_120] : memref<64x256xf32, #tpu.memory_space<vmem>>[vector<16xi32>, vector<16xi32>], vector<16xf32>,
          %gather3A_390 = tpu.vector_load_idx %arg16[%broadcast_in_dim3A_388, %and3A_120] : memref<64x256xf32, #tpu.memory_space<vmem>>[vector<16xi32>, vector<16xi32>], vector<16xf32>,
          %add3A_391 = arith.addf %gather3A_389, %gather3A_390 : vector<16xf32>
          tpu.vector_store_idx %arg17[%iota3A, %broadcast_in_dim3A_388], %add3A_391 : memref<16x128xf32, #tpu.memory_space<vmem>>[vector<16xi32>, vector<16xi32>], vector<16xf32>,
          %broadcast_in_dim3A_392 = arith.constant 54 : i32
          %broadcast_in_dim3A_393 = vector.broadcast %broadcast_in_dim3A_392 : i32 to vector<16xi32>
          %gather3A_394 = tpu.vector_load_idx %arg15[%broadcast_in_dim3A_393, %and3A_120] : memref<64x256xf32, #tpu.memory_space<vmem>>[vector<16xi32>, vector<16xi32>], vector<16xf32>,
          %gather3A_395 = tpu.vector_load_idx %arg16[%broadcast_in_dim3A_393, %and3A_120] : memref<64x256xf32, #tpu.memory_space<vmem>>[vector<16xi32>, vector<16xi32>], vector<16xf32>,
          %add3A_396 = arith.addf %gather3A_394, %gather3A_395 : vector<16xf32>
          tpu.vector_store_idx %arg17[%iota3A, %broadcast_in_dim3A_393], %add3A_396 : memref<16x128xf32, #tpu.memory_space<vmem>>[vector<16xi32>, vector<16xi32>], vector<16xf32>,
          %broadcast_in_dim3A_397 = arith.constant 55 : i32
          %broadcast_in_dim3A_398 = vector.broadcast %broadcast_in_dim3A_397 : i32 to vector<16xi32>
          %gather3A_399 = tpu.vector_load_idx %arg15[%broadcast_in_dim3A_398, %and3A_120] : memref<64x256xf32, #tpu.memory_space<vmem>>[vector<16xi32>, vector<16xi32>], vector<16xf32>,
          %gather3A_400 = tpu.vector_load_idx %arg16[%broadcast_in_dim3A_398, %and3A_120] : memref<64x256xf32, #tpu.memory_space<vmem>>[vector<16xi32>, vector<16xi32>], vector<16xf32>,
          %add3A_401 = arith.addf %gather3A_399, %gather3A_400 : vector<16xf32>
          tpu.vector_store_idx %arg17[%iota3A, %broadcast_in_dim3A_398], %add3A_401 : memref<16x128xf32, #tpu.memory_space<vmem>>[vector<16xi32>, vector<16xi32>], vector<16xf32>,
          %broadcast_in_dim3A_402 = arith.constant 56 : i32
          %broadcast_in_dim3A_403 = vector.broadcast %broadcast_in_dim3A_402 : i32 to vector<16xi32>
          %gather3A_404 = tpu.vector_load_idx %arg15[%broadcast_in_dim3A_403, %and3A_120] : memref<64x256xf32, #tpu.memory_space<vmem>>[vector<16xi32>, vector<16xi32>], vector<16xf32>,
          %gather3A_405 = tpu.vector_load_idx %arg16[%broadcast_in_dim3A_403, %and3A_120] : memref<64x256xf32, #tpu.memory_space<vmem>>[vector<16xi32>, vector<16xi32>], vector<16xf32>,
          %add3A_406 = arith.addf %gather3A_404, %gather3A_405 : vector<16xf32>
          tpu.vector_store_idx %arg17[%iota3A, %broadcast_in_dim3A_403], %add3A_406 : memref<16x128xf32, #tpu.memory_space<vmem>>[vector<16xi32>, vector<16xi32>], vector<16xf32>,
          %broadcast_in_dim3A_407 = arith.constant 57 : i32
          %broadcast_in_dim3A_408 = vector.broadcast %broadcast_in_dim3A_407 : i32 to vector<16xi32>
          %gather3A_409 = tpu.vector_load_idx %arg15[%broadcast_in_dim3A_408, %and3A_120] : memref<64x256xf32, #tpu.memory_space<vmem>>[vector<16xi32>, vector<16xi32>], vector<16xf32>,
          %gather3A_410 = tpu.vector_load_idx %arg16[%broadcast_in_dim3A_408, %and3A_120] : memref<64x256xf32, #tpu.memory_space<vmem>>[vector<16xi32>, vector<16xi32>], vector<16xf32>,
          %add3A_411 = arith.addf %gather3A_409, %gather3A_410 : vector<16xf32>
          tpu.vector_store_idx %arg17[%iota3A, %broadcast_in_dim3A_408], %add3A_411 : memref<16x128xf32, #tpu.memory_space<vmem>>[vector<16xi32>, vector<16xi32>], vector<16xf32>,
          %broadcast_in_dim3A_412 = arith.constant 58 : i32
          %broadcast_in_dim3A_413 = vector.broadcast %broadcast_in_dim3A_412 : i32 to vector<16xi32>
          %gather3A_414 = tpu.vector_load_idx %arg15[%broadcast_in_dim3A_413, %and3A_120] : memref<64x256xf32, #tpu.memory_space<vmem>>[vector<16xi32>, vector<16xi32>], vector<16xf32>,
          %gather3A_415 = tpu.vector_load_idx %arg16[%broadcast_in_dim3A_413, %and3A_120] : memref<64x256xf32, #tpu.memory_space<vmem>>[vector<16xi32>, vector<16xi32>], vector<16xf32>,
          %add3A_416 = arith.addf %gather3A_414, %gather3A_415 : vector<16xf32>
          tpu.vector_store_idx %arg17[%iota3A, %broadcast_in_dim3A_413], %add3A_416 : memref<16x128xf32, #tpu.memory_space<vmem>>[vector<16xi32>, vector<16xi32>], vector<16xf32>,
          %broadcast_in_dim3A_417 = arith.constant 59 : i32
          %broadcast_in_dim3A_418 = vector.broadcast %broadcast_in_dim3A_417 : i32 to vector<16xi32>
          %gather3A_419 = tpu.vector_load_idx %arg15[%broadcast_in_dim3A_418, %and3A_120] : memref<64x256xf32, #tpu.memory_space<vmem>>[vector<16xi32>, vector<16xi32>], vector<16xf32>,
          %gather3A_420 = tpu.vector_load_idx %arg16[%broadcast_in_dim3A_418, %and3A_120] : memref<64x256xf32, #tpu.memory_space<vmem>>[vector<16xi32>, vector<16xi32>], vector<16xf32>,
          %add3A_421 = arith.addf %gather3A_419, %gather3A_420 : vector<16xf32>
          tpu.vector_store_idx %arg17[%iota3A, %broadcast_in_dim3A_418], %add3A_421 : memref<16x128xf32, #tpu.memory_space<vmem>>[vector<16xi32>, vector<16xi32>], vector<16xf32>,
          %broadcast_in_dim3A_422 = arith.constant 60 : i32
          %broadcast_in_dim3A_423 = vector.broadcast %broadcast_in_dim3A_422 : i32 to vector<16xi32>
          %gather3A_424 = tpu.vector_load_idx %arg15[%broadcast_in_dim3A_423, %and3A_120] : memref<64x256xf32, #tpu.memory_space<vmem>>[vector<16xi32>, vector<16xi32>], vector<16xf32>,
          %gather3A_425 = tpu.vector_load_idx %arg16[%broadcast_in_dim3A_423, %and3A_120] : memref<64x256xf32, #tpu.memory_space<vmem>>[vector<16xi32>, vector<16xi32>], vector<16xf32>,
          %add3A_426 = arith.addf %gather3A_424, %gather3A_425 : vector<16xf32>
          tpu.vector_store_idx %arg17[%iota3A, %broadcast_in_dim3A_423], %add3A_426 : memref<16x128xf32, #tpu.memory_space<vmem>>[vector<16xi32>, vector<16xi32>], vector<16xf32>,
          %broadcast_in_dim3A_427 = arith.constant 61 : i32
          %broadcast_in_dim3A_428 = vector.broadcast %broadcast_in_dim3A_427 : i32 to vector<16xi32>
          %gather3A_429 = tpu.vector_load_idx %arg15[%broadcast_in_dim3A_428, %and3A_120] : memref<64x256xf32, #tpu.memory_space<vmem>>[vector<16xi32>, vector<16xi32>], vector<16xf32>,
          %gather3A_430 = tpu.vector_load_idx %arg16[%broadcast_in_dim3A_428, %and3A_120] : memref<64x256xf32, #tpu.memory_space<vmem>>[vector<16xi32>, vector<16xi32>], vector<16xf32>,
          %add3A_431 = arith.addf %gather3A_429, %gather3A_430 : vector<16xf32>
          tpu.vector_store_idx %arg17[%iota3A, %broadcast_in_dim3A_428], %add3A_431 : memref<16x128xf32, #tpu.memory_space<vmem>>[vector<16xi32>, vector<16xi32>], vector<16xf32>,
          %broadcast_in_dim3A_432 = arith.constant 62 : i32
          %broadcast_in_dim3A_433 = vector.broadcast %broadcast_in_dim3A_432 : i32 to vector<16xi32>
          %gather3A_434 = tpu.vector_load_idx %arg15[%broadcast_in_dim3A_433, %and3A_120] : memref<64x256xf32, #tpu.memory_space<vmem>>[vector<16xi32>, vector<16xi32>], vector<16xf32>,
          %gather3A_435 = tpu.vector_load_idx %arg16[%broadcast_in_dim3A_433, %and3A_120] : memref<64x256xf32, #tpu.memory_space<vmem>>[vector<16xi32>, vector<16xi32>], vector<16xf32>,
          %add3A_436 = arith.addf %gather3A_434, %gather3A_435 : vector<16xf32>
          tpu.vector_store_idx %arg17[%iota3A, %broadcast_in_dim3A_433], %add3A_436 : memref<16x128xf32, #tpu.memory_space<vmem>>[vector<16xi32>, vector<16xi32>], vector<16xf32>,
          %broadcast_in_dim3A_437 = arith.constant 63 : i32
          %broadcast_in_dim3A_438 = vector.broadcast %broadcast_in_dim3A_437 : i32 to vector<16xi32>
          %gather3A_439 = tpu.vector_load_idx %arg15[%broadcast_in_dim3A_438, %and3A_120] : memref<64x256xf32, #tpu.memory_space<vmem>>[vector<16xi32>, vector<16xi32>], vector<16xf32>,
          %gather3A_440 = tpu.vector_load_idx %arg16[%broadcast_in_dim3A_438, %and3A_120] : memref<64x256xf32, #tpu.memory_space<vmem>>[vector<16xi32>, vector<16xi32>], vector<16xf32>,
          %add3A_441 = arith.addf %gather3A_439, %gather3A_440 : vector<16xf32>
          tpu.vector_store_idx %arg17[%iota3A, %broadcast_in_dim3A_438], %add3A_441 : memref<16x128xf32, #tpu.memory_space<vmem>>[vector<16xi32>, vector<16xi32>], vector<16xf32>,
          "tpu.region"() ({
            %run_scoped3A = tpu.sem_alloc : memref<!tpu.dma_semaphore, #tpu.memory_space<semaphore_mem>>
            %dma_start3A = arith.constant 0 : i32
            %dma_start3A_442 = arith.constant 0 : i32
            %dma_start3A_443 = tpu.memref_slice %arg9[%dma_start3A, %dma_start3A_442] : memref<16416x128xf32, #tpu.memory_space<hbm>> -> memref<16416x128xf32, #tpu.memory_space<hbm>>
            tpu.enqueue_indirect_dma source(%arg17 : memref<16x128xf32, #tpu.memory_space<vmem>>) target(%dma_start3A_443 : memref<16416x128xf32, #tpu.memory_space<hbm>>) offsets(%arg18 : memref<16xi32, #tpu.memory_space<vmem>>) semaphore(%run_scoped3A : memref<!tpu.dma_semaphore, #tpu.memory_space<semaphore_mem>>)
            %dma_wait3A = arith.constant 0 : i32
            %dma_wait3A_444 = arith.constant 0 : i32
            %dma_wait3A_445 = tpu.memref_slice %arg9[%dma_wait3A, %dma_wait3A_444] : memref<16416x128xf32, #tpu.memory_space<hbm>> -> memref<16416x128xf32, #tpu.memory_space<hbm>>
            tpu.wait_indirect_dma semaphore(%run_scoped3A : memref<!tpu.dma_semaphore, #tpu.memory_space<semaphore_mem>>) src(%arg17 : memref<16x128xf32, #tpu.memory_space<vmem>>) dst(%dma_wait3A_445 : memref<16416x128xf32, #tpu.memory_space<hbm>>)
            tpu.yield
          }) : () -> ()
        }
        %while3A_100 = arith.constant 1 : i32
        scf.for %while3A_101 = %while3A_98 to %while3A_94 step %while3A_100  : i32 {
          %mul3A_102 = arith.muli %while3A_101, %while3A : i32
          %add3A_103 = arith.addi %and3A_86, %mul3A_102 : i32
          %add3A_104 = vector.broadcast %add3A_103 : i32 to vector<16xi32>
          %add3A_105 = arith.addi %add3A_104, %iota3A : vector<16xi32>
          %ge3A = vector.broadcast %squeeze3A_37 : i32 to vector<16xi32>
          %ge3A_106 = arith.cmpi sge, %add3A_105, %ge3A : vector<16xi32>
          %lt3A_107 = vector.broadcast %squeeze3A_39 : i32 to vector<16xi32>
          %lt3A_108 = arith.cmpi slt, %add3A_105, %lt3A_107 : vector<16xi32>
          %and3A_109 = arith.andi %ge3A_106, %lt3A_108 : vector<16xi1>
          %get3A_110 = arith.index_cast %add3A_103 : i32 to index
          %get3A_111 = tpu.vector_load %arg11[%get3A_110] {strides = array<i32>} : memref<16384xi32, #tpu.memory_space<vmem>>, vector<16xi32>,
          %get3A_112 = arith.index_cast %add3A_103 : i32 to index
          %get3A_113 = tpu.vector_load %arg12[%get3A_112] {strides = array<i32>} : memref<16384xi32, #tpu.memory_space<vmem>>, vector<16xi32>,
          %sub3A_114 = vector.broadcast %mul3A_83 : i32 to vector<16xi32>
          %sub3A_115 = arith.subi %get3A_111, %sub3A_114 : vector<16xi32>
          %add3A_116 = vector.broadcast %select_n3A : i32 to vector<16xi32>
          %add3A_117 = arith.addi %sub3A_115, %add3A_116 : vector<16xi32>
          %and3A_118 = arith.constant 255 : i32
          %and3A_119 = vector.broadcast %and3A_118 : i32 to vector<16xi32>
          %and3A_120 = arith.andi %add3A_117, %and3A_119 : vector<16xi32>
          %broadcast_in_dim3A = vector.broadcast %add3A_2 : i32 to vector<16xi32>
          %select_n3A_121 = arith.select %and3A_109, %get3A_113, %broadcast_in_dim3A : vector<16xi1>, vector<16xi32>
          %swap3A = arith.constant 0 : index
          %swap3A_122 = tpu.vector_load %arg18[%swap3A] {strides = array<i32>} : memref<16xi32, #tpu.memory_space<vmem>>, vector<16xi32>,
          tpu.vector_store %arg18[%swap3A], %select_n3A_121 {strides = array<i32>} : memref<16xi32, #tpu.memory_space<vmem>>, vector<16xi32>,
          %broadcast_in_dim3A_123 = arith.constant 0 : i32
          %broadcast_in_dim3A_124 = vector.broadcast %broadcast_in_dim3A_123 : i32 to vector<16xi32>
          %gather3A = tpu.vector_load_idx %arg15[%broadcast_in_dim3A_124, %and3A_120] : memref<64x256xf32, #tpu.memory_space<vmem>>[vector<16xi32>, vector<16xi32>], vector<16xf32>,
          %gather3A_125 = tpu.vector_load_idx %arg16[%broadcast_in_dim3A_124, %and3A_120] : memref<64x256xf32, #tpu.memory_space<vmem>>[vector<16xi32>, vector<16xi32>], vector<16xf32>,
          %add3A_126 = arith.addf %gather3A, %gather3A_125 : vector<16xf32>
          tpu.vector_store_idx %arg17[%iota3A, %broadcast_in_dim3A_124], %add3A_126 : memref<16x128xf32, #tpu.memory_space<vmem>>[vector<16xi32>, vector<16xi32>], vector<16xf32>,
          %broadcast_in_dim3A_127 = arith.constant 1 : i32
          %broadcast_in_dim3A_128 = vector.broadcast %broadcast_in_dim3A_127 : i32 to vector<16xi32>
          %gather3A_129 = tpu.vector_load_idx %arg15[%broadcast_in_dim3A_128, %and3A_120] : memref<64x256xf32, #tpu.memory_space<vmem>>[vector<16xi32>, vector<16xi32>], vector<16xf32>,
          %gather3A_130 = tpu.vector_load_idx %arg16[%broadcast_in_dim3A_128, %and3A_120] : memref<64x256xf32, #tpu.memory_space<vmem>>[vector<16xi32>, vector<16xi32>], vector<16xf32>,
          %add3A_131 = arith.addf %gather3A_129, %gather3A_130 : vector<16xf32>
          tpu.vector_store_idx %arg17[%iota3A, %broadcast_in_dim3A_128], %add3A_131 : memref<16x128xf32, #tpu.memory_space<vmem>>[vector<16xi32>, vector<16xi32>], vector<16xf32>,
          %broadcast_in_dim3A_132 = arith.constant 2 : i32
          %broadcast_in_dim3A_133 = vector.broadcast %broadcast_in_dim3A_132 : i32 to vector<16xi32>
          %gather3A_134 = tpu.vector_load_idx %arg15[%broadcast_in_dim3A_133, %and3A_120] : memref<64x256xf32, #tpu.memory_space<vmem>>[vector<16xi32>, vector<16xi32>], vector<16xf32>,
          %gather3A_135 = tpu.vector_load_idx %arg16[%broadcast_in_dim3A_133, %and3A_120] : memref<64x256xf32, #tpu.memory_space<vmem>>[vector<16xi32>, vector<16xi32>], vector<16xf32>,
          %add3A_136 = arith.addf %gather3A_134, %gather3A_135 : vector<16xf32>
          tpu.vector_store_idx %arg17[%iota3A, %broadcast_in_dim3A_133], %add3A_136 : memref<16x128xf32, #tpu.memory_space<vmem>>[vector<16xi32>, vector<16xi32>], vector<16xf32>,
          %broadcast_in_dim3A_137 = arith.constant 3 : i32
          %broadcast_in_dim3A_138 = vector.broadcast %broadcast_in_dim3A_137 : i32 to vector<16xi32>
          %gather3A_139 = tpu.vector_load_idx %arg15[%broadcast_in_dim3A_138, %and3A_120] : memref<64x256xf32, #tpu.memory_space<vmem>>[vector<16xi32>, vector<16xi32>], vector<16xf32>,
          %gather3A_140 = tpu.vector_load_idx %arg16[%broadcast_in_dim3A_138, %and3A_120] : memref<64x256xf32, #tpu.memory_space<vmem>>[vector<16xi32>, vector<16xi32>], vector<16xf32>,
          %add3A_141 = arith.addf %gather3A_139, %gather3A_140 : vector<16xf32>
          tpu.vector_store_idx %arg17[%iota3A, %broadcast_in_dim3A_138], %add3A_141 : memref<16x128xf32, #tpu.memory_space<vmem>>[vector<16xi32>, vector<16xi32>], vector<16xf32>,
          %broadcast_in_dim3A_142 = arith.constant 4 : i32
          %broadcast_in_dim3A_143 = vector.broadcast %broadcast_in_dim3A_142 : i32 to vector<16xi32>
          %gather3A_144 = tpu.vector_load_idx %arg15[%broadcast_in_dim3A_143, %and3A_120] : memref<64x256xf32, #tpu.memory_space<vmem>>[vector<16xi32>, vector<16xi32>], vector<16xf32>,
          %gather3A_145 = tpu.vector_load_idx %arg16[%broadcast_in_dim3A_143, %and3A_120] : memref<64x256xf32, #tpu.memory_space<vmem>>[vector<16xi32>, vector<16xi32>], vector<16xf32>,
          %add3A_146 = arith.addf %gather3A_144, %gather3A_145 : vector<16xf32>
          tpu.vector_store_idx %arg17[%iota3A, %broadcast_in_dim3A_143], %add3A_146 : memref<16x128xf32, #tpu.memory_space<vmem>>[vector<16xi32>, vector<16xi32>], vector<16xf32>,
          %broadcast_in_dim3A_147 = arith.constant 5 : i32
          %broadcast_in_dim3A_148 = vector.broadcast %broadcast_in_dim3A_147 : i32 to vector<16xi32>
          %gather3A_149 = tpu.vector_load_idx %arg15[%broadcast_in_dim3A_148, %and3A_120] : memref<64x256xf32, #tpu.memory_space<vmem>>[vector<16xi32>, vector<16xi32>], vector<16xf32>,
          %gather3A_150 = tpu.vector_load_idx %arg16[%broadcast_in_dim3A_148, %and3A_120] : memref<64x256xf32, #tpu.memory_space<vmem>>[vector<16xi32>, vector<16xi32>], vector<16xf32>,
          %add3A_151 = arith.addf %gather3A_149, %gather3A_150 : vector<16xf32>
          tpu.vector_store_idx %arg17[%iota3A, %broadcast_in_dim3A_148], %add3A_151 : memref<16x128xf32, #tpu.memory_space<vmem>>[vector<16xi32>, vector<16xi32>], vector<16xf32>,
          %broadcast_in_dim3A_152 = arith.constant 6 : i32
          %broadcast_in_dim3A_153 = vector.broadcast %broadcast_in_dim3A_152 : i32 to vector<16xi32>
          %gather3A_154 = tpu.vector_load_idx %arg15[%broadcast_in_dim3A_153, %and3A_120] : memref<64x256xf32, #tpu.memory_space<vmem>>[vector<16xi32>, vector<16xi32>], vector<16xf32>,
          %gather3A_155 = tpu.vector_load_idx %arg16[%broadcast_in_dim3A_153, %and3A_120] : memref<64x256xf32, #tpu.memory_space<vmem>>[vector<16xi32>, vector<16xi32>], vector<16xf32>,
          %add3A_156 = arith.addf %gather3A_154, %gather3A_155 : vector<16xf32>
          tpu.vector_store_idx %arg17[%iota3A, %broadcast_in_dim3A_153], %add3A_156 : memref<16x128xf32, #tpu.memory_space<vmem>>[vector<16xi32>, vector<16xi32>], vector<16xf32>,
          %broadcast_in_dim3A_157 = arith.constant 7 : i32
          %broadcast_in_dim3A_158 = vector.broadcast %broadcast_in_dim3A_157 : i32 to vector<16xi32>
          %gather3A_159 = tpu.vector_load_idx %arg15[%broadcast_in_dim3A_158, %and3A_120] : memref<64x256xf32, #tpu.memory_space<vmem>>[vector<16xi32>, vector<16xi32>], vector<16xf32>,
          %gather3A_160 = tpu.vector_load_idx %arg16[%broadcast_in_dim3A_158, %and3A_120] : memref<64x256xf32, #tpu.memory_space<vmem>>[vector<16xi32>, vector<16xi32>], vector<16xf32>,
          %add3A_161 = arith.addf %gather3A_159, %gather3A_160 : vector<16xf32>
          tpu.vector_store_idx %arg17[%iota3A, %broadcast_in_dim3A_158], %add3A_161 : memref<16x128xf32, #tpu.memory_space<vmem>>[vector<16xi32>, vector<16xi32>], vector<16xf32>,
          %broadcast_in_dim3A_162 = arith.constant 8 : i32
          %broadcast_in_dim3A_163 = vector.broadcast %broadcast_in_dim3A_162 : i32 to vector<16xi32>
          %gather3A_164 = tpu.vector_load_idx %arg15[%broadcast_in_dim3A_163, %and3A_120] : memref<64x256xf32, #tpu.memory_space<vmem>>[vector<16xi32>, vector<16xi32>], vector<16xf32>,
          %gather3A_165 = tpu.vector_load_idx %arg16[%broadcast_in_dim3A_163, %and3A_120] : memref<64x256xf32, #tpu.memory_space<vmem>>[vector<16xi32>, vector<16xi32>], vector<16xf32>,
          %add3A_166 = arith.addf %gather3A_164, %gather3A_165 : vector<16xf32>
          tpu.vector_store_idx %arg17[%iota3A, %broadcast_in_dim3A_163], %add3A_166 : memref<16x128xf32, #tpu.memory_space<vmem>>[vector<16xi32>, vector<16xi32>], vector<16xf32>,
          %broadcast_in_dim3A_167 = arith.constant 9 : i32
          %broadcast_in_dim3A_168 = vector.broadcast %broadcast_in_dim3A_167 : i32 to vector<16xi32>
          %gather3A_169 = tpu.vector_load_idx %arg15[%broadcast_in_dim3A_168, %and3A_120] : memref<64x256xf32, #tpu.memory_space<vmem>>[vector<16xi32>, vector<16xi32>], vector<16xf32>,
          %gather3A_170 = tpu.vector_load_idx %arg16[%broadcast_in_dim3A_168, %and3A_120] : memref<64x256xf32, #tpu.memory_space<vmem>>[vector<16xi32>, vector<16xi32>], vector<16xf32>,
          %add3A_171 = arith.addf %gather3A_169, %gather3A_170 : vector<16xf32>
          tpu.vector_store_idx %arg17[%iota3A, %broadcast_in_dim3A_168], %add3A_171 : memref<16x128xf32, #tpu.memory_space<vmem>>[vector<16xi32>, vector<16xi32>], vector<16xf32>,
          %broadcast_in_dim3A_172 = arith.constant 10 : i32
          %broadcast_in_dim3A_173 = vector.broadcast %broadcast_in_dim3A_172 : i32 to vector<16xi32>
          %gather3A_174 = tpu.vector_load_idx %arg15[%broadcast_in_dim3A_173, %and3A_120] : memref<64x256xf32, #tpu.memory_space<vmem>>[vector<16xi32>, vector<16xi32>], vector<16xf32>,
          %gather3A_175 = tpu.vector_load_idx %arg16[%broadcast_in_dim3A_173, %and3A_120] : memref<64x256xf32, #tpu.memory_space<vmem>>[vector<16xi32>, vector<16xi32>], vector<16xf32>,
          %add3A_176 = arith.addf %gather3A_174, %gather3A_175 : vector<16xf32>
          tpu.vector_store_idx %arg17[%iota3A, %broadcast_in_dim3A_173], %add3A_176 : memref<16x128xf32, #tpu.memory_space<vmem>>[vector<16xi32>, vector<16xi32>], vector<16xf32>,
          %broadcast_in_dim3A_177 = arith.constant 11 : i32
          %broadcast_in_dim3A_178 = vector.broadcast %broadcast_in_dim3A_177 : i32 to vector<16xi32>
          %gather3A_179 = tpu.vector_load_idx %arg15[%broadcast_in_dim3A_178, %and3A_120] : memref<64x256xf32, #tpu.memory_space<vmem>>[vector<16xi32>, vector<16xi32>], vector<16xf32>,
          %gather3A_180 = tpu.vector_load_idx %arg16[%broadcast_in_dim3A_178, %and3A_120] : memref<64x256xf32, #tpu.memory_space<vmem>>[vector<16xi32>, vector<16xi32>], vector<16xf32>,
          %add3A_181 = arith.addf %gather3A_179, %gather3A_180 : vector<16xf32>
          tpu.vector_store_idx %arg17[%iota3A, %broadcast_in_dim3A_178], %add3A_181 : memref<16x128xf32, #tpu.memory_space<vmem>>[vector<16xi32>, vector<16xi32>], vector<16xf32>,
          %broadcast_in_dim3A_182 = arith.constant 12 : i32
          %broadcast_in_dim3A_183 = vector.broadcast %broadcast_in_dim3A_182 : i32 to vector<16xi32>
          %gather3A_184 = tpu.vector_load_idx %arg15[%broadcast_in_dim3A_183, %and3A_120] : memref<64x256xf32, #tpu.memory_space<vmem>>[vector<16xi32>, vector<16xi32>], vector<16xf32>,
          %gather3A_185 = tpu.vector_load_idx %arg16[%broadcast_in_dim3A_183, %and3A_120] : memref<64x256xf32, #tpu.memory_space<vmem>>[vector<16xi32>, vector<16xi32>], vector<16xf32>,
          %add3A_186 = arith.addf %gather3A_184, %gather3A_185 : vector<16xf32>
          tpu.vector_store_idx %arg17[%iota3A, %broadcast_in_dim3A_183], %add3A_186 : memref<16x128xf32, #tpu.memory_space<vmem>>[vector<16xi32>, vector<16xi32>], vector<16xf32>,
          %broadcast_in_dim3A_187 = arith.constant 13 : i32
          %broadcast_in_dim3A_188 = vector.broadcast %broadcast_in_dim3A_187 : i32 to vector<16xi32>
          %gather3A_189 = tpu.vector_load_idx %arg15[%broadcast_in_dim3A_188, %and3A_120] : memref<64x256xf32, #tpu.memory_space<vmem>>[vector<16xi32>, vector<16xi32>], vector<16xf32>,
          %gather3A_190 = tpu.vector_load_idx %arg16[%broadcast_in_dim3A_188, %and3A_120] : memref<64x256xf32, #tpu.memory_space<vmem>>[vector<16xi32>, vector<16xi32>], vector<16xf32>,
          %add3A_191 = arith.addf %gather3A_189, %gather3A_190 : vector<16xf32>
          tpu.vector_store_idx %arg17[%iota3A, %broadcast_in_dim3A_188], %add3A_191 : memref<16x128xf32, #tpu.memory_space<vmem>>[vector<16xi32>, vector<16xi32>], vector<16xf32>,
          %broadcast_in_dim3A_192 = arith.constant 14 : i32
          %broadcast_in_dim3A_193 = vector.broadcast %broadcast_in_dim3A_192 : i32 to vector<16xi32>
          %gather3A_194 = tpu.vector_load_idx %arg15[%broadcast_in_dim3A_193, %and3A_120] : memref<64x256xf32, #tpu.memory_space<vmem>>[vector<16xi32>, vector<16xi32>], vector<16xf32>,
          %gather3A_195 = tpu.vector_load_idx %arg16[%broadcast_in_dim3A_193, %and3A_120] : memref<64x256xf32, #tpu.memory_space<vmem>>[vector<16xi32>, vector<16xi32>], vector<16xf32>,
          %add3A_196 = arith.addf %gather3A_194, %gather3A_195 : vector<16xf32>
          tpu.vector_store_idx %arg17[%iota3A, %broadcast_in_dim3A_193], %add3A_196 : memref<16x128xf32, #tpu.memory_space<vmem>>[vector<16xi32>, vector<16xi32>], vector<16xf32>,
          %broadcast_in_dim3A_197 = arith.constant 15 : i32
          %broadcast_in_dim3A_198 = vector.broadcast %broadcast_in_dim3A_197 : i32 to vector<16xi32>
          %gather3A_199 = tpu.vector_load_idx %arg15[%broadcast_in_dim3A_198, %and3A_120] : memref<64x256xf32, #tpu.memory_space<vmem>>[vector<16xi32>, vector<16xi32>], vector<16xf32>,
          %gather3A_200 = tpu.vector_load_idx %arg16[%broadcast_in_dim3A_198, %and3A_120] : memref<64x256xf32, #tpu.memory_space<vmem>>[vector<16xi32>, vector<16xi32>], vector<16xf32>,
          %add3A_201 = arith.addf %gather3A_199, %gather3A_200 : vector<16xf32>
          tpu.vector_store_idx %arg17[%iota3A, %broadcast_in_dim3A_198], %add3A_201 : memref<16x128xf32, #tpu.memory_space<vmem>>[vector<16xi32>, vector<16xi32>], vector<16xf32>,
          %broadcast_in_dim3A_202 = arith.constant 16 : i32
          %broadcast_in_dim3A_203 = vector.broadcast %broadcast_in_dim3A_202 : i32 to vector<16xi32>
          %gather3A_204 = tpu.vector_load_idx %arg15[%broadcast_in_dim3A_203, %and3A_120] : memref<64x256xf32, #tpu.memory_space<vmem>>[vector<16xi32>, vector<16xi32>], vector<16xf32>,
          %gather3A_205 = tpu.vector_load_idx %arg16[%broadcast_in_dim3A_203, %and3A_120] : memref<64x256xf32, #tpu.memory_space<vmem>>[vector<16xi32>, vector<16xi32>], vector<16xf32>,
          %add3A_206 = arith.addf %gather3A_204, %gather3A_205 : vector<16xf32>
          tpu.vector_store_idx %arg17[%iota3A, %broadcast_in_dim3A_203], %add3A_206 : memref<16x128xf32, #tpu.memory_space<vmem>>[vector<16xi32>, vector<16xi32>], vector<16xf32>,
          %broadcast_in_dim3A_207 = arith.constant 17 : i32
          %broadcast_in_dim3A_208 = vector.broadcast %broadcast_in_dim3A_207 : i32 to vector<16xi32>
          %gather3A_209 = tpu.vector_load_idx %arg15[%broadcast_in_dim3A_208, %and3A_120] : memref<64x256xf32, #tpu.memory_space<vmem>>[vector<16xi32>, vector<16xi32>], vector<16xf32>,
          %gather3A_210 = tpu.vector_load_idx %arg16[%broadcast_in_dim3A_208, %and3A_120] : memref<64x256xf32, #tpu.memory_space<vmem>>[vector<16xi32>, vector<16xi32>], vector<16xf32>,
          %add3A_211 = arith.addf %gather3A_209, %gather3A_210 : vector<16xf32>
          tpu.vector_store_idx %arg17[%iota3A, %broadcast_in_dim3A_208], %add3A_211 : memref<16x128xf32, #tpu.memory_space<vmem>>[vector<16xi32>, vector<16xi32>], vector<16xf32>,
          %broadcast_in_dim3A_212 = arith.constant 18 : i32
          %broadcast_in_dim3A_213 = vector.broadcast %broadcast_in_dim3A_212 : i32 to vector<16xi32>
          %gather3A_214 = tpu.vector_load_idx %arg15[%broadcast_in_dim3A_213, %and3A_120] : memref<64x256xf32, #tpu.memory_space<vmem>>[vector<16xi32>, vector<16xi32>], vector<16xf32>,
          %gather3A_215 = tpu.vector_load_idx %arg16[%broadcast_in_dim3A_213, %and3A_120] : memref<64x256xf32, #tpu.memory_space<vmem>>[vector<16xi32>, vector<16xi32>], vector<16xf32>,
          %add3A_216 = arith.addf %gather3A_214, %gather3A_215 : vector<16xf32>
          tpu.vector_store_idx %arg17[%iota3A, %broadcast_in_dim3A_213], %add3A_216 : memref<16x128xf32, #tpu.memory_space<vmem>>[vector<16xi32>, vector<16xi32>], vector<16xf32>,
          %broadcast_in_dim3A_217 = arith.constant 19 : i32
          %broadcast_in_dim3A_218 = vector.broadcast %broadcast_in_dim3A_217 : i32 to vector<16xi32>
          %gather3A_219 = tpu.vector_load_idx %arg15[%broadcast_in_dim3A_218, %and3A_120] : memref<64x256xf32, #tpu.memory_space<vmem>>[vector<16xi32>, vector<16xi32>], vector<16xf32>,
          %gather3A_220 = tpu.vector_load_idx %arg16[%broadcast_in_dim3A_218, %and3A_120] : memref<64x256xf32, #tpu.memory_space<vmem>>[vector<16xi32>, vector<16xi32>], vector<16xf32>,
          %add3A_221 = arith.addf %gather3A_219, %gather3A_220 : vector<16xf32>
          tpu.vector_store_idx %arg17[%iota3A, %broadcast_in_dim3A_218], %add3A_221 : memref<16x128xf32, #tpu.memory_space<vmem>>[vector<16xi32>, vector<16xi32>], vector<16xf32>,
          %broadcast_in_dim3A_222 = arith.constant 20 : i32
          %broadcast_in_dim3A_223 = vector.broadcast %broadcast_in_dim3A_222 : i32 to vector<16xi32>
          %gather3A_224 = tpu.vector_load_idx %arg15[%broadcast_in_dim3A_223, %and3A_120] : memref<64x256xf32, #tpu.memory_space<vmem>>[vector<16xi32>, vector<16xi32>], vector<16xf32>,
          %gather3A_225 = tpu.vector_load_idx %arg16[%broadcast_in_dim3A_223, %and3A_120] : memref<64x256xf32, #tpu.memory_space<vmem>>[vector<16xi32>, vector<16xi32>], vector<16xf32>,
          %add3A_226 = arith.addf %gather3A_224, %gather3A_225 : vector<16xf32>
          tpu.vector_store_idx %arg17[%iota3A, %broadcast_in_dim3A_223], %add3A_226 : memref<16x128xf32, #tpu.memory_space<vmem>>[vector<16xi32>, vector<16xi32>], vector<16xf32>,
          %broadcast_in_dim3A_227 = arith.constant 21 : i32
          %broadcast_in_dim3A_228 = vector.broadcast %broadcast_in_dim3A_227 : i32 to vector<16xi32>
          %gather3A_229 = tpu.vector_load_idx %arg15[%broadcast_in_dim3A_228, %and3A_120] : memref<64x256xf32, #tpu.memory_space<vmem>>[vector<16xi32>, vector<16xi32>], vector<16xf32>,
          %gather3A_230 = tpu.vector_load_idx %arg16[%broadcast_in_dim3A_228, %and3A_120] : memref<64x256xf32, #tpu.memory_space<vmem>>[vector<16xi32>, vector<16xi32>], vector<16xf32>,
          %add3A_231 = arith.addf %gather3A_229, %gather3A_230 : vector<16xf32>
          tpu.vector_store_idx %arg17[%iota3A, %broadcast_in_dim3A_228], %add3A_231 : memref<16x128xf32, #tpu.memory_space<vmem>>[vector<16xi32>, vector<16xi32>], vector<16xf32>,
          %broadcast_in_dim3A_232 = arith.constant 22 : i32
          %broadcast_in_dim3A_233 = vector.broadcast %broadcast_in_dim3A_232 : i32 to vector<16xi32>
          %gather3A_234 = tpu.vector_load_idx %arg15[%broadcast_in_dim3A_233, %and3A_120] : memref<64x256xf32, #tpu.memory_space<vmem>>[vector<16xi32>, vector<16xi32>], vector<16xf32>,
          %gather3A_235 = tpu.vector_load_idx %arg16[%broadcast_in_dim3A_233, %and3A_120] : memref<64x256xf32, #tpu.memory_space<vmem>>[vector<16xi32>, vector<16xi32>], vector<16xf32>,
          %add3A_236 = arith.addf %gather3A_234, %gather3A_235 : vector<16xf32>
          tpu.vector_store_idx %arg17[%iota3A, %broadcast_in_dim3A_233], %add3A_236 : memref<16x128xf32, #tpu.memory_space<vmem>>[vector<16xi32>, vector<16xi32>], vector<16xf32>,
          %broadcast_in_dim3A_237 = arith.constant 23 : i32
          %broadcast_in_dim3A_238 = vector.broadcast %broadcast_in_dim3A_237 : i32 to vector<16xi32>
          %gather3A_239 = tpu.vector_load_idx %arg15[%broadcast_in_dim3A_238, %and3A_120] : memref<64x256xf32, #tpu.memory_space<vmem>>[vector<16xi32>, vector<16xi32>], vector<16xf32>,
          %gather3A_240 = tpu.vector_load_idx %arg16[%broadcast_in_dim3A_238, %and3A_120] : memref<64x256xf32, #tpu.memory_space<vmem>>[vector<16xi32>, vector<16xi32>], vector<16xf32>,
          %add3A_241 = arith.addf %gather3A_239, %gather3A_240 : vector<16xf32>
          tpu.vector_store_idx %arg17[%iota3A, %broadcast_in_dim3A_238], %add3A_241 : memref<16x128xf32, #tpu.memory_space<vmem>>[vector<16xi32>, vector<16xi32>], vector<16xf32>,
          %broadcast_in_dim3A_242 = arith.constant 24 : i32
          %broadcast_in_dim3A_243 = vector.broadcast %broadcast_in_dim3A_242 : i32 to vector<16xi32>
          %gather3A_244 = tpu.vector_load_idx %arg15[%broadcast_in_dim3A_243, %and3A_120] : memref<64x256xf32, #tpu.memory_space<vmem>>[vector<16xi32>, vector<16xi32>], vector<16xf32>,
          %gather3A_245 = tpu.vector_load_idx %arg16[%broadcast_in_dim3A_243, %and3A_120] : memref<64x256xf32, #tpu.memory_space<vmem>>[vector<16xi32>, vector<16xi32>], vector<16xf32>,
          %add3A_246 = arith.addf %gather3A_244, %gather3A_245 : vector<16xf32>
          tpu.vector_store_idx %arg17[%iota3A, %broadcast_in_dim3A_243], %add3A_246 : memref<16x128xf32, #tpu.memory_space<vmem>>[vector<16xi32>, vector<16xi32>], vector<16xf32>,
          %broadcast_in_dim3A_247 = arith.constant 25 : i32
          %broadcast_in_dim3A_248 = vector.broadcast %broadcast_in_dim3A_247 : i32 to vector<16xi32>
          %gather3A_249 = tpu.vector_load_idx %arg15[%broadcast_in_dim3A_248, %and3A_120] : memref<64x256xf32, #tpu.memory_space<vmem>>[vector<16xi32>, vector<16xi32>], vector<16xf32>,
          %gather3A_250 = tpu.vector_load_idx %arg16[%broadcast_in_dim3A_248, %and3A_120] : memref<64x256xf32, #tpu.memory_space<vmem>>[vector<16xi32>, vector<16xi32>], vector<16xf32>,
          %add3A_251 = arith.addf %gather3A_249, %gather3A_250 : vector<16xf32>
          tpu.vector_store_idx %arg17[%iota3A, %broadcast_in_dim3A_248], %add3A_251 : memref<16x128xf32, #tpu.memory_space<vmem>>[vector<16xi32>, vector<16xi32>], vector<16xf32>,
          %broadcast_in_dim3A_252 = arith.constant 26 : i32
          %broadcast_in_dim3A_253 = vector.broadcast %broadcast_in_dim3A_252 : i32 to vector<16xi32>
          %gather3A_254 = tpu.vector_load_idx %arg15[%broadcast_in_dim3A_253, %and3A_120] : memref<64x256xf32, #tpu.memory_space<vmem>>[vector<16xi32>, vector<16xi32>], vector<16xf32>,
          %gather3A_255 = tpu.vector_load_idx %arg16[%broadcast_in_dim3A_253, %and3A_120] : memref<64x256xf32, #tpu.memory_space<vmem>>[vector<16xi32>, vector<16xi32>], vector<16xf32>,
          %add3A_256 = arith.addf %gather3A_254, %gather3A_255 : vector<16xf32>
          tpu.vector_store_idx %arg17[%iota3A, %broadcast_in_dim3A_253], %add3A_256 : memref<16x128xf32, #tpu.memory_space<vmem>>[vector<16xi32>, vector<16xi32>], vector<16xf32>,
          %broadcast_in_dim3A_257 = arith.constant 27 : i32
          %broadcast_in_dim3A_258 = vector.broadcast %broadcast_in_dim3A_257 : i32 to vector<16xi32>
          %gather3A_259 = tpu.vector_load_idx %arg15[%broadcast_in_dim3A_258, %and3A_120] : memref<64x256xf32, #tpu.memory_space<vmem>>[vector<16xi32>, vector<16xi32>], vector<16xf32>,
          %gather3A_260 = tpu.vector_load_idx %arg16[%broadcast_in_dim3A_258, %and3A_120] : memref<64x256xf32, #tpu.memory_space<vmem>>[vector<16xi32>, vector<16xi32>], vector<16xf32>,
          %add3A_261 = arith.addf %gather3A_259, %gather3A_260 : vector<16xf32>
          tpu.vector_store_idx %arg17[%iota3A, %broadcast_in_dim3A_258], %add3A_261 : memref<16x128xf32, #tpu.memory_space<vmem>>[vector<16xi32>, vector<16xi32>], vector<16xf32>,
          %broadcast_in_dim3A_262 = arith.constant 28 : i32
          %broadcast_in_dim3A_263 = vector.broadcast %broadcast_in_dim3A_262 : i32 to vector<16xi32>
          %gather3A_264 = tpu.vector_load_idx %arg15[%broadcast_in_dim3A_263, %and3A_120] : memref<64x256xf32, #tpu.memory_space<vmem>>[vector<16xi32>, vector<16xi32>], vector<16xf32>,
          %gather3A_265 = tpu.vector_load_idx %arg16[%broadcast_in_dim3A_263, %and3A_120] : memref<64x256xf32, #tpu.memory_space<vmem>>[vector<16xi32>, vector<16xi32>], vector<16xf32>,
          %add3A_266 = arith.addf %gather3A_264, %gather3A_265 : vector<16xf32>
          tpu.vector_store_idx %arg17[%iota3A, %broadcast_in_dim3A_263], %add3A_266 : memref<16x128xf32, #tpu.memory_space<vmem>>[vector<16xi32>, vector<16xi32>], vector<16xf32>,
          %broadcast_in_dim3A_267 = arith.constant 29 : i32
          %broadcast_in_dim3A_268 = vector.broadcast %broadcast_in_dim3A_267 : i32 to vector<16xi32>
          %gather3A_269 = tpu.vector_load_idx %arg15[%broadcast_in_dim3A_268, %and3A_120] : memref<64x256xf32, #tpu.memory_space<vmem>>[vector<16xi32>, vector<16xi32>], vector<16xf32>,
          %gather3A_270 = tpu.vector_load_idx %arg16[%broadcast_in_dim3A_268, %and3A_120] : memref<64x256xf32, #tpu.memory_space<vmem>>[vector<16xi32>, vector<16xi32>], vector<16xf32>,
          %add3A_271 = arith.addf %gather3A_269, %gather3A_270 : vector<16xf32>
          tpu.vector_store_idx %arg17[%iota3A, %broadcast_in_dim3A_268], %add3A_271 : memref<16x128xf32, #tpu.memory_space<vmem>>[vector<16xi32>, vector<16xi32>], vector<16xf32>,
          %broadcast_in_dim3A_272 = arith.constant 30 : i32
          %broadcast_in_dim3A_273 = vector.broadcast %broadcast_in_dim3A_272 : i32 to vector<16xi32>
          %gather3A_274 = tpu.vector_load_idx %arg15[%broadcast_in_dim3A_273, %and3A_120] : memref<64x256xf32, #tpu.memory_space<vmem>>[vector<16xi32>, vector<16xi32>], vector<16xf32>,
          %gather3A_275 = tpu.vector_load_idx %arg16[%broadcast_in_dim3A_273, %and3A_120] : memref<64x256xf32, #tpu.memory_space<vmem>>[vector<16xi32>, vector<16xi32>], vector<16xf32>,
          %add3A_276 = arith.addf %gather3A_274, %gather3A_275 : vector<16xf32>
          tpu.vector_store_idx %arg17[%iota3A, %broadcast_in_dim3A_273], %add3A_276 : memref<16x128xf32, #tpu.memory_space<vmem>>[vector<16xi32>, vector<16xi32>], vector<16xf32>,
          %broadcast_in_dim3A_277 = arith.constant 31 : i32
          %broadcast_in_dim3A_278 = vector.broadcast %broadcast_in_dim3A_277 : i32 to vector<16xi32>
          %gather3A_279 = tpu.vector_load_idx %arg15[%broadcast_in_dim3A_278, %and3A_120] : memref<64x256xf32, #tpu.memory_space<vmem>>[vector<16xi32>, vector<16xi32>], vector<16xf32>,
          %gather3A_280 = tpu.vector_load_idx %arg16[%broadcast_in_dim3A_278, %and3A_120] : memref<64x256xf32, #tpu.memory_space<vmem>>[vector<16xi32>, vector<16xi32>], vector<16xf32>,
          %add3A_281 = arith.addf %gather3A_279, %gather3A_280 : vector<16xf32>
          tpu.vector_store_idx %arg17[%iota3A, %broadcast_in_dim3A_278], %add3A_281 : memref<16x128xf32, #tpu.memory_space<vmem>>[vector<16xi32>, vector<16xi32>], vector<16xf32>,
          %broadcast_in_dim3A_282 = arith.constant 32 : i32
          %broadcast_in_dim3A_283 = vector.broadcast %broadcast_in_dim3A_282 : i32 to vector<16xi32>
          %gather3A_284 = tpu.vector_load_idx %arg15[%broadcast_in_dim3A_283, %and3A_120] : memref<64x256xf32, #tpu.memory_space<vmem>>[vector<16xi32>, vector<16xi32>], vector<16xf32>,
          %gather3A_285 = tpu.vector_load_idx %arg16[%broadcast_in_dim3A_283, %and3A_120] : memref<64x256xf32, #tpu.memory_space<vmem>>[vector<16xi32>, vector<16xi32>], vector<16xf32>,
          %add3A_286 = arith.addf %gather3A_284, %gather3A_285 : vector<16xf32>
          tpu.vector_store_idx %arg17[%iota3A, %broadcast_in_dim3A_283], %add3A_286 : memref<16x128xf32, #tpu.memory_space<vmem>>[vector<16xi32>, vector<16xi32>], vector<16xf32>,
          %broadcast_in_dim3A_287 = arith.constant 33 : i32
          %broadcast_in_dim3A_288 = vector.broadcast %broadcast_in_dim3A_287 : i32 to vector<16xi32>
          %gather3A_289 = tpu.vector_load_idx %arg15[%broadcast_in_dim3A_288, %and3A_120] : memref<64x256xf32, #tpu.memory_space<vmem>>[vector<16xi32>, vector<16xi32>], vector<16xf32>,
          %gather3A_290 = tpu.vector_load_idx %arg16[%broadcast_in_dim3A_288, %and3A_120] : memref<64x256xf32, #tpu.memory_space<vmem>>[vector<16xi32>, vector<16xi32>], vector<16xf32>,
          %add3A_291 = arith.addf %gather3A_289, %gather3A_290 : vector<16xf32>
          tpu.vector_store_idx %arg17[%iota3A, %broadcast_in_dim3A_288], %add3A_291 : memref<16x128xf32, #tpu.memory_space<vmem>>[vector<16xi32>, vector<16xi32>], vector<16xf32>,
          %broadcast_in_dim3A_292 = arith.constant 34 : i32
          %broadcast_in_dim3A_293 = vector.broadcast %broadcast_in_dim3A_292 : i32 to vector<16xi32>
          %gather3A_294 = tpu.vector_load_idx %arg15[%broadcast_in_dim3A_293, %and3A_120] : memref<64x256xf32, #tpu.memory_space<vmem>>[vector<16xi32>, vector<16xi32>], vector<16xf32>,
          %gather3A_295 = tpu.vector_load_idx %arg16[%broadcast_in_dim3A_293, %and3A_120] : memref<64x256xf32, #tpu.memory_space<vmem>>[vector<16xi32>, vector<16xi32>], vector<16xf32>,
          %add3A_296 = arith.addf %gather3A_294, %gather3A_295 : vector<16xf32>
          tpu.vector_store_idx %arg17[%iota3A, %broadcast_in_dim3A_293], %add3A_296 : memref<16x128xf32, #tpu.memory_space<vmem>>[vector<16xi32>, vector<16xi32>], vector<16xf32>,
          %broadcast_in_dim3A_297 = arith.constant 35 : i32
          %broadcast_in_dim3A_298 = vector.broadcast %broadcast_in_dim3A_297 : i32 to vector<16xi32>
          %gather3A_299 = tpu.vector_load_idx %arg15[%broadcast_in_dim3A_298, %and3A_120] : memref<64x256xf32, #tpu.memory_space<vmem>>[vector<16xi32>, vector<16xi32>], vector<16xf32>,
          %gather3A_300 = tpu.vector_load_idx %arg16[%broadcast_in_dim3A_298, %and3A_120] : memref<64x256xf32, #tpu.memory_space<vmem>>[vector<16xi32>, vector<16xi32>], vector<16xf32>,
          %add3A_301 = arith.addf %gather3A_299, %gather3A_300 : vector<16xf32>
          tpu.vector_store_idx %arg17[%iota3A, %broadcast_in_dim3A_298], %add3A_301 : memref<16x128xf32, #tpu.memory_space<vmem>>[vector<16xi32>, vector<16xi32>], vector<16xf32>,
          %broadcast_in_dim3A_302 = arith.constant 36 : i32
          %broadcast_in_dim3A_303 = vector.broadcast %broadcast_in_dim3A_302 : i32 to vector<16xi32>
          %gather3A_304 = tpu.vector_load_idx %arg15[%broadcast_in_dim3A_303, %and3A_120] : memref<64x256xf32, #tpu.memory_space<vmem>>[vector<16xi32>, vector<16xi32>], vector<16xf32>,
          %gather3A_305 = tpu.vector_load_idx %arg16[%broadcast_in_dim3A_303, %and3A_120] : memref<64x256xf32, #tpu.memory_space<vmem>>[vector<16xi32>, vector<16xi32>], vector<16xf32>,
          %add3A_306 = arith.addf %gather3A_304, %gather3A_305 : vector<16xf32>
          tpu.vector_store_idx %arg17[%iota3A, %broadcast_in_dim3A_303], %add3A_306 : memref<16x128xf32, #tpu.memory_space<vmem>>[vector<16xi32>, vector<16xi32>], vector<16xf32>,
          %broadcast_in_dim3A_307 = arith.constant 37 : i32
          %broadcast_in_dim3A_308 = vector.broadcast %broadcast_in_dim3A_307 : i32 to vector<16xi32>
          %gather3A_309 = tpu.vector_load_idx %arg15[%broadcast_in_dim3A_308, %and3A_120] : memref<64x256xf32, #tpu.memory_space<vmem>>[vector<16xi32>, vector<16xi32>], vector<16xf32>,
          %gather3A_310 = tpu.vector_load_idx %arg16[%broadcast_in_dim3A_308, %and3A_120] : memref<64x256xf32, #tpu.memory_space<vmem>>[vector<16xi32>, vector<16xi32>], vector<16xf32>,
          %add3A_311 = arith.addf %gather3A_309, %gather3A_310 : vector<16xf32>
          tpu.vector_store_idx %arg17[%iota3A, %broadcast_in_dim3A_308], %add3A_311 : memref<16x128xf32, #tpu.memory_space<vmem>>[vector<16xi32>, vector<16xi32>], vector<16xf32>,
          %broadcast_in_dim3A_312 = arith.constant 38 : i32
          %broadcast_in_dim3A_313 = vector.broadcast %broadcast_in_dim3A_312 : i32 to vector<16xi32>
          %gather3A_314 = tpu.vector_load_idx %arg15[%broadcast_in_dim3A_313, %and3A_120] : memref<64x256xf32, #tpu.memory_space<vmem>>[vector<16xi32>, vector<16xi32>], vector<16xf32>,
          %gather3A_315 = tpu.vector_load_idx %arg16[%broadcast_in_dim3A_313, %and3A_120] : memref<64x256xf32, #tpu.memory_space<vmem>>[vector<16xi32>, vector<16xi32>], vector<16xf32>,
          %add3A_316 = arith.addf %gather3A_314, %gather3A_315 : vector<16xf32>
          tpu.vector_store_idx %arg17[%iota3A, %broadcast_in_dim3A_313], %add3A_316 : memref<16x128xf32, #tpu.memory_space<vmem>>[vector<16xi32>, vector<16xi32>], vector<16xf32>,
          %broadcast_in_dim3A_317 = arith.constant 39 : i32
          %broadcast_in_dim3A_318 = vector.broadcast %broadcast_in_dim3A_317 : i32 to vector<16xi32>
          %gather3A_319 = tpu.vector_load_idx %arg15[%broadcast_in_dim3A_318, %and3A_120] : memref<64x256xf32, #tpu.memory_space<vmem>>[vector<16xi32>, vector<16xi32>], vector<16xf32>,
          %gather3A_320 = tpu.vector_load_idx %arg16[%broadcast_in_dim3A_318, %and3A_120] : memref<64x256xf32, #tpu.memory_space<vmem>>[vector<16xi32>, vector<16xi32>], vector<16xf32>,
          %add3A_321 = arith.addf %gather3A_319, %gather3A_320 : vector<16xf32>
          tpu.vector_store_idx %arg17[%iota3A, %broadcast_in_dim3A_318], %add3A_321 : memref<16x128xf32, #tpu.memory_space<vmem>>[vector<16xi32>, vector<16xi32>], vector<16xf32>,
          %broadcast_in_dim3A_322 = arith.constant 40 : i32
          %broadcast_in_dim3A_323 = vector.broadcast %broadcast_in_dim3A_322 : i32 to vector<16xi32>
          %gather3A_324 = tpu.vector_load_idx %arg15[%broadcast_in_dim3A_323, %and3A_120] : memref<64x256xf32, #tpu.memory_space<vmem>>[vector<16xi32>, vector<16xi32>], vector<16xf32>,
          %gather3A_325 = tpu.vector_load_idx %arg16[%broadcast_in_dim3A_323, %and3A_120] : memref<64x256xf32, #tpu.memory_space<vmem>>[vector<16xi32>, vector<16xi32>], vector<16xf32>,
          %add3A_326 = arith.addf %gather3A_324, %gather3A_325 : vector<16xf32>
          tpu.vector_store_idx %arg17[%iota3A, %broadcast_in_dim3A_323], %add3A_326 : memref<16x128xf32, #tpu.memory_space<vmem>>[vector<16xi32>, vector<16xi32>], vector<16xf32>,
          %broadcast_in_dim3A_327 = arith.constant 41 : i32
          %broadcast_in_dim3A_328 = vector.broadcast %broadcast_in_dim3A_327 : i32 to vector<16xi32>
          %gather3A_329 = tpu.vector_load_idx %arg15[%broadcast_in_dim3A_328, %and3A_120] : memref<64x256xf32, #tpu.memory_space<vmem>>[vector<16xi32>, vector<16xi32>], vector<16xf32>,
          %gather3A_330 = tpu.vector_load_idx %arg16[%broadcast_in_dim3A_328, %and3A_120] : memref<64x256xf32, #tpu.memory_space<vmem>>[vector<16xi32>, vector<16xi32>], vector<16xf32>,
          %add3A_331 = arith.addf %gather3A_329, %gather3A_330 : vector<16xf32>
          tpu.vector_store_idx %arg17[%iota3A, %broadcast_in_dim3A_328], %add3A_331 : memref<16x128xf32, #tpu.memory_space<vmem>>[vector<16xi32>, vector<16xi32>], vector<16xf32>,
          %broadcast_in_dim3A_332 = arith.constant 42 : i32
          %broadcast_in_dim3A_333 = vector.broadcast %broadcast_in_dim3A_332 : i32 to vector<16xi32>
          %gather3A_334 = tpu.vector_load_idx %arg15[%broadcast_in_dim3A_333, %and3A_120] : memref<64x256xf32, #tpu.memory_space<vmem>>[vector<16xi32>, vector<16xi32>], vector<16xf32>,
          %gather3A_335 = tpu.vector_load_idx %arg16[%broadcast_in_dim3A_333, %and3A_120] : memref<64x256xf32, #tpu.memory_space<vmem>>[vector<16xi32>, vector<16xi32>], vector<16xf32>,
          %add3A_336 = arith.addf %gather3A_334, %gather3A_335 : vector<16xf32>
          tpu.vector_store_idx %arg17[%iota3A, %broadcast_in_dim3A_333], %add3A_336 : memref<16x128xf32, #tpu.memory_space<vmem>>[vector<16xi32>, vector<16xi32>], vector<16xf32>,
          %broadcast_in_dim3A_337 = arith.constant 43 : i32
          %broadcast_in_dim3A_338 = vector.broadcast %broadcast_in_dim3A_337 : i32 to vector<16xi32>
          %gather3A_339 = tpu.vector_load_idx %arg15[%broadcast_in_dim3A_338, %and3A_120] : memref<64x256xf32, #tpu.memory_space<vmem>>[vector<16xi32>, vector<16xi32>], vector<16xf32>,
          %gather3A_340 = tpu.vector_load_idx %arg16[%broadcast_in_dim3A_338, %and3A_120] : memref<64x256xf32, #tpu.memory_space<vmem>>[vector<16xi32>, vector<16xi32>], vector<16xf32>,
          %add3A_341 = arith.addf %gather3A_339, %gather3A_340 : vector<16xf32>
          tpu.vector_store_idx %arg17[%iota3A, %broadcast_in_dim3A_338], %add3A_341 : memref<16x128xf32, #tpu.memory_space<vmem>>[vector<16xi32>, vector<16xi32>], vector<16xf32>,
          %broadcast_in_dim3A_342 = arith.constant 44 : i32
          %broadcast_in_dim3A_343 = vector.broadcast %broadcast_in_dim3A_342 : i32 to vector<16xi32>
          %gather3A_344 = tpu.vector_load_idx %arg15[%broadcast_in_dim3A_343, %and3A_120] : memref<64x256xf32, #tpu.memory_space<vmem>>[vector<16xi32>, vector<16xi32>], vector<16xf32>,
          %gather3A_345 = tpu.vector_load_idx %arg16[%broadcast_in_dim3A_343, %and3A_120] : memref<64x256xf32, #tpu.memory_space<vmem>>[vector<16xi32>, vector<16xi32>], vector<16xf32>,
          %add3A_346 = arith.addf %gather3A_344, %gather3A_345 : vector<16xf32>
          tpu.vector_store_idx %arg17[%iota3A, %broadcast_in_dim3A_343], %add3A_346 : memref<16x128xf32, #tpu.memory_space<vmem>>[vector<16xi32>, vector<16xi32>], vector<16xf32>,
          %broadcast_in_dim3A_347 = arith.constant 45 : i32
          %broadcast_in_dim3A_348 = vector.broadcast %broadcast_in_dim3A_347 : i32 to vector<16xi32>
          %gather3A_349 = tpu.vector_load_idx %arg15[%broadcast_in_dim3A_348, %and3A_120] : memref<64x256xf32, #tpu.memory_space<vmem>>[vector<16xi32>, vector<16xi32>], vector<16xf32>,
          %gather3A_350 = tpu.vector_load_idx %arg16[%broadcast_in_dim3A_348, %and3A_120] : memref<64x256xf32, #tpu.memory_space<vmem>>[vector<16xi32>, vector<16xi32>], vector<16xf32>,
          %add3A_351 = arith.addf %gather3A_349, %gather3A_350 : vector<16xf32>
          tpu.vector_store_idx %arg17[%iota3A, %broadcast_in_dim3A_348], %add3A_351 : memref<16x128xf32, #tpu.memory_space<vmem>>[vector<16xi32>, vector<16xi32>], vector<16xf32>,
          %broadcast_in_dim3A_352 = arith.constant 46 : i32
          %broadcast_in_dim3A_353 = vector.broadcast %broadcast_in_dim3A_352 : i32 to vector<16xi32>
          %gather3A_354 = tpu.vector_load_idx %arg15[%broadcast_in_dim3A_353, %and3A_120] : memref<64x256xf32, #tpu.memory_space<vmem>>[vector<16xi32>, vector<16xi32>], vector<16xf32>,
          %gather3A_355 = tpu.vector_load_idx %arg16[%broadcast_in_dim3A_353, %and3A_120] : memref<64x256xf32, #tpu.memory_space<vmem>>[vector<16xi32>, vector<16xi32>], vector<16xf32>,
          %add3A_356 = arith.addf %gather3A_354, %gather3A_355 : vector<16xf32>
          tpu.vector_store_idx %arg17[%iota3A, %broadcast_in_dim3A_353], %add3A_356 : memref<16x128xf32, #tpu.memory_space<vmem>>[vector<16xi32>, vector<16xi32>], vector<16xf32>,
          %broadcast_in_dim3A_357 = arith.constant 47 : i32
          %broadcast_in_dim3A_358 = vector.broadcast %broadcast_in_dim3A_357 : i32 to vector<16xi32>
          %gather3A_359 = tpu.vector_load_idx %arg15[%broadcast_in_dim3A_358, %and3A_120] : memref<64x256xf32, #tpu.memory_space<vmem>>[vector<16xi32>, vector<16xi32>], vector<16xf32>,
          %gather3A_360 = tpu.vector_load_idx %arg16[%broadcast_in_dim3A_358, %and3A_120] : memref<64x256xf32, #tpu.memory_space<vmem>>[vector<16xi32>, vector<16xi32>], vector<16xf32>,
          %add3A_361 = arith.addf %gather3A_359, %gather3A_360 : vector<16xf32>
          tpu.vector_store_idx %arg17[%iota3A, %broadcast_in_dim3A_358], %add3A_361 : memref<16x128xf32, #tpu.memory_space<vmem>>[vector<16xi32>, vector<16xi32>], vector<16xf32>,
          %broadcast_in_dim3A_362 = arith.constant 48 : i32
          %broadcast_in_dim3A_363 = vector.broadcast %broadcast_in_dim3A_362 : i32 to vector<16xi32>
          %gather3A_364 = tpu.vector_load_idx %arg15[%broadcast_in_dim3A_363, %and3A_120] : memref<64x256xf32, #tpu.memory_space<vmem>>[vector<16xi32>, vector<16xi32>], vector<16xf32>,
          %gather3A_365 = tpu.vector_load_idx %arg16[%broadcast_in_dim3A_363, %and3A_120] : memref<64x256xf32, #tpu.memory_space<vmem>>[vector<16xi32>, vector<16xi32>], vector<16xf32>,
          %add3A_366 = arith.addf %gather3A_364, %gather3A_365 : vector<16xf32>
          tpu.vector_store_idx %arg17[%iota3A, %broadcast_in_dim3A_363], %add3A_366 : memref<16x128xf32, #tpu.memory_space<vmem>>[vector<16xi32>, vector<16xi32>], vector<16xf32>,
          %broadcast_in_dim3A_367 = arith.constant 49 : i32
          %broadcast_in_dim3A_368 = vector.broadcast %broadcast_in_dim3A_367 : i32 to vector<16xi32>
          %gather3A_369 = tpu.vector_load_idx %arg15[%broadcast_in_dim3A_368, %and3A_120] : memref<64x256xf32, #tpu.memory_space<vmem>>[vector<16xi32>, vector<16xi32>], vector<16xf32>,
          %gather3A_370 = tpu.vector_load_idx %arg16[%broadcast_in_dim3A_368, %and3A_120] : memref<64x256xf32, #tpu.memory_space<vmem>>[vector<16xi32>, vector<16xi32>], vector<16xf32>,
          %add3A_371 = arith.addf %gather3A_369, %gather3A_370 : vector<16xf32>
          tpu.vector_store_idx %arg17[%iota3A, %broadcast_in_dim3A_368], %add3A_371 : memref<16x128xf32, #tpu.memory_space<vmem>>[vector<16xi32>, vector<16xi32>], vector<16xf32>,
          %broadcast_in_dim3A_372 = arith.constant 50 : i32
          %broadcast_in_dim3A_373 = vector.broadcast %broadcast_in_dim3A_372 : i32 to vector<16xi32>
          %gather3A_374 = tpu.vector_load_idx %arg15[%broadcast_in_dim3A_373, %and3A_120] : memref<64x256xf32, #tpu.memory_space<vmem>>[vector<16xi32>, vector<16xi32>], vector<16xf32>,
          %gather3A_375 = tpu.vector_load_idx %arg16[%broadcast_in_dim3A_373, %and3A_120] : memref<64x256xf32, #tpu.memory_space<vmem>>[vector<16xi32>, vector<16xi32>], vector<16xf32>,
          %add3A_376 = arith.addf %gather3A_374, %gather3A_375 : vector<16xf32>
          tpu.vector_store_idx %arg17[%iota3A, %broadcast_in_dim3A_373], %add3A_376 : memref<16x128xf32, #tpu.memory_space<vmem>>[vector<16xi32>, vector<16xi32>], vector<16xf32>,
          %broadcast_in_dim3A_377 = arith.constant 51 : i32
          %broadcast_in_dim3A_378 = vector.broadcast %broadcast_in_dim3A_377 : i32 to vector<16xi32>
          %gather3A_379 = tpu.vector_load_idx %arg15[%broadcast_in_dim3A_378, %and3A_120] : memref<64x256xf32, #tpu.memory_space<vmem>>[vector<16xi32>, vector<16xi32>], vector<16xf32>,
          %gather3A_380 = tpu.vector_load_idx %arg16[%broadcast_in_dim3A_378, %and3A_120] : memref<64x256xf32, #tpu.memory_space<vmem>>[vector<16xi32>, vector<16xi32>], vector<16xf32>,
          %add3A_381 = arith.addf %gather3A_379, %gather3A_380 : vector<16xf32>
          tpu.vector_store_idx %arg17[%iota3A, %broadcast_in_dim3A_378], %add3A_381 : memref<16x128xf32, #tpu.memory_space<vmem>>[vector<16xi32>, vector<16xi32>], vector<16xf32>,
          %broadcast_in_dim3A_382 = arith.constant 52 : i32
          %broadcast_in_dim3A_383 = vector.broadcast %broadcast_in_dim3A_382 : i32 to vector<16xi32>
          %gather3A_384 = tpu.vector_load_idx %arg15[%broadcast_in_dim3A_383, %and3A_120] : memref<64x256xf32, #tpu.memory_space<vmem>>[vector<16xi32>, vector<16xi32>], vector<16xf32>,
          %gather3A_385 = tpu.vector_load_idx %arg16[%broadcast_in_dim3A_383, %and3A_120] : memref<64x256xf32, #tpu.memory_space<vmem>>[vector<16xi32>, vector<16xi32>], vector<16xf32>,
          %add3A_386 = arith.addf %gather3A_384, %gather3A_385 : vector<16xf32>
          tpu.vector_store_idx %arg17[%iota3A, %broadcast_in_dim3A_383], %add3A_386 : memref<16x128xf32, #tpu.memory_space<vmem>>[vector<16xi32>, vector<16xi32>], vector<16xf32>,
          %broadcast_in_dim3A_387 = arith.constant 53 : i32
          %broadcast_in_dim3A_388 = vector.broadcast %broadcast_in_dim3A_387 : i32 to vector<16xi32>
          %gather3A_389 = tpu.vector_load_idx %arg15[%broadcast_in_dim3A_388, %and3A_120] : memref<64x256xf32, #tpu.memory_space<vmem>>[vector<16xi32>, vector<16xi32>], vector<16xf32>,
          %gather3A_390 = tpu.vector_load_idx %arg16[%broadcast_in_dim3A_388, %and3A_120] : memref<64x256xf32, #tpu.memory_space<vmem>>[vector<16xi32>, vector<16xi32>], vector<16xf32>,
          %add3A_391 = arith.addf %gather3A_389, %gather3A_390 : vector<16xf32>
          tpu.vector_store_idx %arg17[%iota3A, %broadcast_in_dim3A_388], %add3A_391 : memref<16x128xf32, #tpu.memory_space<vmem>>[vector<16xi32>, vector<16xi32>], vector<16xf32>,
          %broadcast_in_dim3A_392 = arith.constant 54 : i32
          %broadcast_in_dim3A_393 = vector.broadcast %broadcast_in_dim3A_392 : i32 to vector<16xi32>
          %gather3A_394 = tpu.vector_load_idx %arg15[%broadcast_in_dim3A_393, %and3A_120] : memref<64x256xf32, #tpu.memory_space<vmem>>[vector<16xi32>, vector<16xi32>], vector<16xf32>,
          %gather3A_395 = tpu.vector_load_idx %arg16[%broadcast_in_dim3A_393, %and3A_120] : memref<64x256xf32, #tpu.memory_space<vmem>>[vector<16xi32>, vector<16xi32>], vector<16xf32>,
          %add3A_396 = arith.addf %gather3A_394, %gather3A_395 : vector<16xf32>
          tpu.vector_store_idx %arg17[%iota3A, %broadcast_in_dim3A_393], %add3A_396 : memref<16x128xf32, #tpu.memory_space<vmem>>[vector<16xi32>, vector<16xi32>], vector<16xf32>,
          %broadcast_in_dim3A_397 = arith.constant 55 : i32
          %broadcast_in_dim3A_398 = vector.broadcast %broadcast_in_dim3A_397 : i32 to vector<16xi32>
          %gather3A_399 = tpu.vector_load_idx %arg15[%broadcast_in_dim3A_398, %and3A_120] : memref<64x256xf32, #tpu.memory_space<vmem>>[vector<16xi32>, vector<16xi32>], vector<16xf32>,
          %gather3A_400 = tpu.vector_load_idx %arg16[%broadcast_in_dim3A_398, %and3A_120] : memref<64x256xf32, #tpu.memory_space<vmem>>[vector<16xi32>, vector<16xi32>], vector<16xf32>,
          %add3A_401 = arith.addf %gather3A_399, %gather3A_400 : vector<16xf32>
          tpu.vector_store_idx %arg17[%iota3A, %broadcast_in_dim3A_398], %add3A_401 : memref<16x128xf32, #tpu.memory_space<vmem>>[vector<16xi32>, vector<16xi32>], vector<16xf32>,
          %broadcast_in_dim3A_402 = arith.constant 56 : i32
          %broadcast_in_dim3A_403 = vector.broadcast %broadcast_in_dim3A_402 : i32 to vector<16xi32>
          %gather3A_404 = tpu.vector_load_idx %arg15[%broadcast_in_dim3A_403, %and3A_120] : memref<64x256xf32, #tpu.memory_space<vmem>>[vector<16xi32>, vector<16xi32>], vector<16xf32>,
          %gather3A_405 = tpu.vector_load_idx %arg16[%broadcast_in_dim3A_403, %and3A_120] : memref<64x256xf32, #tpu.memory_space<vmem>>[vector<16xi32>, vector<16xi32>], vector<16xf32>,
          %add3A_406 = arith.addf %gather3A_404, %gather3A_405 : vector<16xf32>
          tpu.vector_store_idx %arg17[%iota3A, %broadcast_in_dim3A_403], %add3A_406 : memref<16x128xf32, #tpu.memory_space<vmem>>[vector<16xi32>, vector<16xi32>], vector<16xf32>,
          %broadcast_in_dim3A_407 = arith.constant 57 : i32
          %broadcast_in_dim3A_408 = vector.broadcast %broadcast_in_dim3A_407 : i32 to vector<16xi32>
          %gather3A_409 = tpu.vector_load_idx %arg15[%broadcast_in_dim3A_408, %and3A_120] : memref<64x256xf32, #tpu.memory_space<vmem>>[vector<16xi32>, vector<16xi32>], vector<16xf32>,
          %gather3A_410 = tpu.vector_load_idx %arg16[%broadcast_in_dim3A_408, %and3A_120] : memref<64x256xf32, #tpu.memory_space<vmem>>[vector<16xi32>, vector<16xi32>], vector<16xf32>,
          %add3A_411 = arith.addf %gather3A_409, %gather3A_410 : vector<16xf32>
          tpu.vector_store_idx %arg17[%iota3A, %broadcast_in_dim3A_408], %add3A_411 : memref<16x128xf32, #tpu.memory_space<vmem>>[vector<16xi32>, vector<16xi32>], vector<16xf32>,
          %broadcast_in_dim3A_412 = arith.constant 58 : i32
          %broadcast_in_dim3A_413 = vector.broadcast %broadcast_in_dim3A_412 : i32 to vector<16xi32>
          %gather3A_414 = tpu.vector_load_idx %arg15[%broadcast_in_dim3A_413, %and3A_120] : memref<64x256xf32, #tpu.memory_space<vmem>>[vector<16xi32>, vector<16xi32>], vector<16xf32>,
          %gather3A_415 = tpu.vector_load_idx %arg16[%broadcast_in_dim3A_413, %and3A_120] : memref<64x256xf32, #tpu.memory_space<vmem>>[vector<16xi32>, vector<16xi32>], vector<16xf32>,
          %add3A_416 = arith.addf %gather3A_414, %gather3A_415 : vector<16xf32>
          tpu.vector_store_idx %arg17[%iota3A, %broadcast_in_dim3A_413], %add3A_416 : memref<16x128xf32, #tpu.memory_space<vmem>>[vector<16xi32>, vector<16xi32>], vector<16xf32>,
          %broadcast_in_dim3A_417 = arith.constant 59 : i32
          %broadcast_in_dim3A_418 = vector.broadcast %broadcast_in_dim3A_417 : i32 to vector<16xi32>
          %gather3A_419 = tpu.vector_load_idx %arg15[%broadcast_in_dim3A_418, %and3A_120] : memref<64x256xf32, #tpu.memory_space<vmem>>[vector<16xi32>, vector<16xi32>], vector<16xf32>,
          %gather3A_420 = tpu.vector_load_idx %arg16[%broadcast_in_dim3A_418, %and3A_120] : memref<64x256xf32, #tpu.memory_space<vmem>>[vector<16xi32>, vector<16xi32>], vector<16xf32>,
          %add3A_421 = arith.addf %gather3A_419, %gather3A_420 : vector<16xf32>
          tpu.vector_store_idx %arg17[%iota3A, %broadcast_in_dim3A_418], %add3A_421 : memref<16x128xf32, #tpu.memory_space<vmem>>[vector<16xi32>, vector<16xi32>], vector<16xf32>,
          %broadcast_in_dim3A_422 = arith.constant 60 : i32
          %broadcast_in_dim3A_423 = vector.broadcast %broadcast_in_dim3A_422 : i32 to vector<16xi32>
          %gather3A_424 = tpu.vector_load_idx %arg15[%broadcast_in_dim3A_423, %and3A_120] : memref<64x256xf32, #tpu.memory_space<vmem>>[vector<16xi32>, vector<16xi32>], vector<16xf32>,
          %gather3A_425 = tpu.vector_load_idx %arg16[%broadcast_in_dim3A_423, %and3A_120] : memref<64x256xf32, #tpu.memory_space<vmem>>[vector<16xi32>, vector<16xi32>], vector<16xf32>,
          %add3A_426 = arith.addf %gather3A_424, %gather3A_425 : vector<16xf32>
          tpu.vector_store_idx %arg17[%iota3A, %broadcast_in_dim3A_423], %add3A_426 : memref<16x128xf32, #tpu.memory_space<vmem>>[vector<16xi32>, vector<16xi32>], vector<16xf32>,
          %broadcast_in_dim3A_427 = arith.constant 61 : i32
          %broadcast_in_dim3A_428 = vector.broadcast %broadcast_in_dim3A_427 : i32 to vector<16xi32>
          %gather3A_429 = tpu.vector_load_idx %arg15[%broadcast_in_dim3A_428, %and3A_120] : memref<64x256xf32, #tpu.memory_space<vmem>>[vector<16xi32>, vector<16xi32>], vector<16xf32>,
          %gather3A_430 = tpu.vector_load_idx %arg16[%broadcast_in_dim3A_428, %and3A_120] : memref<64x256xf32, #tpu.memory_space<vmem>>[vector<16xi32>, vector<16xi32>], vector<16xf32>,
          %add3A_431 = arith.addf %gather3A_429, %gather3A_430 : vector<16xf32>
          tpu.vector_store_idx %arg17[%iota3A, %broadcast_in_dim3A_428], %add3A_431 : memref<16x128xf32, #tpu.memory_space<vmem>>[vector<16xi32>, vector<16xi32>], vector<16xf32>,
          %broadcast_in_dim3A_432 = arith.constant 62 : i32
          %broadcast_in_dim3A_433 = vector.broadcast %broadcast_in_dim3A_432 : i32 to vector<16xi32>
          %gather3A_434 = tpu.vector_load_idx %arg15[%broadcast_in_dim3A_433, %and3A_120] : memref<64x256xf32, #tpu.memory_space<vmem>>[vector<16xi32>, vector<16xi32>], vector<16xf32>,
          %gather3A_435 = tpu.vector_load_idx %arg16[%broadcast_in_dim3A_433, %and3A_120] : memref<64x256xf32, #tpu.memory_space<vmem>>[vector<16xi32>, vector<16xi32>], vector<16xf32>,
          %add3A_436 = arith.addf %gather3A_434, %gather3A_435 : vector<16xf32>
          tpu.vector_store_idx %arg17[%iota3A, %broadcast_in_dim3A_433], %add3A_436 : memref<16x128xf32, #tpu.memory_space<vmem>>[vector<16xi32>, vector<16xi32>], vector<16xf32>,
          %broadcast_in_dim3A_437 = arith.constant 63 : i32
          %broadcast_in_dim3A_438 = vector.broadcast %broadcast_in_dim3A_437 : i32 to vector<16xi32>
          %gather3A_439 = tpu.vector_load_idx %arg15[%broadcast_in_dim3A_438, %and3A_120] : memref<64x256xf32, #tpu.memory_space<vmem>>[vector<16xi32>, vector<16xi32>], vector<16xf32>,
          %gather3A_440 = tpu.vector_load_idx %arg16[%broadcast_in_dim3A_438, %and3A_120] : memref<64x256xf32, #tpu.memory_space<vmem>>[vector<16xi32>, vector<16xi32>], vector<16xf32>,
          %add3A_441 = arith.addf %gather3A_439, %gather3A_440 : vector<16xf32>
          tpu.vector_store_idx %arg17[%iota3A, %broadcast_in_dim3A_438], %add3A_441 : memref<16x128xf32, #tpu.memory_space<vmem>>[vector<16xi32>, vector<16xi32>], vector<16xf32>,
          "tpu.region"() ({
            %run_scoped3A = tpu.sem_alloc : memref<!tpu.dma_semaphore, #tpu.memory_space<semaphore_mem>>
            %dma_start3A = arith.constant 0 : i32
            %dma_start3A_442 = arith.constant 0 : i32
            %dma_start3A_443 = tpu.memref_slice %arg9[%dma_start3A, %dma_start3A_442] : memref<16416x128xf32, #tpu.memory_space<hbm>> -> memref<16416x128xf32, #tpu.memory_space<hbm>>
            tpu.enqueue_indirect_dma source(%arg17 : memref<16x128xf32, #tpu.memory_space<vmem>>) target(%dma_start3A_443 : memref<16416x128xf32, #tpu.memory_space<hbm>>) offsets(%arg18 : memref<16xi32, #tpu.memory_space<vmem>>) semaphore(%run_scoped3A : memref<!tpu.dma_semaphore, #tpu.memory_space<semaphore_mem>>)
            %dma_wait3A = arith.constant 0 : i32
            %dma_wait3A_444 = arith.constant 0 : i32
            %dma_wait3A_445 = tpu.memref_slice %arg9[%dma_wait3A, %dma_wait3A_444] : memref<16416x128xf32, #tpu.memory_space<hbm>> -> memref<16416x128xf32, #tpu.memory_space<hbm>>
            tpu.wait_indirect_dma semaphore(%run_scoped3A : memref<!tpu.dma_semaphore, #tpu.memory_space<semaphore_mem>>) src(%arg17 : memref<16x128xf32, #tpu.memory_space<vmem>>) dst(%dma_wait3A_445 : memref<16416x128xf32, #tpu.memory_space<hbm>>)
            tpu.yield
          }) : () -> ()
        }
      } else {
      }
    }
    %scan3A_14 = arith.constant 62 : i32
    return
  }
}

</mosaic_0001>

<sc_bundles>
// kernel: kernel.3.cloned.1.call-start
scs
__scs_entry_jumppad:
0x0: {  	(pc) =	sbr.rel $0x88, $3  }
0x1: {  	(tag) =	ssettag $0x0;
	lr =	simm.s32 $0x1  }
0x2: {  	[smem:$0x3F9E] =	sst lr;
	_ =	strace $0xD0000000  }
0x3: {  	_ = 	snop  }
0x4: {  	_ = 	snop  }
0x5: {  	_ = 	snop  }
0x6: {  	_ = 	snop  }
0x7: {  	_ = 	snop  }
__scs_overlays_trampoline_lowered:
0x8: {  	[smem:$0x3FAD] =	sst s0  }
0x9: {  	[smem:$0x3FAE] =	sst s1  }
0xa: {  	[smem:$0x3FAF] =	sst s2  }
0xb: {  	[smem:$0x3FB0] =	sst s3  }
0xc: {  	[smem:$0x3FB1] =	sst s4  }
0xd: {  	[smem:$0x3FB2] =	sst s5  }
0xe: {  	[smem:$0x3FB3] =	sst s6  }
0xf: {  	[smem:$0x3FB4] =	sst s7  }
0x10: {  	[smem:$0x3FB5] =	sst s8  }
0x11: {  	[smem:$0x3FB6] =	sst s9;
	s0 =	simm.s32 @!p0 $0x0  }
0x12: {  	s1 =	sld [smem:$0x3F9C];
	s0 =	simm.s32 @p0 $0x1  }
0x13: {  	[smem:$0x3FB7] =	sst s0;
	s0 =	simm.s32 @!p1 $0x0  }
0x14: {  	s2 =	sld [smem:$0x3F9B];
	s0 =	simm.s32 @p1 $0x1  }
0x15: {  	[smem:$0x3FB8] =	sst s0;
	s0 =	simm.s32 @!p2 $0x0  }
0x16: {  	s3 =	sld [smem:$0x3FDB];
	s0 =	simm.s32 @p2 $0x1  }
0x17: {  	s4 =	simm.s32 $0x1BF5;
	[smem:$0x3FBA] =	sst s0  }
0x18: {  	s0 =	sld [smem:$0x3F9D];
	_ =	swait.ge [sflag:s4], $0x0  }
0x19: {  	s7 =	sld [smem:$0x3F9E]  }
0x1a: {  	s8 =	sadd.s32 $0xFFFFE003, lr  }
0x1b: {  	s9 =	sadd.s32 $0xFFFFFEF7, lr;
	s5 =	simm.s32 $0xFFFFFFFF;
	p2 =	slt.u32 s8, $0xFFFFF086  }
0x1c: {  	p1 =	slt.u32 s9, $0xF7A;
	s5 =	simm.s32 @!p2 $0x0  }
0x1d: {  	s5 =	simm.s32 @p1 $0x1;
	p0 =	seq.s32 s7, s2  }
0x1e: {  	s7 =	smul.u32 @!p0 $0xF7A, s2;
	p2 =	seq.s32 @!p0 s5, $0x0  }
0x1f: {  	s9 =	smul.u32 $0xF7A, s1;
	s8 =	simm.s32 @!p0 $0x1BF5;
	p2 =	por !p2, p0  }
0x20: {  	[sflag:s8] =	ssyncset.s32 @!p0 $0xFFFFF086;
	s6 =	sadd.s32 @!p0 s3, s7;
	s7 =	simm.s32 @!p0 $0x108  }
0x21: {  	s3 =	sadd.s32 s3, s9;
	s6 =	sadd.s32 @!p0 $0x88, s6;
	s7 =	simm.s32 @p2 $0x1082  }
0x22: {  	[simem:s7], [sflag:s8] =	dma.local @!p0 [hbm:s6], $0xF7A  }
0x23: {  	s9 =	sor.u32 $0xD0000000, s2;
	s6 =	simm.s32 $0x108;
	_ =	swait.ge @!p0 [sflag:s8], $0x0  }
0x24: {  	s3 =	sadd.s32 $0x88, s3;
	s6 =	simm.s32 @!p1 $0x1082;
	[sflag:s4] =	ssyncset.s32 $0xFFFFF086  }
0x25: {  	[simem:s6], [sflag:s4] =	dma.local [hbm:s3], $0xF7A  }
0x26: {  	[smem:$0x3F9E] =	sst s1;
	(tag) =	ssettag s2;
	_ =	strace s9  }
0x27: {  	s1 =	sld [smem:$0x3FAE]  }
0x28: {  	s2 =	sld [smem:$0x3FAF]  }
0x29: {  	s4 =	sld [smem:$0x3FB1]  }
0x2a: {  	p0 =	seq.s32 s5, $0x0;
	s5 =	sld [smem:$0x3FB2]  }
0x2b: {  	s6 =	sld [smem:$0x3FB3]  }
0x2c: {  	s7 =	sld [smem:$0x3FB4]  }
0x2d: {  	s3 =	simm.s32 $0x108;
	s8 =	sld [smem:$0x3FB5]  }
0x2e: {  	s3 =	simm.s32 @!p0 $0x1082;
	s9 =	sld [smem:$0x3FB6]  }
0x2f: {  	lr =	sadd.s32 s0, s3;
	s0 =	sld [smem:$0x3FAD]  }
0x30: {  	s3 =	sld [smem:$0x3FB0]  }
0x31: {  	[smem:$0x3FB9] =	sst s10  }
0x32: {  	s10 =	sld [smem:$0x3FB7];
	_ =	sdelay $0x3  }
0x33: {  	p0 =	seq.s32 s10, $0x1;
	s10 =	sld [smem:$0x3FB9];
	_ =	sdelay $0x3  }
0x34: {  	[smem:$0x3FB9] =	sst s10  }
0x35: {  	s10 =	sld [smem:$0x3FB8];
	_ =	sdelay $0x3  }
0x36: {  	p1 =	seq.s32 s10, $0x1;
	s10 =	sld [smem:$0x3FB9];
	_ =	sdelay $0x3  }
0x37: {  	[smem:$0x3FB9] =	sst s10  }
0x38: {  	s10 =	sld [smem:$0x3FBA]  }
0x39: {  	_ = 	snop;
	(pc) =	sbr.ind lr, $3  }
0x3a: {  	_ = 	snop  }
0x3b: {  	_ = 	snop  }
0x3c: {  	p2 =	seq.s32 s10, $0x1;
	s10 =	sld [smem:$0x3FB9]  }
0x3d: {  	_ =	shalt  }
0x3e: {  	_ =	shalt  }
0x3f: {  	_ =	shalt  }
0x40: {  	_ =	shalt  }
0x41: {  	_ =	shalt  }
0x42: {  	_ =	shalt  }
0x43: {  	_ =	shalt  }
0x44: {  	_ =	shalt  }
0x45: {  	_ =	shalt  }
0x46: {  	_ =	shalt  }
0x47: {  	_ =	shalt  }
0x48: {  	_ =	shalt  }
0x49: {  	_ =	shalt  }
0x4a: {  	_ =	shalt  }
0x4b: {  	_ =	shalt  }
0x4c: {  	_ =	shalt  }
0x4d: {  	_ =	shalt  }
0x4e: {  	_ =	shalt  }
0x4f: {  	_ =	shalt  }
0x50: {  	_ =	shalt  }
0x51: {  	_ =	shalt  }
0x52: {  	_ =	shalt  }
0x53: {  	_ =	shalt  }
0x54: {  	_ =	shalt  }
0x55: {  	_ =	shalt  }
0x56: {  	_ =	shalt  }
0x57: {  	_ =	shalt  }
0x58: {  	_ =	shalt  }
0x59: {  	_ =	shalt  }
0x5a: {  	_ =	shalt  }
0x5b: {  	_ =	shalt  }
0x5c: {  	_ =	shalt  }
0x5d: {  	_ =	shalt  }
0x5e: {  	_ =	shalt  }
0x5f: {  	_ =	shalt  }
0x60: {  	_ =	shalt  }
0x61: {  	_ =	shalt  }
0x62: {  	_ =	shalt  }
0x63: {  	_ =	shalt  }
0x64: {  	_ =	shalt  }
0x65: {  	_ =	shalt  }
0x66: {  	_ =	shalt  }
0x67: {  	_ =	shalt  }
0x68: {  	_ =	shalt  }
0x69: {  	_ =	shalt  }
0x6a: {  	_ =	shalt  }
0x6b: {  	_ =	shalt  }
0x6c: {  	_ =	shalt  }
0x6d: {  	_ =	shalt  }
0x6e: {  	_ =	shalt  }
0x6f: {  	_ =	shalt  }
0x70: {  	_ =	shalt  }
0x71: {  	_ =	shalt  }
0x72: {  	_ =	shalt  }
0x73: {  	_ =	shalt  }
0x74: {  	_ =	shalt  }
0x75: {  	_ =	shalt  }
0x76: {  	_ =	shalt  }
0x77: {  	_ =	shalt  }
0x78: {  	_ =	shalt  }
0x79: {  	_ =	shalt  }
0x7a: {  	_ =	shalt  }
0x7b: {  	_ =	shalt  }
0x7c: {  	_ =	shalt  }
0x7d: {  	_ =	shalt  }
0x7e: {  	_ =	shalt  }
0x7f: {  	_ =	shalt  }
0x80: {  	_ =	shalt  }
0x81: {  	_ =	shalt  }
0x82: {  	_ =	shalt  }
0x83: {  	_ =	shalt  }
0x84: {  	_ =	shalt  }
0x85: {  	_ =	shalt  }
0x86: {  	_ =	shalt  }
0x87: {  	_ =	shalt  }
.Lfunc_end0:
.L_simem_size_0:
called_computation_lowered:
.L_overlay_start_0:
0x88: {  	s2 =	sld [smem:$0x3FD9]  }
0x89: {  	s3 =	sld [smem:$0x3FFE];
	_ =	sdelay $0x1  }
0x8a: {  	s1 =	srdreg.scid  }
0x8b: {  	s0 =	sand.u32 $0x1, s1  }
0x8c: {  	s17 =	sshll.u32 s0, $0xA;
	s2 =	sadd.s32 s3, s2  }
0x8d: {  	s2 =	sadd.s32 s2, s17  }
0x8e: {  	[smem:$0x3FC5] =	sst s2  }
0x8f: {  	_ = 	snop  }
0x90: {  	s2 =	sld [smem:$0x3FC8]  }
0x91: {  	s18 =	sld [smem:$0x3FC7]  }
0x92: {  	s4 =	sld [smem:$0x3FD0];
	(tm) =	ssettm $0x1  }
0x93: {  	s5 =	sld [smem:$0x3FFB];
	_ =	sdelay $0x3  }
0x94: {  	_ =	strace s5  }
0x95: {  	s5 =	sld [smem:$0x3FFC];
	_ =	sdelay $0x3  }
0x96: {  	_ =	strace s5  }
0x97: {  	s5 =	sld [smem:$0x3FFD];
	_ =	sdelay $0x3  }
0x98: {  	_ =	strace s5  }
0x99: {  	_ =	strace $0x8FFFFFFF  }
0x9a: {  	s19 =	sld [smem:$0x3FDB];
	_ =	sdelay $0x1  }
0x9b: {  	s6 =	simm.s32 $_scs_section_size  }
0x9c: {  	s7 =	simm.s32 $_size__tile_overlayer_lowered;
	s8 =	simm.s32 $_tile_overlayer_lowered  }
0x9d: {  	s22 =	simm.s32 $0x1BFF;
	s21 =	sshll.u32 s8, $0x1;
	s5 =	sadd.s32 s6, s19  }
0x9e: {  	s9 =	simm.s32 $0x0;
	s20 =	sshll.u32 s7, $0x1;
	s7 =	sadd.s32 s21, s5  }
0x9f: {  	[timem:s9], [sflag:s22] =	dma.local [hbm:s7], s20  }
0xa0: {  	_ =	swait.ge [sflag:s22], s20  }
0xa1: {  	s6 =	ssub.s32 $0x0, s20;
	[sflag:s22] =	ssyncset.done $0x0  }
0xa2: {  	[sflag:s22] =	ssyncadd.s32 s6;
	_ =	sdelay $0x1  }
0xa3: {  	s23 =	simm.s32 $0x1B8B  }
0xa4: {  	_ =	swait.ge [sflag:s23], $0x1  }
0xa5: {  	[sflag:s23] =	ssyncset.done $0x0  }
0xa6: {  	s25 =	simm.s32 $0x1B8E;
	s24 =	sld [smem:$0x3FFE];
	[sflag:s23] =	ssyncadd.s32 $0xFFFFFFFF  }
0xa7: {  	s26 =	simm.s32 $execute0_lowered;
	[smem:$0x3FD2] =	sst s25  }
0xa8: {  	s7 =	sshll.u32 s26, $0x1;
	_ =	strace $0x80000046;
	[dreg:$0x1] =	wrdreg $0xFFFFFFFF  }
0xa9: {  	s28 =	simm.s32 $_size_execute0_lowered;
	s5 =	sadd.s32 s5, s7;
	[dreg:$0x0] =	wrdreg $0x0  }
0xaa: {  	s7 =	sshll.u32 s28, $0x1;
	[dreg:$0x2] =	wrdreg s5  }
0xab: {  	[dreg:$0x3] =	wrdreg s7  }
0xac: {  	[dreg:$0x4] =	wrdreg $0xC0  }
0xad: {  	_ =	task [dreg:s9], $0x5FFFF  }
0xae: {  	[dreg:$0x1] =	wrdreg $0xFFFFFFFF  }
0xaf: {  	[dreg:$0x0] =	wrdreg $0x60  }
0xb0: {  	[dreg:$0x2] =	wrdreg s24  }
0xb1: {  	[dreg:$0x3] =	wrdreg s4  }
0xb2: {  	[dreg:$0x4] =	wrdreg s2  }
0xb3: {  	[dreg:$0x5] =	wrdreg s18  }
0xb4: {  	[dreg:$0x6] =	wrdreg $0x9  }
0xb5: {  	_ =	task.clear_ibuf [dreg:s9], $0x7FFFF;
	_ =	strace $0x90000046  }
0xb6: {  	s29 =	simm.s32 $0x9;
	_ =	strace $0x80000048  }
0xb7: {  	_ =	swait.ge [sflag:s29], $0x1  }
0xb8: {  	[sflag:s29] =	ssyncadd.s32 $0xFFFFFFFF  }
0xb9: {  	_ =	strace $0x90000048  }
0xba: {  	_ =	sfence  }
0xbb: {  	s30 =	sld [smem:$0x0];
	_ =	sdelay $0x2  }
0xbc: {  	s31 =	sshll.u32 s1, $0xD;
	s1 =	sshrl.u32 s1, $0x2  }
0xbd: {  	s3 =	sand.u32 $0x4000, s31;
	s1 =	sadd.s32 s1, s30  }
0xbe: {  	s0 =	sor.u32 s3, s0;
	s1 =	sshll.u32 s1, $0x11  }
0xbf: {  	s0 =	sor.u32 s1, s0  }
0xc0: {  	s0 =	sadd.s32 $0x8F2B, s0  }
0xc1: {  	[sflag:s0] =	ssyncadd.remote.s32 $0x1  }
0xc2: {  	_ =	sfence.sel $0xFFFF  }
0xc3: {  	[dreg:$0x0] =	wrdreg $0xFFFFFFFF;
	(pc) =	sbr.abs _section_cstart, $3  }
0xc4: {  	[dreg:$0x1] =	wrdreg $0xFFFFFFFF  }
0xc5: {  	_ =	task.clear_ibuf [dreg:s9], $0x2FFFF;
	_ =	strace $0x9FFFFFFF  }
0xc6: {  	(tm) =	ssettm $0x7FFFFFFF  }
0xc7: {  	_ =	shalt  }
tec
execute0_lowered:
.L_overlay_start_1:
0x0: {  	(tag) =	ssettag $0x1  }
0x1: {  	v0 =	vlaneseq.u32  }
0x2: {  	s4 =	rddreg [dreg:$0x0];
	v1 =	vmul.u32 $0x80, v0  }
0x3: {  	s0 =	srdreg.scid;
	s3 =	rddreg [dreg:$0x2]  }
0x4: {  	s1 =	stileid.u32;
	s5 =	rddreg [dreg:$0x3];
	s15 =	simm.s32 $0x0;
	v3 =	vor.u32 $0x1, v1  }
0x5: {  	s7 =	simm.s32 $0x19800;
	s12 =	simm.s32 $0x4;
	s13 =	simm.s32 $0x11000;
	v4 =	vor.u32 $0x2, v1;
	v5 =	vor.u32 $0x3, v1;
	v6 =	vor.u32 $0x4, v1  }
0x6: {  	s9 =	simm.s32 $0x0;
	[smem:$0x7FF] =	sst s15;
	s16 =	sadd.s32 $0x800, s4;
	v7 =	vor.u32 $0x5, v1;
	v8 =	vor.u32 $0x6, v1;
	v9 =	vor.u32 $0x7, v1  }
0x7: {  	s17 =	sadd.s32 $0xE00, s4;
	_ =	strace $0x80000047;
	[dreg:$0x5] =	wrdreg s16;
	v10 =	vor.u32 $0x8, v1;
	v11 =	vor.u32 $0x9, v1;
	v12 =	vor.u32 $0xA, v1  }
0x8: {  	s0 =	sand.u32 $0x1, s0;
	s6 =	sadd.s32 $0xA00, s4;
	[dreg:$0x6] =	wrdreg s17;
	v13 =	vor.u32 $0xB, v1;
	v14 =	vor.u32 $0xC, v1;
	v15 =	vor.u32 $0xD, v1  }
0x9: {  	s1 =	sshll.u32 s1, $0x1;
	s20 =	sadd.s32 $0xE80, s4;
	[dreg:$0x7] =	wrdreg s6;
	v16 =	vor.u32 $0xE, v1;
	v17 =	vor.u32 $0xF, v1;
	v18 =	vor.u32 $0x10, v1  }
0xa: {  	s11 =	sadd.s32 $0x1200, s4;
	s21 =	sadd.s32 $0xF00, s4;
	[dreg:$0xb] =	wrdreg s20;
	v19 =	vor.u32 $0x11, v1;
	v20 =	vor.u32 $0x12, v1;
	v21 =	vor.u32 $0x13, v1  }
0xb: {  	s22 =	sadd.s32 $0xF80, s4;
	s23 =	sadd.s32 $0x1000, s4;
	[dreg:$0xc] =	wrdreg s21;
	v22 =	vor.u32 $0x14, v1;
	v23 =	vor.u32 $0x15, v1;
	v24 =	vor.u32 $0x16, v1  }
0xc: {  	s24 =	sadd.s32 $0x1080, s4;
	s25 =	sadd.s32 $0x1100, s4;
	[dreg:$0xd] =	wrdreg s22;
	v25 =	vor.u32 $0x17, v1;
	v26 =	vor.u32 $0x18, v1;
	v27 =	vor.u32 $0x19, v1  }
0xd: {  	s26 =	sadd.s32 $0x1180, s4;
	s31 =	sadd.s32 $0xA80, s4;
	[dreg:$0xe] =	wrdreg s23;
	v28 =	vor.u32 $0x1A, v1;
	v29 =	vor.u32 $0x1B, v1;
	v30 =	vor.u32 $0x1C, v1  }
0xe: {  	s28 =	sadd.s32 $0xC80, s4;
	s29 =	sadd.s32 $0xD00, s4;
	[dreg:$0xf] =	wrdreg s24;
	v31 =	vor.u32 $0x1D, v1;
	v32 =	vor.u32 $0x1E, v1;
	v33 =	vor.u32 $0x1F, v1  }
0xf: {  	s30 =	sadd.s32 $0xD80, s4;
	s15 =	simm.s32 $0x15000;
	[dreg:$0x10] =	wrdreg s25;
	v34 =	vor.u32 $0x20, v1;
	v35 =	vor.u32 $0x21, v1;
	v36 =	vor.u32 $0x22, v1  }
0x10: {  	s1 =	sor.u32 s0, s1;
	s0 =	ssub.s32 $0x2, s0;
	[dreg:$0x11] =	wrdreg s26;
	v37 =	vor.u32 $0x23, v1;
	v38 =	vor.u32 $0x24, v1;
	v39 =	vor.u32 $0x25, v1  }
0x11: {  	[dreg:$0x12] =	wrdreg s31;
	s24 =	sadd.s32 $0xB00, s4;
	s8 =	smul.u32 $0x7C, s1;
	v40 =	vor.u32 $0x26, v1;
	v41 =	vor.u32 $0x27, v1;
	v42 =	vor.u32 $0x28, v1  }
0x12: {  	s25 =	sadd.s32 $0xB80, s4;
	s2 =	sor.u32 $0x4000, s1;
	s1 =	smul.u32 $0x7C00, s1;
	v43 =	vor.u32 $0x29, v1;
	v44 =	vor.u32 $0x2A, v1;
	v45 =	vor.u32 $0x2B, v1  }
.Ltmp0:
0x13: {  	s26 =	sadd.s32 $0xC00, s4;
	s18 =	sshrl.u32 s0, $0x1;
	v46 =	vor.u32 $0x2C, v1;
	v47 =	vor.u32 $0x2D, v1;
	v48 =	vor.u32 $0x2E, v1;
	(pc) =	sbr.rel .LBB2_1-.Ltmp0, $4  }
0x14: {  	s4 =	simm.s32 $0xD000;
	v49 =	vor.u32 $0x2F, v1;
	v50 =	vor.u32 $0x30, v1;
	v2 =	vmov s2;
	s0 =	ssub.s32 s0, s18;
	s19 =	sadd.s32 s3, s1  }
0x15: {  	v51 =	vor.u32 $0x31, v1;
	v52 =	vor.u32 $0x32, v1;
	s1 =	sadd.s32 s5, s1;
	s14 =	sor.u32 $0x2, s8;
	v0 =	vmov s8;
	[tilespmem:$0x1FFF0] =	vst v2;
	[dreg:$0x8] =	wrdreg s19  }
0x16: {  	v53 =	vor.u32 $0x33, v1;
	v54 =	vor.u32 $0x34, v1;
	s2 =	simm.s32 $0x9000;
	s0 =	smax.u32 s0, $0x1;
	[dreg:$0x9] =	wrdreg s1;
	[tilespmem:$0x1FFD0] =	vst v0;
	v0 =	vmov s14  }
0x17: {  	v55 =	vor.u32 $0x35, v1;
	v56 =	vor.u32 $0x36, v1;
	v57 =	vor.u32 $0x37, v1;
	[dreg:$0xa] =	wrdreg s0;
	s0 =	simm.s32 $0x19000;
	s1 =	simm.s32 $0x10;
	[tilespmem:$0x1FFE0] =	vst v0  }
.LBB2_11:
0x18: {  	s9 =	rddreg [dreg:$0x13]  }
0x19: {  	s6 =	rddreg [dreg:$0xa];
	s9 =	sadd.s32 $0x1, s9  }
0x1a: {  	p0 =	sne.s32 s9, s6  }
.Ltmp1:
0x1b: {  	_ = 	snop;
	(pc) =	sbr.rel @!p0 .LBB2_12-.Ltmp1, $1  }
0x1c: {  	_ =	sdelay $0x3  }
.LBB2_1:
0x1d: {  	[dreg:$0x13] =	wrdreg s9  }
0x1e: {  	s18 =	simm.s32 $0x0;
	s6 =	rddreg [dreg:$0x5];
	s10 =	simm.s32 $0x1  }
0x1f: {  	[tilespmem:s18], [sflag:$0x1] =	stream.linear.gather [hbm4b:s6+s18], $0x1000, $0x38;
	[tilespmem:$0x19880] =	vst v63  }
0x20: {  	_ =	swait.ge [sflag:s10], $0x1000  }
0x21: {  	[sflag:s10] =	ssyncset.done $0x0  }
0x22: {  	[sflag:s10] =	ssyncadd.s32 $0xFFFFF000  }
0x23: {  	s16 =	simm.s32 $0x1000;
	s19 =	rddreg [dreg:$0x0]  }
0x24: {  	[tilespmem:s16], [sflag:$0x1] =	stream.linear.gather [hbm4b:s19+s18], $0x4000, $0x38;
	[tilespmem:$0x19880] =	vst v63  }
0x25: {  	_ =	swait.ge [sflag:s10], $0x4000  }
0x26: {  	[sflag:s10] =	ssyncset.done $0x0  }
0x27: {  	[sflag:s10] =	ssyncadd.s32 $0xFFFFC000  }
0x28: {  	s21 =	simm.s32 $0x5000;
	s20 =	rddreg [dreg:$0x1]  }
0x29: {  	[tilespmem:s21], [sflag:$0x1] =	stream.linear.gather [hbm4b:s20+s18], $0x4000, $0x38;
	[tilespmem:$0x19880] =	vst v63  }
0x2a: {  	_ =	swait.ge [sflag:s10], $0x4000  }
0x2b: {  	[sflag:s10] =	ssyncset.done $0x0  }
0x2c: {  	[sflag:s10] =	ssyncadd.s32 $0xFFFFC000  }
0x2d: {  	v59 =	vld [tilespmem:s8+$0x0];
	_ =	sdelay $0x4  }
0x2e: {  	(v2sf) =	vpush v59, $0x0  }
0x2f: {  	(v2sf) =	vpush v59, $0x1;
	_ =	sdelay $0xd  }
0x30: {  	s22 =	spop (v2sf)  }
0x31: {  	s23 =	spop (v2sf)  }
.Ltmp2:
0x32: {  	s16 =	rddreg [dreg:$0x8];
	p0 =	sge.s32 s22, s23;
	(pc) =	sbr.rel .LBB2_2-.Ltmp2, $4  }
0x33: {  	s6 =	simm.s32 @!p0 $0x800;
	s9 =	simm.s32 @!p0 $0x7A1400;
	s10 =	simm.s32 @!p0 $0x9000  }
0x34: {  	[tilespmem:s10], [sflag:$0x2] =	stream.strided.gather @!p0 [hbm4b:s16+s6], $0x4000, s9, s6, $0x38;
	[tilespmem:$0x19880] =	vst v63  }
0x35: {  	s31 =	simm.s32 $0x0;
	s10 =	simm.s32 @!p0 $0xD000;
	s16 =	rddreg [dreg:$0x9]  }
0x36: {  	[tilespmem:s10], [sflag:$0x2] =	stream.strided.gather @!p0 [hbm4b:s16+s6], $0x4000, s9, s6, $0x38;
	[tilespmem:$0x19880] =	vst v63  }
.LBB2_10:
0x37: {  	s31 =	sadd.s32 $0x1, s31  }
0x38: {  	p0 =	sne.s32 s31, $0x3E  }
.Ltmp3:
0x39: {  	_ = 	snop;
	(pc) =	sbr.rel @!p0 .LBB2_11-.Ltmp3, $2  }
0x3a: {  	_ =	sdelay $0x2  }
0x3b: {  	v2 =	vmov v63  }
.LBB2_2:
0x3c: {  	v0 =	vld [tilespmem:$0x1FFD0];
	_ =	sdelay $0x6  }
0x3d: {  	s10 =	sshll.u32 s31, $0x1  }
0x3e: {  	v59 =	vld.idx.msk [tilespmem:v0+s10+$0x0 ss:$0x1], $0xffff;
	_ =	sdelay $0x1  }
0x3f: {  	v0 =	vld.idx.msk [tilespmem:v0+s10+$0x1 ss:$0x1], $0xffff;
	_ =	sdelay $0x2  }
0x40: {  	(v2sf) =	vpush v59, $0x0  }
0x41: {  	(v2sf) =	vpush v59, $0x1  }
0x42: {  	(v2sf) =	vpush v0, $0x0  }
0x43: {  	(v2sf) =	vpush v0, $0x1;
	_ =	sdelay $0xb  }
0x44: {  	s17 =	spop (v2sf)  }
0x45: {  	s18 =	spop (v2sf)  }
0x46: {  	s6 =	spop (v2sf)  }
0x47: {  	s16 =	sadd.s32 s8, s10;
	p2 =	sge.s32 s17, s18;
	s9 =	spop (v2sf)  }
0x48: {  	s19 =	sadd.s32 $0x1, s16;
	p4 =	sgt.u32 @!p2 s16, $0xF41;
	p0 =	sge.s32 s6, s9  }
0x49: {  	p3 =	por !p4, p2;
	p1 =	sgt.u32 @!p0 s19, $0xF41;
	s20 =	simm.s32 @!p0 $0x0  }
0x4a: {  	p5 =	sne.s32 @!p3 s16, $0xF42;
	s20 =	simm.s32 @p0 $0x1;
	p0 =	por p1, p0  }
0x4b: {  	[smem:$0x7FC] =	sst s20;
	s19 =	sshll.u32 @!p0 s19, $0x8;
	s21 =	simm.s32 @!p0 $0x800  }
0x4c: {  	s22 =	simm.s32 @!p0 $0x7A1400;
	s23 =	simm.s32 @!p0 $0x11000;
	s20 =	sadd.s32 @!p0 s3, s19  }
0x4d: {  	[tilespmem:s23], [sflag:$0x3] =	stream.strided.gather @!p0 [hbm4b:s20+s21], $0x4000, s22, s21, $0x38;
	[tilespmem:$0x19880] =	vst v63  }
0x4e: {  	p6 =	por @!p2 p5, !p4;
	s23 =	simm.s32 @!p0 $0x0  }
0x4f: {  	p6 =	por p6, p2;
	s19 =	sadd.s32 @!p0 s5, s19;
	s23 =	simm.s32 @p0 $0x1  }
0x50: {  	[tilespmem:$0x1FFC0] =	vst v0;
	s16 =	simm.s32 @!p6 $0x2;
	s20 =	simm.s32 @!p0 $0x15000;
	[smem:$0x7FD] =	sst s23  }
0x51: {  	[tilespmem:s20], [sflag:$0x3] =	stream.strided.gather @!p0 [hbm4b:s19+s21], $0x4000, s22, s21, $0x38;
	[tilespmem:$0x19880] =	vst v63  }
0x52: {  	_ =	swait.ge @!p6 [sflag:s16], $0x2000  }
0x53: {  	[sflag:s16] =	ssyncset.done @!p6 $0x0  }
0x54: {  	[sflag:s16] =	ssyncadd.s32 @!p6 $0xFFFFE000  }
0x55: {  	_ =	swait.ge @!p6 [sflag:s16], $0x2000  }
0x56: {  	[sflag:s16] =	ssyncset.done @!p6 $0x0  }
0x57: {  	[sflag:s16] =	ssyncadd.s32 @!p6 $0xFFFFE000;
	s16 =	sand.u32 @!p2 $0xFFFFFFF0, s17  }
0x58: {  	s18 =	ssub.s32 @!p2 s18, s16  }
0x59: {  	p0 =	por p4, p2;
	s18 =	sadd.s32 @!p2 $0xF, s18  }
0x5a: {  	s19 =	simm.s32 @!p0 $0x2;
	p1 =	slt.s32 @!p2 s18, $0x10  }
0x5b: {  	_ =	swait.ge @!p0 [sflag:s19], $0x4000;
	p1 =	por p2, p1  }
.Ltmp4:
0x5c: {  	[sflag:s19] =	ssyncset.done @!p0 $0x0;
	(pc) =	sbr.rel @p1 .LBB2_5-.Ltmp4, $4  }
0x5d: {  	[sflag:s19] =	ssyncadd.s32 @!p0 $0xFFFFC000  }
0x5e: {  	_ =	swait.ge @!p0 [sflag:s19], $0x4000  }
0x5f: {  	[sflag:s19] =	ssyncset.done @!p0 $0x0  }
0x60: {  	[sflag:s19] =	ssyncadd.s32 @!p0 $0xFFFFC000  }
0x61: {  	s19 =	simm.s32 @!p6 $0x40;
	p0 =	por @!p2 !p5, !p4  }
0x62: {  	s20 =	sshra.s32 @!p2 s18, $0x1F;
	s17 =	sshll.u32 s17, $0x2;
	p0 =	por !p0, p2  }
0x63: {  	s20 =	sshrl.u32 @!p2 s20, $0x1C;
	s17 =	sshra.s32 s17, $0x2;
	s19 =	simm.s32 @p0 $0x0  }
0x64: {  	s18 =	sadd.s32 @!p2 s20, s18;
	s23 =	sand.u32 $0xFFFFFFF0, s17;
	s19 =	simm.s32 @p3 $0x0  }
0x65: {  	v61 =	vbroadcast v59, $0x0;
	v62 =	vbroadcast v59, $0x1;
	s17 =	sshra.s32 @!p2 s18, $0x4;
	s18 =	sadd.s32 $0x1000, s23;
	v63 =	vmov s19;
	s19 =	sadd.s32 $0x5000, s23  }
.LBB2_4:
0x66: {  	v59 =	vld [tilespmem:s18+$0x0];
	_ =	sdelay $0x4  }
0x67: {  	v59 =	vadd.s32 v63, v59  }
0x68: {  	v58 =	vld [tilespmem:s19+$0x0];
	v60 =	vshll.u32 v59, $0x3  }
0x69: {  	v0 =	vlaneseq.u32;
	v59 =	vand.u32 $0x7F, v59;
	v60 =	vand.u32 $0x400, v60  }
0x6a: {  	v0 =	vor.u32 s16, v0;
	v59 =	vor.u32 v59, v60  }
0x6b: {  	vm0 =	vge.s32 v0, v61;
	vm1 =	vlt.s32 v0, v62  }
0x6c: {  	vm0 =	vmand vm0, vm1  }
0x6d: {  	v0 =	vsel vm0, v58, v2  }
0x6e: {  	[tilespmem:$0x19800] =	vst v0  }
0x6f: {  	v0 =	vld.idx.msk [tilespmem:v59+s2+$0x0], $0xffff  }
0x70: {  	v58 =	vld.idx.msk [tilespmem:v59+s4+$0x0], $0xffff;
	_ =	sdelay $0x2  }
0x71: {  	v60 =	vor.u32 $0x80, v59;
	_ =	sdelay $0x1  }
0x72: {  	v0 =	vadd.f32 v58, v0;
	_ =	sdelay $0x1  }
0x73: {  	[tilespmem:v1+s0+$0x0] =	vst.idx.msk $0xffff, v0  }
0x74: {  	v0 =	vld.idx.msk [tilespmem:v60+s2+$0x0], $0xffff  }
0x75: {  	v58 =	vld.idx.msk [tilespmem:v60+s4+$0x0], $0xffff;
	_ =	sdelay $0x2  }
0x76: {  	v60 =	vor.u32 $0x100, v59;
	_ =	sdelay $0x1  }
0x77: {  	v0 =	vadd.f32 v58, v0;
	_ =	sdelay $0x1  }
0x78: {  	[tilespmem:v3+s0+$0x0] =	vst.idx.msk $0xffff, v0  }
0x79: {  	v0 =	vld.idx.msk [tilespmem:v60+s2+$0x0], $0xffff  }
0x7a: {  	v58 =	vld.idx.msk [tilespmem:v60+s4+$0x0], $0xffff;
	_ =	sdelay $0x2  }
0x7b: {  	v60 =	vor.u32 $0x180, v59;
	_ =	sdelay $0x1  }
0x7c: {  	v0 =	vadd.f32 v58, v0;
	_ =	sdelay $0x1  }
0x7d: {  	[tilespmem:v4+s0+$0x0] =	vst.idx.msk $0xffff, v0  }
0x7e: {  	v0 =	vld.idx.msk [tilespmem:v60+s2+$0x0], $0xffff  }
0x7f: {  	v58 =	vld.idx.msk [tilespmem:v60+s4+$0x0], $0xffff;
	_ =	sdelay $0x2  }
0x80: {  	v60 =	vor.u32 $0x200, v59;
	_ =	sdelay $0x1  }
0x81: {  	v0 =	vadd.f32 v58, v0;
	_ =	sdelay $0x1  }
0x82: {  	[tilespmem:v5+s0+$0x0] =	vst.idx.msk $0xffff, v0  }
0x83: {  	v0 =	vld.idx.msk [tilespmem:v60+s2+$0x0], $0xffff  }
0x84: {  	v58 =	vld.idx.msk [tilespmem:v60+s4+$0x0], $0xffff;
	_ =	sdelay $0x2  }
0x85: {  	v60 =	vor.u32 $0x280, v59;
	_ =	sdelay $0x1  }
0x86: {  	v0 =	vadd.f32 v58, v0;
	_ =	sdelay $0x1  }
0x87: {  	[tilespmem:v6+s0+$0x0] =	vst.idx.msk $0xffff, v0  }
0x88: {  	v0 =	vld.idx.msk [tilespmem:v60+s2+$0x0], $0xffff  }
0x89: {  	v58 =	vld.idx.msk [tilespmem:v60+s4+$0x0], $0xffff;
	_ =	sdelay $0x2  }
0x8a: {  	v60 =	vor.u32 $0x300, v59;
	_ =	sdelay $0x1  }
0x8b: {  	v0 =	vadd.f32 v58, v0;
	_ =	sdelay $0x1  }
0x8c: {  	[tilespmem:v7+s0+$0x0] =	vst.idx.msk $0xffff, v0  }
0x8d: {  	v0 =	vld.idx.msk [tilespmem:v60+s2+$0x0], $0xffff  }
0x8e: {  	v58 =	vld.idx.msk [tilespmem:v60+s4+$0x0], $0xffff;
	_ =	sdelay $0x2  }
0x8f: {  	v60 =	vor.u32 $0x380, v59;
	_ =	sdelay $0x1  }
0x90: {  	v0 =	vadd.f32 v58, v0;
	_ =	sdelay $0x1  }
0x91: {  	[tilespmem:v8+s0+$0x0] =	vst.idx.msk $0xffff, v0  }
0x92: {  	v0 =	vld.idx.msk [tilespmem:v60+s2+$0x0], $0xffff  }
0x93: {  	v58 =	vld.idx.msk [tilespmem:v60+s4+$0x0], $0xffff;
	_ =	sdelay $0x2  }
0x94: {  	v60 =	vor.u32 $0x800, v59;
	_ =	sdelay $0x1  }
0x95: {  	v0 =	vadd.f32 v58, v0;
	_ =	sdelay $0x1  }
0x96: {  	[tilespmem:v9+s0+$0x0] =	vst.idx.msk $0xffff, v0  }
0x97: {  	v0 =	vld.idx.msk [tilespmem:v60+s2+$0x0], $0xffff  }
0x98: {  	v58 =	vld.idx.msk [tilespmem:v60+s4+$0x0], $0xffff;
	_ =	sdelay $0x2  }
0x99: {  	v60 =	vor.u32 $0x880, v59;
	_ =	sdelay $0x1  }
0x9a: {  	v0 =	vadd.f32 v58, v0;
	_ =	sdelay $0x1  }
0x9b: {  	[tilespmem:v10+s0+$0x0] =	vst.idx.msk $0xffff, v0  }
0x9c: {  	v0 =	vld.idx.msk [tilespmem:v60+s2+$0x0], $0xffff  }
0x9d: {  	v58 =	vld.idx.msk [tilespmem:v60+s4+$0x0], $0xffff;
	_ =	sdelay $0x2  }
0x9e: {  	v60 =	vor.u32 $0x900, v59;
	_ =	sdelay $0x1  }
0x9f: {  	v0 =	vadd.f32 v58, v0;
	_ =	sdelay $0x1  }
0xa0: {  	[tilespmem:v11+s0+$0x0] =	vst.idx.msk $0xffff, v0  }
0xa1: {  	v0 =	vld.idx.msk [tilespmem:v60+s2+$0x0], $0xffff  }
0xa2: {  	v58 =	vld.idx.msk [tilespmem:v60+s4+$0x0], $0xffff;
	_ =	sdelay $0x2  }
0xa3: {  	v60 =	vor.u32 $0x980, v59;
	_ =	sdelay $0x1  }
0xa4: {  	v0 =	vadd.f32 v58, v0;
	_ =	sdelay $0x1  }
0xa5: {  	[tilespmem:v12+s0+$0x0] =	vst.idx.msk $0xffff, v0  }
0xa6: {  	v0 =	vld.idx.msk [tilespmem:v60+s2+$0x0], $0xffff  }
0xa7: {  	v58 =	vld.idx.msk [tilespmem:v60+s4+$0x0], $0xffff;
	_ =	sdelay $0x2  }
0xa8: {  	v60 =	vor.u32 $0xA00, v59;
	_ =	sdelay $0x1  }
0xa9: {  	v0 =	vadd.f32 v58, v0;
	_ =	sdelay $0x1  }
0xaa: {  	[tilespmem:v13+s0+$0x0] =	vst.idx.msk $0xffff, v0  }
0xab: {  	v0 =	vld.idx.msk [tilespmem:v60+s2+$0x0], $0xffff  }
0xac: {  	v58 =	vld.idx.msk [tilespmem:v60+s4+$0x0], $0xffff;
	_ =	sdelay $0x2  }
0xad: {  	v60 =	vor.u32 $0xA80, v59;
	_ =	sdelay $0x1  }
0xae: {  	v0 =	vadd.f32 v58, v0;
	_ =	sdelay $0x1  }
0xaf: {  	[tilespmem:v14+s0+$0x0] =	vst.idx.msk $0xffff, v0  }
0xb0: {  	v0 =	vld.idx.msk [tilespmem:v60+s2+$0x0], $0xffff  }
0xb1: {  	v58 =	vld.idx.msk [tilespmem:v60+s4+$0x0], $0xffff;
	_ =	sdelay $0x2  }
0xb2: {  	v60 =	vor.u32 $0xB00, v59;
	_ =	sdelay $0x1  }
0xb3: {  	v0 =	vadd.f32 v58, v0;
	_ =	sdelay $0x1  }
0xb4: {  	[tilespmem:v15+s0+$0x0] =	vst.idx.msk $0xffff, v0  }
0xb5: {  	v0 =	vld.idx.msk [tilespmem:v60+s2+$0x0], $0xffff  }
0xb6: {  	v58 =	vld.idx.msk [tilespmem:v60+s4+$0x0], $0xffff;
	_ =	sdelay $0x2  }
0xb7: {  	v60 =	vor.u32 $0xB80, v59;
	_ =	sdelay $0x1  }
0xb8: {  	v0 =	vadd.f32 v58, v0;
	_ =	sdelay $0x1  }
0xb9: {  	[tilespmem:v16+s0+$0x0] =	vst.idx.msk $0xffff, v0  }
0xba: {  	v0 =	vld.idx.msk [tilespmem:v60+s2+$0x0], $0xffff  }
0xbb: {  	v58 =	vld.idx.msk [tilespmem:v60+s4+$0x0], $0xffff;
	_ =	sdelay $0x2  }
0xbc: {  	v60 =	vor.u32 $0x1000, v59;
	_ =	sdelay $0x1  }
0xbd: {  	v0 =	vadd.f32 v58, v0;
	_ =	sdelay $0x1  }
0xbe: {  	[tilespmem:v17+s0+$0x0] =	vst.idx.msk $0xffff, v0  }
0xbf: {  	v0 =	vld.idx.msk [tilespmem:v60+s2+$0x0], $0xffff  }
0xc0: {  	v58 =	vld.idx.msk [tilespmem:v60+s4+$0x0], $0xffff;
	_ =	sdelay $0x2  }
0xc1: {  	v60 =	vor.u32 $0x1080, v59;
	_ =	sdelay $0x1  }
0xc2: {  	v0 =	vadd.f32 v58, v0;
	_ =	sdelay $0x1  }
0xc3: {  	[tilespmem:v18+s0+$0x0] =	vst.idx.msk $0xffff, v0  }
0xc4: {  	v0 =	vld.idx.msk [tilespmem:v60+s2+$0x0], $0xffff  }
0xc5: {  	v58 =	vld.idx.msk [tilespmem:v60+s4+$0x0], $0xffff;
	_ =	sdelay $0x2  }
0xc6: {  	v60 =	vor.u32 $0x1100, v59;
	_ =	sdelay $0x1  }
0xc7: {  	v0 =	vadd.f32 v58, v0;
	_ =	sdelay $0x1  }
0xc8: {  	[tilespmem:v19+s0+$0x0] =	vst.idx.msk $0xffff, v0  }
0xc9: {  	v0 =	vld.idx.msk [tilespmem:v60+s2+$0x0], $0xffff  }
0xca: {  	v58 =	vld.idx.msk [tilespmem:v60+s4+$0x0], $0xffff;
	_ =	sdelay $0x2  }
0xcb: {  	v60 =	vor.u32 $0x1180, v59;
	_ =	sdelay $0x1  }
0xcc: {  	v0 =	vadd.f32 v58, v0;
	_ =	sdelay $0x1  }
0xcd: {  	[tilespmem:v20+s0+$0x0] =	vst.idx.msk $0xffff, v0  }
0xce: {  	v0 =	vld.idx.msk [tilespmem:v60+s2+$0x0], $0xffff  }
0xcf: {  	v58 =	vld.idx.msk [tilespmem:v60+s4+$0x0], $0xffff;
	_ =	sdelay $0x2  }
0xd0: {  	v60 =	vor.u32 $0x1200, v59;
	_ =	sdelay $0x1  }
0xd1: {  	v0 =	vadd.f32 v58, v0;
	_ =	sdelay $0x1  }
0xd2: {  	[tilespmem:v21+s0+$0x0] =	vst.idx.msk $0xffff, v0  }
0xd3: {  	v0 =	vld.idx.msk [tilespmem:v60+s2+$0x0], $0xffff  }
0xd4: {  	v58 =	vld.idx.msk [tilespmem:v60+s4+$0x0], $0xffff;
	_ =	sdelay $0x2  }
0xd5: {  	v60 =	vor.u32 $0x1280, v59;
	_ =	sdelay $0x1  }
0xd6: {  	v0 =	vadd.f32 v58, v0;
	_ =	sdelay $0x1  }
0xd7: {  	[tilespmem:v22+s0+$0x0] =	vst.idx.msk $0xffff, v0  }
0xd8: {  	v0 =	vld.idx.msk [tilespmem:v60+s2+$0x0], $0xffff  }
0xd9: {  	v58 =	vld.idx.msk [tilespmem:v60+s4+$0x0], $0xffff;
	_ =	sdelay $0x2  }
0xda: {  	v60 =	vor.u32 $0x1300, v59;
	_ =	sdelay $0x1  }
0xdb: {  	v0 =	vadd.f32 v58, v0;
	_ =	sdelay $0x1  }
0xdc: {  	[tilespmem:v23+s0+$0x0] =	vst.idx.msk $0xffff, v0  }
0xdd: {  	v0 =	vld.idx.msk [tilespmem:v60+s2+$0x0], $0xffff  }
0xde: {  	v58 =	vld.idx.msk [tilespmem:v60+s4+$0x0], $0xffff;
	_ =	sdelay $0x2  }
0xdf: {  	v60 =	vor.u32 $0x1380, v59;
	_ =	sdelay $0x1  }
0xe0: {  	v0 =	vadd.f32 v58, v0;
	_ =	sdelay $0x1  }
0xe1: {  	[tilespmem:v24+s0+$0x0] =	vst.idx.msk $0xffff, v0  }
0xe2: {  	v0 =	vld.idx.msk [tilespmem:v60+s2+$0x0], $0xffff  }
0xe3: {  	v58 =	vld.idx.msk [tilespmem:v60+s4+$0x0], $0xffff;
	_ =	sdelay $0x2  }
0xe4: {  	v60 =	vor.u32 $0x1800, v59;
	_ =	sdelay $0x1  }
0xe5: {  	v0 =	vadd.f32 v58, v0;
	_ =	sdelay $0x1  }
0xe6: {  	[tilespmem:v25+s0+$0x0] =	vst.idx.msk $0xffff, v0  }
0xe7: {  	v0 =	vld.idx.msk [tilespmem:v60+s2+$0x0], $0xffff  }
0xe8: {  	v58 =	vld.idx.msk [tilespmem:v60+s4+$0x0], $0xffff;
	_ =	sdelay $0x2  }
0xe9: {  	v60 =	vor.u32 $0x1880, v59;
	_ =	sdelay $0x1  }
0xea: {  	v0 =	vadd.f32 v58, v0;
	_ =	sdelay $0x1  }
0xeb: {  	[tilespmem:v26+s0+$0x0] =	vst.idx.msk $0xffff, v0  }
0xec: {  	v0 =	vld.idx.msk [tilespmem:v60+s2+$0x0], $0xffff  }
0xed: {  	v58 =	vld.idx.msk [tilespmem:v60+s4+$0x0], $0xffff;
	_ =	sdelay $0x2  }
0xee: {  	v60 =	vor.u32 $0x1900, v59;
	_ =	sdelay $0x1  }
0xef: {  	v0 =	vadd.f32 v58, v0;
	_ =	sdelay $0x1  }
0xf0: {  	[tilespmem:v27+s0+$0x0] =	vst.idx.msk $0xffff, v0  }
0xf1: {  	v0 =	vld.idx.msk [tilespmem:v60+s2+$0x0], $0xffff  }
0xf2: {  	v58 =	vld.idx.msk [tilespmem:v60+s4+$0x0], $0xffff;
	_ =	sdelay $0x2  }
0xf3: {  	v60 =	vor.u32 $0x1980, v59;
	_ =	sdelay $0x1  }
0xf4: {  	v0 =	vadd.f32 v58, v0;
	_ =	sdelay $0x1  }
0xf5: {  	[tilespmem:v28+s0+$0x0] =	vst.idx.msk $0xffff, v0  }
0xf6: {  	v0 =	vld.idx.msk [tilespmem:v60+s2+$0x0], $0xffff  }
0xf7: {  	v58 =	vld.idx.msk [tilespmem:v60+s4+$0x0], $0xffff;
	_ =	sdelay $0x2  }
0xf8: {  	v60 =	vor.u32 $0x1A00, v59;
	_ =	sdelay $0x1  }
0xf9: {  	v0 =	vadd.f32 v58, v0;
	_ =	sdelay $0x1  }
0xfa: {  	[tilespmem:v29+s0+$0x0] =	vst.idx.msk $0xffff, v0  }
0xfb: {  	v0 =	vld.idx.msk [tilespmem:v60+s2+$0x0], $0xffff  }
0xfc: {  	v58 =	vld.idx.msk [tilespmem:v60+s4+$0x0], $0xffff;
	_ =	sdelay $0x2  }
0xfd: {  	v60 =	vor.u32 $0x1A80, v59;
	_ =	sdelay $0x1  }
0xfe: {  	v0 =	vadd.f32 v58, v0;
	_ =	sdelay $0x1  }
0xff: {  	[tilespmem:v30+s0+$0x0] =	vst.idx.msk $0xffff, v0  }
0x100: {  	v0 =	vld.idx.msk [tilespmem:v60+s2+$0x0], $0xffff  }
0x101: {  	v58 =	vld.idx.msk [tilespmem:v60+s4+$0x0], $0xffff;
	_ =	sdelay $0x2  }
0x102: {  	v60 =	vor.u32 $0x1B00, v59;
	_ =	sdelay $0x1  }
0x103: {  	v0 =	vadd.f32 v58, v0;
	_ =	sdelay $0x1  }
0x104: {  	[tilespmem:v31+s0+$0x0] =	vst.idx.msk $0xffff, v0  }
0x105: {  	v0 =	vld.idx.msk [tilespmem:v60+s2+$0x0], $0xffff  }
0x106: {  	v58 =	vld.idx.msk [tilespmem:v60+s4+$0x0], $0xffff;
	_ =	sdelay $0x2  }
0x107: {  	v60 =	vor.u32 $0x1B80, v59;
	_ =	sdelay $0x1  }
0x108: {  	v0 =	vadd.f32 v58, v0;
	_ =	sdelay $0x1  }
0x109: {  	[tilespmem:v32+s0+$0x0] =	vst.idx.msk $0xffff, v0  }
0x10a: {  	v0 =	vld.idx.msk [tilespmem:v60+s2+$0x0], $0xffff  }
0x10b: {  	v58 =	vld.idx.msk [tilespmem:v60+s4+$0x0], $0xffff;
	_ =	sdelay $0x2  }
0x10c: {  	v60 =	vor.u32 $0x2000, v59;
	_ =	sdelay $0x1  }
0x10d: {  	v0 =	vadd.f32 v58, v0;
	_ =	sdelay $0x1  }
0x10e: {  	[tilespmem:v33+s0+$0x0] =	vst.idx.msk $0xffff, v0  }
0x10f: {  	v0 =	vld.idx.msk [tilespmem:v60+s2+$0x0], $0xffff  }
0x110: {  	v58 =	vld.idx.msk [tilespmem:v60+s4+$0x0], $0xffff;
	_ =	sdelay $0x2  }
0x111: {  	v60 =	vor.u32 $0x2080, v59;
	_ =	sdelay $0x1  }
0x112: {  	v0 =	vadd.f32 v58, v0;
	_ =	sdelay $0x1  }
0x113: {  	[tilespmem:v34+s0+$0x0] =	vst.idx.msk $0xffff, v0  }
0x114: {  	v0 =	vld.idx.msk [tilespmem:v60+s2+$0x0], $0xffff  }
0x115: {  	v58 =	vld.idx.msk [tilespmem:v60+s4+$0x0], $0xffff;
	_ =	sdelay $0x2  }
0x116: {  	v60 =	vor.u32 $0x2100, v59;
	_ =	sdelay $0x1  }
0x117: {  	v0 =	vadd.f32 v58, v0;
	_ =	sdelay $0x1  }
0x118: {  	[tilespmem:v35+s0+$0x0] =	vst.idx.msk $0xffff, v0  }
0x119: {  	v0 =	vld.idx.msk [tilespmem:v60+s2+$0x0], $0xffff  }
0x11a: {  	v58 =	vld.idx.msk [tilespmem:v60+s4+$0x0], $0xffff;
	_ =	sdelay $0x2  }
0x11b: {  	v60 =	vor.u32 $0x2180, v59;
	_ =	sdelay $0x1  }
0x11c: {  	v0 =	vadd.f32 v58, v0;
	_ =	sdelay $0x1  }
0x11d: {  	[tilespmem:v36+s0+$0x0] =	vst.idx.msk $0xffff, v0  }
0x11e: {  	v0 =	vld.idx.msk [tilespmem:v60+s2+$0x0], $0xffff  }
0x11f: {  	v58 =	vld.idx.msk [tilespmem:v60+s4+$0x0], $0xffff;
	_ =	sdelay $0x2  }
0x120: {  	v60 =	vor.u32 $0x2200, v59;
	_ =	sdelay $0x1  }
0x121: {  	v0 =	vadd.f32 v58, v0;
	_ =	sdelay $0x1  }
0x122: {  	[tilespmem:v37+s0+$0x0] =	vst.idx.msk $0xffff, v0  }
0x123: {  	v0 =	vld.idx.msk [tilespmem:v60+s2+$0x0], $0xffff  }
0x124: {  	v58 =	vld.idx.msk [tilespmem:v60+s4+$0x0], $0xffff;
	_ =	sdelay $0x2  }
0x125: {  	v60 =	vor.u32 $0x2280, v59;
	_ =	sdelay $0x1  }
0x126: {  	v0 =	vadd.f32 v58, v0;
	_ =	sdelay $0x1  }
0x127: {  	[tilespmem:v38+s0+$0x0] =	vst.idx.msk $0xffff, v0  }
0x128: {  	v0 =	vld.idx.msk [tilespmem:v60+s2+$0x0], $0xffff  }
0x129: {  	v58 =	vld.idx.msk [tilespmem:v60+s4+$0x0], $0xffff;
	_ =	sdelay $0x2  }
0x12a: {  	v60 =	vor.u32 $0x2300, v59;
	_ =	sdelay $0x1  }
0x12b: {  	v0 =	vadd.f32 v58, v0;
	_ =	sdelay $0x1  }
0x12c: {  	[tilespmem:v39+s0+$0x0] =	vst.idx.msk $0xffff, v0  }
0x12d: {  	v0 =	vld.idx.msk [tilespmem:v60+s2+$0x0], $0xffff  }
0x12e: {  	v58 =	vld.idx.msk [tilespmem:v60+s4+$0x0], $0xffff;
	_ =	sdelay $0x2  }
0x12f: {  	v60 =	vor.u32 $0x2380, v59;
	_ =	sdelay $0x1  }
0x130: {  	v0 =	vadd.f32 v58, v0;
	_ =	sdelay $0x1  }
0x131: {  	[tilespmem:v40+s0+$0x0] =	vst.idx.msk $0xffff, v0  }
0x132: {  	v0 =	vld.idx.msk [tilespmem:v60+s2+$0x0], $0xffff  }
0x133: {  	v58 =	vld.idx.msk [tilespmem:v60+s4+$0x0], $0xffff;
	_ =	sdelay $0x2  }
0x134: {  	v60 =	vor.u32 $0x2800, v59;
	_ =	sdelay $0x1  }
0x135: {  	v0 =	vadd.f32 v58, v0;
	_ =	sdelay $0x1  }
0x136: {  	[tilespmem:v41+s0+$0x0] =	vst.idx.msk $0xffff, v0  }
0x137: {  	v0 =	vld.idx.msk [tilespmem:v60+s2+$0x0], $0xffff  }
0x138: {  	v58 =	vld.idx.msk [tilespmem:v60+s4+$0x0], $0xffff;
	_ =	sdelay $0x2  }
0x139: {  	v60 =	vor.u32 $0x2880, v59;
	_ =	sdelay $0x1  }
0x13a: {  	v0 =	vadd.f32 v58, v0;
	_ =	sdelay $0x1  }
0x13b: {  	[tilespmem:v42+s0+$0x0] =	vst.idx.msk $0xffff, v0  }
0x13c: {  	v0 =	vld.idx.msk [tilespmem:v60+s2+$0x0], $0xffff  }
0x13d: {  	v58 =	vld.idx.msk [tilespmem:v60+s4+$0x0], $0xffff;
	_ =	sdelay $0x2  }
0x13e: {  	v60 =	vor.u32 $0x2900, v59;
	_ =	sdelay $0x1  }
0x13f: {  	v0 =	vadd.f32 v58, v0;
	_ =	sdelay $0x1  }
0x140: {  	[tilespmem:v43+s0+$0x0] =	vst.idx.msk $0xffff, v0  }
0x141: {  	v0 =	vld.idx.msk [tilespmem:v60+s2+$0x0], $0xffff  }
0x142: {  	v58 =	vld.idx.msk [tilespmem:v60+s4+$0x0], $0xffff;
	_ =	sdelay $0x2  }
0x143: {  	v60 =	vor.u32 $0x2980, v59;
	_ =	sdelay $0x1  }
0x144: {  	v0 =	vadd.f32 v58, v0;
	_ =	sdelay $0x1  }
0x145: {  	[tilespmem:v44+s0+$0x0] =	vst.idx.msk $0xffff, v0  }
0x146: {  	v0 =	vld.idx.msk [tilespmem:v60+s2+$0x0], $0xffff  }
0x147: {  	v58 =	vld.idx.msk [tilespmem:v60+s4+$0x0], $0xffff;
	_ =	sdelay $0x2  }
0x148: {  	v60 =	vor.u32 $0x2A00, v59;
	_ =	sdelay $0x1  }
0x149: {  	v0 =	vadd.f32 v58, v0;
	_ =	sdelay $0x1  }
0x14a: {  	[tilespmem:v45+s0+$0x0] =	vst.idx.msk $0xffff, v0  }
0x14b: {  	v0 =	vld.idx.msk [tilespmem:v60+s2+$0x0], $0xffff  }
0x14c: {  	v58 =	vld.idx.msk [tilespmem:v60+s4+$0x0], $0xffff;
	_ =	sdelay $0x2  }
0x14d: {  	v60 =	vor.u32 $0x2A80, v59;
	_ =	sdelay $0x1  }
0x14e: {  	v0 =	vadd.f32 v58, v0;
	_ =	sdelay $0x1  }
0x14f: {  	[tilespmem:v46+s0+$0x0] =	vst.idx.msk $0xffff, v0  }
0x150: {  	v0 =	vld.idx.msk [tilespmem:v60+s2+$0x0], $0xffff  }
0x151: {  	v58 =	vld.idx.msk [tilespmem:v60+s4+$0x0], $0xffff;
	_ =	sdelay $0x2  }
0x152: {  	v60 =	vor.u32 $0x2B00, v59;
	_ =	sdelay $0x1  }
0x153: {  	v0 =	vadd.f32 v58, v0;
	_ =	sdelay $0x1  }
0x154: {  	[tilespmem:v47+s0+$0x0] =	vst.idx.msk $0xffff, v0  }
0x155: {  	v0 =	vld.idx.msk [tilespmem:v60+s2+$0x0], $0xffff  }
0x156: {  	v58 =	vld.idx.msk [tilespmem:v60+s4+$0x0], $0xffff;
	_ =	sdelay $0x2  }
0x157: {  	v60 =	vor.u32 $0x2B80, v59;
	_ =	sdelay $0x1  }
0x158: {  	v0 =	vadd.f32 v58, v0;
	_ =	sdelay $0x1  }
0x159: {  	[tilespmem:v48+s0+$0x0] =	vst.idx.msk $0xffff, v0  }
0x15a: {  	v0 =	vld.idx.msk [tilespmem:v60+s2+$0x0], $0xffff  }
0x15b: {  	v58 =	vld.idx.msk [tilespmem:v60+s4+$0x0], $0xffff;
	_ =	sdelay $0x2  }
0x15c: {  	v60 =	vor.u32 $0x3000, v59;
	_ =	sdelay $0x1  }
0x15d: {  	v0 =	vadd.f32 v58, v0;
	_ =	sdelay $0x1  }
0x15e: {  	[tilespmem:v49+s0+$0x0] =	vst.idx.msk $0xffff, v0  }
0x15f: {  	v0 =	vld.idx.msk [tilespmem:v60+s2+$0x0], $0xffff  }
0x160: {  	v58 =	vld.idx.msk [tilespmem:v60+s4+$0x0], $0xffff;
	_ =	sdelay $0x2  }
0x161: {  	v60 =	vor.u32 $0x3080, v59;
	_ =	sdelay $0x1  }
0x162: {  	v0 =	vadd.f32 v58, v0;
	_ =	sdelay $0x1  }
0x163: {  	[tilespmem:v50+s0+$0x0] =	vst.idx.msk $0xffff, v0  }
0x164: {  	v0 =	vld.idx.msk [tilespmem:v60+s2+$0x0], $0xffff  }
0x165: {  	v58 =	vld.idx.msk [tilespmem:v60+s4+$0x0], $0xffff;
	_ =	sdelay $0x2  }
0x166: {  	v60 =	vor.u32 $0x3100, v59;
	_ =	sdelay $0x1  }
0x167: {  	v0 =	vadd.f32 v58, v0;
	_ =	sdelay $0x1  }
0x168: {  	[tilespmem:v51+s0+$0x0] =	vst.idx.msk $0xffff, v0  }
0x169: {  	v0 =	vld.idx.msk [tilespmem:v60+s2+$0x0], $0xffff  }
0x16a: {  	v58 =	vld.idx.msk [tilespmem:v60+s4+$0x0], $0xffff;
	_ =	sdelay $0x2  }
0x16b: {  	v60 =	vor.u32 $0x3180, v59;
	_ =	sdelay $0x1  }
0x16c: {  	v0 =	vadd.f32 v58, v0;
	_ =	sdelay $0x1  }
0x16d: {  	[tilespmem:v52+s0+$0x0] =	vst.idx.msk $0xffff, v0  }
0x16e: {  	v0 =	vld.idx.msk [tilespmem:v60+s2+$0x0], $0xffff  }
0x16f: {  	v58 =	vld.idx.msk [tilespmem:v60+s4+$0x0], $0xffff;
	_ =	sdelay $0x2  }
0x170: {  	v60 =	vor.u32 $0x3200, v59;
	_ =	sdelay $0x1  }
0x171: {  	v0 =	vadd.f32 v58, v0;
	_ =	sdelay $0x1  }
0x172: {  	[tilespmem:v53+s0+$0x0] =	vst.idx.msk $0xffff, v0  }
0x173: {  	v0 =	vld.idx.msk [tilespmem:v60+s2+$0x0], $0xffff  }
0x174: {  	v58 =	vld.idx.msk [tilespmem:v60+s4+$0x0], $0xffff;
	_ =	sdelay $0x2  }
0x175: {  	v60 =	vor.u32 $0x3280, v59;
	_ =	sdelay $0x1  }
0x176: {  	v0 =	vadd.f32 v58, v0;
	_ =	sdelay $0x1  }
0x177: {  	[tilespmem:v54+s0+$0x0] =	vst.idx.msk $0xffff, v0  }
0x178: {  	v0 =	vld.idx.msk [tilespmem:v60+s2+$0x0], $0xffff  }
0x179: {  	v58 =	vld.idx.msk [tilespmem:v60+s4+$0x0], $0xffff;
	_ =	sdelay $0x2  }
0x17a: {  	v60 =	vor.u32 $0x3300, v59;
	_ =	sdelay $0x1  }
0x17b: {  	v0 =	vadd.f32 v58, v0;
	_ =	sdelay $0x1  }
0x17c: {  	[tilespmem:v55+s0+$0x0] =	vst.idx.msk $0xffff, v0  }
0x17d: {  	v0 =	vld.idx.msk [tilespmem:v60+s2+$0x0], $0xffff  }
0x17e: {  	v58 =	vld.idx.msk [tilespmem:v60+s4+$0x0], $0xffff;
	_ =	sdelay $0x2  }
0x17f: {  	v60 =	vor.u32 $0x3380, v59;
	_ =	sdelay $0x1  }
0x180: {  	v0 =	vadd.f32 v58, v0;
	_ =	sdelay $0x1  }
0x181: {  	[tilespmem:v56+s0+$0x0] =	vst.idx.msk $0xffff, v0  }
0x182: {  	v0 =	vld.idx.msk [tilespmem:v60+s2+$0x0], $0xffff  }
0x183: {  	v58 =	vld.idx.msk [tilespmem:v60+s4+$0x0], $0xffff;
	_ =	sdelay $0x2  }
0x184: {  	v60 =	vor.u32 $0x3800, v59;
	_ =	sdelay $0x1  }
0x185: {  	v0 =	vadd.f32 v58, v0;
	_ =	sdelay $0x1  }
0x186: {  	[tilespmem:v57+s0+$0x0] =	vst.idx.msk $0xffff, v0  }
0x187: {  	v0 =	vld.idx.msk [tilespmem:v60+s2+$0x0], $0xffff  }
0x188: {  	v58 =	vld.idx.msk [tilespmem:v60+s4+$0x0], $0xffff;
	_ =	sdelay $0x1  }
0x189: {  	v60 =	vor.u32 $0x38, v1  }
0x18a: {  	v2 =	vor.u32 $0x3880, v59;
	_ =	sdelay $0x1  }
0x18b: {  	v0 =	vadd.f32 v58, v0;
	_ =	sdelay $0x1  }
0x18c: {  	[tilespmem:v60+s0+$0x0] =	vst.idx.msk $0xffff, v0  }
0x18d: {  	v0 =	vld.idx.msk [tilespmem:v2+s2+$0x0], $0xffff  }
0x18e: {  	v2 =	vld.idx.msk [tilespmem:v2+s4+$0x0], $0xffff;
	_ =	sdelay $0x1  }
0x18f: {  	v58 =	vor.u32 $0x39, v1  }
0x190: {  	v60 =	vor.u32 $0x3900, v59;
	_ =	sdelay $0x1  }
0x191: {  	v0 =	vadd.f32 v2, v0;
	_ =	sdelay $0x1  }
0x192: {  	[tilespmem:v58+s0+$0x0] =	vst.idx.msk $0xffff, v0  }
0x193: {  	v0 =	vld.idx.msk [tilespmem:v60+s2+$0x0], $0xffff  }
0x194: {  	v2 =	vld.idx.msk [tilespmem:v60+s4+$0x0], $0xffff;
	_ =	sdelay $0x1  }
0x195: {  	v58 =	vor.u32 $0x3A, v1  }
0x196: {  	v60 =	vor.u32 $0x3980, v59;
	_ =	sdelay $0x1  }
0x197: {  	v0 =	vadd.f32 v2, v0;
	_ =	sdelay $0x1  }
0x198: {  	[tilespmem:v58+s0+$0x0] =	vst.idx.msk $0xffff, v0  }
0x199: {  	v0 =	vld.idx.msk [tilespmem:v60+s2+$0x0], $0xffff  }
0x19a: {  	v2 =	vld.idx.msk [tilespmem:v60+s4+$0x0], $0xffff;
	_ =	sdelay $0x1  }
0x19b: {  	v58 =	vor.u32 $0x3B, v1  }
0x19c: {  	v60 =	vor.u32 $0x3A00, v59;
	_ =	sdelay $0x1  }
0x19d: {  	v0 =	vadd.f32 v2, v0;
	_ =	sdelay $0x1  }
0x19e: {  	[tilespmem:v58+s0+$0x0] =	vst.idx.msk $0xffff, v0  }
0x19f: {  	v0 =	vld.idx.msk [tilespmem:v60+s2+$0x0], $0xffff  }
0x1a0: {  	v2 =	vld.idx.msk [tilespmem:v60+s4+$0x0], $0xffff;
	_ =	sdelay $0x1  }
0x1a1: {  	v58 =	vor.u32 $0x3C, v1  }
0x1a2: {  	v60 =	vor.u32 $0x3A80, v59;
	_ =	sdelay $0x1  }
0x1a3: {  	v0 =	vadd.f32 v2, v0;
	_ =	sdelay $0x1  }
0x1a4: {  	[tilespmem:v58+s0+$0x0] =	vst.idx.msk $0xffff, v0  }
0x1a5: {  	v0 =	vld.idx.msk [tilespmem:v60+s2+$0x0], $0xffff  }
0x1a6: {  	v2 =	vld.idx.msk [tilespmem:v60+s4+$0x0], $0xffff;
	_ =	sdelay $0x1  }
0x1a7: {  	v58 =	vor.u32 $0x3D, v1  }
0x1a8: {  	v60 =	vor.u32 $0x3B00, v59;
	_ =	sdelay $0x1  }
0x1a9: {  	v0 =	vadd.f32 v2, v0;
	_ =	sdelay $0x1  }
0x1aa: {  	[tilespmem:v58+s0+$0x0] =	vst.idx.msk $0xffff, v0  }
0x1ab: {  	v0 =	vld.idx.msk [tilespmem:v60+s2+$0x0], $0xffff  }
0x1ac: {  	v2 =	vld.idx.msk [tilespmem:v60+s4+$0x0], $0xffff;
	_ =	sdelay $0x1  }
0x1ad: {  	v60 =	vor.u32 $0x3E, v1  }
0x1ae: {  	v59 =	vor.u32 $0x3B80, v59;
	_ =	sdelay $0x1  }
0x1af: {  	v0 =	vadd.f32 v2, v0;
	_ =	sdelay $0x1  }
0x1b0: {  	[tilespmem:v60+s0+$0x0] =	vst.idx.msk $0xffff, v0  }
0x1b1: {  	v0 =	vld.idx.msk [tilespmem:v59+s2+$0x0], $0xffff  }
0x1b2: {  	v2 =	vld.idx.msk [tilespmem:v59+s4+$0x0], $0xffff;
	_ =	sdelay $0x1  }
0x1b3: {  	v60 =	vor.u32 $0x3F, v1;
	_ =	sdelay $0x2  }
0x1b4: {  	v0 =	vadd.f32 v2, v0  }
0x1b5: {  	p0 =	sne.s32 s17, $0x1  }
.Ltmp5:
0x1b6: {  	[tilespmem:v60+s0+$0x0] =	vst.idx.msk $0xffff, v0;
	(pc) =	sbr.rel @p0 .LBB2_4-.Ltmp5, $4  }
0x1b7: {  	[hbm4b:s11+s1] =	stream.indirect.scatter [tilespmem:s0], [sflag:$0x4], $0x80, s7, s1, $0xb8;
	[tilespmem:$0x19880] =	vst v63  }
0x1b8: {  	v2 =	vld [tilespmem:$0x1FFF0];
	_ =	swait.ge [sflag:s12], $0x800  }
0x1b9: {  	s18 =	sadd.s32 $0x10, s18;
	s19 =	sadd.s32 $0x10, s19;
	[sflag:s12] =	ssyncset.done $0x0  }
0x1ba: {  	s17 =	sadd.s32 $0xFFFFFFFF, s17;
	s16 =	sadd.s32 $0x10, s16;
	[sflag:s12] =	ssyncadd.s32 $0xFFFFF800  }
.LBB2_5:
0x1bb: {  	v0 =	vld [tilespmem:$0x1FFE0];
	_ =	sdelay $0x7  }
0x1bc: {  	v0 =	vld.idx.msk [tilespmem:v0+s10+$0x0 ss:$0x1], $0xffff;
	_ =	sdelay $0x4  }
0x1bd: {  	(v2sf) =	vpush v0, $0x0  }
0x1be: {  	(v2sf) =	vpush v0, $0x1;
	_ =	sdelay $0xd  }
0x1bf: {  	s16 =	spop (v2sf)  }
0x1c0: {  	p0 =	seq.s32 s31, $0x3D;
	s17 =	spop (v2sf)  }
0x1c1: {  	p1 =	sge.s32 @!p0 s16, s17  }
0x1c2: {  	p0 =	por p0, p1  }
.Ltmp6:
0x1c3: {  	_ = 	snop;
	(pc) =	sbr.rel @p0 .LBB2_7-.Ltmp6, $2  }
0x1c4: {  	_ =	sdelay $0x2  }
0x1c5: {  	s10 =	sadd.s32 s10, s14  }
0x1c6: {  	p2 =	sgt.u32 s10, $0xF41  }
0x1c7: {  	p0 =	sne.s32 @p2 s10, $0xF42  }
0x1c8: {  	p3 =	por p0, !p2  }
0x1c9: {  	s18 =	rddreg [dreg:$0x6];
	s16 =	simm.s32 @!p3 $0x0;
	s17 =	simm.s32 @!p3 $0x9000  }
0x1ca: {  	[tilespmem:s17], [sflag:$0x2] =	stream.linear.gather @!p3 [hbm4b:s18+s16], $0x400, $0x38;
	[tilespmem:$0x19880] =	vst v63  }
0x1cb: {  	s17 =	simm.s32 @!p3 $0x9800;
	s18 =	rddreg [dreg:$0xb]  }
0x1cc: {  	[tilespmem:s17], [sflag:$0x2] =	stream.linear.gather @!p3 [hbm4b:s18+s16], $0x400, $0x38;
	[tilespmem:$0x19880] =	vst v63  }
0x1cd: {  	s17 =	simm.s32 @!p3 $0xA000;
	s18 =	rddreg [dreg:$0xc]  }
0x1ce: {  	[tilespmem:s17], [sflag:$0x2] =	stream.linear.gather @!p3 [hbm4b:s18+s16], $0x400, $0x38;
	[tilespmem:$0x19880] =	vst v63  }
0x1cf: {  	s17 =	simm.s32 @!p3 $0xA800;
	s18 =	rddreg [dreg:$0xd]  }
0x1d0: {  	[tilespmem:s17], [sflag:$0x2] =	stream.linear.gather @!p3 [hbm4b:s18+s16], $0x400, $0x38;
	[tilespmem:$0x19880] =	vst v63  }
0x1d1: {  	s17 =	simm.s32 @!p3 $0xB000;
	s18 =	rddreg [dreg:$0xe]  }
0x1d2: {  	[tilespmem:s17], [sflag:$0x2] =	stream.linear.gather @!p3 [hbm4b:s18+s16], $0x400, $0x38;
	[tilespmem:$0x19880] =	vst v63  }
0x1d3: {  	s17 =	simm.s32 @!p3 $0xB800;
	s18 =	rddreg [dreg:$0xf]  }
0x1d4: {  	[tilespmem:s17], [sflag:$0x2] =	stream.linear.gather @!p3 [hbm4b:s18+s16], $0x400, $0x38;
	[tilespmem:$0x19880] =	vst v63  }
0x1d5: {  	s17 =	simm.s32 @!p3 $0xC000;
	s18 =	rddreg [dreg:$0x10]  }
0x1d6: {  	[tilespmem:s17], [sflag:$0x2] =	stream.linear.gather @!p3 [hbm4b:s18+s16], $0x400, $0x38;
	[tilespmem:$0x19880] =	vst v63  }
0x1d7: {  	s17 =	simm.s32 @!p3 $0xC800;
	s18 =	rddreg [dreg:$0x11]  }
0x1d8: {  	[tilespmem:s17], [sflag:$0x2] =	stream.linear.gather @!p3 [hbm4b:s18+s16], $0x400, $0x38;
	[tilespmem:$0x19880] =	vst v63  }
0x1d9: {  	s17 =	simm.s32 @!p3 $0xD000;
	s18 =	rddreg [dreg:$0x7]  }
0x1da: {  	[tilespmem:s17], [sflag:$0x2] =	stream.linear.gather @!p3 [hbm4b:s18+s16], $0x400, $0x38;
	[tilespmem:$0x19880] =	vst v63  }
0x1db: {  	s17 =	simm.s32 @!p3 $0xD800;
	s18 =	rddreg [dreg:$0x12]  }
0x1dc: {  	[tilespmem:s17], [sflag:$0x2] =	stream.linear.gather @!p3 [hbm4b:s18+s16], $0x400, $0x38;
	[tilespmem:$0x19880] =	vst v63  }
0x1dd: {  	s17 =	simm.s32 @!p3 $0xE000  }
0x1de: {  	[tilespmem:s17], [sflag:$0x2] =	stream.linear.gather @!p3 [hbm4b:s24+s16], $0x400, $0x38;
	[tilespmem:$0x19880] =	vst v63  }
0x1df: {  	s17 =	simm.s32 @!p3 $0xE800  }
0x1e0: {  	[tilespmem:s17], [sflag:$0x2] =	stream.linear.gather @!p3 [hbm4b:s25+s16], $0x400, $0x38;
	[tilespmem:$0x19880] =	vst v63  }
0x1e1: {  	s17 =	simm.s32 @!p3 $0xF000  }
0x1e2: {  	[tilespmem:s17], [sflag:$0x2] =	stream.linear.gather @!p3 [hbm4b:s26+s16], $0x400, $0x38;
	[tilespmem:$0x19880] =	vst v63  }
0x1e3: {  	s17 =	simm.s32 @!p3 $0xF800  }
0x1e4: {  	[tilespmem:s17], [sflag:$0x2] =	stream.linear.gather @!p3 [hbm4b:s28+s16], $0x400, $0x38;
	[tilespmem:$0x19880] =	vst v63  }
0x1e5: {  	s17 =	simm.s32 @!p3 $0x10000  }
0x1e6: {  	[tilespmem:s17], [sflag:$0x2] =	stream.linear.gather @!p3 [hbm4b:s29+s16], $0x400, $0x38;
	[tilespmem:$0x19880] =	vst v63  }
0x1e7: {  	s10 =	sshll.u32 @!p2 s10, $0x8;
	s19 =	simm.s32 @!p2 $0x9000;
	s17 =	simm.s32 @!p3 $0x10800  }
0x1e8: {  	[tilespmem:s17], [sflag:$0x2] =	stream.linear.gather @!p3 [hbm4b:s30+s16], $0x400, $0x38;
	[tilespmem:$0x19880] =	vst v63  }
0x1e9: {  	s18 =	simm.s32 @!p2 $0x7A1400;
	s16 =	sadd.s32 @!p2 s3, s10;
	s17 =	simm.s32 @!p2 $0x800  }
0x1ea: {  	[tilespmem:s19], [sflag:$0x2] =	stream.strided.gather @!p2 [hbm4b:s16+s17], $0x4000, s18, s17, $0x38;
	[tilespmem:$0x19880] =	vst v63  }
0x1eb: {  	s10 =	sadd.s32 @!p2 s5, s10;
	s16 =	simm.s32 @!p2 $0xD000  }
0x1ec: {  	[tilespmem:s16], [sflag:$0x2] =	stream.strided.gather @!p2 [hbm4b:s10+s17], $0x4000, s18, s17, $0x38;
	[tilespmem:$0x19880] =	vst v63  }
.LBB2_7:
0x1ed: {  	s10 =	sld [smem:$0x7FD];
	_ =	sdelay $0x2  }
0x1ee: {  	p2 =	seq.s32 s10, $0x1  }
0x1ef: {  	s16 =	simm.s32 @!p2 $0x3  }
0x1f0: {  	_ =	swait.ge @!p2 [sflag:s16], $0x4000  }
0x1f1: {  	s23 =	sld [smem:$0x7FC];
	_ =	sdelay $0x2  }
0x1f2: {  	p1 =	seq.s32 s23, $0x1  }
0x1f3: {  	s10 =	sand.u32 @!p1 $0xFFFFFFF0, s6  }
0x1f4: {  	s9 =	ssub.s32 @!p1 s9, s10  }
0x1f5: {  	s9 =	sadd.s32 @!p1 $0xF, s9  }
0x1f6: {  	p0 =	slt.s32 @!p1 s9, $0x10  }
0x1f7: {  	p0 =	por p1, p0  }
.Ltmp7:
0x1f8: {  	[sflag:s16] =	ssyncset.done @!p2 $0x0;
	(pc) =	sbr.rel @p0 .LBB2_10-.Ltmp7, $4  }
0x1f9: {  	[sflag:s16] =	ssyncadd.s32 @!p2 $0xFFFFC000  }
0x1fa: {  	_ =	swait.ge @!p2 [sflag:s16], $0x4000  }
0x1fb: {  	[sflag:s16] =	ssyncset.done @!p2 $0x0  }
0x1fc: {  	v59 =	vlaneseq.u32;
	v63 =	vld [tilespmem:$0x1FFF0];
	[sflag:s16] =	ssyncadd.s32 @!p2 $0xFFFFC000  }
0x1fd: {  	v0 =	vld [tilespmem:$0x1FFC0];
	_ =	sdelay $0x1  }
0x1fe: {  	s16 =	sshra.s32 @!p1 s9, $0x1F;
	s6 =	sshll.u32 s6, $0x2  }
0x1ff: {  	s16 =	sshrl.u32 @!p1 s16, $0x1C;
	s6 =	sshra.s32 s6, $0x2  }
0x200: {  	s9 =	sadd.s32 @!p1 s16, s9;
	s23 =	sand.u32 $0xFFFFFFF0, s6  }
0x201: {  	s6 =	sshra.s32 @!p1 s9, $0x4;
	s9 =	sadd.s32 $0x1000, s23;
	s16 =	sadd.s32 $0x5000, s23;
	v61 =	vbroadcast v0, $0x0;
	v60 =	vbroadcast v0, $0x1  }
.LBB2_9:
0x202: {  	v0 =	vld [tilespmem:s9+$0x0];
	_ =	sdelay $0x4  }
0x203: {  	v2 =	vld [tilespmem:s16+$0x0];
	v58 =	vshll.u32 v0, $0x3  }
0x204: {  	v0 =	vand.u32 $0x7F, v0;
	v58 =	vand.u32 $0x400, v58  }
0x205: {  	v62 =	vor.u32 s10, v59;
	v59 =	vor.u32 v0, v58  }
0x206: {  	vm0 =	vge.s32 v62, v61;
	vm1 =	vlt.s32 v62, v60  }
0x207: {  	vm0 =	vmand vm0, vm1  }
0x208: {  	v0 =	vsel vm0, v2, v63  }
0x209: {  	[tilespmem:$0x19800] =	vst v0  }
0x20a: {  	v0 =	vld.idx.msk [tilespmem:v59+s13+$0x0], $0xffff  }
0x20b: {  	v2 =	vld.idx.msk [tilespmem:v59+s15+$0x0], $0xffff;
	_ =	sdelay $0x2  }
0x20c: {  	v58 =	vor.u32 $0x80, v59;
	_ =	sdelay $0x1  }
0x20d: {  	v0 =	vadd.f32 v2, v0;
	_ =	sdelay $0x1  }
0x20e: {  	[tilespmem:v1+s0+$0x0] =	vst.idx.msk $0xffff, v0  }
0x20f: {  	v0 =	vld.idx.msk [tilespmem:v58+s13+$0x0], $0xffff  }
0x210: {  	v2 =	vld.idx.msk [tilespmem:v58+s15+$0x0], $0xffff;
	_ =	sdelay $0x2  }
0x211: {  	v62 =	vor.u32 $0x100, v59;
	_ =	sdelay $0x1  }
0x212: {  	v0 =	vadd.f32 v2, v0;
	_ =	sdelay $0x1  }
0x213: {  	[tilespmem:v3+s0+$0x0] =	vst.idx.msk $0xffff, v0  }
0x214: {  	v0 =	vld.idx.msk [tilespmem:v62+s13+$0x0], $0xffff  }
0x215: {  	v2 =	vld.idx.msk [tilespmem:v62+s15+$0x0], $0xffff;
	_ =	sdelay $0x2  }
0x216: {  	v62 =	vor.u32 $0x180, v59;
	_ =	sdelay $0x1  }
0x217: {  	v0 =	vadd.f32 v2, v0;
	_ =	sdelay $0x1  }
0x218: {  	[tilespmem:v4+s0+$0x0] =	vst.idx.msk $0xffff, v0  }
0x219: {  	v0 =	vld.idx.msk [tilespmem:v62+s13+$0x0], $0xffff  }
0x21a: {  	v2 =	vld.idx.msk [tilespmem:v62+s15+$0x0], $0xffff;
	_ =	sdelay $0x2  }
0x21b: {  	v62 =	vor.u32 $0x200, v59;
	_ =	sdelay $0x1  }
0x21c: {  	v0 =	vadd.f32 v2, v0;
	_ =	sdelay $0x1  }
0x21d: {  	[tilespmem:v5+s0+$0x0] =	vst.idx.msk $0xffff, v0  }
0x21e: {  	v0 =	vld.idx.msk [tilespmem:v62+s13+$0x0], $0xffff  }
0x21f: {  	v2 =	vld.idx.msk [tilespmem:v62+s15+$0x0], $0xffff;
	_ =	sdelay $0x2  }
0x220: {  	v62 =	vor.u32 $0x280, v59;
	_ =	sdelay $0x1  }
0x221: {  	v0 =	vadd.f32 v2, v0;
	_ =	sdelay $0x1  }
0x222: {  	[tilespmem:v6+s0+$0x0] =	vst.idx.msk $0xffff, v0  }
0x223: {  	v0 =	vld.idx.msk [tilespmem:v62+s13+$0x0], $0xffff  }
0x224: {  	v2 =	vld.idx.msk [tilespmem:v62+s15+$0x0], $0xffff;
	_ =	sdelay $0x2  }
0x225: {  	v62 =	vor.u32 $0x300, v59;
	_ =	sdelay $0x1  }
0x226: {  	v0 =	vadd.f32 v2, v0;
	_ =	sdelay $0x1  }
0x227: {  	[tilespmem:v7+s0+$0x0] =	vst.idx.msk $0xffff, v0  }
0x228: {  	v0 =	vld.idx.msk [tilespmem:v62+s13+$0x0], $0xffff  }
0x229: {  	v2 =	vld.idx.msk [tilespmem:v62+s15+$0x0], $0xffff;
	_ =	sdelay $0x2  }
0x22a: {  	v62 =	vor.u32 $0x380, v59;
	_ =	sdelay $0x1  }
0x22b: {  	v0 =	vadd.f32 v2, v0;
	_ =	sdelay $0x1  }
0x22c: {  	[tilespmem:v8+s0+$0x0] =	vst.idx.msk $0xffff, v0  }
0x22d: {  	v0 =	vld.idx.msk [tilespmem:v62+s13+$0x0], $0xffff  }
0x22e: {  	v2 =	vld.idx.msk [tilespmem:v62+s15+$0x0], $0xffff;
	_ =	sdelay $0x2  }
0x22f: {  	v62 =	vor.u32 $0x800, v59;
	_ =	sdelay $0x1  }
0x230: {  	v0 =	vadd.f32 v2, v0;
	_ =	sdelay $0x1  }
0x231: {  	[tilespmem:v9+s0+$0x0] =	vst.idx.msk $0xffff, v0  }
0x232: {  	v0 =	vld.idx.msk [tilespmem:v62+s13+$0x0], $0xffff  }
0x233: {  	v2 =	vld.idx.msk [tilespmem:v62+s15+$0x0], $0xffff;
	_ =	sdelay $0x2  }
0x234: {  	v62 =	vor.u32 $0x880, v59;
	_ =	sdelay $0x1  }
0x235: {  	v0 =	vadd.f32 v2, v0;
	_ =	sdelay $0x1  }
0x236: {  	[tilespmem:v10+s0+$0x0] =	vst.idx.msk $0xffff, v0  }
0x237: {  	v0 =	vld.idx.msk [tilespmem:v62+s13+$0x0], $0xffff  }
0x238: {  	v2 =	vld.idx.msk [tilespmem:v62+s15+$0x0], $0xffff;
	_ =	sdelay $0x2  }
0x239: {  	v62 =	vor.u32 $0x900, v59;
	_ =	sdelay $0x1  }
0x23a: {  	v0 =	vadd.f32 v2, v0;
	_ =	sdelay $0x1  }
0x23b: {  	[tilespmem:v11+s0+$0x0] =	vst.idx.msk $0xffff, v0  }
0x23c: {  	v0 =	vld.idx.msk [tilespmem:v62+s13+$0x0], $0xffff  }
0x23d: {  	v2 =	vld.idx.msk [tilespmem:v62+s15+$0x0], $0xffff;
	_ =	sdelay $0x2  }
0x23e: {  	v62 =	vor.u32 $0x980, v59;
	_ =	sdelay $0x1  }
0x23f: {  	v0 =	vadd.f32 v2, v0;
	_ =	sdelay $0x1  }
0x240: {  	[tilespmem:v12+s0+$0x0] =	vst.idx.msk $0xffff, v0  }
0x241: {  	v0 =	vld.idx.msk [tilespmem:v62+s13+$0x0], $0xffff  }
0x242: {  	v2 =	vld.idx.msk [tilespmem:v62+s15+$0x0], $0xffff;
	_ =	sdelay $0x2  }
0x243: {  	v62 =	vor.u32 $0xA00, v59;
	_ =	sdelay $0x1  }
0x244: {  	v0 =	vadd.f32 v2, v0;
	_ =	sdelay $0x1  }
0x245: {  	[tilespmem:v13+s0+$0x0] =	vst.idx.msk $0xffff, v0  }
0x246: {  	v0 =	vld.idx.msk [tilespmem:v62+s13+$0x0], $0xffff  }
0x247: {  	v2 =	vld.idx.msk [tilespmem:v62+s15+$0x0], $0xffff;
	_ =	sdelay $0x2  }
0x248: {  	v62 =	vor.u32 $0xA80, v59;
	_ =	sdelay $0x1  }
0x249: {  	v0 =	vadd.f32 v2, v0;
	_ =	sdelay $0x1  }
0x24a: {  	[tilespmem:v14+s0+$0x0] =	vst.idx.msk $0xffff, v0  }
0x24b: {  	v0 =	vld.idx.msk [tilespmem:v62+s13+$0x0], $0xffff  }
0x24c: {  	v2 =	vld.idx.msk [tilespmem:v62+s15+$0x0], $0xffff;
	_ =	sdelay $0x2  }
0x24d: {  	v62 =	vor.u32 $0xB00, v59;
	_ =	sdelay $0x1  }
0x24e: {  	v0 =	vadd.f32 v2, v0;
	_ =	sdelay $0x1  }
0x24f: {  	[tilespmem:v15+s0+$0x0] =	vst.idx.msk $0xffff, v0  }
0x250: {  	v0 =	vld.idx.msk [tilespmem:v62+s13+$0x0], $0xffff  }
0x251: {  	v2 =	vld.idx.msk [tilespmem:v62+s15+$0x0], $0xffff;
	_ =	sdelay $0x2  }
0x252: {  	v62 =	vor.u32 $0xB80, v59;
	_ =	sdelay $0x1  }
0x253: {  	v0 =	vadd.f32 v2, v0;
	_ =	sdelay $0x1  }
0x254: {  	[tilespmem:v16+s0+$0x0] =	vst.idx.msk $0xffff, v0  }
0x255: {  	v0 =	vld.idx.msk [tilespmem:v62+s13+$0x0], $0xffff  }
0x256: {  	v2 =	vld.idx.msk [tilespmem:v62+s15+$0x0], $0xffff;
	_ =	sdelay $0x2  }
0x257: {  	v62 =	vor.u32 $0x1000, v59;
	_ =	sdelay $0x1  }
0x258: {  	v0 =	vadd.f32 v2, v0;
	_ =	sdelay $0x1  }
0x259: {  	[tilespmem:v17+s0+$0x0] =	vst.idx.msk $0xffff, v0  }
0x25a: {  	v0 =	vld.idx.msk [tilespmem:v62+s13+$0x0], $0xffff  }
0x25b: {  	v2 =	vld.idx.msk [tilespmem:v62+s15+$0x0], $0xffff;
	_ =	sdelay $0x2  }
0x25c: {  	v62 =	vor.u32 $0x1080, v59;
	_ =	sdelay $0x1  }
0x25d: {  	v0 =	vadd.f32 v2, v0;
	_ =	sdelay $0x1  }
0x25e: {  	[tilespmem:v18+s0+$0x0] =	vst.idx.msk $0xffff, v0  }
0x25f: {  	v0 =	vld.idx.msk [tilespmem:v62+s13+$0x0], $0xffff  }
0x260: {  	v2 =	vld.idx.msk [tilespmem:v62+s15+$0x0], $0xffff;
	_ =	sdelay $0x2  }
0x261: {  	v62 =	vor.u32 $0x1100, v59;
	_ =	sdelay $0x1  }
0x262: {  	v0 =	vadd.f32 v2, v0;
	_ =	sdelay $0x1  }
0x263: {  	[tilespmem:v19+s0+$0x0] =	vst.idx.msk $0xffff, v0  }
0x264: {  	v0 =	vld.idx.msk [tilespmem:v62+s13+$0x0], $0xffff  }
0x265: {  	v2 =	vld.idx.msk [tilespmem:v62+s15+$0x0], $0xffff;
	_ =	sdelay $0x2  }
0x266: {  	v62 =	vor.u32 $0x1180, v59;
	_ =	sdelay $0x1  }
0x267: {  	v0 =	vadd.f32 v2, v0;
	_ =	sdelay $0x1  }
0x268: {  	[tilespmem:v20+s0+$0x0] =	vst.idx.msk $0xffff, v0  }
0x269: {  	v0 =	vld.idx.msk [tilespmem:v62+s13+$0x0], $0xffff  }
0x26a: {  	v2 =	vld.idx.msk [tilespmem:v62+s15+$0x0], $0xffff;
	_ =	sdelay $0x2  }
0x26b: {  	v62 =	vor.u32 $0x1200, v59;
	_ =	sdelay $0x1  }
0x26c: {  	v0 =	vadd.f32 v2, v0;
	_ =	sdelay $0x1  }
0x26d: {  	[tilespmem:v21+s0+$0x0] =	vst.idx.msk $0xffff, v0  }
0x26e: {  	v0 =	vld.idx.msk [tilespmem:v62+s13+$0x0], $0xffff  }
0x26f: {  	v2 =	vld.idx.msk [tilespmem:v62+s15+$0x0], $0xffff;
	_ =	sdelay $0x2  }
0x270: {  	v62 =	vor.u32 $0x1280, v59;
	_ =	sdelay $0x1  }
0x271: {  	v0 =	vadd.f32 v2, v0;
	_ =	sdelay $0x1  }
0x272: {  	[tilespmem:v22+s0+$0x0] =	vst.idx.msk $0xffff, v0  }
0x273: {  	v0 =	vld.idx.msk [tilespmem:v62+s13+$0x0], $0xffff  }
0x274: {  	v2 =	vld.idx.msk [tilespmem:v62+s15+$0x0], $0xffff;
	_ =	sdelay $0x2  }
0x275: {  	v62 =	vor.u32 $0x1300, v59;
	_ =	sdelay $0x1  }
0x276: {  	v0 =	vadd.f32 v2, v0;
	_ =	sdelay $0x1  }
0x277: {  	[tilespmem:v23+s0+$0x0] =	vst.idx.msk $0xffff, v0  }
0x278: {  	v0 =	vld.idx.msk [tilespmem:v62+s13+$0x0], $0xffff  }
0x279: {  	v2 =	vld.idx.msk [tilespmem:v62+s15+$0x0], $0xffff;
	_ =	sdelay $0x2  }
0x27a: {  	v62 =	vor.u32 $0x1380, v59;
	_ =	sdelay $0x1  }
0x27b: {  	v0 =	vadd.f32 v2, v0;
	_ =	sdelay $0x1  }
0x27c: {  	[tilespmem:v24+s0+$0x0] =	vst.idx.msk $0xffff, v0  }
0x27d: {  	v0 =	vld.idx.msk [tilespmem:v62+s13+$0x0], $0xffff  }
0x27e: {  	v2 =	vld.idx.msk [tilespmem:v62+s15+$0x0], $0xffff;
	_ =	sdelay $0x2  }
0x27f: {  	v62 =	vor.u32 $0x1800, v59;
	_ =	sdelay $0x1  }
0x280: {  	v0 =	vadd.f32 v2, v0;
	_ =	sdelay $0x1  }
0x281: {  	[tilespmem:v25+s0+$0x0] =	vst.idx.msk $0xffff, v0  }
0x282: {  	v0 =	vld.idx.msk [tilespmem:v62+s13+$0x0], $0xffff  }
0x283: {  	v2 =	vld.idx.msk [tilespmem:v62+s15+$0x0], $0xffff;
	_ =	sdelay $0x2  }
0x284: {  	v62 =	vor.u32 $0x1880, v59;
	_ =	sdelay $0x1  }
0x285: {  	v0 =	vadd.f32 v2, v0;
	_ =	sdelay $0x1  }
0x286: {  	[tilespmem:v26+s0+$0x0] =	vst.idx.msk $0xffff, v0  }
0x287: {  	v0 =	vld.idx.msk [tilespmem:v62+s13+$0x0], $0xffff  }
0x288: {  	v2 =	vld.idx.msk [tilespmem:v62+s15+$0x0], $0xffff;
	_ =	sdelay $0x2  }
0x289: {  	v62 =	vor.u32 $0x1900, v59;
	_ =	sdelay $0x1  }
0x28a: {  	v0 =	vadd.f32 v2, v0;
	_ =	sdelay $0x1  }
0x28b: {  	[tilespmem:v27+s0+$0x0] =	vst.idx.msk $0xffff, v0  }
0x28c: {  	v0 =	vld.idx.msk [tilespmem:v62+s13+$0x0], $0xffff  }
0x28d: {  	v2 =	vld.idx.msk [tilespmem:v62+s15+$0x0], $0xffff;
	_ =	sdelay $0x2  }
0x28e: {  	v62 =	vor.u32 $0x1980, v59;
	_ =	sdelay $0x1  }
0x28f: {  	v0 =	vadd.f32 v2, v0;
	_ =	sdelay $0x1  }
0x290: {  	[tilespmem:v28+s0+$0x0] =	vst.idx.msk $0xffff, v0  }
0x291: {  	v0 =	vld.idx.msk [tilespmem:v62+s13+$0x0], $0xffff  }
0x292: {  	v2 =	vld.idx.msk [tilespmem:v62+s15+$0x0], $0xffff;
	_ =	sdelay $0x2  }
0x293: {  	v62 =	vor.u32 $0x1A00, v59;
	_ =	sdelay $0x1  }
0x294: {  	v0 =	vadd.f32 v2, v0;
	_ =	sdelay $0x1  }
0x295: {  	[tilespmem:v29+s0+$0x0] =	vst.idx.msk $0xffff, v0  }
0x296: {  	v0 =	vld.idx.msk [tilespmem:v62+s13+$0x0], $0xffff  }
0x297: {  	v2 =	vld.idx.msk [tilespmem:v62+s15+$0x0], $0xffff;
	_ =	sdelay $0x2  }
0x298: {  	v62 =	vor.u32 $0x1A80, v59;
	_ =	sdelay $0x1  }
0x299: {  	v0 =	vadd.f32 v2, v0;
	_ =	sdelay $0x1  }
0x29a: {  	[tilespmem:v30+s0+$0x0] =	vst.idx.msk $0xffff, v0  }
0x29b: {  	v0 =	vld.idx.msk [tilespmem:v62+s13+$0x0], $0xffff  }
0x29c: {  	v2 =	vld.idx.msk [tilespmem:v62+s15+$0x0], $0xffff;
	_ =	sdelay $0x2  }
0x29d: {  	v62 =	vor.u32 $0x1B00, v59;
	_ =	sdelay $0x1  }
0x29e: {  	v0 =	vadd.f32 v2, v0;
	_ =	sdelay $0x1  }
0x29f: {  	[tilespmem:v31+s0+$0x0] =	vst.idx.msk $0xffff, v0  }
0x2a0: {  	v0 =	vld.idx.msk [tilespmem:v62+s13+$0x0], $0xffff  }
0x2a1: {  	v2 =	vld.idx.msk [tilespmem:v62+s15+$0x0], $0xffff;
	_ =	sdelay $0x2  }
0x2a2: {  	v62 =	vor.u32 $0x1B80, v59;
	_ =	sdelay $0x1  }
0x2a3: {  	v0 =	vadd.f32 v2, v0;
	_ =	sdelay $0x1  }
0x2a4: {  	[tilespmem:v32+s0+$0x0] =	vst.idx.msk $0xffff, v0  }
0x2a5: {  	v0 =	vld.idx.msk [tilespmem:v62+s13+$0x0], $0xffff  }
0x2a6: {  	v2 =	vld.idx.msk [tilespmem:v62+s15+$0x0], $0xffff;
	_ =	sdelay $0x2  }
0x2a7: {  	v62 =	vor.u32 $0x2000, v59;
	_ =	sdelay $0x1  }
0x2a8: {  	v0 =	vadd.f32 v2, v0;
	_ =	sdelay $0x1  }
0x2a9: {  	[tilespmem:v33+s0+$0x0] =	vst.idx.msk $0xffff, v0  }
0x2aa: {  	v0 =	vld.idx.msk [tilespmem:v62+s13+$0x0], $0xffff  }
0x2ab: {  	v2 =	vld.idx.msk [tilespmem:v62+s15+$0x0], $0xffff;
	_ =	sdelay $0x2  }
0x2ac: {  	v62 =	vor.u32 $0x2080, v59;
	_ =	sdelay $0x1  }
0x2ad: {  	v0 =	vadd.f32 v2, v0;
	_ =	sdelay $0x1  }
0x2ae: {  	[tilespmem:v34+s0+$0x0] =	vst.idx.msk $0xffff, v0  }
0x2af: {  	v0 =	vld.idx.msk [tilespmem:v62+s13+$0x0], $0xffff  }
0x2b0: {  	v2 =	vld.idx.msk [tilespmem:v62+s15+$0x0], $0xffff;
	_ =	sdelay $0x2  }
0x2b1: {  	v62 =	vor.u32 $0x2100, v59;
	_ =	sdelay $0x1  }
0x2b2: {  	v0 =	vadd.f32 v2, v0;
	_ =	sdelay $0x1  }
0x2b3: {  	[tilespmem:v35+s0+$0x0] =	vst.idx.msk $0xffff, v0  }
0x2b4: {  	v0 =	vld.idx.msk [tilespmem:v62+s13+$0x0], $0xffff  }
0x2b5: {  	v2 =	vld.idx.msk [tilespmem:v62+s15+$0x0], $0xffff;
	_ =	sdelay $0x2  }
0x2b6: {  	v62 =	vor.u32 $0x2180, v59;
	_ =	sdelay $0x1  }
0x2b7: {  	v0 =	vadd.f32 v2, v0;
	_ =	sdelay $0x1  }
0x2b8: {  	[tilespmem:v36+s0+$0x0] =	vst.idx.msk $0xffff, v0  }
0x2b9: {  	v0 =	vld.idx.msk [tilespmem:v62+s13+$0x0], $0xffff  }
0x2ba: {  	v2 =	vld.idx.msk [tilespmem:v62+s15+$0x0], $0xffff;
	_ =	sdelay $0x2  }
0x2bb: {  	v62 =	vor.u32 $0x2200, v59;
	_ =	sdelay $0x1  }
0x2bc: {  	v0 =	vadd.f32 v2, v0;
	_ =	sdelay $0x1  }
0x2bd: {  	[tilespmem:v37+s0+$0x0] =	vst.idx.msk $0xffff, v0  }
0x2be: {  	v0 =	vld.idx.msk [tilespmem:v62+s13+$0x0], $0xffff  }
0x2bf: {  	v2 =	vld.idx.msk [tilespmem:v62+s15+$0x0], $0xffff;
	_ =	sdelay $0x2  }
0x2c0: {  	v62 =	vor.u32 $0x2280, v59;
	_ =	sdelay $0x1  }
0x2c1: {  	v0 =	vadd.f32 v2, v0;
	_ =	sdelay $0x1  }
0x2c2: {  	[tilespmem:v38+s0+$0x0] =	vst.idx.msk $0xffff, v0  }
0x2c3: {  	v0 =	vld.idx.msk [tilespmem:v62+s13+$0x0], $0xffff  }
0x2c4: {  	v2 =	vld.idx.msk [tilespmem:v62+s15+$0x0], $0xffff;
	_ =	sdelay $0x2  }
0x2c5: {  	v62 =	vor.u32 $0x2300, v59;
	_ =	sdelay $0x1  }
0x2c6: {  	v0 =	vadd.f32 v2, v0;
	_ =	sdelay $0x1  }
0x2c7: {  	[tilespmem:v39+s0+$0x0] =	vst.idx.msk $0xffff, v0  }
0x2c8: {  	v0 =	vld.idx.msk [tilespmem:v62+s13+$0x0], $0xffff  }
0x2c9: {  	v2 =	vld.idx.msk [tilespmem:v62+s15+$0x0], $0xffff;
	_ =	sdelay $0x2  }
0x2ca: {  	v62 =	vor.u32 $0x2380, v59;
	_ =	sdelay $0x1  }
0x2cb: {  	v0 =	vadd.f32 v2, v0;
	_ =	sdelay $0x1  }
0x2cc: {  	[tilespmem:v40+s0+$0x0] =	vst.idx.msk $0xffff, v0  }
0x2cd: {  	v0 =	vld.idx.msk [tilespmem:v62+s13+$0x0], $0xffff  }
0x2ce: {  	v2 =	vld.idx.msk [tilespmem:v62+s15+$0x0], $0xffff;
	_ =	sdelay $0x2  }
0x2cf: {  	v62 =	vor.u32 $0x2800, v59;
	_ =	sdelay $0x1  }
0x2d0: {  	v0 =	vadd.f32 v2, v0;
	_ =	sdelay $0x1  }
0x2d1: {  	[tilespmem:v41+s0+$0x0] =	vst.idx.msk $0xffff, v0  }
0x2d2: {  	v0 =	vld.idx.msk [tilespmem:v62+s13+$0x0], $0xffff  }
0x2d3: {  	v2 =	vld.idx.msk [tilespmem:v62+s15+$0x0], $0xffff;
	_ =	sdelay $0x2  }
0x2d4: {  	v62 =	vor.u32 $0x2880, v59;
	_ =	sdelay $0x1  }
0x2d5: {  	v0 =	vadd.f32 v2, v0;
	_ =	sdelay $0x1  }
0x2d6: {  	[tilespmem:v42+s0+$0x0] =	vst.idx.msk $0xffff, v0  }
0x2d7: {  	v0 =	vld.idx.msk [tilespmem:v62+s13+$0x0], $0xffff  }
0x2d8: {  	v2 =	vld.idx.msk [tilespmem:v62+s15+$0x0], $0xffff;
	_ =	sdelay $0x2  }
0x2d9: {  	v62 =	vor.u32 $0x2900, v59;
	_ =	sdelay $0x1  }
0x2da: {  	v0 =	vadd.f32 v2, v0;
	_ =	sdelay $0x1  }
0x2db: {  	[tilespmem:v43+s0+$0x0] =	vst.idx.msk $0xffff, v0  }
0x2dc: {  	v0 =	vld.idx.msk [tilespmem:v62+s13+$0x0], $0xffff  }
0x2dd: {  	v2 =	vld.idx.msk [tilespmem:v62+s15+$0x0], $0xffff;
	_ =	sdelay $0x2  }
0x2de: {  	v62 =	vor.u32 $0x2980, v59;
	_ =	sdelay $0x1  }
0x2df: {  	v0 =	vadd.f32 v2, v0;
	_ =	sdelay $0x1  }
0x2e0: {  	[tilespmem:v44+s0+$0x0] =	vst.idx.msk $0xffff, v0  }
0x2e1: {  	v0 =	vld.idx.msk [tilespmem:v62+s13+$0x0], $0xffff  }
0x2e2: {  	v2 =	vld.idx.msk [tilespmem:v62+s15+$0x0], $0xffff;
	_ =	sdelay $0x2  }
0x2e3: {  	v62 =	vor.u32 $0x2A00, v59;
	_ =	sdelay $0x1  }
0x2e4: {  	v0 =	vadd.f32 v2, v0;
	_ =	sdelay $0x1  }
0x2e5: {  	[tilespmem:v45+s0+$0x0] =	vst.idx.msk $0xffff, v0  }
0x2e6: {  	v0 =	vld.idx.msk [tilespmem:v62+s13+$0x0], $0xffff  }
0x2e7: {  	v2 =	vld.idx.msk [tilespmem:v62+s15+$0x0], $0xffff;
	_ =	sdelay $0x2  }
0x2e8: {  	v62 =	vor.u32 $0x2A80, v59;
	_ =	sdelay $0x1  }
0x2e9: {  	v0 =	vadd.f32 v2, v0;
	_ =	sdelay $0x1  }
0x2ea: {  	[tilespmem:v46+s0+$0x0] =	vst.idx.msk $0xffff, v0  }
0x2eb: {  	v0 =	vld.idx.msk [tilespmem:v62+s13+$0x0], $0xffff  }
0x2ec: {  	v2 =	vld.idx.msk [tilespmem:v62+s15+$0x0], $0xffff;
	_ =	sdelay $0x2  }
0x2ed: {  	v62 =	vor.u32 $0x2B00, v59;
	_ =	sdelay $0x1  }
0x2ee: {  	v0 =	vadd.f32 v2, v0;
	_ =	sdelay $0x1  }
0x2ef: {  	[tilespmem:v47+s0+$0x0] =	vst.idx.msk $0xffff, v0  }
0x2f0: {  	v0 =	vld.idx.msk [tilespmem:v62+s13+$0x0], $0xffff  }
0x2f1: {  	v2 =	vld.idx.msk [tilespmem:v62+s15+$0x0], $0xffff;
	_ =	sdelay $0x2  }
0x2f2: {  	v62 =	vor.u32 $0x2B80, v59;
	_ =	sdelay $0x1  }
0x2f3: {  	v0 =	vadd.f32 v2, v0;
	_ =	sdelay $0x1  }
0x2f4: {  	[tilespmem:v48+s0+$0x0] =	vst.idx.msk $0xffff, v0  }
0x2f5: {  	v0 =	vld.idx.msk [tilespmem:v62+s13+$0x0], $0xffff  }
0x2f6: {  	v2 =	vld.idx.msk [tilespmem:v62+s15+$0x0], $0xffff;
	_ =	sdelay $0x2  }
0x2f7: {  	v62 =	vor.u32 $0x3000, v59;
	_ =	sdelay $0x1  }
0x2f8: {  	v0 =	vadd.f32 v2, v0;
	_ =	sdelay $0x1  }
0x2f9: {  	[tilespmem:v49+s0+$0x0] =	vst.idx.msk $0xffff, v0  }
0x2fa: {  	v0 =	vld.idx.msk [tilespmem:v62+s13+$0x0], $0xffff  }
0x2fb: {  	v2 =	vld.idx.msk [tilespmem:v62+s15+$0x0], $0xffff;
	_ =	sdelay $0x2  }
0x2fc: {  	v62 =	vor.u32 $0x3080, v59;
	_ =	sdelay $0x1  }
0x2fd: {  	v0 =	vadd.f32 v2, v0;
	_ =	sdelay $0x1  }
0x2fe: {  	[tilespmem:v50+s0+$0x0] =	vst.idx.msk $0xffff, v0  }
0x2ff: {  	v0 =	vld.idx.msk [tilespmem:v62+s13+$0x0], $0xffff  }
0x300: {  	v2 =	vld.idx.msk [tilespmem:v62+s15+$0x0], $0xffff;
	_ =	sdelay $0x2  }
0x301: {  	v62 =	vor.u32 $0x3100, v59;
	_ =	sdelay $0x1  }
0x302: {  	v0 =	vadd.f32 v2, v0;
	_ =	sdelay $0x1  }
0x303: {  	[tilespmem:v51+s0+$0x0] =	vst.idx.msk $0xffff, v0  }
0x304: {  	v0 =	vld.idx.msk [tilespmem:v62+s13+$0x0], $0xffff  }
0x305: {  	v2 =	vld.idx.msk [tilespmem:v62+s15+$0x0], $0xffff;
	_ =	sdelay $0x2  }
0x306: {  	v62 =	vor.u32 $0x3180, v59;
	_ =	sdelay $0x1  }
0x307: {  	v0 =	vadd.f32 v2, v0;
	_ =	sdelay $0x1  }
0x308: {  	[tilespmem:v52+s0+$0x0] =	vst.idx.msk $0xffff, v0  }
0x309: {  	v0 =	vld.idx.msk [tilespmem:v62+s13+$0x0], $0xffff  }
0x30a: {  	v2 =	vld.idx.msk [tilespmem:v62+s15+$0x0], $0xffff;
	_ =	sdelay $0x2  }
0x30b: {  	v62 =	vor.u32 $0x3200, v59;
	_ =	sdelay $0x1  }
0x30c: {  	v0 =	vadd.f32 v2, v0;
	_ =	sdelay $0x1  }
0x30d: {  	[tilespmem:v53+s0+$0x0] =	vst.idx.msk $0xffff, v0  }
0x30e: {  	v0 =	vld.idx.msk [tilespmem:v62+s13+$0x0], $0xffff  }
0x30f: {  	v2 =	vld.idx.msk [tilespmem:v62+s15+$0x0], $0xffff;
	_ =	sdelay $0x2  }
0x310: {  	v62 =	vor.u32 $0x3280, v59;
	_ =	sdelay $0x1  }
0x311: {  	v0 =	vadd.f32 v2, v0;
	_ =	sdelay $0x1  }
0x312: {  	[tilespmem:v54+s0+$0x0] =	vst.idx.msk $0xffff, v0  }
0x313: {  	v0 =	vld.idx.msk [tilespmem:v62+s13+$0x0], $0xffff  }
0x314: {  	v2 =	vld.idx.msk [tilespmem:v62+s15+$0x0], $0xffff;
	_ =	sdelay $0x2  }
0x315: {  	v62 =	vor.u32 $0x3300, v59;
	_ =	sdelay $0x1  }
0x316: {  	v0 =	vadd.f32 v2, v0;
	_ =	sdelay $0x1  }
0x317: {  	[tilespmem:v55+s0+$0x0] =	vst.idx.msk $0xffff, v0  }
0x318: {  	v0 =	vld.idx.msk [tilespmem:v62+s13+$0x0], $0xffff  }
0x319: {  	v2 =	vld.idx.msk [tilespmem:v62+s15+$0x0], $0xffff;
	_ =	sdelay $0x2  }
0x31a: {  	v62 =	vor.u32 $0x3380, v59;
	_ =	sdelay $0x1  }
0x31b: {  	v0 =	vadd.f32 v2, v0;
	_ =	sdelay $0x1  }
0x31c: {  	[tilespmem:v56+s0+$0x0] =	vst.idx.msk $0xffff, v0  }
0x31d: {  	v0 =	vld.idx.msk [tilespmem:v62+s13+$0x0], $0xffff  }
0x31e: {  	v2 =	vld.idx.msk [tilespmem:v62+s15+$0x0], $0xffff;
	_ =	sdelay $0x2  }
0x31f: {  	v62 =	vor.u32 $0x3800, v59;
	_ =	sdelay $0x1  }
0x320: {  	v0 =	vadd.f32 v2, v0;
	_ =	sdelay $0x1  }
0x321: {  	[tilespmem:v57+s0+$0x0] =	vst.idx.msk $0xffff, v0  }
0x322: {  	v0 =	vld.idx.msk [tilespmem:v62+s13+$0x0], $0xffff  }
0x323: {  	v2 =	vld.idx.msk [tilespmem:v62+s15+$0x0], $0xffff;
	_ =	sdelay $0x1  }
0x324: {  	v58 =	vor.u32 $0x38, v1  }
0x325: {  	v62 =	vor.u32 $0x3880, v59;
	_ =	sdelay $0x1  }
0x326: {  	v0 =	vadd.f32 v2, v0;
	_ =	sdelay $0x1  }
0x327: {  	[tilespmem:v58+s0+$0x0] =	vst.idx.msk $0xffff, v0  }
0x328: {  	v0 =	vld.idx.msk [tilespmem:v62+s13+$0x0], $0xffff  }
0x329: {  	v2 =	vld.idx.msk [tilespmem:v62+s15+$0x0], $0xffff;
	_ =	sdelay $0x1  }
0x32a: {  	v58 =	vor.u32 $0x39, v1  }
0x32b: {  	v62 =	vor.u32 $0x3900, v59;
	_ =	sdelay $0x1  }
0x32c: {  	v0 =	vadd.f32 v2, v0;
	_ =	sdelay $0x1  }
0x32d: {  	[tilespmem:v58+s0+$0x0] =	vst.idx.msk $0xffff, v0  }
0x32e: {  	v0 =	vld.idx.msk [tilespmem:v62+s13+$0x0], $0xffff  }
0x32f: {  	v2 =	vld.idx.msk [tilespmem:v62+s15+$0x0], $0xffff;
	_ =	sdelay $0x1  }
0x330: {  	v58 =	vor.u32 $0x3A, v1  }
0x331: {  	v62 =	vor.u32 $0x3980, v59;
	_ =	sdelay $0x1  }
0x332: {  	v0 =	vadd.f32 v2, v0;
	_ =	sdelay $0x1  }
0x333: {  	[tilespmem:v58+s0+$0x0] =	vst.idx.msk $0xffff, v0  }
0x334: {  	v0 =	vld.idx.msk [tilespmem:v62+s13+$0x0], $0xffff  }
0x335: {  	v2 =	vld.idx.msk [tilespmem:v62+s15+$0x0], $0xffff;
	_ =	sdelay $0x1  }
0x336: {  	v58 =	vor.u32 $0x3B, v1  }
0x337: {  	v62 =	vor.u32 $0x3A00, v59;
	_ =	sdelay $0x1  }
0x338: {  	v0 =	vadd.f32 v2, v0;
	_ =	sdelay $0x1  }
0x339: {  	[tilespmem:v58+s0+$0x0] =	vst.idx.msk $0xffff, v0  }
0x33a: {  	v0 =	vld.idx.msk [tilespmem:v62+s13+$0x0], $0xffff  }
0x33b: {  	v2 =	vld.idx.msk [tilespmem:v62+s15+$0x0], $0xffff;
	_ =	sdelay $0x1  }
0x33c: {  	v58 =	vor.u32 $0x3C, v1  }
0x33d: {  	v62 =	vor.u32 $0x3A80, v59;
	_ =	sdelay $0x1  }
0x33e: {  	v0 =	vadd.f32 v2, v0;
	_ =	sdelay $0x1  }
0x33f: {  	[tilespmem:v58+s0+$0x0] =	vst.idx.msk $0xffff, v0  }
0x340: {  	v0 =	vld.idx.msk [tilespmem:v62+s13+$0x0], $0xffff  }
0x341: {  	v2 =	vld.idx.msk [tilespmem:v62+s15+$0x0], $0xffff;
	_ =	sdelay $0x1  }
0x342: {  	v58 =	vor.u32 $0x3D, v1  }
0x343: {  	v62 =	vor.u32 $0x3B00, v59;
	_ =	sdelay $0x1  }
0x344: {  	v0 =	vadd.f32 v2, v0;
	_ =	sdelay $0x1  }
0x345: {  	[tilespmem:v58+s0+$0x0] =	vst.idx.msk $0xffff, v0  }
0x346: {  	v0 =	vld.idx.msk [tilespmem:v62+s13+$0x0], $0xffff  }
0x347: {  	v2 =	vld.idx.msk [tilespmem:v62+s15+$0x0], $0xffff;
	_ =	sdelay $0x1  }
0x348: {  	v62 =	vor.u32 $0x3E, v1  }
0x349: {  	v59 =	vor.u32 $0x3B80, v59;
	_ =	sdelay $0x1  }
0x34a: {  	v0 =	vadd.f32 v2, v0;
	_ =	sdelay $0x1  }
0x34b: {  	[tilespmem:v62+s0+$0x0] =	vst.idx.msk $0xffff, v0  }
0x34c: {  	v0 =	vld.idx.msk [tilespmem:v59+s13+$0x0], $0xffff  }
0x34d: {  	v2 =	vld.idx.msk [tilespmem:v59+s15+$0x0], $0xffff;
	_ =	sdelay $0x1  }
0x34e: {  	v62 =	vor.u32 $0x3F, v1;
	_ =	sdelay $0x2  }
0x34f: {  	v0 =	vadd.f32 v2, v0  }
0x350: {  	p0 =	sne.s32 s6, $0x1  }
.Ltmp8:
0x351: {  	[tilespmem:v62+s0+$0x0] =	vst.idx.msk $0xffff, v0;
	(pc) =	sbr.rel @p0 .LBB2_9-.Ltmp8, $4  }
0x352: {  	[hbm4b:s11+s1] =	stream.indirect.scatter [tilespmem:s0], [sflag:$0x4], $0x80, s7, s1, $0xb8;
	[tilespmem:$0x19880] =	vst v63  }
0x353: {  	_ =	swait.ge [sflag:s12], $0x800  }
0x354: {  	s9 =	sadd.s32 $0x10, s9;
	s16 =	sadd.s32 $0x10, s16;
	[sflag:s12] =	ssyncset.done $0x0  }
0x355: {  	s10 =	sadd.s32 $0x10, s10;
	s6 =	sadd.s32 $0xFFFFFFFF, s6;
	v59 =	vlaneseq.u32;
	[sflag:s12] =	ssyncadd.s32 $0xFFFFF800  }
.Ltmp9:
0x356: {  	_ = 	snop;
	(pc) =	sbr.rel .LBB2_10-.Ltmp9, $1  }
0x357: {  	_ =	sdelay $0x3  }
.LBB2_12:
0x358: {  	_ =	sfence.sel $0x180000  }
0x359: {  	[bflag:$0x0] =	sbarrier.arrive $0xFFFF  }
0x35a: {  	_ =	strace $0x90000047  }
0x35b: {  	s0 =	stileid.u32;
	[bflag:$0x2] =	sbarrier.arrive $0xFFFF  }
0x35c: {  	p0 =	sne.s32 s0, $0x0;
	s0 =	rddreg [dreg:$0x4]  }
0x35d: {  	s0 =	sadd.s32 @!p0 $0x100000, s0  }
0x35e: {  	[sflag:s0] =	ssyncadd.tile.s32 @!p0 $0x1;
	_ =	shalt  }
.Lfunc_end2:
_tile_overlayer_lowered:
.L_overlay_start_2:
0x35f: {  	(tag) =	ssettag $0x2  }
0x360: {  	s0 =	rddreg [dreg:$0x0];
	s2 =	stileid.u32  }
0x361: {  	s1 =	rddreg [dreg:$0x1];
	p0 =	sne.s32 s2, $0x0  }
0x362: {  	s3 =	rddreg [dreg:$0x2];
	[bflag:$0x3] =	sbarrier.arrive $0xFFFF;
	s2 =	simm.s32 @!p0 $0x1C04  }
0x363: {  	[timem:s3], [sflag:s2] =	dma.local @!p0 [hbm:s0], s1  }
0x364: {  	s0 =	simm.s32 @!p0 $0x4  }
0x365: {  	_ =	swait.ge @!p0 [sflag:s0], s1  }
0x366: {  	s1 =	ssub.s32 @!p0 $0x0, s1;
	[sflag:s0] =	ssyncset.done @!p0 $0x0  }
0x367: {  	[sflag:s0] =	ssyncadd.s32 @!p0 s1  }
0x368: {  	[bflag:$0x3] =	sbarrier.arrive $0xFFFF  }
0x369: {  	_ =	shalt  }

</sc_bundles>
